<compile_context>
chip_gen: v7x
topology: tpu7x:2x2x1
jax: 0.10.2.dev20260603
libtpu: 0.0.44.dev20260713+nightly
codegen_flags: <defaults>
</compile_context>

<pallas_src>
import functools

import jax
import jax.numpy as jnp
import numpy as np
from jax import lax
from jax.experimental import pallas as pl
from jax.experimental.pallas import tpu as pltpu
import jax.experimental.pallas.tpu_sc as plsc

_PATCH_PERCENTAGE = 0.5
_THRESHOLD = 0.3
_GAUSSIAN_STD = 0.25


def _weighted_scores(scores, line_drawing):
    B, _, H, W = line_drawing.shape
    y_coords = jnp.linspace(0.0, 1.0, H).reshape(1, 1, H, 1)
    x_coords = jnp.linspace(0.0, 1.0, W).reshape(1, 1, 1, W)
    total_mass = line_drawing.sum(axis=(2, 3)) + 1e-06
    sum_y = (line_drawing * y_coords).sum(axis=(2, 3))
    sum_x = (line_drawing * x_coords).sum(axis=(2, 3))
    centers = jnp.stack([(sum_y / total_mass)[:, 0], (sum_x / total_mass)[:, 0]],
                        axis=1)
    N = scores.shape[1]
    side = int(np.sqrt(N))
    y_patch = jnp.linspace(0.0, 1.0, side)
    x_patch = jnp.linspace(0.0, 1.0, side)
    grid_y, grid_x = jnp.meshgrid(y_patch, x_patch, indexing='ij')
    grid_coords = jnp.stack([grid_y.flatten(), grid_x.flatten()], axis=1)
    distances_sq = ((grid_coords[None, :, :] - centers[:, None, :]) ** 2).sum(-1)
    gaussian = jnp.exp(-distances_sq / (2.0 * _GAUSSIAN_STD ** 2))
    return scores * gaussian


def _select_body(tri_hbm, ws_ref, idx_ref, gidx_ref, tri_vmem, sem):
    b = pl.program_id(0)
    SPB = ws_ref.shape[0]
    N = ws_ref.shape[-1]
    K = idx_ref.shape[-1]

    @pl.when(b == 0)
    def _():
        cp = pltpu.make_async_copy(tri_hbm, tri_vmem, sem)
        cp.start()
        cp.wait()

    tri = tri_vmem[...]
    fone = jnp.float32(1.0)
    fzero = jnp.float32(0.0)
    for r in range(SPB):
        ws = ws_ref[r, 0, :]
        wsi = ws.reshape(N, 1)
        wsj = ws.reshape(1, N)
        gtf = jnp.where(wsj > wsi, fone, fzero)
        M = jnp.where(wsj == wsi, tri, gtf)
        a_colf = jnp.where(wsi > _THRESHOLD, fone, fzero)
        rhs = jnp.concatenate([jnp.ones((N, 1), jnp.float32),
                               fone - a_colf, a_colf], axis=1)
        s_m = jax.lax.dot(M, rhs, preferred_element_type=jnp.float32)
        rank_all = s_m[:, 0]
        rank_below = s_m[:, 1]
        rank_above = jax.lax.dot(tri, a_colf,
                                 preferred_element_type=jnp.float32)[:, 0]
        a = a_colf[:, 0] > 0.5
        n_above = jnp.sum(a_colf)
        use_topk = (n_above >= K) | (n_above == 0)
        rank_mixed = jnp.where(a, rank_above, n_above + rank_below)
        rank = jnp.where(use_topk, rank_all, rank_mixed).astype(jnp.int32)
        rr = lax.broadcasted_iota(jnp.int32, (K, N), 0)
        e2 = jnp.where(rr == rank.reshape(1, N), fone, fzero)
        iota_i = lax.broadcasted_iota(jnp.int32, (N, 1), 0)
        hi_lo = jnp.concatenate([(iota_i >> 5).astype(jnp.float32),
                                 (iota_i & 31).astype(jnp.float32)], axis=1)
        hl = jax.lax.dot(e2, hi_lo, preferred_element_type=jnp.float32)
        idx = hl[:, 0].astype(jnp.int32) * 32 + hl[:, 1].astype(jnp.int32)
        idx_ref[r, 0, :] = idx
        gidx_ref[r, 0, :] = idx + (b * SPB + r) * N


def _select_indices(ws):
    B, N = ws.shape
    K = int(N * _PATCH_PERCENTAGE)
    ws3 = ws.reshape(B, 1, N)
    tri = np.tril(np.ones((N, N), np.float32), -1)
    SPB = 4
    idx, gidx = pl.pallas_call(
        _select_body,
        grid=(B // SPB,),
        in_specs=[pl.BlockSpec(memory_space=pltpu.MemorySpace.HBM),
                  pl.BlockSpec((SPB, 1, N), lambda b: (b, 0, 0))],
        out_specs=[pl.BlockSpec((SPB, 1, K), lambda b: (b, 0, 0))] * 2,
        out_shape=[jax.ShapeDtypeStruct((B, 1, K), jnp.int32)] * 2,
        scratch_shapes=[pltpu.VMEM((N, N), jnp.float32),
                        pltpu.SemaphoreType.DMA],
        compiler_params=pltpu.CompilerParams(
            dimension_semantics=("arbitrary",)),
    )(jnp.asarray(tri), ws3)
    return idx.reshape(B * K), gidx.reshape(B * K)


def _make_gather(rows, D, NC, NS, CH):
    NW = NC * NS
    rpw = rows // NW
    nch = rpw // CH
    mesh = plsc.VectorSubcoreMesh(core_axis_name="c", subcore_axis_name="s")

    @functools.partial(
        pl.kernel,
        mesh=mesh,
        out_type=jax.ShapeDtypeStruct((rows, D), jnp.float32),
        scratch_types=[
            pltpu.VMEM((rpw,), jnp.int32),
            pltpu.VMEM((rpw,), jnp.int32),
            pltpu.VMEM((CH, D), jnp.float32),
            pltpu.VMEM((CH, D), jnp.float32),
            pltpu.VMEM((CH, D), jnp.float32),
            pltpu.VMEM((CH, D), jnp.float32),
            pltpu.SemaphoreType.DMA,
            pltpu.SemaphoreType.DMA,
            pltpu.SemaphoreType.DMA,
            pltpu.SemaphoreType.DMA,
        ],
    )
    def gather(magno_hbm, pos_hbm, gidx_hbm, pidx_hbm, out_hbm,
               gidx_v, pidx_v, bm_a, bp_a, bm_b, bp_b,
               sm_a, sp_a, sm_b, sp_b):
        wid = lax.axis_index("s") * NC + lax.axis_index("c")
        base = wid * rpw
        pltpu.sync_copy(gidx_hbm.at[pl.ds(base, rpw)], gidx_v)
        pltpu.sync_copy(pidx_hbm.at[pl.ds(base, rpw)], pidx_v)

        def issue(c, bm, bp, sm, sp):
            pltpu.async_copy(magno_hbm.at[gidx_v.at[pl.ds(c * CH, CH)]], bm, sm)
            pltpu.async_copy(pos_hbm.at[pidx_v.at[pl.ds(c * CH, CH)]], bp, sp)

        def finish(c, bm, bp, sm, sp):
            pltpu.make_async_copy(
                magno_hbm.at[gidx_v.at[pl.ds(c * CH, CH)]], bm, sm).wait()
            pltpu.make_async_copy(
                pos_hbm.at[pidx_v.at[pl.ds(c * CH, CH)]], bp, sp).wait()

            def row(r, carry):
                for cc in range(D // 16):
                    s = cc * 16
                    bm[r, pl.ds(s, 16)] = bm[r, pl.ds(s, 16)] + bp[r, pl.ds(s, 16)]
                return carry

            lax.fori_loop(0, CH, row, 0)
            pltpu.sync_copy(bm, out_hbm.at[pl.ds(base + c * CH, CH)])

        issue(0, bm_a, bp_a, sm_a, sp_a)

        def body(i, carry):
            c0 = 2 * i
            issue(c0 + 1, bm_b, bp_b, sm_b, sp_b)
            finish(c0, bm_a, bp_a, sm_a, sp_a)
            issue(c0 + 2, bm_a, bp_a, sm_a, sp_a)
            finish(c0 + 1, bm_b, bp_b, sm_b, sp_b)
            return carry

        lax.fori_loop(0, nch // 2 - 1, body, 0)
        c0 = nch - 2
        issue(c0 + 1, bm_b, bp_b, sm_b, sp_b)
        finish(c0, bm_a, bp_a, sm_a, sp_a)
        finish(c0 + 1, bm_b, bp_b, sm_b, sp_b)

    return gather


def kernel(magno_patches, vit_positional_embedding, scores, line_drawing):
    B, N, D = magno_patches.shape
    K = int(N * _PATCH_PERCENTAGE)
    ws = _weighted_scores(scores, line_drawing)
    pidx, gidx = _select_indices(ws)
    magno_flat = magno_patches.reshape(B * N, D)
    pos = vit_positional_embedding[0, 1:, :]
    info = plsc.get_sparse_core_info()
    gather = _make_gather(B * K, D, info.num_cores, info.num_subcores, CH=16)
    out = gather(magno_flat, pos, gidx, pidx)
    return out.reshape(B, K, D)

# --- scband reference (transcript-rebuilt; emitter-appended) ---
"""Pipeline reference for scband-spatial-threshold-selector-89103391523407 (READ-ONLY COPY).

The authoritative reference and input builder live on the scoring server;
editing this copy changes nothing except your own understanding.
"""

import jax, jax.numpy as jnp
import numpy as np

PATCH_PERCENTAGE = 0.5
THRESHOLD = 0.3
GAUSSIAN_STD = 0.25


def setup_inputs(seed: int = 0) -> dict:
    key = jax.random.key(seed)
    k1, k2, k3, k4 = jax.random.split(key, 4)
    magno_patches = jax.random.normal(k1, (64, 1024, 768), dtype=jnp.float32)
    vit_positional_embedding = jax.random.normal(k2, (1, 1025, 768), dtype=jnp.float32)
    scores = jax.random.uniform(k3, (64, 1024), dtype=jnp.float32)
    line_drawing = jax.random.uniform(k4, (64, 1, 512, 512), dtype=jnp.float32)
    return {
        "magno_patches": magno_patches,
        "vit_positional_embedding": vit_positional_embedding,
        "scores": scores,
        "line_drawing": line_drawing,
    }


def _compute_center_of_gravity(line_drawing):
    B, _, H, W = line_drawing.shape
    y_coords = jnp.linspace(0.0, 1.0, H).reshape(1, 1, H, 1)
    x_coords = jnp.linspace(0.0, 1.0, W).reshape(1, 1, 1, W)
    total_mass = line_drawing.sum(axis=(2, 3)) + 1e-06  # [B, 1]
    sum_y = (line_drawing * y_coords).sum(axis=(2, 3))  # [B, 1]
    sum_x = (line_drawing * x_coords).sum(axis=(2, 3))  # [B, 1]
    cog_y = (sum_y / total_mass)[:, 0]  # squeeze(-1) -> [B]
    cog_x = (sum_x / total_mass)[:, 0]
    return jnp.stack([cog_y, cog_x], axis=1)  # [B, 2]


def _create_gaussian_weights(num_patches_h, num_patches_w, centers):
    y_patch = jnp.linspace(0.0, 1.0, num_patches_h)
    x_patch = jnp.linspace(0.0, 1.0, num_patches_w)
    grid_y, grid_x = jnp.meshgrid(y_patch, x_patch, indexing='ij')
    grid_coords = jnp.stack([grid_y.flatten(), grid_x.flatten()], axis=1)  # [N, 2]
    distances_sq = ((grid_coords[None, :, :] - centers[:, None, :]) ** 2).sum(axis=-1)  # [B, N]
    return jnp.exp(-distances_sq / (2.0 * GAUSSIAN_STD ** 2))


def _get_selection_indices(scores, line_drawing, k):
    B, N = scores.shape
    num_patches_side = int(np.sqrt(N))
    centers = _compute_center_of_gravity(line_drawing)
    gaussian_weights = _create_gaussian_weights(num_patches_side, num_patches_side, centers)
    weighted_scores = scores * gaussian_weights

    def _select_row(ws_b):
        mask = ws_b > THRESHOLD
        n_above = mask.sum()
        _, top_indices = jax.lax.top_k(ws_b, k)
        above_padded = jnp.sort(jnp.where(mask, jnp.arange(N), N))[:k]
        remaining_scores = jnp.where(mask, -jnp.inf, ws_b)
        _, remaining_indices = jax.lax.top_k(remaining_scores, k)
        pos = jnp.arange(k)
        shifted = remaining_indices[jnp.clip(pos - n_above, 0, k - 1)]
        combined = jnp.where(
            pos < n_above, above_padded.astype(remaining_indices.dtype), shifted
        )
        return jnp.where((n_above >= k) | (n_above == 0), top_indices, combined)

    return jax.vmap(_select_row)(weighted_scores)


def reference(magno_patches, vit_positional_embedding, scores, line_drawing):
    B, N, D = magno_patches.shape
    k = int(N * PATCH_PERCENTAGE)
    selected_indices = _get_selection_indices(scores, line_drawing, k)  # [B, k]
    idx = selected_indices[:, :, None]  # [B, k, 1]
    selected_patches = jnp.take_along_axis(magno_patches, idx, axis=1)  # [B, k, D]
    pos_embed_patches = vit_positional_embedding[:, 1:, :]  # [1, N, D]
    pos_b = jnp.broadcast_to(pos_embed_patches, (B, N, pos_embed_patches.shape[-1]))
    selected_pos_embed = jnp.take_along_axis(pos_b, idx, axis=1)
    return selected_patches + selected_pos_embed

if __name__ == "__main__":
    import jax
    _d = setup_inputs()
    print(jax.jit(kernel)(*tuple(_d.values())))

</pallas_src>

<mosaic_0001>
#map = affine_map<(d0, d1) -> (0, 0)>
#map1 = affine_map<(d0, d1) -> (0)>
module attributes {stable_mosaic.version = 14 : i64} {
  func.func @gather(%arg0: i32, %arg1: i32, %arg2: memref<65536x768xf32, #tpu.memory_space<hbm>>, %arg3: memref<1024x768xf32, #tpu.memory_space<hbm>>, %arg4: memref<32768xi32, #tpu.memory_space<hbm>>, %arg5: memref<32768xi32, #tpu.memory_space<hbm>>, %arg6: memref<32768x768xf32, #tpu.memory_space<hbm>>, %arg7: memref<1024xi32, #tpu.memory_space<vmem>>, %arg8: memref<1024xi32, #tpu.memory_space<vmem>>, %arg9: memref<16x768xf32, #tpu.memory_space<vmem>>, %arg10: memref<16x768xf32, #tpu.memory_space<vmem>>, %arg11: memref<16x768xf32, #tpu.memory_space<vmem>>, %arg12: memref<16x768xf32, #tpu.memory_space<vmem>>, %arg13: memref<!tpu.dma_semaphore, #tpu.memory_space<semaphore_mem>>, %arg14: memref<!tpu.dma_semaphore, #tpu.memory_space<semaphore_mem>>, %arg15: memref<!tpu.dma_semaphore, #tpu.memory_space<semaphore_mem>>, %arg16: memref<!tpu.dma_semaphore, #tpu.memory_space<semaphore_mem>>) attributes {dimension_semantics = [#tpu.dimension_semantics<core_parallel>, #tpu.dimension_semantics<subcore_parallel>], iteration_bounds = array<i64: 2, 16>, scalar_prefetch = 0 : i64, scratch_operands = 10 : i64, tpu.core_type = #tpu.core_type<sc_vector_subcore>, window_params = [{transform_indices = #map}, {transform_indices = #map}, {transform_indices = #map1}, {transform_indices = #map1}, {transform_indices = #map}]} {
    %mul3A = arith.constant 2 : i32
    %mul3A_0 = arith.muli %arg1, %mul3A : i32
    %add3A = arith.addi %mul3A_0, %arg0 : i32
    %mul3A_1 = arith.constant 1024 : i32
    %mul3A_2 = arith.muli %add3A, %mul3A_1 : i32
    "tpu.region"() ({
      %run_scoped3A = tpu.sem_alloc : memref<!tpu.dma_semaphore, #tpu.memory_space<semaphore_mem>>
      %dma_start3A_62 = tpu.memref_slice %arg4[%mul3A_2] : memref<32768xi32, #tpu.memory_space<hbm>> -> memref<1024xi32, #tpu.memory_space<hbm>>
      %dma_start3A_63 = tpu.memref_slice %arg4[%mul3A_2] : memref<32768xi32, #tpu.memory_space<hbm>> -> memref<1024xi32, #tpu.memory_space<hbm>>
      tpu.enqueue_dma source(%dma_start3A_63 : memref<1024xi32, #tpu.memory_space<hbm>>) target(%arg7 : memref<1024xi32, #tpu.memory_space<vmem>>) target_semaphore(%run_scoped3A : memref<!tpu.dma_semaphore, #tpu.memory_space<semaphore_mem>>)
      %dma_wait3A_64 = tpu.memref_slice %arg4[%mul3A_2] : memref<32768xi32, #tpu.memory_space<hbm>> -> memref<1024xi32, #tpu.memory_space<hbm>>
      %dma_wait3A_65 = tpu.memref_slice %arg4[%mul3A_2] : memref<32768xi32, #tpu.memory_space<hbm>> -> memref<1024xi32, #tpu.memory_space<hbm>>
      tpu.wait_dma2 semaphore(%run_scoped3A : memref<!tpu.dma_semaphore, #tpu.memory_space<semaphore_mem>>) src(%dma_wait3A_65 : memref<1024xi32, #tpu.memory_space<hbm>>) dst(%arg7 : memref<1024xi32, #tpu.memory_space<vmem>>)
      tpu.yield
    }) : () -> ()
    "tpu.region"() ({
      %run_scoped3A = tpu.sem_alloc : memref<!tpu.dma_semaphore, #tpu.memory_space<semaphore_mem>>
      %dma_start3A_62 = tpu.memref_slice %arg5[%mul3A_2] : memref<32768xi32, #tpu.memory_space<hbm>> -> memref<1024xi32, #tpu.memory_space<hbm>>
      %dma_start3A_63 = tpu.memref_slice %arg5[%mul3A_2] : memref<32768xi32, #tpu.memory_space<hbm>> -> memref<1024xi32, #tpu.memory_space<hbm>>
      tpu.enqueue_dma source(%dma_start3A_63 : memref<1024xi32, #tpu.memory_space<hbm>>) target(%arg8 : memref<1024xi32, #tpu.memory_space<vmem>>) target_semaphore(%run_scoped3A : memref<!tpu.dma_semaphore, #tpu.memory_space<semaphore_mem>>)
      %dma_wait3A_64 = tpu.memref_slice %arg5[%mul3A_2] : memref<32768xi32, #tpu.memory_space<hbm>> -> memref<1024xi32, #tpu.memory_space<hbm>>
      %dma_wait3A_65 = tpu.memref_slice %arg5[%mul3A_2] : memref<32768xi32, #tpu.memory_space<hbm>> -> memref<1024xi32, #tpu.memory_space<hbm>>
      tpu.wait_dma2 semaphore(%run_scoped3A : memref<!tpu.dma_semaphore, #tpu.memory_space<semaphore_mem>>) src(%dma_wait3A_65 : memref<1024xi32, #tpu.memory_space<hbm>>) dst(%arg8 : memref<1024xi32, #tpu.memory_space<vmem>>)
      tpu.yield
    }) : () -> ()
    %dma_start3A = arith.constant 0 : i32
    %dma_start3A_3 = tpu.memref_slice %arg7[%dma_start3A] : memref<1024xi32, #tpu.memory_space<vmem>> -> memref<16xi32, #tpu.memory_space<vmem>>
    %dma_start3A_4 = arith.constant 0 : i32
    %dma_start3A_5 = arith.constant 0 : i32
    %dma_start3A_6 = tpu.memref_slice %arg2[%dma_start3A_4, %dma_start3A_5] : memref<65536x768xf32, #tpu.memory_space<hbm>> -> memref<65536x768xf32, #tpu.memory_space<hbm>>
    tpu.enqueue_indirect_dma source(%dma_start3A_6 : memref<65536x768xf32, #tpu.memory_space<hbm>>) target(%arg9 : memref<16x768xf32, #tpu.memory_space<vmem>>) offsets(%dma_start3A_3 : memref<16xi32, #tpu.memory_space<vmem>>) semaphore(%arg13 : memref<!tpu.dma_semaphore, #tpu.memory_space<semaphore_mem>>)
    %dma_start3A_7 = arith.constant 0 : i32
    %dma_start3A_8 = tpu.memref_slice %arg8[%dma_start3A_7] : memref<1024xi32, #tpu.memory_space<vmem>> -> memref<16xi32, #tpu.memory_space<vmem>>
    %dma_start3A_9 = arith.constant 0 : i32
    %dma_start3A_10 = arith.constant 0 : i32
    %dma_start3A_11 = tpu.memref_slice %arg3[%dma_start3A_9, %dma_start3A_10] : memref<1024x768xf32, #tpu.memory_space<hbm>> -> memref<1024x768xf32, #tpu.memory_space<hbm>>
    tpu.enqueue_indirect_dma source(%dma_start3A_11 : memref<1024x768xf32, #tpu.memory_space<hbm>>) target(%arg10 : memref<16x768xf32, #tpu.memory_space<vmem>>) offsets(%dma_start3A_8 : memref<16xi32, #tpu.memory_space<vmem>>) semaphore(%arg14 : memref<!tpu.dma_semaphore, #tpu.memory_space<semaphore_mem>>)
    %scan3A = arith.constant 0 : i32
    %scan3A_12 = arith.constant 0 : i32
    %scan3A_13 = arith.constant 31 : i32
    %scan3A_14 = arith.addi %scan3A_12, %scan3A_13 : i32
    %scan3A_15 = arith.constant 1 : i32
    scf.for %scan3A_62 = %scan3A_12 to %scan3A_14 step %scan3A_15  : i32 {
      %mul3A_63 = arith.constant 2 : i32
      %mul3A_64 = arith.muli %mul3A_63, %scan3A_62 : i32
      %add3A_65 = arith.constant 1 : i32
      %add3A_66 = arith.addi %mul3A_64, %add3A_65 : i32
      %mul3A_67 = arith.constant 16 : i32
      %mul3A_68 = arith.muli %add3A_66, %mul3A_67 : i32
      %dma_start3A_69 = tpu.memref_slice %arg7[%mul3A_68] : memref<1024xi32, #tpu.memory_space<vmem>> -> memref<16xi32, #tpu.memory_space<vmem>>
      %dma_start3A_70 = arith.constant 0 : i32
      %dma_start3A_71 = arith.constant 0 : i32
      %dma_start3A_72 = tpu.memref_slice %arg2[%dma_start3A_70, %dma_start3A_71] : memref<65536x768xf32, #tpu.memory_space<hbm>> -> memref<65536x768xf32, #tpu.memory_space<hbm>>
      tpu.enqueue_indirect_dma source(%dma_start3A_72 : memref<65536x768xf32, #tpu.memory_space<hbm>>) target(%arg11 : memref<16x768xf32, #tpu.memory_space<vmem>>) offsets(%dma_start3A_69 : memref<16xi32, #tpu.memory_space<vmem>>) semaphore(%arg15 : memref<!tpu.dma_semaphore, #tpu.memory_space<semaphore_mem>>)
      %mul3A_73 = arith.constant 16 : i32
      %mul3A_74 = arith.muli %add3A_66, %mul3A_73 : i32
      %dma_start3A_75 = tpu.memref_slice %arg8[%mul3A_74] : memref<1024xi32, #tpu.memory_space<vmem>> -> memref<16xi32, #tpu.memory_space<vmem>>
      %dma_start3A_76 = arith.constant 0 : i32
      %dma_start3A_77 = arith.constant 0 : i32
      %dma_start3A_78 = tpu.memref_slice %arg3[%dma_start3A_76, %dma_start3A_77] : memref<1024x768xf32, #tpu.memory_space<hbm>> -> memref<1024x768xf32, #tpu.memory_space<hbm>>
      tpu.enqueue_indirect_dma source(%dma_start3A_78 : memref<1024x768xf32, #tpu.memory_space<hbm>>) target(%arg12 : memref<16x768xf32, #tpu.memory_space<vmem>>) offsets(%dma_start3A_75 : memref<16xi32, #tpu.memory_space<vmem>>) semaphore(%arg16 : memref<!tpu.dma_semaphore, #tpu.memory_space<semaphore_mem>>)
      %mul3A_79 = arith.constant 16 : i32
      %mul3A_80 = arith.muli %mul3A_64, %mul3A_79 : i32
      %dma_wait3A_81 = tpu.memref_slice %arg7[%mul3A_80] : memref<1024xi32, #tpu.memory_space<vmem>> -> memref<16xi32, #tpu.memory_space<vmem>>
      %dma_wait3A_82 = arith.constant 0 : i32
      %dma_wait3A_83 = arith.constant 0 : i32
      %dma_wait3A_84 = tpu.memref_slice %arg2[%dma_wait3A_82, %dma_wait3A_83] : memref<65536x768xf32, #tpu.memory_space<hbm>> -> memref<65536x768xf32, #tpu.memory_space<hbm>>
      tpu.wait_indirect_dma semaphore(%arg13 : memref<!tpu.dma_semaphore, #tpu.memory_space<semaphore_mem>>) src(%dma_wait3A_84 : memref<65536x768xf32, #tpu.memory_space<hbm>>) dst(%arg9 : memref<16x768xf32, #tpu.memory_space<vmem>>)
      %mul3A_85 = arith.constant 16 : i32
      %mul3A_86 = arith.muli %mul3A_64, %mul3A_85 : i32
      %dma_wait3A_87 = tpu.memref_slice %arg8[%mul3A_86] : memref<1024xi32, #tpu.memory_space<vmem>> -> memref<16xi32, #tpu.memory_space<vmem>>
      %dma_wait3A_88 = arith.constant 0 : i32
      %dma_wait3A_89 = arith.constant 0 : i32
      %dma_wait3A_90 = tpu.memref_slice %arg3[%dma_wait3A_88, %dma_wait3A_89] : memref<1024x768xf32, #tpu.memory_space<hbm>> -> memref<1024x768xf32, #tpu.memory_space<hbm>>
      tpu.wait_indirect_dma semaphore(%arg14 : memref<!tpu.dma_semaphore, #tpu.memory_space<semaphore_mem>>) src(%dma_wait3A_90 : memref<1024x768xf32, #tpu.memory_space<hbm>>) dst(%arg10 : memref<16x768xf32, #tpu.memory_space<vmem>>)
      %scan3A_91 = arith.constant 0 : i32
      %scan3A_92 = arith.constant 0 : i32
      %scan3A_93 = arith.constant 16 : i32
      %scan3A_94 = arith.addi %scan3A_92, %scan3A_93 : i32
      %scan3A_95 = arith.constant 1 : i32
      scf.for %scan3A_137 = %scan3A_92 to %scan3A_94 step %scan3A_95  : i32 {
        %get3A = arith.index_cast %scan3A_137 : i32 to index
        %get3A_138 = arith.constant 0 : index
        %get3A_139 = tpu.vector_load %arg9[%get3A, %get3A_138] {strides = array<i32>} : memref<16x768xf32, #tpu.memory_space<vmem>>, vector<1x16xf32>,
        %get3A_140 = vector.shape_cast %get3A_139 : vector<1x16xf32> to vector<16xf32>
        %get3A_141 = arith.index_cast %scan3A_137 : i32 to index
        %get3A_142 = arith.constant 0 : index
        %get3A_143 = tpu.vector_load %arg10[%get3A_141, %get3A_142] {strides = array<i32>} : memref<16x768xf32, #tpu.memory_space<vmem>>, vector<1x16xf32>,
        %get3A_144 = vector.shape_cast %get3A_143 : vector<1x16xf32> to vector<16xf32>
        %add3A_145 = arith.addf %get3A_140, %get3A_144 : vector<16xf32>
        %swap3A = arith.index_cast %scan3A_137 : i32 to index
        %swap3A_146 = arith.constant 0 : index
        %swap3A_147 = tpu.vector_load %arg9[%swap3A, %swap3A_146] {strides = array<i32>} : memref<16x768xf32, #tpu.memory_space<vmem>>, vector<1x16xf32>,
        %swap3A_148 = vector.shape_cast %swap3A_147 : vector<1x16xf32> to vector<16xf32>
        %swap3A_149 = vector.shape_cast %add3A_145 : vector<16xf32> to vector<1x16xf32>
        tpu.vector_store %arg9[%swap3A, %swap3A_146], %swap3A_149 {strides = array<i32>} : memref<16x768xf32, #tpu.memory_space<vmem>>, vector<1x16xf32>,
        %get3A_150 = arith.index_cast %scan3A_137 : i32 to index
        %get3A_151 = arith.constant 16 : index
        %get3A_152 = tpu.vector_load %arg9[%get3A_150, %get3A_151] {strides = array<i32>} : memref<16x768xf32, #tpu.memory_space<vmem>>, vector<1x16xf32>,
        %get3A_153 = vector.shape_cast %get3A_152 : vector<1x16xf32> to vector<16xf32>
        %get3A_154 = arith.index_cast %scan3A_137 : i32 to index
        %get3A_155 = arith.constant 16 : index
        %get3A_156 = tpu.vector_load %arg10[%get3A_154, %get3A_155] {strides = array<i32>} : memref<16x768xf32, #tpu.memory_space<vmem>>, vector<1x16xf32>,
        %get3A_157 = vector.shape_cast %get3A_156 : vector<1x16xf32> to vector<16xf32>
        %add3A_158 = arith.addf %get3A_153, %get3A_157 : vector<16xf32>
        %swap3A_159 = arith.index_cast %scan3A_137 : i32 to index
        %swap3A_160 = arith.constant 16 : index
        %swap3A_161 = tpu.vector_load %arg9[%swap3A_159, %swap3A_160] {strides = array<i32>} : memref<16x768xf32, #tpu.memory_space<vmem>>, vector<1x16xf32>,
        %swap3A_162 = vector.shape_cast %swap3A_161 : vector<1x16xf32> to vector<16xf32>
        %swap3A_163 = vector.shape_cast %add3A_158 : vector<16xf32> to vector<1x16xf32>
        tpu.vector_store %arg9[%swap3A_159, %swap3A_160], %swap3A_163 {strides = array<i32>} : memref<16x768xf32, #tpu.memory_space<vmem>>, vector<1x16xf32>,
        %get3A_164 = arith.index_cast %scan3A_137 : i32 to index
        %get3A_165 = arith.constant 32 : index
        %get3A_166 = tpu.vector_load %arg9[%get3A_164, %get3A_165] {strides = array<i32>} : memref<16x768xf32, #tpu.memory_space<vmem>>, vector<1x16xf32>,
        %get3A_167 = vector.shape_cast %get3A_166 : vector<1x16xf32> to vector<16xf32>
        %get3A_168 = arith.index_cast %scan3A_137 : i32 to index
        %get3A_169 = arith.constant 32 : index
        %get3A_170 = tpu.vector_load %arg10[%get3A_168, %get3A_169] {strides = array<i32>} : memref<16x768xf32, #tpu.memory_space<vmem>>, vector<1x16xf32>,
        %get3A_171 = vector.shape_cast %get3A_170 : vector<1x16xf32> to vector<16xf32>
        %add3A_172 = arith.addf %get3A_167, %get3A_171 : vector<16xf32>
        %swap3A_173 = arith.index_cast %scan3A_137 : i32 to index
        %swap3A_174 = arith.constant 32 : index
        %swap3A_175 = tpu.vector_load %arg9[%swap3A_173, %swap3A_174] {strides = array<i32>} : memref<16x768xf32, #tpu.memory_space<vmem>>, vector<1x16xf32>,
        %swap3A_176 = vector.shape_cast %swap3A_175 : vector<1x16xf32> to vector<16xf32>
        %swap3A_177 = vector.shape_cast %add3A_172 : vector<16xf32> to vector<1x16xf32>
        tpu.vector_store %arg9[%swap3A_173, %swap3A_174], %swap3A_177 {strides = array<i32>} : memref<16x768xf32, #tpu.memory_space<vmem>>, vector<1x16xf32>,
        %get3A_178 = arith.index_cast %scan3A_137 : i32 to index
        %get3A_179 = arith.constant 48 : index
        %get3A_180 = tpu.vector_load %arg9[%get3A_178, %get3A_179] {strides = array<i32>} : memref<16x768xf32, #tpu.memory_space<vmem>>, vector<1x16xf32>,
        %get3A_181 = vector.shape_cast %get3A_180 : vector<1x16xf32> to vector<16xf32>
        %get3A_182 = arith.index_cast %scan3A_137 : i32 to index
        %get3A_183 = arith.constant 48 : index
        %get3A_184 = tpu.vector_load %arg10[%get3A_182, %get3A_183] {strides = array<i32>} : memref<16x768xf32, #tpu.memory_space<vmem>>, vector<1x16xf32>,
        %get3A_185 = vector.shape_cast %get3A_184 : vector<1x16xf32> to vector<16xf32>
        %add3A_186 = arith.addf %get3A_181, %get3A_185 : vector<16xf32>
        %swap3A_187 = arith.index_cast %scan3A_137 : i32 to index
        %swap3A_188 = arith.constant 48 : index
        %swap3A_189 = tpu.vector_load %arg9[%swap3A_187, %swap3A_188] {strides = array<i32>} : memref<16x768xf32, #tpu.memory_space<vmem>>, vector<1x16xf32>,
        %swap3A_190 = vector.shape_cast %swap3A_189 : vector<1x16xf32> to vector<16xf32>
        %swap3A_191 = vector.shape_cast %add3A_186 : vector<16xf32> to vector<1x16xf32>
        tpu.vector_store %arg9[%swap3A_187, %swap3A_188], %swap3A_191 {strides = array<i32>} : memref<16x768xf32, #tpu.memory_space<vmem>>, vector<1x16xf32>,
        %get3A_192 = arith.index_cast %scan3A_137 : i32 to index
        %get3A_193 = arith.constant 64 : index
        %get3A_194 = tpu.vector_load %arg9[%get3A_192, %get3A_193] {strides = array<i32>} : memref<16x768xf32, #tpu.memory_space<vmem>>, vector<1x16xf32>,
        %get3A_195 = vector.shape_cast %get3A_194 : vector<1x16xf32> to vector<16xf32>
        %get3A_196 = arith.index_cast %scan3A_137 : i32 to index
        %get3A_197 = arith.constant 64 : index
        %get3A_198 = tpu.vector_load %arg10[%get3A_196, %get3A_197] {strides = array<i32>} : memref<16x768xf32, #tpu.memory_space<vmem>>, vector<1x16xf32>,
        %get3A_199 = vector.shape_cast %get3A_198 : vector<1x16xf32> to vector<16xf32>
        %add3A_200 = arith.addf %get3A_195, %get3A_199 : vector<16xf32>
        %swap3A_201 = arith.index_cast %scan3A_137 : i32 to index
        %swap3A_202 = arith.constant 64 : index
        %swap3A_203 = tpu.vector_load %arg9[%swap3A_201, %swap3A_202] {strides = array<i32>} : memref<16x768xf32, #tpu.memory_space<vmem>>, vector<1x16xf32>,
        %swap3A_204 = vector.shape_cast %swap3A_203 : vector<1x16xf32> to vector<16xf32>
        %swap3A_205 = vector.shape_cast %add3A_200 : vector<16xf32> to vector<1x16xf32>
        tpu.vector_store %arg9[%swap3A_201, %swap3A_202], %swap3A_205 {strides = array<i32>} : memref<16x768xf32, #tpu.memory_space<vmem>>, vector<1x16xf32>,
        %get3A_206 = arith.index_cast %scan3A_137 : i32 to index
        %get3A_207 = arith.constant 80 : index
        %get3A_208 = tpu.vector_load %arg9[%get3A_206, %get3A_207] {strides = array<i32>} : memref<16x768xf32, #tpu.memory_space<vmem>>, vector<1x16xf32>,
        %get3A_209 = vector.shape_cast %get3A_208 : vector<1x16xf32> to vector<16xf32>
        %get3A_210 = arith.index_cast %scan3A_137 : i32 to index
        %get3A_211 = arith.constant 80 : index
        %get3A_212 = tpu.vector_load %arg10[%get3A_210, %get3A_211] {strides = array<i32>} : memref<16x768xf32, #tpu.memory_space<vmem>>, vector<1x16xf32>,
        %get3A_213 = vector.shape_cast %get3A_212 : vector<1x16xf32> to vector<16xf32>
        %add3A_214 = arith.addf %get3A_209, %get3A_213 : vector<16xf32>
        %swap3A_215 = arith.index_cast %scan3A_137 : i32 to index
        %swap3A_216 = arith.constant 80 : index
        %swap3A_217 = tpu.vector_load %arg9[%swap3A_215, %swap3A_216] {strides = array<i32>} : memref<16x768xf32, #tpu.memory_space<vmem>>, vector<1x16xf32>,
        %swap3A_218 = vector.shape_cast %swap3A_217 : vector<1x16xf32> to vector<16xf32>
        %swap3A_219 = vector.shape_cast %add3A_214 : vector<16xf32> to vector<1x16xf32>
        tpu.vector_store %arg9[%swap3A_215, %swap3A_216], %swap3A_219 {strides = array<i32>} : memref<16x768xf32, #tpu.memory_space<vmem>>, vector<1x16xf32>,
        %get3A_220 = arith.index_cast %scan3A_137 : i32 to index
        %get3A_221 = arith.constant 96 : index
        %get3A_222 = tpu.vector_load %arg9[%get3A_220, %get3A_221] {strides = array<i32>} : memref<16x768xf32, #tpu.memory_space<vmem>>, vector<1x16xf32>,
        %get3A_223 = vector.shape_cast %get3A_222 : vector<1x16xf32> to vector<16xf32>
        %get3A_224 = arith.index_cast %scan3A_137 : i32 to index
        %get3A_225 = arith.constant 96 : index
        %get3A_226 = tpu.vector_load %arg10[%get3A_224, %get3A_225] {strides = array<i32>} : memref<16x768xf32, #tpu.memory_space<vmem>>, vector<1x16xf32>,
        %get3A_227 = vector.shape_cast %get3A_226 : vector<1x16xf32> to vector<16xf32>
        %add3A_228 = arith.addf %get3A_223, %get3A_227 : vector<16xf32>
        %swap3A_229 = arith.index_cast %scan3A_137 : i32 to index
        %swap3A_230 = arith.constant 96 : index
        %swap3A_231 = tpu.vector_load %arg9[%swap3A_229, %swap3A_230] {strides = array<i32>} : memref<16x768xf32, #tpu.memory_space<vmem>>, vector<1x16xf32>,
        %swap3A_232 = vector.shape_cast %swap3A_231 : vector<1x16xf32> to vector<16xf32>
        %swap3A_233 = vector.shape_cast %add3A_228 : vector<16xf32> to vector<1x16xf32>
        tpu.vector_store %arg9[%swap3A_229, %swap3A_230], %swap3A_233 {strides = array<i32>} : memref<16x768xf32, #tpu.memory_space<vmem>>, vector<1x16xf32>,
        %get3A_234 = arith.index_cast %scan3A_137 : i32 to index
        %get3A_235 = arith.constant 112 : index
        %get3A_236 = tpu.vector_load %arg9[%get3A_234, %get3A_235] {strides = array<i32>} : memref<16x768xf32, #tpu.memory_space<vmem>>, vector<1x16xf32>,
        %get3A_237 = vector.shape_cast %get3A_236 : vector<1x16xf32> to vector<16xf32>
        %get3A_238 = arith.index_cast %scan3A_137 : i32 to index
        %get3A_239 = arith.constant 112 : index
        %get3A_240 = tpu.vector_load %arg10[%get3A_238, %get3A_239] {strides = array<i32>} : memref<16x768xf32, #tpu.memory_space<vmem>>, vector<1x16xf32>,
        %get3A_241 = vector.shape_cast %get3A_240 : vector<1x16xf32> to vector<16xf32>
        %add3A_242 = arith.addf %get3A_237, %get3A_241 : vector<16xf32>
        %swap3A_243 = arith.index_cast %scan3A_137 : i32 to index
        %swap3A_244 = arith.constant 112 : index
        %swap3A_245 = tpu.vector_load %arg9[%swap3A_243, %swap3A_244] {strides = array<i32>} : memref<16x768xf32, #tpu.memory_space<vmem>>, vector<1x16xf32>,
        %swap3A_246 = vector.shape_cast %swap3A_245 : vector<1x16xf32> to vector<16xf32>
        %swap3A_247 = vector.shape_cast %add3A_242 : vector<16xf32> to vector<1x16xf32>
        tpu.vector_store %arg9[%swap3A_243, %swap3A_244], %swap3A_247 {strides = array<i32>} : memref<16x768xf32, #tpu.memory_space<vmem>>, vector<1x16xf32>,
        %get3A_248 = arith.index_cast %scan3A_137 : i32 to index
        %get3A_249 = arith.constant 128 : index
        %get3A_250 = tpu.vector_load %arg9[%get3A_248, %get3A_249] {strides = array<i32>} : memref<16x768xf32, #tpu.memory_space<vmem>>, vector<1x16xf32>,
        %get3A_251 = vector.shape_cast %get3A_250 : vector<1x16xf32> to vector<16xf32>
        %get3A_252 = arith.index_cast %scan3A_137 : i32 to index
        %get3A_253 = arith.constant 128 : index
        %get3A_254 = tpu.vector_load %arg10[%get3A_252, %get3A_253] {strides = array<i32>} : memref<16x768xf32, #tpu.memory_space<vmem>>, vector<1x16xf32>,
        %get3A_255 = vector.shape_cast %get3A_254 : vector<1x16xf32> to vector<16xf32>
        %add3A_256 = arith.addf %get3A_251, %get3A_255 : vector<16xf32>
        %swap3A_257 = arith.index_cast %scan3A_137 : i32 to index
        %swap3A_258 = arith.constant 128 : index
        %swap3A_259 = tpu.vector_load %arg9[%swap3A_257, %swap3A_258] {strides = array<i32>} : memref<16x768xf32, #tpu.memory_space<vmem>>, vector<1x16xf32>,
        %swap3A_260 = vector.shape_cast %swap3A_259 : vector<1x16xf32> to vector<16xf32>
        %swap3A_261 = vector.shape_cast %add3A_256 : vector<16xf32> to vector<1x16xf32>
        tpu.vector_store %arg9[%swap3A_257, %swap3A_258], %swap3A_261 {strides = array<i32>} : memref<16x768xf32, #tpu.memory_space<vmem>>, vector<1x16xf32>,
        %get3A_262 = arith.index_cast %scan3A_137 : i32 to index
        %get3A_263 = arith.constant 144 : index
        %get3A_264 = tpu.vector_load %arg9[%get3A_262, %get3A_263] {strides = array<i32>} : memref<16x768xf32, #tpu.memory_space<vmem>>, vector<1x16xf32>,
        %get3A_265 = vector.shape_cast %get3A_264 : vector<1x16xf32> to vector<16xf32>
        %get3A_266 = arith.index_cast %scan3A_137 : i32 to index
        %get3A_267 = arith.constant 144 : index
        %get3A_268 = tpu.vector_load %arg10[%get3A_266, %get3A_267] {strides = array<i32>} : memref<16x768xf32, #tpu.memory_space<vmem>>, vector<1x16xf32>,
        %get3A_269 = vector.shape_cast %get3A_268 : vector<1x16xf32> to vector<16xf32>
        %add3A_270 = arith.addf %get3A_265, %get3A_269 : vector<16xf32>
        %swap3A_271 = arith.index_cast %scan3A_137 : i32 to index
        %swap3A_272 = arith.constant 144 : index
        %swap3A_273 = tpu.vector_load %arg9[%swap3A_271, %swap3A_272] {strides = array<i32>} : memref<16x768xf32, #tpu.memory_space<vmem>>, vector<1x16xf32>,
        %swap3A_274 = vector.shape_cast %swap3A_273 : vector<1x16xf32> to vector<16xf32>
        %swap3A_275 = vector.shape_cast %add3A_270 : vector<16xf32> to vector<1x16xf32>
        tpu.vector_store %arg9[%swap3A_271, %swap3A_272], %swap3A_275 {strides = array<i32>} : memref<16x768xf32, #tpu.memory_space<vmem>>, vector<1x16xf32>,
        %get3A_276 = arith.index_cast %scan3A_137 : i32 to index
        %get3A_277 = arith.constant 160 : index
        %get3A_278 = tpu.vector_load %arg9[%get3A_276, %get3A_277] {strides = array<i32>} : memref<16x768xf32, #tpu.memory_space<vmem>>, vector<1x16xf32>,
        %get3A_279 = vector.shape_cast %get3A_278 : vector<1x16xf32> to vector<16xf32>
        %get3A_280 = arith.index_cast %scan3A_137 : i32 to index
        %get3A_281 = arith.constant 160 : index
        %get3A_282 = tpu.vector_load %arg10[%get3A_280, %get3A_281] {strides = array<i32>} : memref<16x768xf32, #tpu.memory_space<vmem>>, vector<1x16xf32>,
        %get3A_283 = vector.shape_cast %get3A_282 : vector<1x16xf32> to vector<16xf32>
        %add3A_284 = arith.addf %get3A_279, %get3A_283 : vector<16xf32>
        %swap3A_285 = arith.index_cast %scan3A_137 : i32 to index
        %swap3A_286 = arith.constant 160 : index
        %swap3A_287 = tpu.vector_load %arg9[%swap3A_285, %swap3A_286] {strides = array<i32>} : memref<16x768xf32, #tpu.memory_space<vmem>>, vector<1x16xf32>,
        %swap3A_288 = vector.shape_cast %swap3A_287 : vector<1x16xf32> to vector<16xf32>
        %swap3A_289 = vector.shape_cast %add3A_284 : vector<16xf32> to vector<1x16xf32>
        tpu.vector_store %arg9[%swap3A_285, %swap3A_286], %swap3A_289 {strides = array<i32>} : memref<16x768xf32, #tpu.memory_space<vmem>>, vector<1x16xf32>,
        %get3A_290 = arith.index_cast %scan3A_137 : i32 to index
        %get3A_291 = arith.constant 176 : index
        %get3A_292 = tpu.vector_load %arg9[%get3A_290, %get3A_291] {strides = array<i32>} : memref<16x768xf32, #tpu.memory_space<vmem>>, vector<1x16xf32>,
        %get3A_293 = vector.shape_cast %get3A_292 : vector<1x16xf32> to vector<16xf32>
        %get3A_294 = arith.index_cast %scan3A_137 : i32 to index
        %get3A_295 = arith.constant 176 : index
        %get3A_296 = tpu.vector_load %arg10[%get3A_294, %get3A_295] {strides = array<i32>} : memref<16x768xf32, #tpu.memory_space<vmem>>, vector<1x16xf32>,
        %get3A_297 = vector.shape_cast %get3A_296 : vector<1x16xf32> to vector<16xf32>
        %add3A_298 = arith.addf %get3A_293, %get3A_297 : vector<16xf32>
        %swap3A_299 = arith.index_cast %scan3A_137 : i32 to index
        %swap3A_300 = arith.constant 176 : index
        %swap3A_301 = tpu.vector_load %arg9[%swap3A_299, %swap3A_300] {strides = array<i32>} : memref<16x768xf32, #tpu.memory_space<vmem>>, vector<1x16xf32>,
        %swap3A_302 = vector.shape_cast %swap3A_301 : vector<1x16xf32> to vector<16xf32>
        %swap3A_303 = vector.shape_cast %add3A_298 : vector<16xf32> to vector<1x16xf32>
        tpu.vector_store %arg9[%swap3A_299, %swap3A_300], %swap3A_303 {strides = array<i32>} : memref<16x768xf32, #tpu.memory_space<vmem>>, vector<1x16xf32>,
        %get3A_304 = arith.index_cast %scan3A_137 : i32 to index
        %get3A_305 = arith.constant 192 : index
        %get3A_306 = tpu.vector_load %arg9[%get3A_304, %get3A_305] {strides = array<i32>} : memref<16x768xf32, #tpu.memory_space<vmem>>, vector<1x16xf32>,
        %get3A_307 = vector.shape_cast %get3A_306 : vector<1x16xf32> to vector<16xf32>
        %get3A_308 = arith.index_cast %scan3A_137 : i32 to index
        %get3A_309 = arith.constant 192 : index
        %get3A_310 = tpu.vector_load %arg10[%get3A_308, %get3A_309] {strides = array<i32>} : memref<16x768xf32, #tpu.memory_space<vmem>>, vector<1x16xf32>,
        %get3A_311 = vector.shape_cast %get3A_310 : vector<1x16xf32> to vector<16xf32>
        %add3A_312 = arith.addf %get3A_307, %get3A_311 : vector<16xf32>
        %swap3A_313 = arith.index_cast %scan3A_137 : i32 to index
        %swap3A_314 = arith.constant 192 : index
        %swap3A_315 = tpu.vector_load %arg9[%swap3A_313, %swap3A_314] {strides = array<i32>} : memref<16x768xf32, #tpu.memory_space<vmem>>, vector<1x16xf32>,
        %swap3A_316 = vector.shape_cast %swap3A_315 : vector<1x16xf32> to vector<16xf32>
        %swap3A_317 = vector.shape_cast %add3A_312 : vector<16xf32> to vector<1x16xf32>
        tpu.vector_store %arg9[%swap3A_313, %swap3A_314], %swap3A_317 {strides = array<i32>} : memref<16x768xf32, #tpu.memory_space<vmem>>, vector<1x16xf32>,
        %get3A_318 = arith.index_cast %scan3A_137 : i32 to index
        %get3A_319 = arith.constant 208 : index
        %get3A_320 = tpu.vector_load %arg9[%get3A_318, %get3A_319] {strides = array<i32>} : memref<16x768xf32, #tpu.memory_space<vmem>>, vector<1x16xf32>,
        %get3A_321 = vector.shape_cast %get3A_320 : vector<1x16xf32> to vector<16xf32>
        %get3A_322 = arith.index_cast %scan3A_137 : i32 to index
        %get3A_323 = arith.constant 208 : index
        %get3A_324 = tpu.vector_load %arg10[%get3A_322, %get3A_323] {strides = array<i32>} : memref<16x768xf32, #tpu.memory_space<vmem>>, vector<1x16xf32>,
        %get3A_325 = vector.shape_cast %get3A_324 : vector<1x16xf32> to vector<16xf32>
        %add3A_326 = arith.addf %get3A_321, %get3A_325 : vector<16xf32>
        %swap3A_327 = arith.index_cast %scan3A_137 : i32 to index
        %swap3A_328 = arith.constant 208 : index
        %swap3A_329 = tpu.vector_load %arg9[%swap3A_327, %swap3A_328] {strides = array<i32>} : memref<16x768xf32, #tpu.memory_space<vmem>>, vector<1x16xf32>,
        %swap3A_330 = vector.shape_cast %swap3A_329 : vector<1x16xf32> to vector<16xf32>
        %swap3A_331 = vector.shape_cast %add3A_326 : vector<16xf32> to vector<1x16xf32>
        tpu.vector_store %arg9[%swap3A_327, %swap3A_328], %swap3A_331 {strides = array<i32>} : memref<16x768xf32, #tpu.memory_space<vmem>>, vector<1x16xf32>,
        %get3A_332 = arith.index_cast %scan3A_137 : i32 to index
        %get3A_333 = arith.constant 224 : index
        %get3A_334 = tpu.vector_load %arg9[%get3A_332, %get3A_333] {strides = array<i32>} : memref<16x768xf32, #tpu.memory_space<vmem>>, vector<1x16xf32>,
        %get3A_335 = vector.shape_cast %get3A_334 : vector<1x16xf32> to vector<16xf32>
        %get3A_336 = arith.index_cast %scan3A_137 : i32 to index
        %get3A_337 = arith.constant 224 : index
        %get3A_338 = tpu.vector_load %arg10[%get3A_336, %get3A_337] {strides = array<i32>} : memref<16x768xf32, #tpu.memory_space<vmem>>, vector<1x16xf32>,
        %get3A_339 = vector.shape_cast %get3A_338 : vector<1x16xf32> to vector<16xf32>
        %add3A_340 = arith.addf %get3A_335, %get3A_339 : vector<16xf32>
        %swap3A_341 = arith.index_cast %scan3A_137 : i32 to index
        %swap3A_342 = arith.constant 224 : index
        %swap3A_343 = tpu.vector_load %arg9[%swap3A_341, %swap3A_342] {strides = array<i32>} : memref<16x768xf32, #tpu.memory_space<vmem>>, vector<1x16xf32>,
        %swap3A_344 = vector.shape_cast %swap3A_343 : vector<1x16xf32> to vector<16xf32>
        %swap3A_345 = vector.shape_cast %add3A_340 : vector<16xf32> to vector<1x16xf32>
        tpu.vector_store %arg9[%swap3A_341, %swap3A_342], %swap3A_345 {strides = array<i32>} : memref<16x768xf32, #tpu.memory_space<vmem>>, vector<1x16xf32>,
        %get3A_346 = arith.index_cast %scan3A_137 : i32 to index
        %get3A_347 = arith.constant 240 : index
        %get3A_348 = tpu.vector_load %arg9[%get3A_346, %get3A_347] {strides = array<i32>} : memref<16x768xf32, #tpu.memory_space<vmem>>, vector<1x16xf32>,
        %get3A_349 = vector.shape_cast %get3A_348 : vector<1x16xf32> to vector<16xf32>
        %get3A_350 = arith.index_cast %scan3A_137 : i32 to index
        %get3A_351 = arith.constant 240 : index
        %get3A_352 = tpu.vector_load %arg10[%get3A_350, %get3A_351] {strides = array<i32>} : memref<16x768xf32, #tpu.memory_space<vmem>>, vector<1x16xf32>,
        %get3A_353 = vector.shape_cast %get3A_352 : vector<1x16xf32> to vector<16xf32>
        %add3A_354 = arith.addf %get3A_349, %get3A_353 : vector<16xf32>
        %swap3A_355 = arith.index_cast %scan3A_137 : i32 to index
        %swap3A_356 = arith.constant 240 : index
        %swap3A_357 = tpu.vector_load %arg9[%swap3A_355, %swap3A_356] {strides = array<i32>} : memref<16x768xf32, #tpu.memory_space<vmem>>, vector<1x16xf32>,
        %swap3A_358 = vector.shape_cast %swap3A_357 : vector<1x16xf32> to vector<16xf32>
        %swap3A_359 = vector.shape_cast %add3A_354 : vector<16xf32> to vector<1x16xf32>
        tpu.vector_store %arg9[%swap3A_355, %swap3A_356], %swap3A_359 {strides = array<i32>} : memref<16x768xf32, #tpu.memory_space<vmem>>, vector<1x16xf32>,
        %get3A_360 = arith.index_cast %scan3A_137 : i32 to index
        %get3A_361 = arith.constant 256 : index
        %get3A_362 = tpu.vector_load %arg9[%get3A_360, %get3A_361] {strides = array<i32>} : memref<16x768xf32, #tpu.memory_space<vmem>>, vector<1x16xf32>,
        %get3A_363 = vector.shape_cast %get3A_362 : vector<1x16xf32> to vector<16xf32>
        %get3A_364 = arith.index_cast %scan3A_137 : i32 to index
        %get3A_365 = arith.constant 256 : index
        %get3A_366 = tpu.vector_load %arg10[%get3A_364, %get3A_365] {strides = array<i32>} : memref<16x768xf32, #tpu.memory_space<vmem>>, vector<1x16xf32>,
        %get3A_367 = vector.shape_cast %get3A_366 : vector<1x16xf32> to vector<16xf32>
        %add3A_368 = arith.addf %get3A_363, %get3A_367 : vector<16xf32>
        %swap3A_369 = arith.index_cast %scan3A_137 : i32 to index
        %swap3A_370 = arith.constant 256 : index
        %swap3A_371 = tpu.vector_load %arg9[%swap3A_369, %swap3A_370] {strides = array<i32>} : memref<16x768xf32, #tpu.memory_space<vmem>>, vector<1x16xf32>,
        %swap3A_372 = vector.shape_cast %swap3A_371 : vector<1x16xf32> to vector<16xf32>
        %swap3A_373 = vector.shape_cast %add3A_368 : vector<16xf32> to vector<1x16xf32>
        tpu.vector_store %arg9[%swap3A_369, %swap3A_370], %swap3A_373 {strides = array<i32>} : memref<16x768xf32, #tpu.memory_space<vmem>>, vector<1x16xf32>,
        %get3A_374 = arith.index_cast %scan3A_137 : i32 to index
        %get3A_375 = arith.constant 272 : index
        %get3A_376 = tpu.vector_load %arg9[%get3A_374, %get3A_375] {strides = array<i32>} : memref<16x768xf32, #tpu.memory_space<vmem>>, vector<1x16xf32>,
        %get3A_377 = vector.shape_cast %get3A_376 : vector<1x16xf32> to vector<16xf32>
        %get3A_378 = arith.index_cast %scan3A_137 : i32 to index
        %get3A_379 = arith.constant 272 : index
        %get3A_380 = tpu.vector_load %arg10[%get3A_378, %get3A_379] {strides = array<i32>} : memref<16x768xf32, #tpu.memory_space<vmem>>, vector<1x16xf32>,
        %get3A_381 = vector.shape_cast %get3A_380 : vector<1x16xf32> to vector<16xf32>
        %add3A_382 = arith.addf %get3A_377, %get3A_381 : vector<16xf32>
        %swap3A_383 = arith.index_cast %scan3A_137 : i32 to index
        %swap3A_384 = arith.constant 272 : index
        %swap3A_385 = tpu.vector_load %arg9[%swap3A_383, %swap3A_384] {strides = array<i32>} : memref<16x768xf32, #tpu.memory_space<vmem>>, vector<1x16xf32>,
        %swap3A_386 = vector.shape_cast %swap3A_385 : vector<1x16xf32> to vector<16xf32>
        %swap3A_387 = vector.shape_cast %add3A_382 : vector<16xf32> to vector<1x16xf32>
        tpu.vector_store %arg9[%swap3A_383, %swap3A_384], %swap3A_387 {strides = array<i32>} : memref<16x768xf32, #tpu.memory_space<vmem>>, vector<1x16xf32>,
        %get3A_388 = arith.index_cast %scan3A_137 : i32 to index
        %get3A_389 = arith.constant 288 : index
        %get3A_390 = tpu.vector_load %arg9[%get3A_388, %get3A_389] {strides = array<i32>} : memref<16x768xf32, #tpu.memory_space<vmem>>, vector<1x16xf32>,
        %get3A_391 = vector.shape_cast %get3A_390 : vector<1x16xf32> to vector<16xf32>
        %get3A_392 = arith.index_cast %scan3A_137 : i32 to index
        %get3A_393 = arith.constant 288 : index
        %get3A_394 = tpu.vector_load %arg10[%get3A_392, %get3A_393] {strides = array<i32>} : memref<16x768xf32, #tpu.memory_space<vmem>>, vector<1x16xf32>,
        %get3A_395 = vector.shape_cast %get3A_394 : vector<1x16xf32> to vector<16xf32>
        %add3A_396 = arith.addf %get3A_391, %get3A_395 : vector<16xf32>
        %swap3A_397 = arith.index_cast %scan3A_137 : i32 to index
        %swap3A_398 = arith.constant 288 : index
        %swap3A_399 = tpu.vector_load %arg9[%swap3A_397, %swap3A_398] {strides = array<i32>} : memref<16x768xf32, #tpu.memory_space<vmem>>, vector<1x16xf32>,
        %swap3A_400 = vector.shape_cast %swap3A_399 : vector<1x16xf32> to vector<16xf32>
        %swap3A_401 = vector.shape_cast %add3A_396 : vector<16xf32> to vector<1x16xf32>
        tpu.vector_store %arg9[%swap3A_397, %swap3A_398], %swap3A_401 {strides = array<i32>} : memref<16x768xf32, #tpu.memory_space<vmem>>, vector<1x16xf32>,
        %get3A_402 = arith.index_cast %scan3A_137 : i32 to index
        %get3A_403 = arith.constant 304 : index
        %get3A_404 = tpu.vector_load %arg9[%get3A_402, %get3A_403] {strides = array<i32>} : memref<16x768xf32, #tpu.memory_space<vmem>>, vector<1x16xf32>,
        %get3A_405 = vector.shape_cast %get3A_404 : vector<1x16xf32> to vector<16xf32>
        %get3A_406 = arith.index_cast %scan3A_137 : i32 to index
        %get3A_407 = arith.constant 304 : index
        %get3A_408 = tpu.vector_load %arg10[%get3A_406, %get3A_407] {strides = array<i32>} : memref<16x768xf32, #tpu.memory_space<vmem>>, vector<1x16xf32>,
        %get3A_409 = vector.shape_cast %get3A_408 : vector<1x16xf32> to vector<16xf32>
        %add3A_410 = arith.addf %get3A_405, %get3A_409 : vector<16xf32>
        %swap3A_411 = arith.index_cast %scan3A_137 : i32 to index
        %swap3A_412 = arith.constant 304 : index
        %swap3A_413 = tpu.vector_load %arg9[%swap3A_411, %swap3A_412] {strides = array<i32>} : memref<16x768xf32, #tpu.memory_space<vmem>>, vector<1x16xf32>,
        %swap3A_414 = vector.shape_cast %swap3A_413 : vector<1x16xf32> to vector<16xf32>
        %swap3A_415 = vector.shape_cast %add3A_410 : vector<16xf32> to vector<1x16xf32>
        tpu.vector_store %arg9[%swap3A_411, %swap3A_412], %swap3A_415 {strides = array<i32>} : memref<16x768xf32, #tpu.memory_space<vmem>>, vector<1x16xf32>,
        %get3A_416 = arith.index_cast %scan3A_137 : i32 to index
        %get3A_417 = arith.constant 320 : index
        %get3A_418 = tpu.vector_load %arg9[%get3A_416, %get3A_417] {strides = array<i32>} : memref<16x768xf32, #tpu.memory_space<vmem>>, vector<1x16xf32>,
        %get3A_419 = vector.shape_cast %get3A_418 : vector<1x16xf32> to vector<16xf32>
        %get3A_420 = arith.index_cast %scan3A_137 : i32 to index
        %get3A_421 = arith.constant 320 : index
        %get3A_422 = tpu.vector_load %arg10[%get3A_420, %get3A_421] {strides = array<i32>} : memref<16x768xf32, #tpu.memory_space<vmem>>, vector<1x16xf32>,
        %get3A_423 = vector.shape_cast %get3A_422 : vector<1x16xf32> to vector<16xf32>
        %add3A_424 = arith.addf %get3A_419, %get3A_423 : vector<16xf32>
        %swap3A_425 = arith.index_cast %scan3A_137 : i32 to index
        %swap3A_426 = arith.constant 320 : index
        %swap3A_427 = tpu.vector_load %arg9[%swap3A_425, %swap3A_426] {strides = array<i32>} : memref<16x768xf32, #tpu.memory_space<vmem>>, vector<1x16xf32>,
        %swap3A_428 = vector.shape_cast %swap3A_427 : vector<1x16xf32> to vector<16xf32>
        %swap3A_429 = vector.shape_cast %add3A_424 : vector<16xf32> to vector<1x16xf32>
        tpu.vector_store %arg9[%swap3A_425, %swap3A_426], %swap3A_429 {strides = array<i32>} : memref<16x768xf32, #tpu.memory_space<vmem>>, vector<1x16xf32>,
        %get3A_430 = arith.index_cast %scan3A_137 : i32 to index
        %get3A_431 = arith.constant 336 : index
        %get3A_432 = tpu.vector_load %arg9[%get3A_430, %get3A_431] {strides = array<i32>} : memref<16x768xf32, #tpu.memory_space<vmem>>, vector<1x16xf32>,
        %get3A_433 = vector.shape_cast %get3A_432 : vector<1x16xf32> to vector<16xf32>
        %get3A_434 = arith.index_cast %scan3A_137 : i32 to index
        %get3A_435 = arith.constant 336 : index
        %get3A_436 = tpu.vector_load %arg10[%get3A_434, %get3A_435] {strides = array<i32>} : memref<16x768xf32, #tpu.memory_space<vmem>>, vector<1x16xf32>,
        %get3A_437 = vector.shape_cast %get3A_436 : vector<1x16xf32> to vector<16xf32>
        %add3A_438 = arith.addf %get3A_433, %get3A_437 : vector<16xf32>
        %swap3A_439 = arith.index_cast %scan3A_137 : i32 to index
        %swap3A_440 = arith.constant 336 : index
        %swap3A_441 = tpu.vector_load %arg9[%swap3A_439, %swap3A_440] {strides = array<i32>} : memref<16x768xf32, #tpu.memory_space<vmem>>, vector<1x16xf32>,
        %swap3A_442 = vector.shape_cast %swap3A_441 : vector<1x16xf32> to vector<16xf32>
        %swap3A_443 = vector.shape_cast %add3A_438 : vector<16xf32> to vector<1x16xf32>
        tpu.vector_store %arg9[%swap3A_439, %swap3A_440], %swap3A_443 {strides = array<i32>} : memref<16x768xf32, #tpu.memory_space<vmem>>, vector<1x16xf32>,
        %get3A_444 = arith.index_cast %scan3A_137 : i32 to index
        %get3A_445 = arith.constant 352 : index
        %get3A_446 = tpu.vector_load %arg9[%get3A_444, %get3A_445] {strides = array<i32>} : memref<16x768xf32, #tpu.memory_space<vmem>>, vector<1x16xf32>,
        %get3A_447 = vector.shape_cast %get3A_446 : vector<1x16xf32> to vector<16xf32>
        %get3A_448 = arith.index_cast %scan3A_137 : i32 to index
        %get3A_449 = arith.constant 352 : index
        %get3A_450 = tpu.vector_load %arg10[%get3A_448, %get3A_449] {strides = array<i32>} : memref<16x768xf32, #tpu.memory_space<vmem>>, vector<1x16xf32>,
        %get3A_451 = vector.shape_cast %get3A_450 : vector<1x16xf32> to vector<16xf32>
        %add3A_452 = arith.addf %get3A_447, %get3A_451 : vector<16xf32>
        %swap3A_453 = arith.index_cast %scan3A_137 : i32 to index
        %swap3A_454 = arith.constant 352 : index
        %swap3A_455 = tpu.vector_load %arg9[%swap3A_453, %swap3A_454] {strides = array<i32>} : memref<16x768xf32, #tpu.memory_space<vmem>>, vector<1x16xf32>,
        %swap3A_456 = vector.shape_cast %swap3A_455 : vector<1x16xf32> to vector<16xf32>
        %swap3A_457 = vector.shape_cast %add3A_452 : vector<16xf32> to vector<1x16xf32>
        tpu.vector_store %arg9[%swap3A_453, %swap3A_454], %swap3A_457 {strides = array<i32>} : memref<16x768xf32, #tpu.memory_space<vmem>>, vector<1x16xf32>,
        %get3A_458 = arith.index_cast %scan3A_137 : i32 to index
        %get3A_459 = arith.constant 368 : index
        %get3A_460 = tpu.vector_load %arg9[%get3A_458, %get3A_459] {strides = array<i32>} : memref<16x768xf32, #tpu.memory_space<vmem>>, vector<1x16xf32>,
        %get3A_461 = vector.shape_cast %get3A_460 : vector<1x16xf32> to vector<16xf32>
        %get3A_462 = arith.index_cast %scan3A_137 : i32 to index
        %get3A_463 = arith.constant 368 : index
        %get3A_464 = tpu.vector_load %arg10[%get3A_462, %get3A_463] {strides = array<i32>} : memref<16x768xf32, #tpu.memory_space<vmem>>, vector<1x16xf32>,
        %get3A_465 = vector.shape_cast %get3A_464 : vector<1x16xf32> to vector<16xf32>
        %add3A_466 = arith.addf %get3A_461, %get3A_465 : vector<16xf32>
        %swap3A_467 = arith.index_cast %scan3A_137 : i32 to index
        %swap3A_468 = arith.constant 368 : index
        %swap3A_469 = tpu.vector_load %arg9[%swap3A_467, %swap3A_468] {strides = array<i32>} : memref<16x768xf32, #tpu.memory_space<vmem>>, vector<1x16xf32>,
        %swap3A_470 = vector.shape_cast %swap3A_469 : vector<1x16xf32> to vector<16xf32>
        %swap3A_471 = vector.shape_cast %add3A_466 : vector<16xf32> to vector<1x16xf32>
        tpu.vector_store %arg9[%swap3A_467, %swap3A_468], %swap3A_471 {strides = array<i32>} : memref<16x768xf32, #tpu.memory_space<vmem>>, vector<1x16xf32>,
        %get3A_472 = arith.index_cast %scan3A_137 : i32 to index
        %get3A_473 = arith.constant 384 : index
        %get3A_474 = tpu.vector_load %arg9[%get3A_472, %get3A_473] {strides = array<i32>} : memref<16x768xf32, #tpu.memory_space<vmem>>, vector<1x16xf32>,
        %get3A_475 = vector.shape_cast %get3A_474 : vector<1x16xf32> to vector<16xf32>
        %get3A_476 = arith.index_cast %scan3A_137 : i32 to index
        %get3A_477 = arith.constant 384 : index
        %get3A_478 = tpu.vector_load %arg10[%get3A_476, %get3A_477] {strides = array<i32>} : memref<16x768xf32, #tpu.memory_space<vmem>>, vector<1x16xf32>,
        %get3A_479 = vector.shape_cast %get3A_478 : vector<1x16xf32> to vector<16xf32>
        %add3A_480 = arith.addf %get3A_475, %get3A_479 : vector<16xf32>
        %swap3A_481 = arith.index_cast %scan3A_137 : i32 to index
        %swap3A_482 = arith.constant 384 : index
        %swap3A_483 = tpu.vector_load %arg9[%swap3A_481, %swap3A_482] {strides = array<i32>} : memref<16x768xf32, #tpu.memory_space<vmem>>, vector<1x16xf32>,
        %swap3A_484 = vector.shape_cast %swap3A_483 : vector<1x16xf32> to vector<16xf32>
        %swap3A_485 = vector.shape_cast %add3A_480 : vector<16xf32> to vector<1x16xf32>
        tpu.vector_store %arg9[%swap3A_481, %swap3A_482], %swap3A_485 {strides = array<i32>} : memref<16x768xf32, #tpu.memory_space<vmem>>, vector<1x16xf32>,
        %get3A_486 = arith.index_cast %scan3A_137 : i32 to index
        %get3A_487 = arith.constant 400 : index
        %get3A_488 = tpu.vector_load %arg9[%get3A_486, %get3A_487] {strides = array<i32>} : memref<16x768xf32, #tpu.memory_space<vmem>>, vector<1x16xf32>,
        %get3A_489 = vector.shape_cast %get3A_488 : vector<1x16xf32> to vector<16xf32>
        %get3A_490 = arith.index_cast %scan3A_137 : i32 to index
        %get3A_491 = arith.constant 400 : index
        %get3A_492 = tpu.vector_load %arg10[%get3A_490, %get3A_491] {strides = array<i32>} : memref<16x768xf32, #tpu.memory_space<vmem>>, vector<1x16xf32>,
        %get3A_493 = vector.shape_cast %get3A_492 : vector<1x16xf32> to vector<16xf32>
        %add3A_494 = arith.addf %get3A_489, %get3A_493 : vector<16xf32>
        %swap3A_495 = arith.index_cast %scan3A_137 : i32 to index
        %swap3A_496 = arith.constant 400 : index
        %swap3A_497 = tpu.vector_load %arg9[%swap3A_495, %swap3A_496] {strides = array<i32>} : memref<16x768xf32, #tpu.memory_space<vmem>>, vector<1x16xf32>,
        %swap3A_498 = vector.shape_cast %swap3A_497 : vector<1x16xf32> to vector<16xf32>
        %swap3A_499 = vector.shape_cast %add3A_494 : vector<16xf32> to vector<1x16xf32>
        tpu.vector_store %arg9[%swap3A_495, %swap3A_496], %swap3A_499 {strides = array<i32>} : memref<16x768xf32, #tpu.memory_space<vmem>>, vector<1x16xf32>,
        %get3A_500 = arith.index_cast %scan3A_137 : i32 to index
        %get3A_501 = arith.constant 416 : index
        %get3A_502 = tpu.vector_load %arg9[%get3A_500, %get3A_501] {strides = array<i32>} : memref<16x768xf32, #tpu.memory_space<vmem>>, vector<1x16xf32>,
        %get3A_503 = vector.shape_cast %get3A_502 : vector<1x16xf32> to vector<16xf32>
        %get3A_504 = arith.index_cast %scan3A_137 : i32 to index
        %get3A_505 = arith.constant 416 : index
        %get3A_506 = tpu.vector_load %arg10[%get3A_504, %get3A_505] {strides = array<i32>} : memref<16x768xf32, #tpu.memory_space<vmem>>, vector<1x16xf32>,
        %get3A_507 = vector.shape_cast %get3A_506 : vector<1x16xf32> to vector<16xf32>
        %add3A_508 = arith.addf %get3A_503, %get3A_507 : vector<16xf32>
        %swap3A_509 = arith.index_cast %scan3A_137 : i32 to index
        %swap3A_510 = arith.constant 416 : index
        %swap3A_511 = tpu.vector_load %arg9[%swap3A_509, %swap3A_510] {strides = array<i32>} : memref<16x768xf32, #tpu.memory_space<vmem>>, vector<1x16xf32>,
        %swap3A_512 = vector.shape_cast %swap3A_511 : vector<1x16xf32> to vector<16xf32>
        %swap3A_513 = vector.shape_cast %add3A_508 : vector<16xf32> to vector<1x16xf32>
        tpu.vector_store %arg9[%swap3A_509, %swap3A_510], %swap3A_513 {strides = array<i32>} : memref<16x768xf32, #tpu.memory_space<vmem>>, vector<1x16xf32>,
        %get3A_514 = arith.index_cast %scan3A_137 : i32 to index
        %get3A_515 = arith.constant 432 : index
        %get3A_516 = tpu.vector_load %arg9[%get3A_514, %get3A_515] {strides = array<i32>} : memref<16x768xf32, #tpu.memory_space<vmem>>, vector<1x16xf32>,
        %get3A_517 = vector.shape_cast %get3A_516 : vector<1x16xf32> to vector<16xf32>
        %get3A_518 = arith.index_cast %scan3A_137 : i32 to index
        %get3A_519 = arith.constant 432 : index
        %get3A_520 = tpu.vector_load %arg10[%get3A_518, %get3A_519] {strides = array<i32>} : memref<16x768xf32, #tpu.memory_space<vmem>>, vector<1x16xf32>,
        %get3A_521 = vector.shape_cast %get3A_520 : vector<1x16xf32> to vector<16xf32>
        %add3A_522 = arith.addf %get3A_517, %get3A_521 : vector<16xf32>
        %swap3A_523 = arith.index_cast %scan3A_137 : i32 to index
        %swap3A_524 = arith.constant 432 : index
        %swap3A_525 = tpu.vector_load %arg9[%swap3A_523, %swap3A_524] {strides = array<i32>} : memref<16x768xf32, #tpu.memory_space<vmem>>, vector<1x16xf32>,
        %swap3A_526 = vector.shape_cast %swap3A_525 : vector<1x16xf32> to vector<16xf32>
        %swap3A_527 = vector.shape_cast %add3A_522 : vector<16xf32> to vector<1x16xf32>
        tpu.vector_store %arg9[%swap3A_523, %swap3A_524], %swap3A_527 {strides = array<i32>} : memref<16x768xf32, #tpu.memory_space<vmem>>, vector<1x16xf32>,
        %get3A_528 = arith.index_cast %scan3A_137 : i32 to index
        %get3A_529 = arith.constant 448 : index
        %get3A_530 = tpu.vector_load %arg9[%get3A_528, %get3A_529] {strides = array<i32>} : memref<16x768xf32, #tpu.memory_space<vmem>>, vector<1x16xf32>,
        %get3A_531 = vector.shape_cast %get3A_530 : vector<1x16xf32> to vector<16xf32>
        %get3A_532 = arith.index_cast %scan3A_137 : i32 to index
        %get3A_533 = arith.constant 448 : index
        %get3A_534 = tpu.vector_load %arg10[%get3A_532, %get3A_533] {strides = array<i32>} : memref<16x768xf32, #tpu.memory_space<vmem>>, vector<1x16xf32>,
        %get3A_535 = vector.shape_cast %get3A_534 : vector<1x16xf32> to vector<16xf32>
        %add3A_536 = arith.addf %get3A_531, %get3A_535 : vector<16xf32>
        %swap3A_537 = arith.index_cast %scan3A_137 : i32 to index
        %swap3A_538 = arith.constant 448 : index
        %swap3A_539 = tpu.vector_load %arg9[%swap3A_537, %swap3A_538] {strides = array<i32>} : memref<16x768xf32, #tpu.memory_space<vmem>>, vector<1x16xf32>,
        %swap3A_540 = vector.shape_cast %swap3A_539 : vector<1x16xf32> to vector<16xf32>
        %swap3A_541 = vector.shape_cast %add3A_536 : vector<16xf32> to vector<1x16xf32>
        tpu.vector_store %arg9[%swap3A_537, %swap3A_538], %swap3A_541 {strides = array<i32>} : memref<16x768xf32, #tpu.memory_space<vmem>>, vector<1x16xf32>,
        %get3A_542 = arith.index_cast %scan3A_137 : i32 to index
        %get3A_543 = arith.constant 464 : index
        %get3A_544 = tpu.vector_load %arg9[%get3A_542, %get3A_543] {strides = array<i32>} : memref<16x768xf32, #tpu.memory_space<vmem>>, vector<1x16xf32>,
        %get3A_545 = vector.shape_cast %get3A_544 : vector<1x16xf32> to vector<16xf32>
        %get3A_546 = arith.index_cast %scan3A_137 : i32 to index
        %get3A_547 = arith.constant 464 : index
        %get3A_548 = tpu.vector_load %arg10[%get3A_546, %get3A_547] {strides = array<i32>} : memref<16x768xf32, #tpu.memory_space<vmem>>, vector<1x16xf32>,
        %get3A_549 = vector.shape_cast %get3A_548 : vector<1x16xf32> to vector<16xf32>
        %add3A_550 = arith.addf %get3A_545, %get3A_549 : vector<16xf32>
        %swap3A_551 = arith.index_cast %scan3A_137 : i32 to index
        %swap3A_552 = arith.constant 464 : index
        %swap3A_553 = tpu.vector_load %arg9[%swap3A_551, %swap3A_552] {strides = array<i32>} : memref<16x768xf32, #tpu.memory_space<vmem>>, vector<1x16xf32>,
        %swap3A_554 = vector.shape_cast %swap3A_553 : vector<1x16xf32> to vector<16xf32>
        %swap3A_555 = vector.shape_cast %add3A_550 : vector<16xf32> to vector<1x16xf32>
        tpu.vector_store %arg9[%swap3A_551, %swap3A_552], %swap3A_555 {strides = array<i32>} : memref<16x768xf32, #tpu.memory_space<vmem>>, vector<1x16xf32>,
        %get3A_556 = arith.index_cast %scan3A_137 : i32 to index
        %get3A_557 = arith.constant 480 : index
        %get3A_558 = tpu.vector_load %arg9[%get3A_556, %get3A_557] {strides = array<i32>} : memref<16x768xf32, #tpu.memory_space<vmem>>, vector<1x16xf32>,
        %get3A_559 = vector.shape_cast %get3A_558 : vector<1x16xf32> to vector<16xf32>
        %get3A_560 = arith.index_cast %scan3A_137 : i32 to index
        %get3A_561 = arith.constant 480 : index
        %get3A_562 = tpu.vector_load %arg10[%get3A_560, %get3A_561] {strides = array<i32>} : memref<16x768xf32, #tpu.memory_space<vmem>>, vector<1x16xf32>,
        %get3A_563 = vector.shape_cast %get3A_562 : vector<1x16xf32> to vector<16xf32>
        %add3A_564 = arith.addf %get3A_559, %get3A_563 : vector<16xf32>
        %swap3A_565 = arith.index_cast %scan3A_137 : i32 to index
        %swap3A_566 = arith.constant 480 : index
        %swap3A_567 = tpu.vector_load %arg9[%swap3A_565, %swap3A_566] {strides = array<i32>} : memref<16x768xf32, #tpu.memory_space<vmem>>, vector<1x16xf32>,
        %swap3A_568 = vector.shape_cast %swap3A_567 : vector<1x16xf32> to vector<16xf32>
        %swap3A_569 = vector.shape_cast %add3A_564 : vector<16xf32> to vector<1x16xf32>
        tpu.vector_store %arg9[%swap3A_565, %swap3A_566], %swap3A_569 {strides = array<i32>} : memref<16x768xf32, #tpu.memory_space<vmem>>, vector<1x16xf32>,
        %get3A_570 = arith.index_cast %scan3A_137 : i32 to index
        %get3A_571 = arith.constant 496 : index
        %get3A_572 = tpu.vector_load %arg9[%get3A_570, %get3A_571] {strides = array<i32>} : memref<16x768xf32, #tpu.memory_space<vmem>>, vector<1x16xf32>,
        %get3A_573 = vector.shape_cast %get3A_572 : vector<1x16xf32> to vector<16xf32>
        %get3A_574 = arith.index_cast %scan3A_137 : i32 to index
        %get3A_575 = arith.constant 496 : index
        %get3A_576 = tpu.vector_load %arg10[%get3A_574, %get3A_575] {strides = array<i32>} : memref<16x768xf32, #tpu.memory_space<vmem>>, vector<1x16xf32>,
        %get3A_577 = vector.shape_cast %get3A_576 : vector<1x16xf32> to vector<16xf32>
        %add3A_578 = arith.addf %get3A_573, %get3A_577 : vector<16xf32>
        %swap3A_579 = arith.index_cast %scan3A_137 : i32 to index
        %swap3A_580 = arith.constant 496 : index
        %swap3A_581 = tpu.vector_load %arg9[%swap3A_579, %swap3A_580] {strides = array<i32>} : memref<16x768xf32, #tpu.memory_space<vmem>>, vector<1x16xf32>,
        %swap3A_582 = vector.shape_cast %swap3A_581 : vector<1x16xf32> to vector<16xf32>
        %swap3A_583 = vector.shape_cast %add3A_578 : vector<16xf32> to vector<1x16xf32>
        tpu.vector_store %arg9[%swap3A_579, %swap3A_580], %swap3A_583 {strides = array<i32>} : memref<16x768xf32, #tpu.memory_space<vmem>>, vector<1x16xf32>,
        %get3A_584 = arith.index_cast %scan3A_137 : i32 to index
        %get3A_585 = arith.constant 512 : index
        %get3A_586 = tpu.vector_load %arg9[%get3A_584, %get3A_585] {strides = array<i32>} : memref<16x768xf32, #tpu.memory_space<vmem>>, vector<1x16xf32>,
        %get3A_587 = vector.shape_cast %get3A_586 : vector<1x16xf32> to vector<16xf32>
        %get3A_588 = arith.index_cast %scan3A_137 : i32 to index
        %get3A_589 = arith.constant 512 : index
        %get3A_590 = tpu.vector_load %arg10[%get3A_588, %get3A_589] {strides = array<i32>} : memref<16x768xf32, #tpu.memory_space<vmem>>, vector<1x16xf32>,
        %get3A_591 = vector.shape_cast %get3A_590 : vector<1x16xf32> to vector<16xf32>
        %add3A_592 = arith.addf %get3A_587, %get3A_591 : vector<16xf32>
        %swap3A_593 = arith.index_cast %scan3A_137 : i32 to index
        %swap3A_594 = arith.constant 512 : index
        %swap3A_595 = tpu.vector_load %arg9[%swap3A_593, %swap3A_594] {strides = array<i32>} : memref<16x768xf32, #tpu.memory_space<vmem>>, vector<1x16xf32>,
        %swap3A_596 = vector.shape_cast %swap3A_595 : vector<1x16xf32> to vector<16xf32>
        %swap3A_597 = vector.shape_cast %add3A_592 : vector<16xf32> to vector<1x16xf32>
        tpu.vector_store %arg9[%swap3A_593, %swap3A_594], %swap3A_597 {strides = array<i32>} : memref<16x768xf32, #tpu.memory_space<vmem>>, vector<1x16xf32>,
        %get3A_598 = arith.index_cast %scan3A_137 : i32 to index
        %get3A_599 = arith.constant 528 : index
        %get3A_600 = tpu.vector_load %arg9[%get3A_598, %get3A_599] {strides = array<i32>} : memref<16x768xf32, #tpu.memory_space<vmem>>, vector<1x16xf32>,
        %get3A_601 = vector.shape_cast %get3A_600 : vector<1x16xf32> to vector<16xf32>
        %get3A_602 = arith.index_cast %scan3A_137 : i32 to index
        %get3A_603 = arith.constant 528 : index
        %get3A_604 = tpu.vector_load %arg10[%get3A_602, %get3A_603] {strides = array<i32>} : memref<16x768xf32, #tpu.memory_space<vmem>>, vector<1x16xf32>,
        %get3A_605 = vector.shape_cast %get3A_604 : vector<1x16xf32> to vector<16xf32>
        %add3A_606 = arith.addf %get3A_601, %get3A_605 : vector<16xf32>
        %swap3A_607 = arith.index_cast %scan3A_137 : i32 to index
        %swap3A_608 = arith.constant 528 : index
        %swap3A_609 = tpu.vector_load %arg9[%swap3A_607, %swap3A_608] {strides = array<i32>} : memref<16x768xf32, #tpu.memory_space<vmem>>, vector<1x16xf32>,
        %swap3A_610 = vector.shape_cast %swap3A_609 : vector<1x16xf32> to vector<16xf32>
        %swap3A_611 = vector.shape_cast %add3A_606 : vector<16xf32> to vector<1x16xf32>
        tpu.vector_store %arg9[%swap3A_607, %swap3A_608], %swap3A_611 {strides = array<i32>} : memref<16x768xf32, #tpu.memory_space<vmem>>, vector<1x16xf32>,
        %get3A_612 = arith.index_cast %scan3A_137 : i32 to index
        %get3A_613 = arith.constant 544 : index
        %get3A_614 = tpu.vector_load %arg9[%get3A_612, %get3A_613] {strides = array<i32>} : memref<16x768xf32, #tpu.memory_space<vmem>>, vector<1x16xf32>,
        %get3A_615 = vector.shape_cast %get3A_614 : vector<1x16xf32> to vector<16xf32>
        %get3A_616 = arith.index_cast %scan3A_137 : i32 to index
        %get3A_617 = arith.constant 544 : index
        %get3A_618 = tpu.vector_load %arg10[%get3A_616, %get3A_617] {strides = array<i32>} : memref<16x768xf32, #tpu.memory_space<vmem>>, vector<1x16xf32>,
        %get3A_619 = vector.shape_cast %get3A_618 : vector<1x16xf32> to vector<16xf32>
        %add3A_620 = arith.addf %get3A_615, %get3A_619 : vector<16xf32>
        %swap3A_621 = arith.index_cast %scan3A_137 : i32 to index
        %swap3A_622 = arith.constant 544 : index
        %swap3A_623 = tpu.vector_load %arg9[%swap3A_621, %swap3A_622] {strides = array<i32>} : memref<16x768xf32, #tpu.memory_space<vmem>>, vector<1x16xf32>,
        %swap3A_624 = vector.shape_cast %swap3A_623 : vector<1x16xf32> to vector<16xf32>
        %swap3A_625 = vector.shape_cast %add3A_620 : vector<16xf32> to vector<1x16xf32>
        tpu.vector_store %arg9[%swap3A_621, %swap3A_622], %swap3A_625 {strides = array<i32>} : memref<16x768xf32, #tpu.memory_space<vmem>>, vector<1x16xf32>,
        %get3A_626 = arith.index_cast %scan3A_137 : i32 to index
        %get3A_627 = arith.constant 560 : index
        %get3A_628 = tpu.vector_load %arg9[%get3A_626, %get3A_627] {strides = array<i32>} : memref<16x768xf32, #tpu.memory_space<vmem>>, vector<1x16xf32>,
        %get3A_629 = vector.shape_cast %get3A_628 : vector<1x16xf32> to vector<16xf32>
        %get3A_630 = arith.index_cast %scan3A_137 : i32 to index
        %get3A_631 = arith.constant 560 : index
        %get3A_632 = tpu.vector_load %arg10[%get3A_630, %get3A_631] {strides = array<i32>} : memref<16x768xf32, #tpu.memory_space<vmem>>, vector<1x16xf32>,
        %get3A_633 = vector.shape_cast %get3A_632 : vector<1x16xf32> to vector<16xf32>
        %add3A_634 = arith.addf %get3A_629, %get3A_633 : vector<16xf32>
        %swap3A_635 = arith.index_cast %scan3A_137 : i32 to index
        %swap3A_636 = arith.constant 560 : index
        %swap3A_637 = tpu.vector_load %arg9[%swap3A_635, %swap3A_636] {strides = array<i32>} : memref<16x768xf32, #tpu.memory_space<vmem>>, vector<1x16xf32>,
        %swap3A_638 = vector.shape_cast %swap3A_637 : vector<1x16xf32> to vector<16xf32>
        %swap3A_639 = vector.shape_cast %add3A_634 : vector<16xf32> to vector<1x16xf32>
        tpu.vector_store %arg9[%swap3A_635, %swap3A_636], %swap3A_639 {strides = array<i32>} : memref<16x768xf32, #tpu.memory_space<vmem>>, vector<1x16xf32>,
        %get3A_640 = arith.index_cast %scan3A_137 : i32 to index
        %get3A_641 = arith.constant 576 : index
        %get3A_642 = tpu.vector_load %arg9[%get3A_640, %get3A_641] {strides = array<i32>} : memref<16x768xf32, #tpu.memory_space<vmem>>, vector<1x16xf32>,
        %get3A_643 = vector.shape_cast %get3A_642 : vector<1x16xf32> to vector<16xf32>
        %get3A_644 = arith.index_cast %scan3A_137 : i32 to index
        %get3A_645 = arith.constant 576 : index
        %get3A_646 = tpu.vector_load %arg10[%get3A_644, %get3A_645] {strides = array<i32>} : memref<16x768xf32, #tpu.memory_space<vmem>>, vector<1x16xf32>,
        %get3A_647 = vector.shape_cast %get3A_646 : vector<1x16xf32> to vector<16xf32>
        %add3A_648 = arith.addf %get3A_643, %get3A_647 : vector<16xf32>
        %swap3A_649 = arith.index_cast %scan3A_137 : i32 to index
        %swap3A_650 = arith.constant 576 : index
        %swap3A_651 = tpu.vector_load %arg9[%swap3A_649, %swap3A_650] {strides = array<i32>} : memref<16x768xf32, #tpu.memory_space<vmem>>, vector<1x16xf32>,
        %swap3A_652 = vector.shape_cast %swap3A_651 : vector<1x16xf32> to vector<16xf32>
        %swap3A_653 = vector.shape_cast %add3A_648 : vector<16xf32> to vector<1x16xf32>
        tpu.vector_store %arg9[%swap3A_649, %swap3A_650], %swap3A_653 {strides = array<i32>} : memref<16x768xf32, #tpu.memory_space<vmem>>, vector<1x16xf32>,
        %get3A_654 = arith.index_cast %scan3A_137 : i32 to index
        %get3A_655 = arith.constant 592 : index
        %get3A_656 = tpu.vector_load %arg9[%get3A_654, %get3A_655] {strides = array<i32>} : memref<16x768xf32, #tpu.memory_space<vmem>>, vector<1x16xf32>,
        %get3A_657 = vector.shape_cast %get3A_656 : vector<1x16xf32> to vector<16xf32>
        %get3A_658 = arith.index_cast %scan3A_137 : i32 to index
        %get3A_659 = arith.constant 592 : index
        %get3A_660 = tpu.vector_load %arg10[%get3A_658, %get3A_659] {strides = array<i32>} : memref<16x768xf32, #tpu.memory_space<vmem>>, vector<1x16xf32>,
        %get3A_661 = vector.shape_cast %get3A_660 : vector<1x16xf32> to vector<16xf32>
        %add3A_662 = arith.addf %get3A_657, %get3A_661 : vector<16xf32>
        %swap3A_663 = arith.index_cast %scan3A_137 : i32 to index
        %swap3A_664 = arith.constant 592 : index
        %swap3A_665 = tpu.vector_load %arg9[%swap3A_663, %swap3A_664] {strides = array<i32>} : memref<16x768xf32, #tpu.memory_space<vmem>>, vector<1x16xf32>,
        %swap3A_666 = vector.shape_cast %swap3A_665 : vector<1x16xf32> to vector<16xf32>
        %swap3A_667 = vector.shape_cast %add3A_662 : vector<16xf32> to vector<1x16xf32>
        tpu.vector_store %arg9[%swap3A_663, %swap3A_664], %swap3A_667 {strides = array<i32>} : memref<16x768xf32, #tpu.memory_space<vmem>>, vector<1x16xf32>,
        %get3A_668 = arith.index_cast %scan3A_137 : i32 to index
        %get3A_669 = arith.constant 608 : index
        %get3A_670 = tpu.vector_load %arg9[%get3A_668, %get3A_669] {strides = array<i32>} : memref<16x768xf32, #tpu.memory_space<vmem>>, vector<1x16xf32>,
        %get3A_671 = vector.shape_cast %get3A_670 : vector<1x16xf32> to vector<16xf32>
        %get3A_672 = arith.index_cast %scan3A_137 : i32 to index
        %get3A_673 = arith.constant 608 : index
        %get3A_674 = tpu.vector_load %arg10[%get3A_672, %get3A_673] {strides = array<i32>} : memref<16x768xf32, #tpu.memory_space<vmem>>, vector<1x16xf32>,
        %get3A_675 = vector.shape_cast %get3A_674 : vector<1x16xf32> to vector<16xf32>
        %add3A_676 = arith.addf %get3A_671, %get3A_675 : vector<16xf32>
        %swap3A_677 = arith.index_cast %scan3A_137 : i32 to index
        %swap3A_678 = arith.constant 608 : index
        %swap3A_679 = tpu.vector_load %arg9[%swap3A_677, %swap3A_678] {strides = array<i32>} : memref<16x768xf32, #tpu.memory_space<vmem>>, vector<1x16xf32>,
        %swap3A_680 = vector.shape_cast %swap3A_679 : vector<1x16xf32> to vector<16xf32>
        %swap3A_681 = vector.shape_cast %add3A_676 : vector<16xf32> to vector<1x16xf32>
        tpu.vector_store %arg9[%swap3A_677, %swap3A_678], %swap3A_681 {strides = array<i32>} : memref<16x768xf32, #tpu.memory_space<vmem>>, vector<1x16xf32>,
        %get3A_682 = arith.index_cast %scan3A_137 : i32 to index
        %get3A_683 = arith.constant 624 : index
        %get3A_684 = tpu.vector_load %arg9[%get3A_682, %get3A_683] {strides = array<i32>} : memref<16x768xf32, #tpu.memory_space<vmem>>, vector<1x16xf32>,
        %get3A_685 = vector.shape_cast %get3A_684 : vector<1x16xf32> to vector<16xf32>
        %get3A_686 = arith.index_cast %scan3A_137 : i32 to index
        %get3A_687 = arith.constant 624 : index
        %get3A_688 = tpu.vector_load %arg10[%get3A_686, %get3A_687] {strides = array<i32>} : memref<16x768xf32, #tpu.memory_space<vmem>>, vector<1x16xf32>,
        %get3A_689 = vector.shape_cast %get3A_688 : vector<1x16xf32> to vector<16xf32>
        %add3A_690 = arith.addf %get3A_685, %get3A_689 : vector<16xf32>
        %swap3A_691 = arith.index_cast %scan3A_137 : i32 to index
        %swap3A_692 = arith.constant 624 : index
        %swap3A_693 = tpu.vector_load %arg9[%swap3A_691, %swap3A_692] {strides = array<i32>} : memref<16x768xf32, #tpu.memory_space<vmem>>, vector<1x16xf32>,
        %swap3A_694 = vector.shape_cast %swap3A_693 : vector<1x16xf32> to vector<16xf32>
        %swap3A_695 = vector.shape_cast %add3A_690 : vector<16xf32> to vector<1x16xf32>
        tpu.vector_store %arg9[%swap3A_691, %swap3A_692], %swap3A_695 {strides = array<i32>} : memref<16x768xf32, #tpu.memory_space<vmem>>, vector<1x16xf32>,
        %get3A_696 = arith.index_cast %scan3A_137 : i32 to index
        %get3A_697 = arith.constant 640 : index
        %get3A_698 = tpu.vector_load %arg9[%get3A_696, %get3A_697] {strides = array<i32>} : memref<16x768xf32, #tpu.memory_space<vmem>>, vector<1x16xf32>,
        %get3A_699 = vector.shape_cast %get3A_698 : vector<1x16xf32> to vector<16xf32>
        %get3A_700 = arith.index_cast %scan3A_137 : i32 to index
        %get3A_701 = arith.constant 640 : index
        %get3A_702 = tpu.vector_load %arg10[%get3A_700, %get3A_701] {strides = array<i32>} : memref<16x768xf32, #tpu.memory_space<vmem>>, vector<1x16xf32>,
        %get3A_703 = vector.shape_cast %get3A_702 : vector<1x16xf32> to vector<16xf32>
        %add3A_704 = arith.addf %get3A_699, %get3A_703 : vector<16xf32>
        %swap3A_705 = arith.index_cast %scan3A_137 : i32 to index
        %swap3A_706 = arith.constant 640 : index
        %swap3A_707 = tpu.vector_load %arg9[%swap3A_705, %swap3A_706] {strides = array<i32>} : memref<16x768xf32, #tpu.memory_space<vmem>>, vector<1x16xf32>,
        %swap3A_708 = vector.shape_cast %swap3A_707 : vector<1x16xf32> to vector<16xf32>
        %swap3A_709 = vector.shape_cast %add3A_704 : vector<16xf32> to vector<1x16xf32>
        tpu.vector_store %arg9[%swap3A_705, %swap3A_706], %swap3A_709 {strides = array<i32>} : memref<16x768xf32, #tpu.memory_space<vmem>>, vector<1x16xf32>,
        %get3A_710 = arith.index_cast %scan3A_137 : i32 to index
        %get3A_711 = arith.constant 656 : index
        %get3A_712 = tpu.vector_load %arg9[%get3A_710, %get3A_711] {strides = array<i32>} : memref<16x768xf32, #tpu.memory_space<vmem>>, vector<1x16xf32>,
        %get3A_713 = vector.shape_cast %get3A_712 : vector<1x16xf32> to vector<16xf32>
        %get3A_714 = arith.index_cast %scan3A_137 : i32 to index
        %get3A_715 = arith.constant 656 : index
        %get3A_716 = tpu.vector_load %arg10[%get3A_714, %get3A_715] {strides = array<i32>} : memref<16x768xf32, #tpu.memory_space<vmem>>, vector<1x16xf32>,
        %get3A_717 = vector.shape_cast %get3A_716 : vector<1x16xf32> to vector<16xf32>
        %add3A_718 = arith.addf %get3A_713, %get3A_717 : vector<16xf32>
        %swap3A_719 = arith.index_cast %scan3A_137 : i32 to index
        %swap3A_720 = arith.constant 656 : index
        %swap3A_721 = tpu.vector_load %arg9[%swap3A_719, %swap3A_720] {strides = array<i32>} : memref<16x768xf32, #tpu.memory_space<vmem>>, vector<1x16xf32>,
        %swap3A_722 = vector.shape_cast %swap3A_721 : vector<1x16xf32> to vector<16xf32>
        %swap3A_723 = vector.shape_cast %add3A_718 : vector<16xf32> to vector<1x16xf32>
        tpu.vector_store %arg9[%swap3A_719, %swap3A_720], %swap3A_723 {strides = array<i32>} : memref<16x768xf32, #tpu.memory_space<vmem>>, vector<1x16xf32>,
        %get3A_724 = arith.index_cast %scan3A_137 : i32 to index
        %get3A_725 = arith.constant 672 : index
        %get3A_726 = tpu.vector_load %arg9[%get3A_724, %get3A_725] {strides = array<i32>} : memref<16x768xf32, #tpu.memory_space<vmem>>, vector<1x16xf32>,
        %get3A_727 = vector.shape_cast %get3A_726 : vector<1x16xf32> to vector<16xf32>
        %get3A_728 = arith.index_cast %scan3A_137 : i32 to index
        %get3A_729 = arith.constant 672 : index
        %get3A_730 = tpu.vector_load %arg10[%get3A_728, %get3A_729] {strides = array<i32>} : memref<16x768xf32, #tpu.memory_space<vmem>>, vector<1x16xf32>,
        %get3A_731 = vector.shape_cast %get3A_730 : vector<1x16xf32> to vector<16xf32>
        %add3A_732 = arith.addf %get3A_727, %get3A_731 : vector<16xf32>
        %swap3A_733 = arith.index_cast %scan3A_137 : i32 to index
        %swap3A_734 = arith.constant 672 : index
        %swap3A_735 = tpu.vector_load %arg9[%swap3A_733, %swap3A_734] {strides = array<i32>} : memref<16x768xf32, #tpu.memory_space<vmem>>, vector<1x16xf32>,
        %swap3A_736 = vector.shape_cast %swap3A_735 : vector<1x16xf32> to vector<16xf32>
        %swap3A_737 = vector.shape_cast %add3A_732 : vector<16xf32> to vector<1x16xf32>
        tpu.vector_store %arg9[%swap3A_733, %swap3A_734], %swap3A_737 {strides = array<i32>} : memref<16x768xf32, #tpu.memory_space<vmem>>, vector<1x16xf32>,
        %get3A_738 = arith.index_cast %scan3A_137 : i32 to index
        %get3A_739 = arith.constant 688 : index
        %get3A_740 = tpu.vector_load %arg9[%get3A_738, %get3A_739] {strides = array<i32>} : memref<16x768xf32, #tpu.memory_space<vmem>>, vector<1x16xf32>,
        %get3A_741 = vector.shape_cast %get3A_740 : vector<1x16xf32> to vector<16xf32>
        %get3A_742 = arith.index_cast %scan3A_137 : i32 to index
        %get3A_743 = arith.constant 688 : index
        %get3A_744 = tpu.vector_load %arg10[%get3A_742, %get3A_743] {strides = array<i32>} : memref<16x768xf32, #tpu.memory_space<vmem>>, vector<1x16xf32>,
        %get3A_745 = vector.shape_cast %get3A_744 : vector<1x16xf32> to vector<16xf32>
        %add3A_746 = arith.addf %get3A_741, %get3A_745 : vector<16xf32>
        %swap3A_747 = arith.index_cast %scan3A_137 : i32 to index
        %swap3A_748 = arith.constant 688 : index
        %swap3A_749 = tpu.vector_load %arg9[%swap3A_747, %swap3A_748] {strides = array<i32>} : memref<16x768xf32, #tpu.memory_space<vmem>>, vector<1x16xf32>,
        %swap3A_750 = vector.shape_cast %swap3A_749 : vector<1x16xf32> to vector<16xf32>
        %swap3A_751 = vector.shape_cast %add3A_746 : vector<16xf32> to vector<1x16xf32>
        tpu.vector_store %arg9[%swap3A_747, %swap3A_748], %swap3A_751 {strides = array<i32>} : memref<16x768xf32, #tpu.memory_space<vmem>>, vector<1x16xf32>,
        %get3A_752 = arith.index_cast %scan3A_137 : i32 to index
        %get3A_753 = arith.constant 704 : index
        %get3A_754 = tpu.vector_load %arg9[%get3A_752, %get3A_753] {strides = array<i32>} : memref<16x768xf32, #tpu.memory_space<vmem>>, vector<1x16xf32>,
        %get3A_755 = vector.shape_cast %get3A_754 : vector<1x16xf32> to vector<16xf32>
        %get3A_756 = arith.index_cast %scan3A_137 : i32 to index
        %get3A_757 = arith.constant 704 : index
        %get3A_758 = tpu.vector_load %arg10[%get3A_756, %get3A_757] {strides = array<i32>} : memref<16x768xf32, #tpu.memory_space<vmem>>, vector<1x16xf32>,
        %get3A_759 = vector.shape_cast %get3A_758 : vector<1x16xf32> to vector<16xf32>
        %add3A_760 = arith.addf %get3A_755, %get3A_759 : vector<16xf32>
        %swap3A_761 = arith.index_cast %scan3A_137 : i32 to index
        %swap3A_762 = arith.constant 704 : index
        %swap3A_763 = tpu.vector_load %arg9[%swap3A_761, %swap3A_762] {strides = array<i32>} : memref<16x768xf32, #tpu.memory_space<vmem>>, vector<1x16xf32>,
        %swap3A_764 = vector.shape_cast %swap3A_763 : vector<1x16xf32> to vector<16xf32>
        %swap3A_765 = vector.shape_cast %add3A_760 : vector<16xf32> to vector<1x16xf32>
        tpu.vector_store %arg9[%swap3A_761, %swap3A_762], %swap3A_765 {strides = array<i32>} : memref<16x768xf32, #tpu.memory_space<vmem>>, vector<1x16xf32>,
        %get3A_766 = arith.index_cast %scan3A_137 : i32 to index
        %get3A_767 = arith.constant 720 : index
        %get3A_768 = tpu.vector_load %arg9[%get3A_766, %get3A_767] {strides = array<i32>} : memref<16x768xf32, #tpu.memory_space<vmem>>, vector<1x16xf32>,
        %get3A_769 = vector.shape_cast %get3A_768 : vector<1x16xf32> to vector<16xf32>
        %get3A_770 = arith.index_cast %scan3A_137 : i32 to index
        %get3A_771 = arith.constant 720 : index
        %get3A_772 = tpu.vector_load %arg10[%get3A_770, %get3A_771] {strides = array<i32>} : memref<16x768xf32, #tpu.memory_space<vmem>>, vector<1x16xf32>,
        %get3A_773 = vector.shape_cast %get3A_772 : vector<1x16xf32> to vector<16xf32>
        %add3A_774 = arith.addf %get3A_769, %get3A_773 : vector<16xf32>
        %swap3A_775 = arith.index_cast %scan3A_137 : i32 to index
        %swap3A_776 = arith.constant 720 : index
        %swap3A_777 = tpu.vector_load %arg9[%swap3A_775, %swap3A_776] {strides = array<i32>} : memref<16x768xf32, #tpu.memory_space<vmem>>, vector<1x16xf32>,
        %swap3A_778 = vector.shape_cast %swap3A_777 : vector<1x16xf32> to vector<16xf32>
        %swap3A_779 = vector.shape_cast %add3A_774 : vector<16xf32> to vector<1x16xf32>
        tpu.vector_store %arg9[%swap3A_775, %swap3A_776], %swap3A_779 {strides = array<i32>} : memref<16x768xf32, #tpu.memory_space<vmem>>, vector<1x16xf32>,
        %get3A_780 = arith.index_cast %scan3A_137 : i32 to index
        %get3A_781 = arith.constant 736 : index
        %get3A_782 = tpu.vector_load %arg9[%get3A_780, %get3A_781] {strides = array<i32>} : memref<16x768xf32, #tpu.memory_space<vmem>>, vector<1x16xf32>,
        %get3A_783 = vector.shape_cast %get3A_782 : vector<1x16xf32> to vector<16xf32>
        %get3A_784 = arith.index_cast %scan3A_137 : i32 to index
        %get3A_785 = arith.constant 736 : index
        %get3A_786 = tpu.vector_load %arg10[%get3A_784, %get3A_785] {strides = array<i32>} : memref<16x768xf32, #tpu.memory_space<vmem>>, vector<1x16xf32>,
        %get3A_787 = vector.shape_cast %get3A_786 : vector<1x16xf32> to vector<16xf32>
        %add3A_788 = arith.addf %get3A_783, %get3A_787 : vector<16xf32>
        %swap3A_789 = arith.index_cast %scan3A_137 : i32 to index
        %swap3A_790 = arith.constant 736 : index
        %swap3A_791 = tpu.vector_load %arg9[%swap3A_789, %swap3A_790] {strides = array<i32>} : memref<16x768xf32, #tpu.memory_space<vmem>>, vector<1x16xf32>,
        %swap3A_792 = vector.shape_cast %swap3A_791 : vector<1x16xf32> to vector<16xf32>
        %swap3A_793 = vector.shape_cast %add3A_788 : vector<16xf32> to vector<1x16xf32>
        tpu.vector_store %arg9[%swap3A_789, %swap3A_790], %swap3A_793 {strides = array<i32>} : memref<16x768xf32, #tpu.memory_space<vmem>>, vector<1x16xf32>,
        %get3A_794 = arith.index_cast %scan3A_137 : i32 to index
        %get3A_795 = arith.constant 752 : index
        %get3A_796 = tpu.vector_load %arg9[%get3A_794, %get3A_795] {strides = array<i32>} : memref<16x768xf32, #tpu.memory_space<vmem>>, vector<1x16xf32>,
        %get3A_797 = vector.shape_cast %get3A_796 : vector<1x16xf32> to vector<16xf32>
        %get3A_798 = arith.index_cast %scan3A_137 : i32 to index
        %get3A_799 = arith.constant 752 : index
        %get3A_800 = tpu.vector_load %arg10[%get3A_798, %get3A_799] {strides = array<i32>} : memref<16x768xf32, #tpu.memory_space<vmem>>, vector<1x16xf32>,
        %get3A_801 = vector.shape_cast %get3A_800 : vector<1x16xf32> to vector<16xf32>
        %add3A_802 = arith.addf %get3A_797, %get3A_801 : vector<16xf32>
        %swap3A_803 = arith.index_cast %scan3A_137 : i32 to index
        %swap3A_804 = arith.constant 752 : index
        %swap3A_805 = tpu.vector_load %arg9[%swap3A_803, %swap3A_804] {strides = array<i32>} : memref<16x768xf32, #tpu.memory_space<vmem>>, vector<1x16xf32>,
        %swap3A_806 = vector.shape_cast %swap3A_805 : vector<1x16xf32> to vector<16xf32>
        %swap3A_807 = vector.shape_cast %add3A_802 : vector<16xf32> to vector<1x16xf32>
        tpu.vector_store %arg9[%swap3A_803, %swap3A_804], %swap3A_807 {strides = array<i32>} : memref<16x768xf32, #tpu.memory_space<vmem>>, vector<1x16xf32>,
      }
      %scan3A_96 = arith.constant 16 : i32
      %mul3A_97 = arith.constant 16 : i32
      %mul3A_98 = arith.muli %mul3A_64, %mul3A_97 : i32
      %add3A_99 = arith.addi %mul3A_2, %mul3A_98 : i32
      "tpu.region"() ({
        %run_scoped3A = tpu.sem_alloc : memref<!tpu.dma_semaphore, #tpu.memory_space<semaphore_mem>>
        %dma_start3A_137 = arith.constant 0 : i32
        %dma_start3A_138 = tpu.memref_slice %arg6[%add3A_99, %dma_start3A_137] : memref<32768x768xf32, #tpu.memory_space<hbm>> -> memref<16x768xf32, #tpu.memory_space<hbm>>
        %dma_start3A_139 = arith.constant 0 : i32
        %dma_start3A_140 = tpu.memref_slice %arg6[%add3A_99, %dma_start3A_139] : memref<32768x768xf32, #tpu.memory_space<hbm>> -> memref<16x768xf32, #tpu.memory_space<hbm>>
        tpu.enqueue_dma source(%arg9 : memref<16x768xf32, #tpu.memory_space<vmem>>) target(%dma_start3A_140 : memref<16x768xf32, #tpu.memory_space<hbm>>) target_semaphore(%run_scoped3A : memref<!tpu.dma_semaphore, #tpu.memory_space<semaphore_mem>>)
        %dma_wait3A_141 = arith.constant 0 : i32
        %dma_wait3A_142 = tpu.memref_slice %arg6[%add3A_99, %dma_wait3A_141] : memref<32768x768xf32, #tpu.memory_space<hbm>> -> memref<16x768xf32, #tpu.memory_space<hbm>>
        %dma_wait3A_143 = arith.constant 0 : i32
        %dma_wait3A_144 = tpu.memref_slice %arg6[%add3A_99, %dma_wait3A_143] : memref<32768x768xf32, #tpu.memory_space<hbm>> -> memref<16x768xf32, #tpu.memory_space<hbm>>
        tpu.wait_dma2 semaphore(%run_scoped3A : memref<!tpu.dma_semaphore, #tpu.memory_space<semaphore_mem>>) src(%arg9 : memref<16x768xf32, #tpu.memory_space<vmem>>) dst(%dma_wait3A_144 : memref<16x768xf32, #tpu.memory_space<hbm>>)
        tpu.yield
      }) : () -> ()
      %add3A_100 = arith.constant 2 : i32
      %add3A_101 = arith.addi %mul3A_64, %add3A_100 : i32
      %mul3A_102 = arith.constant 16 : i32
      %mul3A_103 = arith.muli %add3A_101, %mul3A_102 : i32
      %dma_start3A_104 = tpu.memref_slice %arg7[%mul3A_103] : memref<1024xi32, #tpu.memory_space<vmem>> -> memref<16xi32, #tpu.memory_space<vmem>>
      %dma_start3A_105 = arith.constant 0 : i32
      %dma_start3A_106 = arith.constant 0 : i32
      %dma_start3A_107 = tpu.memref_slice %arg2[%dma_start3A_105, %dma_start3A_106] : memref<65536x768xf32, #tpu.memory_space<hbm>> -> memref<65536x768xf32, #tpu.memory_space<hbm>>
      tpu.enqueue_indirect_dma source(%dma_start3A_107 : memref<65536x768xf32, #tpu.memory_space<hbm>>) target(%arg9 : memref<16x768xf32, #tpu.memory_space<vmem>>) offsets(%dma_start3A_104 : memref<16xi32, #tpu.memory_space<vmem>>) semaphore(%arg13 : memref<!tpu.dma_semaphore, #tpu.memory_space<semaphore_mem>>)
      %mul3A_108 = arith.constant 16 : i32
      %mul3A_109 = arith.muli %add3A_101, %mul3A_108 : i32
      %dma_start3A_110 = tpu.memref_slice %arg8[%mul3A_109] : memref<1024xi32, #tpu.memory_space<vmem>> -> memref<16xi32, #tpu.memory_space<vmem>>
      %dma_start3A_111 = arith.constant 0 : i32
      %dma_start3A_112 = arith.constant 0 : i32
      %dma_start3A_113 = tpu.memref_slice %arg3[%dma_start3A_111, %dma_start3A_112] : memref<1024x768xf32, #tpu.memory_space<hbm>> -> memref<1024x768xf32, #tpu.memory_space<hbm>>
      tpu.enqueue_indirect_dma source(%dma_start3A_113 : memref<1024x768xf32, #tpu.memory_space<hbm>>) target(%arg10 : memref<16x768xf32, #tpu.memory_space<vmem>>) offsets(%dma_start3A_110 : memref<16xi32, #tpu.memory_space<vmem>>) semaphore(%arg14 : memref<!tpu.dma_semaphore, #tpu.memory_space<semaphore_mem>>)
      %add3A_114 = arith.constant 1 : i32
      %add3A_115 = arith.addi %mul3A_64, %add3A_114 : i32
      %mul3A_116 = arith.constant 16 : i32
      %mul3A_117 = arith.muli %add3A_115, %mul3A_116 : i32
      %dma_wait3A_118 = tpu.memref_slice %arg7[%mul3A_117] : memref<1024xi32, #tpu.memory_space<vmem>> -> memref<16xi32, #tpu.memory_space<vmem>>
      %dma_wait3A_119 = arith.constant 0 : i32
      %dma_wait3A_120 = arith.constant 0 : i32
      %dma_wait3A_121 = tpu.memref_slice %arg2[%dma_wait3A_119, %dma_wait3A_120] : memref<65536x768xf32, #tpu.memory_space<hbm>> -> memref<65536x768xf32, #tpu.memory_space<hbm>>
      tpu.wait_indirect_dma semaphore(%arg15 : memref<!tpu.dma_semaphore, #tpu.memory_space<semaphore_mem>>) src(%dma_wait3A_121 : memref<65536x768xf32, #tpu.memory_space<hbm>>) dst(%arg11 : memref<16x768xf32, #tpu.memory_space<vmem>>)
      %mul3A_122 = arith.constant 16 : i32
      %mul3A_123 = arith.muli %add3A_115, %mul3A_122 : i32
      %dma_wait3A_124 = tpu.memref_slice %arg8[%mul3A_123] : memref<1024xi32, #tpu.memory_space<vmem>> -> memref<16xi32, #tpu.memory_space<vmem>>
      %dma_wait3A_125 = arith.constant 0 : i32
      %dma_wait3A_126 = arith.constant 0 : i32
      %dma_wait3A_127 = tpu.memref_slice %arg3[%dma_wait3A_125, %dma_wait3A_126] : memref<1024x768xf32, #tpu.memory_space<hbm>> -> memref<1024x768xf32, #tpu.memory_space<hbm>>
      tpu.wait_indirect_dma semaphore(%arg16 : memref<!tpu.dma_semaphore, #tpu.memory_space<semaphore_mem>>) src(%dma_wait3A_127 : memref<1024x768xf32, #tpu.memory_space<hbm>>) dst(%arg12 : memref<16x768xf32, #tpu.memory_space<vmem>>)
      %scan3A_128 = arith.constant 0 : i32
      %scan3A_129 = arith.constant 0 : i32
      %scan3A_130 = arith.constant 16 : i32
      %scan3A_131 = arith.addi %scan3A_129, %scan3A_130 : i32
      %scan3A_132 = arith.constant 1 : i32
      scf.for %scan3A_137 = %scan3A_129 to %scan3A_131 step %scan3A_132  : i32 {
        %get3A = arith.index_cast %scan3A_137 : i32 to index
        %get3A_138 = arith.constant 0 : index
        %get3A_139 = tpu.vector_load %arg11[%get3A, %get3A_138] {strides = array<i32>} : memref<16x768xf32, #tpu.memory_space<vmem>>, vector<1x16xf32>,
        %get3A_140 = vector.shape_cast %get3A_139 : vector<1x16xf32> to vector<16xf32>
        %get3A_141 = arith.index_cast %scan3A_137 : i32 to index
        %get3A_142 = arith.constant 0 : index
        %get3A_143 = tpu.vector_load %arg12[%get3A_141, %get3A_142] {strides = array<i32>} : memref<16x768xf32, #tpu.memory_space<vmem>>, vector<1x16xf32>,
        %get3A_144 = vector.shape_cast %get3A_143 : vector<1x16xf32> to vector<16xf32>
        %add3A_145 = arith.addf %get3A_140, %get3A_144 : vector<16xf32>
        %swap3A = arith.index_cast %scan3A_137 : i32 to index
        %swap3A_146 = arith.constant 0 : index
        %swap3A_147 = tpu.vector_load %arg11[%swap3A, %swap3A_146] {strides = array<i32>} : memref<16x768xf32, #tpu.memory_space<vmem>>, vector<1x16xf32>,
        %swap3A_148 = vector.shape_cast %swap3A_147 : vector<1x16xf32> to vector<16xf32>
        %swap3A_149 = vector.shape_cast %add3A_145 : vector<16xf32> to vector<1x16xf32>
        tpu.vector_store %arg11[%swap3A, %swap3A_146], %swap3A_149 {strides = array<i32>} : memref<16x768xf32, #tpu.memory_space<vmem>>, vector<1x16xf32>,
        %get3A_150 = arith.index_cast %scan3A_137 : i32 to index
        %get3A_151 = arith.constant 16 : index
        %get3A_152 = tpu.vector_load %arg11[%get3A_150, %get3A_151] {strides = array<i32>} : memref<16x768xf32, #tpu.memory_space<vmem>>, vector<1x16xf32>,
        %get3A_153 = vector.shape_cast %get3A_152 : vector<1x16xf32> to vector<16xf32>
        %get3A_154 = arith.index_cast %scan3A_137 : i32 to index
        %get3A_155 = arith.constant 16 : index
        %get3A_156 = tpu.vector_load %arg12[%get3A_154, %get3A_155] {strides = array<i32>} : memref<16x768xf32, #tpu.memory_space<vmem>>, vector<1x16xf32>,
        %get3A_157 = vector.shape_cast %get3A_156 : vector<1x16xf32> to vector<16xf32>
        %add3A_158 = arith.addf %get3A_153, %get3A_157 : vector<16xf32>
        %swap3A_159 = arith.index_cast %scan3A_137 : i32 to index
        %swap3A_160 = arith.constant 16 : index
        %swap3A_161 = tpu.vector_load %arg11[%swap3A_159, %swap3A_160] {strides = array<i32>} : memref<16x768xf32, #tpu.memory_space<vmem>>, vector<1x16xf32>,
        %swap3A_162 = vector.shape_cast %swap3A_161 : vector<1x16xf32> to vector<16xf32>
        %swap3A_163 = vector.shape_cast %add3A_158 : vector<16xf32> to vector<1x16xf32>
        tpu.vector_store %arg11[%swap3A_159, %swap3A_160], %swap3A_163 {strides = array<i32>} : memref<16x768xf32, #tpu.memory_space<vmem>>, vector<1x16xf32>,
        %get3A_164 = arith.index_cast %scan3A_137 : i32 to index
        %get3A_165 = arith.constant 32 : index
        %get3A_166 = tpu.vector_load %arg11[%get3A_164, %get3A_165] {strides = array<i32>} : memref<16x768xf32, #tpu.memory_space<vmem>>, vector<1x16xf32>,
        %get3A_167 = vector.shape_cast %get3A_166 : vector<1x16xf32> to vector<16xf32>
        %get3A_168 = arith.index_cast %scan3A_137 : i32 to index
        %get3A_169 = arith.constant 32 : index
        %get3A_170 = tpu.vector_load %arg12[%get3A_168, %get3A_169] {strides = array<i32>} : memref<16x768xf32, #tpu.memory_space<vmem>>, vector<1x16xf32>,
        %get3A_171 = vector.shape_cast %get3A_170 : vector<1x16xf32> to vector<16xf32>
        %add3A_172 = arith.addf %get3A_167, %get3A_171 : vector<16xf32>
        %swap3A_173 = arith.index_cast %scan3A_137 : i32 to index
        %swap3A_174 = arith.constant 32 : index
        %swap3A_175 = tpu.vector_load %arg11[%swap3A_173, %swap3A_174] {strides = array<i32>} : memref<16x768xf32, #tpu.memory_space<vmem>>, vector<1x16xf32>,
        %swap3A_176 = vector.shape_cast %swap3A_175 : vector<1x16xf32> to vector<16xf32>
        %swap3A_177 = vector.shape_cast %add3A_172 : vector<16xf32> to vector<1x16xf32>
        tpu.vector_store %arg11[%swap3A_173, %swap3A_174], %swap3A_177 {strides = array<i32>} : memref<16x768xf32, #tpu.memory_space<vmem>>, vector<1x16xf32>,
        %get3A_178 = arith.index_cast %scan3A_137 : i32 to index
        %get3A_179 = arith.constant 48 : index
        %get3A_180 = tpu.vector_load %arg11[%get3A_178, %get3A_179] {strides = array<i32>} : memref<16x768xf32, #tpu.memory_space<vmem>>, vector<1x16xf32>,
        %get3A_181 = vector.shape_cast %get3A_180 : vector<1x16xf32> to vector<16xf32>
        %get3A_182 = arith.index_cast %scan3A_137 : i32 to index
        %get3A_183 = arith.constant 48 : index
        %get3A_184 = tpu.vector_load %arg12[%get3A_182, %get3A_183] {strides = array<i32>} : memref<16x768xf32, #tpu.memory_space<vmem>>, vector<1x16xf32>,
        %get3A_185 = vector.shape_cast %get3A_184 : vector<1x16xf32> to vector<16xf32>
        %add3A_186 = arith.addf %get3A_181, %get3A_185 : vector<16xf32>
        %swap3A_187 = arith.index_cast %scan3A_137 : i32 to index
        %swap3A_188 = arith.constant 48 : index
        %swap3A_189 = tpu.vector_load %arg11[%swap3A_187, %swap3A_188] {strides = array<i32>} : memref<16x768xf32, #tpu.memory_space<vmem>>, vector<1x16xf32>,
        %swap3A_190 = vector.shape_cast %swap3A_189 : vector<1x16xf32> to vector<16xf32>
        %swap3A_191 = vector.shape_cast %add3A_186 : vector<16xf32> to vector<1x16xf32>
        tpu.vector_store %arg11[%swap3A_187, %swap3A_188], %swap3A_191 {strides = array<i32>} : memref<16x768xf32, #tpu.memory_space<vmem>>, vector<1x16xf32>,
        %get3A_192 = arith.index_cast %scan3A_137 : i32 to index
        %get3A_193 = arith.constant 64 : index
        %get3A_194 = tpu.vector_load %arg11[%get3A_192, %get3A_193] {strides = array<i32>} : memref<16x768xf32, #tpu.memory_space<vmem>>, vector<1x16xf32>,
        %get3A_195 = vector.shape_cast %get3A_194 : vector<1x16xf32> to vector<16xf32>
        %get3A_196 = arith.index_cast %scan3A_137 : i32 to index
        %get3A_197 = arith.constant 64 : index
        %get3A_198 = tpu.vector_load %arg12[%get3A_196, %get3A_197] {strides = array<i32>} : memref<16x768xf32, #tpu.memory_space<vmem>>, vector<1x16xf32>,
        %get3A_199 = vector.shape_cast %get3A_198 : vector<1x16xf32> to vector<16xf32>
        %add3A_200 = arith.addf %get3A_195, %get3A_199 : vector<16xf32>
        %swap3A_201 = arith.index_cast %scan3A_137 : i32 to index
        %swap3A_202 = arith.constant 64 : index
        %swap3A_203 = tpu.vector_load %arg11[%swap3A_201, %swap3A_202] {strides = array<i32>} : memref<16x768xf32, #tpu.memory_space<vmem>>, vector<1x16xf32>,
        %swap3A_204 = vector.shape_cast %swap3A_203 : vector<1x16xf32> to vector<16xf32>
        %swap3A_205 = vector.shape_cast %add3A_200 : vector<16xf32> to vector<1x16xf32>
        tpu.vector_store %arg11[%swap3A_201, %swap3A_202], %swap3A_205 {strides = array<i32>} : memref<16x768xf32, #tpu.memory_space<vmem>>, vector<1x16xf32>,
        %get3A_206 = arith.index_cast %scan3A_137 : i32 to index
        %get3A_207 = arith.constant 80 : index
        %get3A_208 = tpu.vector_load %arg11[%get3A_206, %get3A_207] {strides = array<i32>} : memref<16x768xf32, #tpu.memory_space<vmem>>, vector<1x16xf32>,
        %get3A_209 = vector.shape_cast %get3A_208 : vector<1x16xf32> to vector<16xf32>
        %get3A_210 = arith.index_cast %scan3A_137 : i32 to index
        %get3A_211 = arith.constant 80 : index
        %get3A_212 = tpu.vector_load %arg12[%get3A_210, %get3A_211] {strides = array<i32>} : memref<16x768xf32, #tpu.memory_space<vmem>>, vector<1x16xf32>,
        %get3A_213 = vector.shape_cast %get3A_212 : vector<1x16xf32> to vector<16xf32>
        %add3A_214 = arith.addf %get3A_209, %get3A_213 : vector<16xf32>
        %swap3A_215 = arith.index_cast %scan3A_137 : i32 to index
        %swap3A_216 = arith.constant 80 : index
        %swap3A_217 = tpu.vector_load %arg11[%swap3A_215, %swap3A_216] {strides = array<i32>} : memref<16x768xf32, #tpu.memory_space<vmem>>, vector<1x16xf32>,
        %swap3A_218 = vector.shape_cast %swap3A_217 : vector<1x16xf32> to vector<16xf32>
        %swap3A_219 = vector.shape_cast %add3A_214 : vector<16xf32> to vector<1x16xf32>
        tpu.vector_store %arg11[%swap3A_215, %swap3A_216], %swap3A_219 {strides = array<i32>} : memref<16x768xf32, #tpu.memory_space<vmem>>, vector<1x16xf32>,
        %get3A_220 = arith.index_cast %scan3A_137 : i32 to index
        %get3A_221 = arith.constant 96 : index
        %get3A_222 = tpu.vector_load %arg11[%get3A_220, %get3A_221] {strides = array<i32>} : memref<16x768xf32, #tpu.memory_space<vmem>>, vector<1x16xf32>,
        %get3A_223 = vector.shape_cast %get3A_222 : vector<1x16xf32> to vector<16xf32>
        %get3A_224 = arith.index_cast %scan3A_137 : i32 to index
        %get3A_225 = arith.constant 96 : index
        %get3A_226 = tpu.vector_load %arg12[%get3A_224, %get3A_225] {strides = array<i32>} : memref<16x768xf32, #tpu.memory_space<vmem>>, vector<1x16xf32>,
        %get3A_227 = vector.shape_cast %get3A_226 : vector<1x16xf32> to vector<16xf32>
        %add3A_228 = arith.addf %get3A_223, %get3A_227 : vector<16xf32>
        %swap3A_229 = arith.index_cast %scan3A_137 : i32 to index
        %swap3A_230 = arith.constant 96 : index
        %swap3A_231 = tpu.vector_load %arg11[%swap3A_229, %swap3A_230] {strides = array<i32>} : memref<16x768xf32, #tpu.memory_space<vmem>>, vector<1x16xf32>,
        %swap3A_232 = vector.shape_cast %swap3A_231 : vector<1x16xf32> to vector<16xf32>
        %swap3A_233 = vector.shape_cast %add3A_228 : vector<16xf32> to vector<1x16xf32>
        tpu.vector_store %arg11[%swap3A_229, %swap3A_230], %swap3A_233 {strides = array<i32>} : memref<16x768xf32, #tpu.memory_space<vmem>>, vector<1x16xf32>,
        %get3A_234 = arith.index_cast %scan3A_137 : i32 to index
        %get3A_235 = arith.constant 112 : index
        %get3A_236 = tpu.vector_load %arg11[%get3A_234, %get3A_235] {strides = array<i32>} : memref<16x768xf32, #tpu.memory_space<vmem>>, vector<1x16xf32>,
        %get3A_237 = vector.shape_cast %get3A_236 : vector<1x16xf32> to vector<16xf32>
        %get3A_238 = arith.index_cast %scan3A_137 : i32 to index
        %get3A_239 = arith.constant 112 : index
        %get3A_240 = tpu.vector_load %arg12[%get3A_238, %get3A_239] {strides = array<i32>} : memref<16x768xf32, #tpu.memory_space<vmem>>, vector<1x16xf32>,
        %get3A_241 = vector.shape_cast %get3A_240 : vector<1x16xf32> to vector<16xf32>
        %add3A_242 = arith.addf %get3A_237, %get3A_241 : vector<16xf32>
        %swap3A_243 = arith.index_cast %scan3A_137 : i32 to index
        %swap3A_244 = arith.constant 112 : index
        %swap3A_245 = tpu.vector_load %arg11[%swap3A_243, %swap3A_244] {strides = array<i32>} : memref<16x768xf32, #tpu.memory_space<vmem>>, vector<1x16xf32>,
        %swap3A_246 = vector.shape_cast %swap3A_245 : vector<1x16xf32> to vector<16xf32>
        %swap3A_247 = vector.shape_cast %add3A_242 : vector<16xf32> to vector<1x16xf32>
        tpu.vector_store %arg11[%swap3A_243, %swap3A_244], %swap3A_247 {strides = array<i32>} : memref<16x768xf32, #tpu.memory_space<vmem>>, vector<1x16xf32>,
        %get3A_248 = arith.index_cast %scan3A_137 : i32 to index
        %get3A_249 = arith.constant 128 : index
        %get3A_250 = tpu.vector_load %arg11[%get3A_248, %get3A_249] {strides = array<i32>} : memref<16x768xf32, #tpu.memory_space<vmem>>, vector<1x16xf32>,
        %get3A_251 = vector.shape_cast %get3A_250 : vector<1x16xf32> to vector<16xf32>
        %get3A_252 = arith.index_cast %scan3A_137 : i32 to index
        %get3A_253 = arith.constant 128 : index
        %get3A_254 = tpu.vector_load %arg12[%get3A_252, %get3A_253] {strides = array<i32>} : memref<16x768xf32, #tpu.memory_space<vmem>>, vector<1x16xf32>,
        %get3A_255 = vector.shape_cast %get3A_254 : vector<1x16xf32> to vector<16xf32>
        %add3A_256 = arith.addf %get3A_251, %get3A_255 : vector<16xf32>
        %swap3A_257 = arith.index_cast %scan3A_137 : i32 to index
        %swap3A_258 = arith.constant 128 : index
        %swap3A_259 = tpu.vector_load %arg11[%swap3A_257, %swap3A_258] {strides = array<i32>} : memref<16x768xf32, #tpu.memory_space<vmem>>, vector<1x16xf32>,
        %swap3A_260 = vector.shape_cast %swap3A_259 : vector<1x16xf32> to vector<16xf32>
        %swap3A_261 = vector.shape_cast %add3A_256 : vector<16xf32> to vector<1x16xf32>
        tpu.vector_store %arg11[%swap3A_257, %swap3A_258], %swap3A_261 {strides = array<i32>} : memref<16x768xf32, #tpu.memory_space<vmem>>, vector<1x16xf32>,
        %get3A_262 = arith.index_cast %scan3A_137 : i32 to index
        %get3A_263 = arith.constant 144 : index
        %get3A_264 = tpu.vector_load %arg11[%get3A_262, %get3A_263] {strides = array<i32>} : memref<16x768xf32, #tpu.memory_space<vmem>>, vector<1x16xf32>,
        %get3A_265 = vector.shape_cast %get3A_264 : vector<1x16xf32> to vector<16xf32>
        %get3A_266 = arith.index_cast %scan3A_137 : i32 to index
        %get3A_267 = arith.constant 144 : index
        %get3A_268 = tpu.vector_load %arg12[%get3A_266, %get3A_267] {strides = array<i32>} : memref<16x768xf32, #tpu.memory_space<vmem>>, vector<1x16xf32>,
        %get3A_269 = vector.shape_cast %get3A_268 : vector<1x16xf32> to vector<16xf32>
        %add3A_270 = arith.addf %get3A_265, %get3A_269 : vector<16xf32>
        %swap3A_271 = arith.index_cast %scan3A_137 : i32 to index
        %swap3A_272 = arith.constant 144 : index
        %swap3A_273 = tpu.vector_load %arg11[%swap3A_271, %swap3A_272] {strides = array<i32>} : memref<16x768xf32, #tpu.memory_space<vmem>>, vector<1x16xf32>,
        %swap3A_274 = vector.shape_cast %swap3A_273 : vector<1x16xf32> to vector<16xf32>
        %swap3A_275 = vector.shape_cast %add3A_270 : vector<16xf32> to vector<1x16xf32>
        tpu.vector_store %arg11[%swap3A_271, %swap3A_272], %swap3A_275 {strides = array<i32>} : memref<16x768xf32, #tpu.memory_space<vmem>>, vector<1x16xf32>,
        %get3A_276 = arith.index_cast %scan3A_137 : i32 to index
        %get3A_277 = arith.constant 160 : index
        %get3A_278 = tpu.vector_load %arg11[%get3A_276, %get3A_277] {strides = array<i32>} : memref<16x768xf32, #tpu.memory_space<vmem>>, vector<1x16xf32>,
        %get3A_279 = vector.shape_cast %get3A_278 : vector<1x16xf32> to vector<16xf32>
        %get3A_280 = arith.index_cast %scan3A_137 : i32 to index
        %get3A_281 = arith.constant 160 : index
        %get3A_282 = tpu.vector_load %arg12[%get3A_280, %get3A_281] {strides = array<i32>} : memref<16x768xf32, #tpu.memory_space<vmem>>, vector<1x16xf32>,
        %get3A_283 = vector.shape_cast %get3A_282 : vector<1x16xf32> to vector<16xf32>
        %add3A_284 = arith.addf %get3A_279, %get3A_283 : vector<16xf32>
        %swap3A_285 = arith.index_cast %scan3A_137 : i32 to index
        %swap3A_286 = arith.constant 160 : index
        %swap3A_287 = tpu.vector_load %arg11[%swap3A_285, %swap3A_286] {strides = array<i32>} : memref<16x768xf32, #tpu.memory_space<vmem>>, vector<1x16xf32>,
        %swap3A_288 = vector.shape_cast %swap3A_287 : vector<1x16xf32> to vector<16xf32>
        %swap3A_289 = vector.shape_cast %add3A_284 : vector<16xf32> to vector<1x16xf32>
        tpu.vector_store %arg11[%swap3A_285, %swap3A_286], %swap3A_289 {strides = array<i32>} : memref<16x768xf32, #tpu.memory_space<vmem>>, vector<1x16xf32>,
        %get3A_290 = arith.index_cast %scan3A_137 : i32 to index
        %get3A_291 = arith.constant 176 : index
        %get3A_292 = tpu.vector_load %arg11[%get3A_290, %get3A_291] {strides = array<i32>} : memref<16x768xf32, #tpu.memory_space<vmem>>, vector<1x16xf32>,
        %get3A_293 = vector.shape_cast %get3A_292 : vector<1x16xf32> to vector<16xf32>
        %get3A_294 = arith.index_cast %scan3A_137 : i32 to index
        %get3A_295 = arith.constant 176 : index
        %get3A_296 = tpu.vector_load %arg12[%get3A_294, %get3A_295] {strides = array<i32>} : memref<16x768xf32, #tpu.memory_space<vmem>>, vector<1x16xf32>,
        %get3A_297 = vector.shape_cast %get3A_296 : vector<1x16xf32> to vector<16xf32>
        %add3A_298 = arith.addf %get3A_293, %get3A_297 : vector<16xf32>
        %swap3A_299 = arith.index_cast %scan3A_137 : i32 to index
        %swap3A_300 = arith.constant 176 : index
        %swap3A_301 = tpu.vector_load %arg11[%swap3A_299, %swap3A_300] {strides = array<i32>} : memref<16x768xf32, #tpu.memory_space<vmem>>, vector<1x16xf32>,
        %swap3A_302 = vector.shape_cast %swap3A_301 : vector<1x16xf32> to vector<16xf32>
        %swap3A_303 = vector.shape_cast %add3A_298 : vector<16xf32> to vector<1x16xf32>
        tpu.vector_store %arg11[%swap3A_299, %swap3A_300], %swap3A_303 {strides = array<i32>} : memref<16x768xf32, #tpu.memory_space<vmem>>, vector<1x16xf32>,
        %get3A_304 = arith.index_cast %scan3A_137 : i32 to index
        %get3A_305 = arith.constant 192 : index
        %get3A_306 = tpu.vector_load %arg11[%get3A_304, %get3A_305] {strides = array<i32>} : memref<16x768xf32, #tpu.memory_space<vmem>>, vector<1x16xf32>,
        %get3A_307 = vector.shape_cast %get3A_306 : vector<1x16xf32> to vector<16xf32>
        %get3A_308 = arith.index_cast %scan3A_137 : i32 to index
        %get3A_309 = arith.constant 192 : index
        %get3A_310 = tpu.vector_load %arg12[%get3A_308, %get3A_309] {strides = array<i32>} : memref<16x768xf32, #tpu.memory_space<vmem>>, vector<1x16xf32>,
        %get3A_311 = vector.shape_cast %get3A_310 : vector<1x16xf32> to vector<16xf32>
        %add3A_312 = arith.addf %get3A_307, %get3A_311 : vector<16xf32>
        %swap3A_313 = arith.index_cast %scan3A_137 : i32 to index
        %swap3A_314 = arith.constant 192 : index
        %swap3A_315 = tpu.vector_load %arg11[%swap3A_313, %swap3A_314] {strides = array<i32>} : memref<16x768xf32, #tpu.memory_space<vmem>>, vector<1x16xf32>,
        %swap3A_316 = vector.shape_cast %swap3A_315 : vector<1x16xf32> to vector<16xf32>
        %swap3A_317 = vector.shape_cast %add3A_312 : vector<16xf32> to vector<1x16xf32>
        tpu.vector_store %arg11[%swap3A_313, %swap3A_314], %swap3A_317 {strides = array<i32>} : memref<16x768xf32, #tpu.memory_space<vmem>>, vector<1x16xf32>,
        %get3A_318 = arith.index_cast %scan3A_137 : i32 to index
        %get3A_319 = arith.constant 208 : index
        %get3A_320 = tpu.vector_load %arg11[%get3A_318, %get3A_319] {strides = array<i32>} : memref<16x768xf32, #tpu.memory_space<vmem>>, vector<1x16xf32>,
        %get3A_321 = vector.shape_cast %get3A_320 : vector<1x16xf32> to vector<16xf32>
        %get3A_322 = arith.index_cast %scan3A_137 : i32 to index
        %get3A_323 = arith.constant 208 : index
        %get3A_324 = tpu.vector_load %arg12[%get3A_322, %get3A_323] {strides = array<i32>} : memref<16x768xf32, #tpu.memory_space<vmem>>, vector<1x16xf32>,
        %get3A_325 = vector.shape_cast %get3A_324 : vector<1x16xf32> to vector<16xf32>
        %add3A_326 = arith.addf %get3A_321, %get3A_325 : vector<16xf32>
        %swap3A_327 = arith.index_cast %scan3A_137 : i32 to index
        %swap3A_328 = arith.constant 208 : index
        %swap3A_329 = tpu.vector_load %arg11[%swap3A_327, %swap3A_328] {strides = array<i32>} : memref<16x768xf32, #tpu.memory_space<vmem>>, vector<1x16xf32>,
        %swap3A_330 = vector.shape_cast %swap3A_329 : vector<1x16xf32> to vector<16xf32>
        %swap3A_331 = vector.shape_cast %add3A_326 : vector<16xf32> to vector<1x16xf32>
        tpu.vector_store %arg11[%swap3A_327, %swap3A_328], %swap3A_331 {strides = array<i32>} : memref<16x768xf32, #tpu.memory_space<vmem>>, vector<1x16xf32>,
        %get3A_332 = arith.index_cast %scan3A_137 : i32 to index
        %get3A_333 = arith.constant 224 : index
        %get3A_334 = tpu.vector_load %arg11[%get3A_332, %get3A_333] {strides = array<i32>} : memref<16x768xf32, #tpu.memory_space<vmem>>, vector<1x16xf32>,
        %get3A_335 = vector.shape_cast %get3A_334 : vector<1x16xf32> to vector<16xf32>
        %get3A_336 = arith.index_cast %scan3A_137 : i32 to index
        %get3A_337 = arith.constant 224 : index
        %get3A_338 = tpu.vector_load %arg12[%get3A_336, %get3A_337] {strides = array<i32>} : memref<16x768xf32, #tpu.memory_space<vmem>>, vector<1x16xf32>,
        %get3A_339 = vector.shape_cast %get3A_338 : vector<1x16xf32> to vector<16xf32>
        %add3A_340 = arith.addf %get3A_335, %get3A_339 : vector<16xf32>
        %swap3A_341 = arith.index_cast %scan3A_137 : i32 to index
        %swap3A_342 = arith.constant 224 : index
        %swap3A_343 = tpu.vector_load %arg11[%swap3A_341, %swap3A_342] {strides = array<i32>} : memref<16x768xf32, #tpu.memory_space<vmem>>, vector<1x16xf32>,
        %swap3A_344 = vector.shape_cast %swap3A_343 : vector<1x16xf32> to vector<16xf32>
        %swap3A_345 = vector.shape_cast %add3A_340 : vector<16xf32> to vector<1x16xf32>
        tpu.vector_store %arg11[%swap3A_341, %swap3A_342], %swap3A_345 {strides = array<i32>} : memref<16x768xf32, #tpu.memory_space<vmem>>, vector<1x16xf32>,
        %get3A_346 = arith.index_cast %scan3A_137 : i32 to index
        %get3A_347 = arith.constant 240 : index
        %get3A_348 = tpu.vector_load %arg11[%get3A_346, %get3A_347] {strides = array<i32>} : memref<16x768xf32, #tpu.memory_space<vmem>>, vector<1x16xf32>,
        %get3A_349 = vector.shape_cast %get3A_348 : vector<1x16xf32> to vector<16xf32>
        %get3A_350 = arith.index_cast %scan3A_137 : i32 to index
        %get3A_351 = arith.constant 240 : index
        %get3A_352 = tpu.vector_load %arg12[%get3A_350, %get3A_351] {strides = array<i32>} : memref<16x768xf32, #tpu.memory_space<vmem>>, vector<1x16xf32>,
        %get3A_353 = vector.shape_cast %get3A_352 : vector<1x16xf32> to vector<16xf32>
        %add3A_354 = arith.addf %get3A_349, %get3A_353 : vector<16xf32>
        %swap3A_355 = arith.index_cast %scan3A_137 : i32 to index
        %swap3A_356 = arith.constant 240 : index
        %swap3A_357 = tpu.vector_load %arg11[%swap3A_355, %swap3A_356] {strides = array<i32>} : memref<16x768xf32, #tpu.memory_space<vmem>>, vector<1x16xf32>,
        %swap3A_358 = vector.shape_cast %swap3A_357 : vector<1x16xf32> to vector<16xf32>
        %swap3A_359 = vector.shape_cast %add3A_354 : vector<16xf32> to vector<1x16xf32>
        tpu.vector_store %arg11[%swap3A_355, %swap3A_356], %swap3A_359 {strides = array<i32>} : memref<16x768xf32, #tpu.memory_space<vmem>>, vector<1x16xf32>,
        %get3A_360 = arith.index_cast %scan3A_137 : i32 to index
        %get3A_361 = arith.constant 256 : index
        %get3A_362 = tpu.vector_load %arg11[%get3A_360, %get3A_361] {strides = array<i32>} : memref<16x768xf32, #tpu.memory_space<vmem>>, vector<1x16xf32>,
        %get3A_363 = vector.shape_cast %get3A_362 : vector<1x16xf32> to vector<16xf32>
        %get3A_364 = arith.index_cast %scan3A_137 : i32 to index
        %get3A_365 = arith.constant 256 : index
        %get3A_366 = tpu.vector_load %arg12[%get3A_364, %get3A_365] {strides = array<i32>} : memref<16x768xf32, #tpu.memory_space<vmem>>, vector<1x16xf32>,
        %get3A_367 = vector.shape_cast %get3A_366 : vector<1x16xf32> to vector<16xf32>
        %add3A_368 = arith.addf %get3A_363, %get3A_367 : vector<16xf32>
        %swap3A_369 = arith.index_cast %scan3A_137 : i32 to index
        %swap3A_370 = arith.constant 256 : index
        %swap3A_371 = tpu.vector_load %arg11[%swap3A_369, %swap3A_370] {strides = array<i32>} : memref<16x768xf32, #tpu.memory_space<vmem>>, vector<1x16xf32>,
        %swap3A_372 = vector.shape_cast %swap3A_371 : vector<1x16xf32> to vector<16xf32>
        %swap3A_373 = vector.shape_cast %add3A_368 : vector<16xf32> to vector<1x16xf32>
        tpu.vector_store %arg11[%swap3A_369, %swap3A_370], %swap3A_373 {strides = array<i32>} : memref<16x768xf32, #tpu.memory_space<vmem>>, vector<1x16xf32>,
        %get3A_374 = arith.index_cast %scan3A_137 : i32 to index
        %get3A_375 = arith.constant 272 : index
        %get3A_376 = tpu.vector_load %arg11[%get3A_374, %get3A_375] {strides = array<i32>} : memref<16x768xf32, #tpu.memory_space<vmem>>, vector<1x16xf32>,
        %get3A_377 = vector.shape_cast %get3A_376 : vector<1x16xf32> to vector<16xf32>
        %get3A_378 = arith.index_cast %scan3A_137 : i32 to index
        %get3A_379 = arith.constant 272 : index
        %get3A_380 = tpu.vector_load %arg12[%get3A_378, %get3A_379] {strides = array<i32>} : memref<16x768xf32, #tpu.memory_space<vmem>>, vector<1x16xf32>,
        %get3A_381 = vector.shape_cast %get3A_380 : vector<1x16xf32> to vector<16xf32>
        %add3A_382 = arith.addf %get3A_377, %get3A_381 : vector<16xf32>
        %swap3A_383 = arith.index_cast %scan3A_137 : i32 to index
        %swap3A_384 = arith.constant 272 : index
        %swap3A_385 = tpu.vector_load %arg11[%swap3A_383, %swap3A_384] {strides = array<i32>} : memref<16x768xf32, #tpu.memory_space<vmem>>, vector<1x16xf32>,
        %swap3A_386 = vector.shape_cast %swap3A_385 : vector<1x16xf32> to vector<16xf32>
        %swap3A_387 = vector.shape_cast %add3A_382 : vector<16xf32> to vector<1x16xf32>
        tpu.vector_store %arg11[%swap3A_383, %swap3A_384], %swap3A_387 {strides = array<i32>} : memref<16x768xf32, #tpu.memory_space<vmem>>, vector<1x16xf32>,
        %get3A_388 = arith.index_cast %scan3A_137 : i32 to index
        %get3A_389 = arith.constant 288 : index
        %get3A_390 = tpu.vector_load %arg11[%get3A_388, %get3A_389] {strides = array<i32>} : memref<16x768xf32, #tpu.memory_space<vmem>>, vector<1x16xf32>,
        %get3A_391 = vector.shape_cast %get3A_390 : vector<1x16xf32> to vector<16xf32>
        %get3A_392 = arith.index_cast %scan3A_137 : i32 to index
        %get3A_393 = arith.constant 288 : index
        %get3A_394 = tpu.vector_load %arg12[%get3A_392, %get3A_393] {strides = array<i32>} : memref<16x768xf32, #tpu.memory_space<vmem>>, vector<1x16xf32>,
        %get3A_395 = vector.shape_cast %get3A_394 : vector<1x16xf32> to vector<16xf32>
        %add3A_396 = arith.addf %get3A_391, %get3A_395 : vector<16xf32>
        %swap3A_397 = arith.index_cast %scan3A_137 : i32 to index
        %swap3A_398 = arith.constant 288 : index
        %swap3A_399 = tpu.vector_load %arg11[%swap3A_397, %swap3A_398] {strides = array<i32>} : memref<16x768xf32, #tpu.memory_space<vmem>>, vector<1x16xf32>,
        %swap3A_400 = vector.shape_cast %swap3A_399 : vector<1x16xf32> to vector<16xf32>
        %swap3A_401 = vector.shape_cast %add3A_396 : vector<16xf32> to vector<1x16xf32>
        tpu.vector_store %arg11[%swap3A_397, %swap3A_398], %swap3A_401 {strides = array<i32>} : memref<16x768xf32, #tpu.memory_space<vmem>>, vector<1x16xf32>,
        %get3A_402 = arith.index_cast %scan3A_137 : i32 to index
        %get3A_403 = arith.constant 304 : index
        %get3A_404 = tpu.vector_load %arg11[%get3A_402, %get3A_403] {strides = array<i32>} : memref<16x768xf32, #tpu.memory_space<vmem>>, vector<1x16xf32>,
        %get3A_405 = vector.shape_cast %get3A_404 : vector<1x16xf32> to vector<16xf32>
        %get3A_406 = arith.index_cast %scan3A_137 : i32 to index
        %get3A_407 = arith.constant 304 : index
        %get3A_408 = tpu.vector_load %arg12[%get3A_406, %get3A_407] {strides = array<i32>} : memref<16x768xf32, #tpu.memory_space<vmem>>, vector<1x16xf32>,
        %get3A_409 = vector.shape_cast %get3A_408 : vector<1x16xf32> to vector<16xf32>
        %add3A_410 = arith.addf %get3A_405, %get3A_409 : vector<16xf32>
        %swap3A_411 = arith.index_cast %scan3A_137 : i32 to index
        %swap3A_412 = arith.constant 304 : index
        %swap3A_413 = tpu.vector_load %arg11[%swap3A_411, %swap3A_412] {strides = array<i32>} : memref<16x768xf32, #tpu.memory_space<vmem>>, vector<1x16xf32>,
        %swap3A_414 = vector.shape_cast %swap3A_413 : vector<1x16xf32> to vector<16xf32>
        %swap3A_415 = vector.shape_cast %add3A_410 : vector<16xf32> to vector<1x16xf32>
        tpu.vector_store %arg11[%swap3A_411, %swap3A_412], %swap3A_415 {strides = array<i32>} : memref<16x768xf32, #tpu.memory_space<vmem>>, vector<1x16xf32>,
        %get3A_416 = arith.index_cast %scan3A_137 : i32 to index
        %get3A_417 = arith.constant 320 : index
        %get3A_418 = tpu.vector_load %arg11[%get3A_416, %get3A_417] {strides = array<i32>} : memref<16x768xf32, #tpu.memory_space<vmem>>, vector<1x16xf32>,
        %get3A_419 = vector.shape_cast %get3A_418 : vector<1x16xf32> to vector<16xf32>
        %get3A_420 = arith.index_cast %scan3A_137 : i32 to index
        %get3A_421 = arith.constant 320 : index
        %get3A_422 = tpu.vector_load %arg12[%get3A_420, %get3A_421] {strides = array<i32>} : memref<16x768xf32, #tpu.memory_space<vmem>>, vector<1x16xf32>,
        %get3A_423 = vector.shape_cast %get3A_422 : vector<1x16xf32> to vector<16xf32>
        %add3A_424 = arith.addf %get3A_419, %get3A_423 : vector<16xf32>
        %swap3A_425 = arith.index_cast %scan3A_137 : i32 to index
        %swap3A_426 = arith.constant 320 : index
        %swap3A_427 = tpu.vector_load %arg11[%swap3A_425, %swap3A_426] {strides = array<i32>} : memref<16x768xf32, #tpu.memory_space<vmem>>, vector<1x16xf32>,
        %swap3A_428 = vector.shape_cast %swap3A_427 : vector<1x16xf32> to vector<16xf32>
        %swap3A_429 = vector.shape_cast %add3A_424 : vector<16xf32> to vector<1x16xf32>
        tpu.vector_store %arg11[%swap3A_425, %swap3A_426], %swap3A_429 {strides = array<i32>} : memref<16x768xf32, #tpu.memory_space<vmem>>, vector<1x16xf32>,
        %get3A_430 = arith.index_cast %scan3A_137 : i32 to index
        %get3A_431 = arith.constant 336 : index
        %get3A_432 = tpu.vector_load %arg11[%get3A_430, %get3A_431] {strides = array<i32>} : memref<16x768xf32, #tpu.memory_space<vmem>>, vector<1x16xf32>,
        %get3A_433 = vector.shape_cast %get3A_432 : vector<1x16xf32> to vector<16xf32>
        %get3A_434 = arith.index_cast %scan3A_137 : i32 to index
        %get3A_435 = arith.constant 336 : index
        %get3A_436 = tpu.vector_load %arg12[%get3A_434, %get3A_435] {strides = array<i32>} : memref<16x768xf32, #tpu.memory_space<vmem>>, vector<1x16xf32>,
        %get3A_437 = vector.shape_cast %get3A_436 : vector<1x16xf32> to vector<16xf32>
        %add3A_438 = arith.addf %get3A_433, %get3A_437 : vector<16xf32>
        %swap3A_439 = arith.index_cast %scan3A_137 : i32 to index
        %swap3A_440 = arith.constant 336 : index
        %swap3A_441 = tpu.vector_load %arg11[%swap3A_439, %swap3A_440] {strides = array<i32>} : memref<16x768xf32, #tpu.memory_space<vmem>>, vector<1x16xf32>,
        %swap3A_442 = vector.shape_cast %swap3A_441 : vector<1x16xf32> to vector<16xf32>
        %swap3A_443 = vector.shape_cast %add3A_438 : vector<16xf32> to vector<1x16xf32>
        tpu.vector_store %arg11[%swap3A_439, %swap3A_440], %swap3A_443 {strides = array<i32>} : memref<16x768xf32, #tpu.memory_space<vmem>>, vector<1x16xf32>,
        %get3A_444 = arith.index_cast %scan3A_137 : i32 to index
        %get3A_445 = arith.constant 352 : index
        %get3A_446 = tpu.vector_load %arg11[%get3A_444, %get3A_445] {strides = array<i32>} : memref<16x768xf32, #tpu.memory_space<vmem>>, vector<1x16xf32>,
        %get3A_447 = vector.shape_cast %get3A_446 : vector<1x16xf32> to vector<16xf32>
        %get3A_448 = arith.index_cast %scan3A_137 : i32 to index
        %get3A_449 = arith.constant 352 : index
        %get3A_450 = tpu.vector_load %arg12[%get3A_448, %get3A_449] {strides = array<i32>} : memref<16x768xf32, #tpu.memory_space<vmem>>, vector<1x16xf32>,
        %get3A_451 = vector.shape_cast %get3A_450 : vector<1x16xf32> to vector<16xf32>
        %add3A_452 = arith.addf %get3A_447, %get3A_451 : vector<16xf32>
        %swap3A_453 = arith.index_cast %scan3A_137 : i32 to index
        %swap3A_454 = arith.constant 352 : index
        %swap3A_455 = tpu.vector_load %arg11[%swap3A_453, %swap3A_454] {strides = array<i32>} : memref<16x768xf32, #tpu.memory_space<vmem>>, vector<1x16xf32>,
        %swap3A_456 = vector.shape_cast %swap3A_455 : vector<1x16xf32> to vector<16xf32>
        %swap3A_457 = vector.shape_cast %add3A_452 : vector<16xf32> to vector<1x16xf32>
        tpu.vector_store %arg11[%swap3A_453, %swap3A_454], %swap3A_457 {strides = array<i32>} : memref<16x768xf32, #tpu.memory_space<vmem>>, vector<1x16xf32>,
        %get3A_458 = arith.index_cast %scan3A_137 : i32 to index
        %get3A_459 = arith.constant 368 : index
        %get3A_460 = tpu.vector_load %arg11[%get3A_458, %get3A_459] {strides = array<i32>} : memref<16x768xf32, #tpu.memory_space<vmem>>, vector<1x16xf32>,
        %get3A_461 = vector.shape_cast %get3A_460 : vector<1x16xf32> to vector<16xf32>
        %get3A_462 = arith.index_cast %scan3A_137 : i32 to index
        %get3A_463 = arith.constant 368 : index
        %get3A_464 = tpu.vector_load %arg12[%get3A_462, %get3A_463] {strides = array<i32>} : memref<16x768xf32, #tpu.memory_space<vmem>>, vector<1x16xf32>,
        %get3A_465 = vector.shape_cast %get3A_464 : vector<1x16xf32> to vector<16xf32>
        %add3A_466 = arith.addf %get3A_461, %get3A_465 : vector<16xf32>
        %swap3A_467 = arith.index_cast %scan3A_137 : i32 to index
        %swap3A_468 = arith.constant 368 : index
        %swap3A_469 = tpu.vector_load %arg11[%swap3A_467, %swap3A_468] {strides = array<i32>} : memref<16x768xf32, #tpu.memory_space<vmem>>, vector<1x16xf32>,
        %swap3A_470 = vector.shape_cast %swap3A_469 : vector<1x16xf32> to vector<16xf32>
        %swap3A_471 = vector.shape_cast %add3A_466 : vector<16xf32> to vector<1x16xf32>
        tpu.vector_store %arg11[%swap3A_467, %swap3A_468], %swap3A_471 {strides = array<i32>} : memref<16x768xf32, #tpu.memory_space<vmem>>, vector<1x16xf32>,
        %get3A_472 = arith.index_cast %scan3A_137 : i32 to index
        %get3A_473 = arith.constant 384 : index
        %get3A_474 = tpu.vector_load %arg11[%get3A_472, %get3A_473] {strides = array<i32>} : memref<16x768xf32, #tpu.memory_space<vmem>>, vector<1x16xf32>,
        %get3A_475 = vector.shape_cast %get3A_474 : vector<1x16xf32> to vector<16xf32>
        %get3A_476 = arith.index_cast %scan3A_137 : i32 to index
        %get3A_477 = arith.constant 384 : index
        %get3A_478 = tpu.vector_load %arg12[%get3A_476, %get3A_477] {strides = array<i32>} : memref<16x768xf32, #tpu.memory_space<vmem>>, vector<1x16xf32>,
        %get3A_479 = vector.shape_cast %get3A_478 : vector<1x16xf32> to vector<16xf32>
        %add3A_480 = arith.addf %get3A_475, %get3A_479 : vector<16xf32>
        %swap3A_481 = arith.index_cast %scan3A_137 : i32 to index
        %swap3A_482 = arith.constant 384 : index
        %swap3A_483 = tpu.vector_load %arg11[%swap3A_481, %swap3A_482] {strides = array<i32>} : memref<16x768xf32, #tpu.memory_space<vmem>>, vector<1x16xf32>,
        %swap3A_484 = vector.shape_cast %swap3A_483 : vector<1x16xf32> to vector<16xf32>
        %swap3A_485 = vector.shape_cast %add3A_480 : vector<16xf32> to vector<1x16xf32>
        tpu.vector_store %arg11[%swap3A_481, %swap3A_482], %swap3A_485 {strides = array<i32>} : memref<16x768xf32, #tpu.memory_space<vmem>>, vector<1x16xf32>,
        %get3A_486 = arith.index_cast %scan3A_137 : i32 to index
        %get3A_487 = arith.constant 400 : index
        %get3A_488 = tpu.vector_load %arg11[%get3A_486, %get3A_487] {strides = array<i32>} : memref<16x768xf32, #tpu.memory_space<vmem>>, vector<1x16xf32>,
        %get3A_489 = vector.shape_cast %get3A_488 : vector<1x16xf32> to vector<16xf32>
        %get3A_490 = arith.index_cast %scan3A_137 : i32 to index
        %get3A_491 = arith.constant 400 : index
        %get3A_492 = tpu.vector_load %arg12[%get3A_490, %get3A_491] {strides = array<i32>} : memref<16x768xf32, #tpu.memory_space<vmem>>, vector<1x16xf32>,
        %get3A_493 = vector.shape_cast %get3A_492 : vector<1x16xf32> to vector<16xf32>
        %add3A_494 = arith.addf %get3A_489, %get3A_493 : vector<16xf32>
        %swap3A_495 = arith.index_cast %scan3A_137 : i32 to index
        %swap3A_496 = arith.constant 400 : index
        %swap3A_497 = tpu.vector_load %arg11[%swap3A_495, %swap3A_496] {strides = array<i32>} : memref<16x768xf32, #tpu.memory_space<vmem>>, vector<1x16xf32>,
        %swap3A_498 = vector.shape_cast %swap3A_497 : vector<1x16xf32> to vector<16xf32>
        %swap3A_499 = vector.shape_cast %add3A_494 : vector<16xf32> to vector<1x16xf32>
        tpu.vector_store %arg11[%swap3A_495, %swap3A_496], %swap3A_499 {strides = array<i32>} : memref<16x768xf32, #tpu.memory_space<vmem>>, vector<1x16xf32>,
        %get3A_500 = arith.index_cast %scan3A_137 : i32 to index
        %get3A_501 = arith.constant 416 : index
        %get3A_502 = tpu.vector_load %arg11[%get3A_500, %get3A_501] {strides = array<i32>} : memref<16x768xf32, #tpu.memory_space<vmem>>, vector<1x16xf32>,
        %get3A_503 = vector.shape_cast %get3A_502 : vector<1x16xf32> to vector<16xf32>
        %get3A_504 = arith.index_cast %scan3A_137 : i32 to index
        %get3A_505 = arith.constant 416 : index
        %get3A_506 = tpu.vector_load %arg12[%get3A_504, %get3A_505] {strides = array<i32>} : memref<16x768xf32, #tpu.memory_space<vmem>>, vector<1x16xf32>,
        %get3A_507 = vector.shape_cast %get3A_506 : vector<1x16xf32> to vector<16xf32>
        %add3A_508 = arith.addf %get3A_503, %get3A_507 : vector<16xf32>
        %swap3A_509 = arith.index_cast %scan3A_137 : i32 to index
        %swap3A_510 = arith.constant 416 : index
        %swap3A_511 = tpu.vector_load %arg11[%swap3A_509, %swap3A_510] {strides = array<i32>} : memref<16x768xf32, #tpu.memory_space<vmem>>, vector<1x16xf32>,
        %swap3A_512 = vector.shape_cast %swap3A_511 : vector<1x16xf32> to vector<16xf32>
        %swap3A_513 = vector.shape_cast %add3A_508 : vector<16xf32> to vector<1x16xf32>
        tpu.vector_store %arg11[%swap3A_509, %swap3A_510], %swap3A_513 {strides = array<i32>} : memref<16x768xf32, #tpu.memory_space<vmem>>, vector<1x16xf32>,
        %get3A_514 = arith.index_cast %scan3A_137 : i32 to index
        %get3A_515 = arith.constant 432 : index
        %get3A_516 = tpu.vector_load %arg11[%get3A_514, %get3A_515] {strides = array<i32>} : memref<16x768xf32, #tpu.memory_space<vmem>>, vector<1x16xf32>,
        %get3A_517 = vector.shape_cast %get3A_516 : vector<1x16xf32> to vector<16xf32>
        %get3A_518 = arith.index_cast %scan3A_137 : i32 to index
        %get3A_519 = arith.constant 432 : index
        %get3A_520 = tpu.vector_load %arg12[%get3A_518, %get3A_519] {strides = array<i32>} : memref<16x768xf32, #tpu.memory_space<vmem>>, vector<1x16xf32>,
        %get3A_521 = vector.shape_cast %get3A_520 : vector<1x16xf32> to vector<16xf32>
        %add3A_522 = arith.addf %get3A_517, %get3A_521 : vector<16xf32>
        %swap3A_523 = arith.index_cast %scan3A_137 : i32 to index
        %swap3A_524 = arith.constant 432 : index
        %swap3A_525 = tpu.vector_load %arg11[%swap3A_523, %swap3A_524] {strides = array<i32>} : memref<16x768xf32, #tpu.memory_space<vmem>>, vector<1x16xf32>,
        %swap3A_526 = vector.shape_cast %swap3A_525 : vector<1x16xf32> to vector<16xf32>
        %swap3A_527 = vector.shape_cast %add3A_522 : vector<16xf32> to vector<1x16xf32>
        tpu.vector_store %arg11[%swap3A_523, %swap3A_524], %swap3A_527 {strides = array<i32>} : memref<16x768xf32, #tpu.memory_space<vmem>>, vector<1x16xf32>,
        %get3A_528 = arith.index_cast %scan3A_137 : i32 to index
        %get3A_529 = arith.constant 448 : index
        %get3A_530 = tpu.vector_load %arg11[%get3A_528, %get3A_529] {strides = array<i32>} : memref<16x768xf32, #tpu.memory_space<vmem>>, vector<1x16xf32>,
        %get3A_531 = vector.shape_cast %get3A_530 : vector<1x16xf32> to vector<16xf32>
        %get3A_532 = arith.index_cast %scan3A_137 : i32 to index
        %get3A_533 = arith.constant 448 : index
        %get3A_534 = tpu.vector_load %arg12[%get3A_532, %get3A_533] {strides = array<i32>} : memref<16x768xf32, #tpu.memory_space<vmem>>, vector<1x16xf32>,
        %get3A_535 = vector.shape_cast %get3A_534 : vector<1x16xf32> to vector<16xf32>
        %add3A_536 = arith.addf %get3A_531, %get3A_535 : vector<16xf32>
        %swap3A_537 = arith.index_cast %scan3A_137 : i32 to index
        %swap3A_538 = arith.constant 448 : index
        %swap3A_539 = tpu.vector_load %arg11[%swap3A_537, %swap3A_538] {strides = array<i32>} : memref<16x768xf32, #tpu.memory_space<vmem>>, vector<1x16xf32>,
        %swap3A_540 = vector.shape_cast %swap3A_539 : vector<1x16xf32> to vector<16xf32>
        %swap3A_541 = vector.shape_cast %add3A_536 : vector<16xf32> to vector<1x16xf32>
        tpu.vector_store %arg11[%swap3A_537, %swap3A_538], %swap3A_541 {strides = array<i32>} : memref<16x768xf32, #tpu.memory_space<vmem>>, vector<1x16xf32>,
        %get3A_542 = arith.index_cast %scan3A_137 : i32 to index
        %get3A_543 = arith.constant 464 : index
        %get3A_544 = tpu.vector_load %arg11[%get3A_542, %get3A_543] {strides = array<i32>} : memref<16x768xf32, #tpu.memory_space<vmem>>, vector<1x16xf32>,
        %get3A_545 = vector.shape_cast %get3A_544 : vector<1x16xf32> to vector<16xf32>
        %get3A_546 = arith.index_cast %scan3A_137 : i32 to index
        %get3A_547 = arith.constant 464 : index
        %get3A_548 = tpu.vector_load %arg12[%get3A_546, %get3A_547] {strides = array<i32>} : memref<16x768xf32, #tpu.memory_space<vmem>>, vector<1x16xf32>,
        %get3A_549 = vector.shape_cast %get3A_548 : vector<1x16xf32> to vector<16xf32>
        %add3A_550 = arith.addf %get3A_545, %get3A_549 : vector<16xf32>
        %swap3A_551 = arith.index_cast %scan3A_137 : i32 to index
        %swap3A_552 = arith.constant 464 : index
        %swap3A_553 = tpu.vector_load %arg11[%swap3A_551, %swap3A_552] {strides = array<i32>} : memref<16x768xf32, #tpu.memory_space<vmem>>, vector<1x16xf32>,
        %swap3A_554 = vector.shape_cast %swap3A_553 : vector<1x16xf32> to vector<16xf32>
        %swap3A_555 = vector.shape_cast %add3A_550 : vector<16xf32> to vector<1x16xf32>
        tpu.vector_store %arg11[%swap3A_551, %swap3A_552], %swap3A_555 {strides = array<i32>} : memref<16x768xf32, #tpu.memory_space<vmem>>, vector<1x16xf32>,
        %get3A_556 = arith.index_cast %scan3A_137 : i32 to index
        %get3A_557 = arith.constant 480 : index
        %get3A_558 = tpu.vector_load %arg11[%get3A_556, %get3A_557] {strides = array<i32>} : memref<16x768xf32, #tpu.memory_space<vmem>>, vector<1x16xf32>,
        %get3A_559 = vector.shape_cast %get3A_558 : vector<1x16xf32> to vector<16xf32>
        %get3A_560 = arith.index_cast %scan3A_137 : i32 to index
        %get3A_561 = arith.constant 480 : index
        %get3A_562 = tpu.vector_load %arg12[%get3A_560, %get3A_561] {strides = array<i32>} : memref<16x768xf32, #tpu.memory_space<vmem>>, vector<1x16xf32>,
        %get3A_563 = vector.shape_cast %get3A_562 : vector<1x16xf32> to vector<16xf32>
        %add3A_564 = arith.addf %get3A_559, %get3A_563 : vector<16xf32>
        %swap3A_565 = arith.index_cast %scan3A_137 : i32 to index
        %swap3A_566 = arith.constant 480 : index
        %swap3A_567 = tpu.vector_load %arg11[%swap3A_565, %swap3A_566] {strides = array<i32>} : memref<16x768xf32, #tpu.memory_space<vmem>>, vector<1x16xf32>,
        %swap3A_568 = vector.shape_cast %swap3A_567 : vector<1x16xf32> to vector<16xf32>
        %swap3A_569 = vector.shape_cast %add3A_564 : vector<16xf32> to vector<1x16xf32>
        tpu.vector_store %arg11[%swap3A_565, %swap3A_566], %swap3A_569 {strides = array<i32>} : memref<16x768xf32, #tpu.memory_space<vmem>>, vector<1x16xf32>,
        %get3A_570 = arith.index_cast %scan3A_137 : i32 to index
        %get3A_571 = arith.constant 496 : index
        %get3A_572 = tpu.vector_load %arg11[%get3A_570, %get3A_571] {strides = array<i32>} : memref<16x768xf32, #tpu.memory_space<vmem>>, vector<1x16xf32>,
        %get3A_573 = vector.shape_cast %get3A_572 : vector<1x16xf32> to vector<16xf32>
        %get3A_574 = arith.index_cast %scan3A_137 : i32 to index
        %get3A_575 = arith.constant 496 : index
        %get3A_576 = tpu.vector_load %arg12[%get3A_574, %get3A_575] {strides = array<i32>} : memref<16x768xf32, #tpu.memory_space<vmem>>, vector<1x16xf32>,
        %get3A_577 = vector.shape_cast %get3A_576 : vector<1x16xf32> to vector<16xf32>
        %add3A_578 = arith.addf %get3A_573, %get3A_577 : vector<16xf32>
        %swap3A_579 = arith.index_cast %scan3A_137 : i32 to index
        %swap3A_580 = arith.constant 496 : index
        %swap3A_581 = tpu.vector_load %arg11[%swap3A_579, %swap3A_580] {strides = array<i32>} : memref<16x768xf32, #tpu.memory_space<vmem>>, vector<1x16xf32>,
        %swap3A_582 = vector.shape_cast %swap3A_581 : vector<1x16xf32> to vector<16xf32>
        %swap3A_583 = vector.shape_cast %add3A_578 : vector<16xf32> to vector<1x16xf32>
        tpu.vector_store %arg11[%swap3A_579, %swap3A_580], %swap3A_583 {strides = array<i32>} : memref<16x768xf32, #tpu.memory_space<vmem>>, vector<1x16xf32>,
        %get3A_584 = arith.index_cast %scan3A_137 : i32 to index
        %get3A_585 = arith.constant 512 : index
        %get3A_586 = tpu.vector_load %arg11[%get3A_584, %get3A_585] {strides = array<i32>} : memref<16x768xf32, #tpu.memory_space<vmem>>, vector<1x16xf32>,
        %get3A_587 = vector.shape_cast %get3A_586 : vector<1x16xf32> to vector<16xf32>
        %get3A_588 = arith.index_cast %scan3A_137 : i32 to index
        %get3A_589 = arith.constant 512 : index
        %get3A_590 = tpu.vector_load %arg12[%get3A_588, %get3A_589] {strides = array<i32>} : memref<16x768xf32, #tpu.memory_space<vmem>>, vector<1x16xf32>,
        %get3A_591 = vector.shape_cast %get3A_590 : vector<1x16xf32> to vector<16xf32>
        %add3A_592 = arith.addf %get3A_587, %get3A_591 : vector<16xf32>
        %swap3A_593 = arith.index_cast %scan3A_137 : i32 to index
        %swap3A_594 = arith.constant 512 : index
        %swap3A_595 = tpu.vector_load %arg11[%swap3A_593, %swap3A_594] {strides = array<i32>} : memref<16x768xf32, #tpu.memory_space<vmem>>, vector<1x16xf32>,
        %swap3A_596 = vector.shape_cast %swap3A_595 : vector<1x16xf32> to vector<16xf32>
        %swap3A_597 = vector.shape_cast %add3A_592 : vector<16xf32> to vector<1x16xf32>
        tpu.vector_store %arg11[%swap3A_593, %swap3A_594], %swap3A_597 {strides = array<i32>} : memref<16x768xf32, #tpu.memory_space<vmem>>, vector<1x16xf32>,
        %get3A_598 = arith.index_cast %scan3A_137 : i32 to index
        %get3A_599 = arith.constant 528 : index
        %get3A_600 = tpu.vector_load %arg11[%get3A_598, %get3A_599] {strides = array<i32>} : memref<16x768xf32, #tpu.memory_space<vmem>>, vector<1x16xf32>,
        %get3A_601 = vector.shape_cast %get3A_600 : vector<1x16xf32> to vector<16xf32>
        %get3A_602 = arith.index_cast %scan3A_137 : i32 to index
        %get3A_603 = arith.constant 528 : index
        %get3A_604 = tpu.vector_load %arg12[%get3A_602, %get3A_603] {strides = array<i32>} : memref<16x768xf32, #tpu.memory_space<vmem>>, vector<1x16xf32>,
        %get3A_605 = vector.shape_cast %get3A_604 : vector<1x16xf32> to vector<16xf32>
        %add3A_606 = arith.addf %get3A_601, %get3A_605 : vector<16xf32>
        %swap3A_607 = arith.index_cast %scan3A_137 : i32 to index
        %swap3A_608 = arith.constant 528 : index
        %swap3A_609 = tpu.vector_load %arg11[%swap3A_607, %swap3A_608] {strides = array<i32>} : memref<16x768xf32, #tpu.memory_space<vmem>>, vector<1x16xf32>,
        %swap3A_610 = vector.shape_cast %swap3A_609 : vector<1x16xf32> to vector<16xf32>
        %swap3A_611 = vector.shape_cast %add3A_606 : vector<16xf32> to vector<1x16xf32>
        tpu.vector_store %arg11[%swap3A_607, %swap3A_608], %swap3A_611 {strides = array<i32>} : memref<16x768xf32, #tpu.memory_space<vmem>>, vector<1x16xf32>,
        %get3A_612 = arith.index_cast %scan3A_137 : i32 to index
        %get3A_613 = arith.constant 544 : index
        %get3A_614 = tpu.vector_load %arg11[%get3A_612, %get3A_613] {strides = array<i32>} : memref<16x768xf32, #tpu.memory_space<vmem>>, vector<1x16xf32>,
        %get3A_615 = vector.shape_cast %get3A_614 : vector<1x16xf32> to vector<16xf32>
        %get3A_616 = arith.index_cast %scan3A_137 : i32 to index
        %get3A_617 = arith.constant 544 : index
        %get3A_618 = tpu.vector_load %arg12[%get3A_616, %get3A_617] {strides = array<i32>} : memref<16x768xf32, #tpu.memory_space<vmem>>, vector<1x16xf32>,
        %get3A_619 = vector.shape_cast %get3A_618 : vector<1x16xf32> to vector<16xf32>
        %add3A_620 = arith.addf %get3A_615, %get3A_619 : vector<16xf32>
        %swap3A_621 = arith.index_cast %scan3A_137 : i32 to index
        %swap3A_622 = arith.constant 544 : index
        %swap3A_623 = tpu.vector_load %arg11[%swap3A_621, %swap3A_622] {strides = array<i32>} : memref<16x768xf32, #tpu.memory_space<vmem>>, vector<1x16xf32>,
        %swap3A_624 = vector.shape_cast %swap3A_623 : vector<1x16xf32> to vector<16xf32>
        %swap3A_625 = vector.shape_cast %add3A_620 : vector<16xf32> to vector<1x16xf32>
        tpu.vector_store %arg11[%swap3A_621, %swap3A_622], %swap3A_625 {strides = array<i32>} : memref<16x768xf32, #tpu.memory_space<vmem>>, vector<1x16xf32>,
        %get3A_626 = arith.index_cast %scan3A_137 : i32 to index
        %get3A_627 = arith.constant 560 : index
        %get3A_628 = tpu.vector_load %arg11[%get3A_626, %get3A_627] {strides = array<i32>} : memref<16x768xf32, #tpu.memory_space<vmem>>, vector<1x16xf32>,
        %get3A_629 = vector.shape_cast %get3A_628 : vector<1x16xf32> to vector<16xf32>
        %get3A_630 = arith.index_cast %scan3A_137 : i32 to index
        %get3A_631 = arith.constant 560 : index
        %get3A_632 = tpu.vector_load %arg12[%get3A_630, %get3A_631] {strides = array<i32>} : memref<16x768xf32, #tpu.memory_space<vmem>>, vector<1x16xf32>,
        %get3A_633 = vector.shape_cast %get3A_632 : vector<1x16xf32> to vector<16xf32>
        %add3A_634 = arith.addf %get3A_629, %get3A_633 : vector<16xf32>
        %swap3A_635 = arith.index_cast %scan3A_137 : i32 to index
        %swap3A_636 = arith.constant 560 : index
        %swap3A_637 = tpu.vector_load %arg11[%swap3A_635, %swap3A_636] {strides = array<i32>} : memref<16x768xf32, #tpu.memory_space<vmem>>, vector<1x16xf32>,
        %swap3A_638 = vector.shape_cast %swap3A_637 : vector<1x16xf32> to vector<16xf32>
        %swap3A_639 = vector.shape_cast %add3A_634 : vector<16xf32> to vector<1x16xf32>
        tpu.vector_store %arg11[%swap3A_635, %swap3A_636], %swap3A_639 {strides = array<i32>} : memref<16x768xf32, #tpu.memory_space<vmem>>, vector<1x16xf32>,
        %get3A_640 = arith.index_cast %scan3A_137 : i32 to index
        %get3A_641 = arith.constant 576 : index
        %get3A_642 = tpu.vector_load %arg11[%get3A_640, %get3A_641] {strides = array<i32>} : memref<16x768xf32, #tpu.memory_space<vmem>>, vector<1x16xf32>,
        %get3A_643 = vector.shape_cast %get3A_642 : vector<1x16xf32> to vector<16xf32>
        %get3A_644 = arith.index_cast %scan3A_137 : i32 to index
        %get3A_645 = arith.constant 576 : index
        %get3A_646 = tpu.vector_load %arg12[%get3A_644, %get3A_645] {strides = array<i32>} : memref<16x768xf32, #tpu.memory_space<vmem>>, vector<1x16xf32>,
        %get3A_647 = vector.shape_cast %get3A_646 : vector<1x16xf32> to vector<16xf32>
        %add3A_648 = arith.addf %get3A_643, %get3A_647 : vector<16xf32>
        %swap3A_649 = arith.index_cast %scan3A_137 : i32 to index
        %swap3A_650 = arith.constant 576 : index
        %swap3A_651 = tpu.vector_load %arg11[%swap3A_649, %swap3A_650] {strides = array<i32>} : memref<16x768xf32, #tpu.memory_space<vmem>>, vector<1x16xf32>,
        %swap3A_652 = vector.shape_cast %swap3A_651 : vector<1x16xf32> to vector<16xf32>
        %swap3A_653 = vector.shape_cast %add3A_648 : vector<16xf32> to vector<1x16xf32>
        tpu.vector_store %arg11[%swap3A_649, %swap3A_650], %swap3A_653 {strides = array<i32>} : memref<16x768xf32, #tpu.memory_space<vmem>>, vector<1x16xf32>,
        %get3A_654 = arith.index_cast %scan3A_137 : i32 to index
        %get3A_655 = arith.constant 592 : index
        %get3A_656 = tpu.vector_load %arg11[%get3A_654, %get3A_655] {strides = array<i32>} : memref<16x768xf32, #tpu.memory_space<vmem>>, vector<1x16xf32>,
        %get3A_657 = vector.shape_cast %get3A_656 : vector<1x16xf32> to vector<16xf32>
        %get3A_658 = arith.index_cast %scan3A_137 : i32 to index
        %get3A_659 = arith.constant 592 : index
        %get3A_660 = tpu.vector_load %arg12[%get3A_658, %get3A_659] {strides = array<i32>} : memref<16x768xf32, #tpu.memory_space<vmem>>, vector<1x16xf32>,
        %get3A_661 = vector.shape_cast %get3A_660 : vector<1x16xf32> to vector<16xf32>
        %add3A_662 = arith.addf %get3A_657, %get3A_661 : vector<16xf32>
        %swap3A_663 = arith.index_cast %scan3A_137 : i32 to index
        %swap3A_664 = arith.constant 592 : index
        %swap3A_665 = tpu.vector_load %arg11[%swap3A_663, %swap3A_664] {strides = array<i32>} : memref<16x768xf32, #tpu.memory_space<vmem>>, vector<1x16xf32>,
        %swap3A_666 = vector.shape_cast %swap3A_665 : vector<1x16xf32> to vector<16xf32>
        %swap3A_667 = vector.shape_cast %add3A_662 : vector<16xf32> to vector<1x16xf32>
        tpu.vector_store %arg11[%swap3A_663, %swap3A_664], %swap3A_667 {strides = array<i32>} : memref<16x768xf32, #tpu.memory_space<vmem>>, vector<1x16xf32>,
        %get3A_668 = arith.index_cast %scan3A_137 : i32 to index
        %get3A_669 = arith.constant 608 : index
        %get3A_670 = tpu.vector_load %arg11[%get3A_668, %get3A_669] {strides = array<i32>} : memref<16x768xf32, #tpu.memory_space<vmem>>, vector<1x16xf32>,
        %get3A_671 = vector.shape_cast %get3A_670 : vector<1x16xf32> to vector<16xf32>
        %get3A_672 = arith.index_cast %scan3A_137 : i32 to index
        %get3A_673 = arith.constant 608 : index
        %get3A_674 = tpu.vector_load %arg12[%get3A_672, %get3A_673] {strides = array<i32>} : memref<16x768xf32, #tpu.memory_space<vmem>>, vector<1x16xf32>,
        %get3A_675 = vector.shape_cast %get3A_674 : vector<1x16xf32> to vector<16xf32>
        %add3A_676 = arith.addf %get3A_671, %get3A_675 : vector<16xf32>
        %swap3A_677 = arith.index_cast %scan3A_137 : i32 to index
        %swap3A_678 = arith.constant 608 : index
        %swap3A_679 = tpu.vector_load %arg11[%swap3A_677, %swap3A_678] {strides = array<i32>} : memref<16x768xf32, #tpu.memory_space<vmem>>, vector<1x16xf32>,
        %swap3A_680 = vector.shape_cast %swap3A_679 : vector<1x16xf32> to vector<16xf32>
        %swap3A_681 = vector.shape_cast %add3A_676 : vector<16xf32> to vector<1x16xf32>
        tpu.vector_store %arg11[%swap3A_677, %swap3A_678], %swap3A_681 {strides = array<i32>} : memref<16x768xf32, #tpu.memory_space<vmem>>, vector<1x16xf32>,
        %get3A_682 = arith.index_cast %scan3A_137 : i32 to index
        %get3A_683 = arith.constant 624 : index
        %get3A_684 = tpu.vector_load %arg11[%get3A_682, %get3A_683] {strides = array<i32>} : memref<16x768xf32, #tpu.memory_space<vmem>>, vector<1x16xf32>,
        %get3A_685 = vector.shape_cast %get3A_684 : vector<1x16xf32> to vector<16xf32>
        %get3A_686 = arith.index_cast %scan3A_137 : i32 to index
        %get3A_687 = arith.constant 624 : index
        %get3A_688 = tpu.vector_load %arg12[%get3A_686, %get3A_687] {strides = array<i32>} : memref<16x768xf32, #tpu.memory_space<vmem>>, vector<1x16xf32>,
        %get3A_689 = vector.shape_cast %get3A_688 : vector<1x16xf32> to vector<16xf32>
        %add3A_690 = arith.addf %get3A_685, %get3A_689 : vector<16xf32>
        %swap3A_691 = arith.index_cast %scan3A_137 : i32 to index
        %swap3A_692 = arith.constant 624 : index
        %swap3A_693 = tpu.vector_load %arg11[%swap3A_691, %swap3A_692] {strides = array<i32>} : memref<16x768xf32, #tpu.memory_space<vmem>>, vector<1x16xf32>,
        %swap3A_694 = vector.shape_cast %swap3A_693 : vector<1x16xf32> to vector<16xf32>
        %swap3A_695 = vector.shape_cast %add3A_690 : vector<16xf32> to vector<1x16xf32>
        tpu.vector_store %arg11[%swap3A_691, %swap3A_692], %swap3A_695 {strides = array<i32>} : memref<16x768xf32, #tpu.memory_space<vmem>>, vector<1x16xf32>,
        %get3A_696 = arith.index_cast %scan3A_137 : i32 to index
        %get3A_697 = arith.constant 640 : index
        %get3A_698 = tpu.vector_load %arg11[%get3A_696, %get3A_697] {strides = array<i32>} : memref<16x768xf32, #tpu.memory_space<vmem>>, vector<1x16xf32>,
        %get3A_699 = vector.shape_cast %get3A_698 : vector<1x16xf32> to vector<16xf32>
        %get3A_700 = arith.index_cast %scan3A_137 : i32 to index
        %get3A_701 = arith.constant 640 : index
        %get3A_702 = tpu.vector_load %arg12[%get3A_700, %get3A_701] {strides = array<i32>} : memref<16x768xf32, #tpu.memory_space<vmem>>, vector<1x16xf32>,
        %get3A_703 = vector.shape_cast %get3A_702 : vector<1x16xf32> to vector<16xf32>
        %add3A_704 = arith.addf %get3A_699, %get3A_703 : vector<16xf32>
        %swap3A_705 = arith.index_cast %scan3A_137 : i32 to index
        %swap3A_706 = arith.constant 640 : index
        %swap3A_707 = tpu.vector_load %arg11[%swap3A_705, %swap3A_706] {strides = array<i32>} : memref<16x768xf32, #tpu.memory_space<vmem>>, vector<1x16xf32>,
        %swap3A_708 = vector.shape_cast %swap3A_707 : vector<1x16xf32> to vector<16xf32>
        %swap3A_709 = vector.shape_cast %add3A_704 : vector<16xf32> to vector<1x16xf32>
        tpu.vector_store %arg11[%swap3A_705, %swap3A_706], %swap3A_709 {strides = array<i32>} : memref<16x768xf32, #tpu.memory_space<vmem>>, vector<1x16xf32>,
        %get3A_710 = arith.index_cast %scan3A_137 : i32 to index
        %get3A_711 = arith.constant 656 : index
        %get3A_712 = tpu.vector_load %arg11[%get3A_710, %get3A_711] {strides = array<i32>} : memref<16x768xf32, #tpu.memory_space<vmem>>, vector<1x16xf32>,
        %get3A_713 = vector.shape_cast %get3A_712 : vector<1x16xf32> to vector<16xf32>
        %get3A_714 = arith.index_cast %scan3A_137 : i32 to index
        %get3A_715 = arith.constant 656 : index
        %get3A_716 = tpu.vector_load %arg12[%get3A_714, %get3A_715] {strides = array<i32>} : memref<16x768xf32, #tpu.memory_space<vmem>>, vector<1x16xf32>,
        %get3A_717 = vector.shape_cast %get3A_716 : vector<1x16xf32> to vector<16xf32>
        %add3A_718 = arith.addf %get3A_713, %get3A_717 : vector<16xf32>
        %swap3A_719 = arith.index_cast %scan3A_137 : i32 to index
        %swap3A_720 = arith.constant 656 : index
        %swap3A_721 = tpu.vector_load %arg11[%swap3A_719, %swap3A_720] {strides = array<i32>} : memref<16x768xf32, #tpu.memory_space<vmem>>, vector<1x16xf32>,
        %swap3A_722 = vector.shape_cast %swap3A_721 : vector<1x16xf32> to vector<16xf32>
        %swap3A_723 = vector.shape_cast %add3A_718 : vector<16xf32> to vector<1x16xf32>
        tpu.vector_store %arg11[%swap3A_719, %swap3A_720], %swap3A_723 {strides = array<i32>} : memref<16x768xf32, #tpu.memory_space<vmem>>, vector<1x16xf32>,
        %get3A_724 = arith.index_cast %scan3A_137 : i32 to index
        %get3A_725 = arith.constant 672 : index
        %get3A_726 = tpu.vector_load %arg11[%get3A_724, %get3A_725] {strides = array<i32>} : memref<16x768xf32, #tpu.memory_space<vmem>>, vector<1x16xf32>,
        %get3A_727 = vector.shape_cast %get3A_726 : vector<1x16xf32> to vector<16xf32>
        %get3A_728 = arith.index_cast %scan3A_137 : i32 to index
        %get3A_729 = arith.constant 672 : index
        %get3A_730 = tpu.vector_load %arg12[%get3A_728, %get3A_729] {strides = array<i32>} : memref<16x768xf32, #tpu.memory_space<vmem>>, vector<1x16xf32>,
        %get3A_731 = vector.shape_cast %get3A_730 : vector<1x16xf32> to vector<16xf32>
        %add3A_732 = arith.addf %get3A_727, %get3A_731 : vector<16xf32>
        %swap3A_733 = arith.index_cast %scan3A_137 : i32 to index
        %swap3A_734 = arith.constant 672 : index
        %swap3A_735 = tpu.vector_load %arg11[%swap3A_733, %swap3A_734] {strides = array<i32>} : memref<16x768xf32, #tpu.memory_space<vmem>>, vector<1x16xf32>,
        %swap3A_736 = vector.shape_cast %swap3A_735 : vector<1x16xf32> to vector<16xf32>
        %swap3A_737 = vector.shape_cast %add3A_732 : vector<16xf32> to vector<1x16xf32>
        tpu.vector_store %arg11[%swap3A_733, %swap3A_734], %swap3A_737 {strides = array<i32>} : memref<16x768xf32, #tpu.memory_space<vmem>>, vector<1x16xf32>,
        %get3A_738 = arith.index_cast %scan3A_137 : i32 to index
        %get3A_739 = arith.constant 688 : index
        %get3A_740 = tpu.vector_load %arg11[%get3A_738, %get3A_739] {strides = array<i32>} : memref<16x768xf32, #tpu.memory_space<vmem>>, vector<1x16xf32>,
        %get3A_741 = vector.shape_cast %get3A_740 : vector<1x16xf32> to vector<16xf32>
        %get3A_742 = arith.index_cast %scan3A_137 : i32 to index
        %get3A_743 = arith.constant 688 : index
        %get3A_744 = tpu.vector_load %arg12[%get3A_742, %get3A_743] {strides = array<i32>} : memref<16x768xf32, #tpu.memory_space<vmem>>, vector<1x16xf32>,
        %get3A_745 = vector.shape_cast %get3A_744 : vector<1x16xf32> to vector<16xf32>
        %add3A_746 = arith.addf %get3A_741, %get3A_745 : vector<16xf32>
        %swap3A_747 = arith.index_cast %scan3A_137 : i32 to index
        %swap3A_748 = arith.constant 688 : index
        %swap3A_749 = tpu.vector_load %arg11[%swap3A_747, %swap3A_748] {strides = array<i32>} : memref<16x768xf32, #tpu.memory_space<vmem>>, vector<1x16xf32>,
        %swap3A_750 = vector.shape_cast %swap3A_749 : vector<1x16xf32> to vector<16xf32>
        %swap3A_751 = vector.shape_cast %add3A_746 : vector<16xf32> to vector<1x16xf32>
        tpu.vector_store %arg11[%swap3A_747, %swap3A_748], %swap3A_751 {strides = array<i32>} : memref<16x768xf32, #tpu.memory_space<vmem>>, vector<1x16xf32>,
        %get3A_752 = arith.index_cast %scan3A_137 : i32 to index
        %get3A_753 = arith.constant 704 : index
        %get3A_754 = tpu.vector_load %arg11[%get3A_752, %get3A_753] {strides = array<i32>} : memref<16x768xf32, #tpu.memory_space<vmem>>, vector<1x16xf32>,
        %get3A_755 = vector.shape_cast %get3A_754 : vector<1x16xf32> to vector<16xf32>
        %get3A_756 = arith.index_cast %scan3A_137 : i32 to index
        %get3A_757 = arith.constant 704 : index
        %get3A_758 = tpu.vector_load %arg12[%get3A_756, %get3A_757] {strides = array<i32>} : memref<16x768xf32, #tpu.memory_space<vmem>>, vector<1x16xf32>,
        %get3A_759 = vector.shape_cast %get3A_758 : vector<1x16xf32> to vector<16xf32>
        %add3A_760 = arith.addf %get3A_755, %get3A_759 : vector<16xf32>
        %swap3A_761 = arith.index_cast %scan3A_137 : i32 to index
        %swap3A_762 = arith.constant 704 : index
        %swap3A_763 = tpu.vector_load %arg11[%swap3A_761, %swap3A_762] {strides = array<i32>} : memref<16x768xf32, #tpu.memory_space<vmem>>, vector<1x16xf32>,
        %swap3A_764 = vector.shape_cast %swap3A_763 : vector<1x16xf32> to vector<16xf32>
        %swap3A_765 = vector.shape_cast %add3A_760 : vector<16xf32> to vector<1x16xf32>
        tpu.vector_store %arg11[%swap3A_761, %swap3A_762], %swap3A_765 {strides = array<i32>} : memref<16x768xf32, #tpu.memory_space<vmem>>, vector<1x16xf32>,
        %get3A_766 = arith.index_cast %scan3A_137 : i32 to index
        %get3A_767 = arith.constant 720 : index
        %get3A_768 = tpu.vector_load %arg11[%get3A_766, %get3A_767] {strides = array<i32>} : memref<16x768xf32, #tpu.memory_space<vmem>>, vector<1x16xf32>,
        %get3A_769 = vector.shape_cast %get3A_768 : vector<1x16xf32> to vector<16xf32>
        %get3A_770 = arith.index_cast %scan3A_137 : i32 to index
        %get3A_771 = arith.constant 720 : index
        %get3A_772 = tpu.vector_load %arg12[%get3A_770, %get3A_771] {strides = array<i32>} : memref<16x768xf32, #tpu.memory_space<vmem>>, vector<1x16xf32>,
        %get3A_773 = vector.shape_cast %get3A_772 : vector<1x16xf32> to vector<16xf32>
        %add3A_774 = arith.addf %get3A_769, %get3A_773 : vector<16xf32>
        %swap3A_775 = arith.index_cast %scan3A_137 : i32 to index
        %swap3A_776 = arith.constant 720 : index
        %swap3A_777 = tpu.vector_load %arg11[%swap3A_775, %swap3A_776] {strides = array<i32>} : memref<16x768xf32, #tpu.memory_space<vmem>>, vector<1x16xf32>,
        %swap3A_778 = vector.shape_cast %swap3A_777 : vector<1x16xf32> to vector<16xf32>
        %swap3A_779 = vector.shape_cast %add3A_774 : vector<16xf32> to vector<1x16xf32>
        tpu.vector_store %arg11[%swap3A_775, %swap3A_776], %swap3A_779 {strides = array<i32>} : memref<16x768xf32, #tpu.memory_space<vmem>>, vector<1x16xf32>,
        %get3A_780 = arith.index_cast %scan3A_137 : i32 to index
        %get3A_781 = arith.constant 736 : index
        %get3A_782 = tpu.vector_load %arg11[%get3A_780, %get3A_781] {strides = array<i32>} : memref<16x768xf32, #tpu.memory_space<vmem>>, vector<1x16xf32>,
        %get3A_783 = vector.shape_cast %get3A_782 : vector<1x16xf32> to vector<16xf32>
        %get3A_784 = arith.index_cast %scan3A_137 : i32 to index
        %get3A_785 = arith.constant 736 : index
        %get3A_786 = tpu.vector_load %arg12[%get3A_784, %get3A_785] {strides = array<i32>} : memref<16x768xf32, #tpu.memory_space<vmem>>, vector<1x16xf32>,
        %get3A_787 = vector.shape_cast %get3A_786 : vector<1x16xf32> to vector<16xf32>
        %add3A_788 = arith.addf %get3A_783, %get3A_787 : vector<16xf32>
        %swap3A_789 = arith.index_cast %scan3A_137 : i32 to index
        %swap3A_790 = arith.constant 736 : index
        %swap3A_791 = tpu.vector_load %arg11[%swap3A_789, %swap3A_790] {strides = array<i32>} : memref<16x768xf32, #tpu.memory_space<vmem>>, vector<1x16xf32>,
        %swap3A_792 = vector.shape_cast %swap3A_791 : vector<1x16xf32> to vector<16xf32>
        %swap3A_793 = vector.shape_cast %add3A_788 : vector<16xf32> to vector<1x16xf32>
        tpu.vector_store %arg11[%swap3A_789, %swap3A_790], %swap3A_793 {strides = array<i32>} : memref<16x768xf32, #tpu.memory_space<vmem>>, vector<1x16xf32>,
        %get3A_794 = arith.index_cast %scan3A_137 : i32 to index
        %get3A_795 = arith.constant 752 : index
        %get3A_796 = tpu.vector_load %arg11[%get3A_794, %get3A_795] {strides = array<i32>} : memref<16x768xf32, #tpu.memory_space<vmem>>, vector<1x16xf32>,
        %get3A_797 = vector.shape_cast %get3A_796 : vector<1x16xf32> to vector<16xf32>
        %get3A_798 = arith.index_cast %scan3A_137 : i32 to index
        %get3A_799 = arith.constant 752 : index
        %get3A_800 = tpu.vector_load %arg12[%get3A_798, %get3A_799] {strides = array<i32>} : memref<16x768xf32, #tpu.memory_space<vmem>>, vector<1x16xf32>,
        %get3A_801 = vector.shape_cast %get3A_800 : vector<1x16xf32> to vector<16xf32>
        %add3A_802 = arith.addf %get3A_797, %get3A_801 : vector<16xf32>
        %swap3A_803 = arith.index_cast %scan3A_137 : i32 to index
        %swap3A_804 = arith.constant 752 : index
        %swap3A_805 = tpu.vector_load %arg11[%swap3A_803, %swap3A_804] {strides = array<i32>} : memref<16x768xf32, #tpu.memory_space<vmem>>, vector<1x16xf32>,
        %swap3A_806 = vector.shape_cast %swap3A_805 : vector<1x16xf32> to vector<16xf32>
        %swap3A_807 = vector.shape_cast %add3A_802 : vector<16xf32> to vector<1x16xf32>
        tpu.vector_store %arg11[%swap3A_803, %swap3A_804], %swap3A_807 {strides = array<i32>} : memref<16x768xf32, #tpu.memory_space<vmem>>, vector<1x16xf32>,
      }
      %scan3A_133 = arith.constant 16 : i32
      %mul3A_134 = arith.constant 16 : i32
      %mul3A_135 = arith.muli %add3A_115, %mul3A_134 : i32
      %add3A_136 = arith.addi %mul3A_2, %mul3A_135 : i32
      "tpu.region"() ({
        %run_scoped3A = tpu.sem_alloc : memref<!tpu.dma_semaphore, #tpu.memory_space<semaphore_mem>>
        %dma_start3A_137 = arith.constant 0 : i32
        %dma_start3A_138 = tpu.memref_slice %arg6[%add3A_136, %dma_start3A_137] : memref<32768x768xf32, #tpu.memory_space<hbm>> -> memref<16x768xf32, #tpu.memory_space<hbm>>
        %dma_start3A_139 = arith.constant 0 : i32
        %dma_start3A_140 = tpu.memref_slice %arg6[%add3A_136, %dma_start3A_139] : memref<32768x768xf32, #tpu.memory_space<hbm>> -> memref<16x768xf32, #tpu.memory_space<hbm>>
        tpu.enqueue_dma source(%arg11 : memref<16x768xf32, #tpu.memory_space<vmem>>) target(%dma_start3A_140 : memref<16x768xf32, #tpu.memory_space<hbm>>) target_semaphore(%run_scoped3A : memref<!tpu.dma_semaphore, #tpu.memory_space<semaphore_mem>>)
        %dma_wait3A_141 = arith.constant 0 : i32
        %dma_wait3A_142 = tpu.memref_slice %arg6[%add3A_136, %dma_wait3A_141] : memref<32768x768xf32, #tpu.memory_space<hbm>> -> memref<16x768xf32, #tpu.memory_space<hbm>>
        %dma_wait3A_143 = arith.constant 0 : i32
        %dma_wait3A_144 = tpu.memref_slice %arg6[%add3A_136, %dma_wait3A_143] : memref<32768x768xf32, #tpu.memory_space<hbm>> -> memref<16x768xf32, #tpu.memory_space<hbm>>
        tpu.wait_dma2 semaphore(%run_scoped3A : memref<!tpu.dma_semaphore, #tpu.memory_space<semaphore_mem>>) src(%arg11 : memref<16x768xf32, #tpu.memory_space<vmem>>) dst(%dma_wait3A_144 : memref<16x768xf32, #tpu.memory_space<hbm>>)
        tpu.yield
      }) : () -> ()
    }
    %scan3A_16 = arith.constant 31 : i32
    %dma_start3A_17 = arith.constant 1008 : i32
    %dma_start3A_18 = tpu.memref_slice %arg7[%dma_start3A_17] : memref<1024xi32, #tpu.memory_space<vmem>> -> memref<16xi32, #tpu.memory_space<vmem>>
    %dma_start3A_19 = arith.constant 0 : i32
    %dma_start3A_20 = arith.constant 0 : i32
    %dma_start3A_21 = tpu.memref_slice %arg2[%dma_start3A_19, %dma_start3A_20] : memref<65536x768xf32, #tpu.memory_space<hbm>> -> memref<65536x768xf32, #tpu.memory_space<hbm>>
    tpu.enqueue_indirect_dma source(%dma_start3A_21 : memref<65536x768xf32, #tpu.memory_space<hbm>>) target(%arg11 : memref<16x768xf32, #tpu.memory_space<vmem>>) offsets(%dma_start3A_18 : memref<16xi32, #tpu.memory_space<vmem>>) semaphore(%arg15 : memref<!tpu.dma_semaphore, #tpu.memory_space<semaphore_mem>>)
    %dma_start3A_22 = arith.constant 1008 : i32
    %dma_start3A_23 = tpu.memref_slice %arg8[%dma_start3A_22] : memref<1024xi32, #tpu.memory_space<vmem>> -> memref<16xi32, #tpu.memory_space<vmem>>
    %dma_start3A_24 = arith.constant 0 : i32
    %dma_start3A_25 = arith.constant 0 : i32
    %dma_start3A_26 = tpu.memref_slice %arg3[%dma_start3A_24, %dma_start3A_25] : memref<1024x768xf32, #tpu.memory_space<hbm>> -> memref<1024x768xf32, #tpu.memory_space<hbm>>
    tpu.enqueue_indirect_dma source(%dma_start3A_26 : memref<1024x768xf32, #tpu.memory_space<hbm>>) target(%arg12 : memref<16x768xf32, #tpu.memory_space<vmem>>) offsets(%dma_start3A_23 : memref<16xi32, #tpu.memory_space<vmem>>) semaphore(%arg16 : memref<!tpu.dma_semaphore, #tpu.memory_space<semaphore_mem>>)
    %dma_wait3A = arith.constant 992 : i32
    %dma_wait3A_27 = tpu.memref_slice %arg7[%dma_wait3A] : memref<1024xi32, #tpu.memory_space<vmem>> -> memref<16xi32, #tpu.memory_space<vmem>>
    %dma_wait3A_28 = arith.constant 0 : i32
    %dma_wait3A_29 = arith.constant 0 : i32
    %dma_wait3A_30 = tpu.memref_slice %arg2[%dma_wait3A_28, %dma_wait3A_29] : memref<65536x768xf32, #tpu.memory_space<hbm>> -> memref<65536x768xf32, #tpu.memory_space<hbm>>
    tpu.wait_indirect_dma semaphore(%arg13 : memref<!tpu.dma_semaphore, #tpu.memory_space<semaphore_mem>>) src(%dma_wait3A_30 : memref<65536x768xf32, #tpu.memory_space<hbm>>) dst(%arg9 : memref<16x768xf32, #tpu.memory_space<vmem>>)
    %dma_wait3A_31 = arith.constant 992 : i32
    %dma_wait3A_32 = tpu.memref_slice %arg8[%dma_wait3A_31] : memref<1024xi32, #tpu.memory_space<vmem>> -> memref<16xi32, #tpu.memory_space<vmem>>
    %dma_wait3A_33 = arith.constant 0 : i32
    %dma_wait3A_34 = arith.constant 0 : i32
    %dma_wait3A_35 = tpu.memref_slice %arg3[%dma_wait3A_33, %dma_wait3A_34] : memref<1024x768xf32, #tpu.memory_space<hbm>> -> memref<1024x768xf32, #tpu.memory_space<hbm>>
    tpu.wait_indirect_dma semaphore(%arg14 : memref<!tpu.dma_semaphore, #tpu.memory_space<semaphore_mem>>) src(%dma_wait3A_35 : memref<1024x768xf32, #tpu.memory_space<hbm>>) dst(%arg10 : memref<16x768xf32, #tpu.memory_space<vmem>>)
    %scan3A_36 = arith.constant 0 : i32
    %scan3A_37 = arith.constant 0 : i32
    %scan3A_38 = arith.constant 16 : i32
    %scan3A_39 = arith.addi %scan3A_37, %scan3A_38 : i32
    %scan3A_40 = arith.constant 1 : i32
    scf.for %scan3A_62 = %scan3A_37 to %scan3A_39 step %scan3A_40  : i32 {
      %get3A = arith.index_cast %scan3A_62 : i32 to index
      %get3A_63 = arith.constant 0 : index
      %get3A_64 = tpu.vector_load %arg9[%get3A, %get3A_63] {strides = array<i32>} : memref<16x768xf32, #tpu.memory_space<vmem>>, vector<1x16xf32>,
      %get3A_65 = vector.shape_cast %get3A_64 : vector<1x16xf32> to vector<16xf32>
      %get3A_66 = arith.index_cast %scan3A_62 : i32 to index
      %get3A_67 = arith.constant 0 : index
      %get3A_68 = tpu.vector_load %arg10[%get3A_66, %get3A_67] {strides = array<i32>} : memref<16x768xf32, #tpu.memory_space<vmem>>, vector<1x16xf32>,
      %get3A_69 = vector.shape_cast %get3A_68 : vector<1x16xf32> to vector<16xf32>
      %add3A_70 = arith.addf %get3A_65, %get3A_69 : vector<16xf32>
      %swap3A = arith.index_cast %scan3A_62 : i32 to index
      %swap3A_71 = arith.constant 0 : index
      %swap3A_72 = tpu.vector_load %arg9[%swap3A, %swap3A_71] {strides = array<i32>} : memref<16x768xf32, #tpu.memory_space<vmem>>, vector<1x16xf32>,
      %swap3A_73 = vector.shape_cast %swap3A_72 : vector<1x16xf32> to vector<16xf32>
      %swap3A_74 = vector.shape_cast %add3A_70 : vector<16xf32> to vector<1x16xf32>
      tpu.vector_store %arg9[%swap3A, %swap3A_71], %swap3A_74 {strides = array<i32>} : memref<16x768xf32, #tpu.memory_space<vmem>>, vector<1x16xf32>,
      %get3A_75 = arith.index_cast %scan3A_62 : i32 to index
      %get3A_76 = arith.constant 16 : index
      %get3A_77 = tpu.vector_load %arg9[%get3A_75, %get3A_76] {strides = array<i32>} : memref<16x768xf32, #tpu.memory_space<vmem>>, vector<1x16xf32>,
      %get3A_78 = vector.shape_cast %get3A_77 : vector<1x16xf32> to vector<16xf32>
      %get3A_79 = arith.index_cast %scan3A_62 : i32 to index
      %get3A_80 = arith.constant 16 : index
      %get3A_81 = tpu.vector_load %arg10[%get3A_79, %get3A_80] {strides = array<i32>} : memref<16x768xf32, #tpu.memory_space<vmem>>, vector<1x16xf32>,
      %get3A_82 = vector.shape_cast %get3A_81 : vector<1x16xf32> to vector<16xf32>
      %add3A_83 = arith.addf %get3A_78, %get3A_82 : vector<16xf32>
      %swap3A_84 = arith.index_cast %scan3A_62 : i32 to index
      %swap3A_85 = arith.constant 16 : index
      %swap3A_86 = tpu.vector_load %arg9[%swap3A_84, %swap3A_85] {strides = array<i32>} : memref<16x768xf32, #tpu.memory_space<vmem>>, vector<1x16xf32>,
      %swap3A_87 = vector.shape_cast %swap3A_86 : vector<1x16xf32> to vector<16xf32>
      %swap3A_88 = vector.shape_cast %add3A_83 : vector<16xf32> to vector<1x16xf32>
      tpu.vector_store %arg9[%swap3A_84, %swap3A_85], %swap3A_88 {strides = array<i32>} : memref<16x768xf32, #tpu.memory_space<vmem>>, vector<1x16xf32>,
      %get3A_89 = arith.index_cast %scan3A_62 : i32 to index
      %get3A_90 = arith.constant 32 : index
      %get3A_91 = tpu.vector_load %arg9[%get3A_89, %get3A_90] {strides = array<i32>} : memref<16x768xf32, #tpu.memory_space<vmem>>, vector<1x16xf32>,
      %get3A_92 = vector.shape_cast %get3A_91 : vector<1x16xf32> to vector<16xf32>
      %get3A_93 = arith.index_cast %scan3A_62 : i32 to index
      %get3A_94 = arith.constant 32 : index
      %get3A_95 = tpu.vector_load %arg10[%get3A_93, %get3A_94] {strides = array<i32>} : memref<16x768xf32, #tpu.memory_space<vmem>>, vector<1x16xf32>,
      %get3A_96 = vector.shape_cast %get3A_95 : vector<1x16xf32> to vector<16xf32>
      %add3A_97 = arith.addf %get3A_92, %get3A_96 : vector<16xf32>
      %swap3A_98 = arith.index_cast %scan3A_62 : i32 to index
      %swap3A_99 = arith.constant 32 : index
      %swap3A_100 = tpu.vector_load %arg9[%swap3A_98, %swap3A_99] {strides = array<i32>} : memref<16x768xf32, #tpu.memory_space<vmem>>, vector<1x16xf32>,
      %swap3A_101 = vector.shape_cast %swap3A_100 : vector<1x16xf32> to vector<16xf32>
      %swap3A_102 = vector.shape_cast %add3A_97 : vector<16xf32> to vector<1x16xf32>
      tpu.vector_store %arg9[%swap3A_98, %swap3A_99], %swap3A_102 {strides = array<i32>} : memref<16x768xf32, #tpu.memory_space<vmem>>, vector<1x16xf32>,
      %get3A_103 = arith.index_cast %scan3A_62 : i32 to index
      %get3A_104 = arith.constant 48 : index
      %get3A_105 = tpu.vector_load %arg9[%get3A_103, %get3A_104] {strides = array<i32>} : memref<16x768xf32, #tpu.memory_space<vmem>>, vector<1x16xf32>,
      %get3A_106 = vector.shape_cast %get3A_105 : vector<1x16xf32> to vector<16xf32>
      %get3A_107 = arith.index_cast %scan3A_62 : i32 to index
      %get3A_108 = arith.constant 48 : index
      %get3A_109 = tpu.vector_load %arg10[%get3A_107, %get3A_108] {strides = array<i32>} : memref<16x768xf32, #tpu.memory_space<vmem>>, vector<1x16xf32>,
      %get3A_110 = vector.shape_cast %get3A_109 : vector<1x16xf32> to vector<16xf32>
      %add3A_111 = arith.addf %get3A_106, %get3A_110 : vector<16xf32>
      %swap3A_112 = arith.index_cast %scan3A_62 : i32 to index
      %swap3A_113 = arith.constant 48 : index
      %swap3A_114 = tpu.vector_load %arg9[%swap3A_112, %swap3A_113] {strides = array<i32>} : memref<16x768xf32, #tpu.memory_space<vmem>>, vector<1x16xf32>,
      %swap3A_115 = vector.shape_cast %swap3A_114 : vector<1x16xf32> to vector<16xf32>
      %swap3A_116 = vector.shape_cast %add3A_111 : vector<16xf32> to vector<1x16xf32>
      tpu.vector_store %arg9[%swap3A_112, %swap3A_113], %swap3A_116 {strides = array<i32>} : memref<16x768xf32, #tpu.memory_space<vmem>>, vector<1x16xf32>,
      %get3A_117 = arith.index_cast %scan3A_62 : i32 to index
      %get3A_118 = arith.constant 64 : index
      %get3A_119 = tpu.vector_load %arg9[%get3A_117, %get3A_118] {strides = array<i32>} : memref<16x768xf32, #tpu.memory_space<vmem>>, vector<1x16xf32>,
      %get3A_120 = vector.shape_cast %get3A_119 : vector<1x16xf32> to vector<16xf32>
      %get3A_121 = arith.index_cast %scan3A_62 : i32 to index
      %get3A_122 = arith.constant 64 : index
      %get3A_123 = tpu.vector_load %arg10[%get3A_121, %get3A_122] {strides = array<i32>} : memref<16x768xf32, #tpu.memory_space<vmem>>, vector<1x16xf32>,
      %get3A_124 = vector.shape_cast %get3A_123 : vector<1x16xf32> to vector<16xf32>
      %add3A_125 = arith.addf %get3A_120, %get3A_124 : vector<16xf32>
      %swap3A_126 = arith.index_cast %scan3A_62 : i32 to index
      %swap3A_127 = arith.constant 64 : index
      %swap3A_128 = tpu.vector_load %arg9[%swap3A_126, %swap3A_127] {strides = array<i32>} : memref<16x768xf32, #tpu.memory_space<vmem>>, vector<1x16xf32>,
      %swap3A_129 = vector.shape_cast %swap3A_128 : vector<1x16xf32> to vector<16xf32>
      %swap3A_130 = vector.shape_cast %add3A_125 : vector<16xf32> to vector<1x16xf32>
      tpu.vector_store %arg9[%swap3A_126, %swap3A_127], %swap3A_130 {strides = array<i32>} : memref<16x768xf32, #tpu.memory_space<vmem>>, vector<1x16xf32>,
      %get3A_131 = arith.index_cast %scan3A_62 : i32 to index
      %get3A_132 = arith.constant 80 : index
      %get3A_133 = tpu.vector_load %arg9[%get3A_131, %get3A_132] {strides = array<i32>} : memref<16x768xf32, #tpu.memory_space<vmem>>, vector<1x16xf32>,
      %get3A_134 = vector.shape_cast %get3A_133 : vector<1x16xf32> to vector<16xf32>
      %get3A_135 = arith.index_cast %scan3A_62 : i32 to index
      %get3A_136 = arith.constant 80 : index
      %get3A_137 = tpu.vector_load %arg10[%get3A_135, %get3A_136] {strides = array<i32>} : memref<16x768xf32, #tpu.memory_space<vmem>>, vector<1x16xf32>,
      %get3A_138 = vector.shape_cast %get3A_137 : vector<1x16xf32> to vector<16xf32>
      %add3A_139 = arith.addf %get3A_134, %get3A_138 : vector<16xf32>
      %swap3A_140 = arith.index_cast %scan3A_62 : i32 to index
      %swap3A_141 = arith.constant 80 : index
      %swap3A_142 = tpu.vector_load %arg9[%swap3A_140, %swap3A_141] {strides = array<i32>} : memref<16x768xf32, #tpu.memory_space<vmem>>, vector<1x16xf32>,
      %swap3A_143 = vector.shape_cast %swap3A_142 : vector<1x16xf32> to vector<16xf32>
      %swap3A_144 = vector.shape_cast %add3A_139 : vector<16xf32> to vector<1x16xf32>
      tpu.vector_store %arg9[%swap3A_140, %swap3A_141], %swap3A_144 {strides = array<i32>} : memref<16x768xf32, #tpu.memory_space<vmem>>, vector<1x16xf32>,
      %get3A_145 = arith.index_cast %scan3A_62 : i32 to index
      %get3A_146 = arith.constant 96 : index
      %get3A_147 = tpu.vector_load %arg9[%get3A_145, %get3A_146] {strides = array<i32>} : memref<16x768xf32, #tpu.memory_space<vmem>>, vector<1x16xf32>,
      %get3A_148 = vector.shape_cast %get3A_147 : vector<1x16xf32> to vector<16xf32>
      %get3A_149 = arith.index_cast %scan3A_62 : i32 to index
      %get3A_150 = arith.constant 96 : index
      %get3A_151 = tpu.vector_load %arg10[%get3A_149, %get3A_150] {strides = array<i32>} : memref<16x768xf32, #tpu.memory_space<vmem>>, vector<1x16xf32>,
      %get3A_152 = vector.shape_cast %get3A_151 : vector<1x16xf32> to vector<16xf32>
      %add3A_153 = arith.addf %get3A_148, %get3A_152 : vector<16xf32>
      %swap3A_154 = arith.index_cast %scan3A_62 : i32 to index
      %swap3A_155 = arith.constant 96 : index
      %swap3A_156 = tpu.vector_load %arg9[%swap3A_154, %swap3A_155] {strides = array<i32>} : memref<16x768xf32, #tpu.memory_space<vmem>>, vector<1x16xf32>,
      %swap3A_157 = vector.shape_cast %swap3A_156 : vector<1x16xf32> to vector<16xf32>
      %swap3A_158 = vector.shape_cast %add3A_153 : vector<16xf32> to vector<1x16xf32>
      tpu.vector_store %arg9[%swap3A_154, %swap3A_155], %swap3A_158 {strides = array<i32>} : memref<16x768xf32, #tpu.memory_space<vmem>>, vector<1x16xf32>,
      %get3A_159 = arith.index_cast %scan3A_62 : i32 to index
      %get3A_160 = arith.constant 112 : index
      %get3A_161 = tpu.vector_load %arg9[%get3A_159, %get3A_160] {strides = array<i32>} : memref<16x768xf32, #tpu.memory_space<vmem>>, vector<1x16xf32>,
      %get3A_162 = vector.shape_cast %get3A_161 : vector<1x16xf32> to vector<16xf32>
      %get3A_163 = arith.index_cast %scan3A_62 : i32 to index
      %get3A_164 = arith.constant 112 : index
      %get3A_165 = tpu.vector_load %arg10[%get3A_163, %get3A_164] {strides = array<i32>} : memref<16x768xf32, #tpu.memory_space<vmem>>, vector<1x16xf32>,
      %get3A_166 = vector.shape_cast %get3A_165 : vector<1x16xf32> to vector<16xf32>
      %add3A_167 = arith.addf %get3A_162, %get3A_166 : vector<16xf32>
      %swap3A_168 = arith.index_cast %scan3A_62 : i32 to index
      %swap3A_169 = arith.constant 112 : index
      %swap3A_170 = tpu.vector_load %arg9[%swap3A_168, %swap3A_169] {strides = array<i32>} : memref<16x768xf32, #tpu.memory_space<vmem>>, vector<1x16xf32>,
      %swap3A_171 = vector.shape_cast %swap3A_170 : vector<1x16xf32> to vector<16xf32>
      %swap3A_172 = vector.shape_cast %add3A_167 : vector<16xf32> to vector<1x16xf32>
      tpu.vector_store %arg9[%swap3A_168, %swap3A_169], %swap3A_172 {strides = array<i32>} : memref<16x768xf32, #tpu.memory_space<vmem>>, vector<1x16xf32>,
      %get3A_173 = arith.index_cast %scan3A_62 : i32 to index
      %get3A_174 = arith.constant 128 : index
      %get3A_175 = tpu.vector_load %arg9[%get3A_173, %get3A_174] {strides = array<i32>} : memref<16x768xf32, #tpu.memory_space<vmem>>, vector<1x16xf32>,
      %get3A_176 = vector.shape_cast %get3A_175 : vector<1x16xf32> to vector<16xf32>
      %get3A_177 = arith.index_cast %scan3A_62 : i32 to index
      %get3A_178 = arith.constant 128 : index
      %get3A_179 = tpu.vector_load %arg10[%get3A_177, %get3A_178] {strides = array<i32>} : memref<16x768xf32, #tpu.memory_space<vmem>>, vector<1x16xf32>,
      %get3A_180 = vector.shape_cast %get3A_179 : vector<1x16xf32> to vector<16xf32>
      %add3A_181 = arith.addf %get3A_176, %get3A_180 : vector<16xf32>
      %swap3A_182 = arith.index_cast %scan3A_62 : i32 to index
      %swap3A_183 = arith.constant 128 : index
      %swap3A_184 = tpu.vector_load %arg9[%swap3A_182, %swap3A_183] {strides = array<i32>} : memref<16x768xf32, #tpu.memory_space<vmem>>, vector<1x16xf32>,
      %swap3A_185 = vector.shape_cast %swap3A_184 : vector<1x16xf32> to vector<16xf32>
      %swap3A_186 = vector.shape_cast %add3A_181 : vector<16xf32> to vector<1x16xf32>
      tpu.vector_store %arg9[%swap3A_182, %swap3A_183], %swap3A_186 {strides = array<i32>} : memref<16x768xf32, #tpu.memory_space<vmem>>, vector<1x16xf32>,
      %get3A_187 = arith.index_cast %scan3A_62 : i32 to index
      %get3A_188 = arith.constant 144 : index
      %get3A_189 = tpu.vector_load %arg9[%get3A_187, %get3A_188] {strides = array<i32>} : memref<16x768xf32, #tpu.memory_space<vmem>>, vector<1x16xf32>,
      %get3A_190 = vector.shape_cast %get3A_189 : vector<1x16xf32> to vector<16xf32>
      %get3A_191 = arith.index_cast %scan3A_62 : i32 to index
      %get3A_192 = arith.constant 144 : index
      %get3A_193 = tpu.vector_load %arg10[%get3A_191, %get3A_192] {strides = array<i32>} : memref<16x768xf32, #tpu.memory_space<vmem>>, vector<1x16xf32>,
      %get3A_194 = vector.shape_cast %get3A_193 : vector<1x16xf32> to vector<16xf32>
      %add3A_195 = arith.addf %get3A_190, %get3A_194 : vector<16xf32>
      %swap3A_196 = arith.index_cast %scan3A_62 : i32 to index
      %swap3A_197 = arith.constant 144 : index
      %swap3A_198 = tpu.vector_load %arg9[%swap3A_196, %swap3A_197] {strides = array<i32>} : memref<16x768xf32, #tpu.memory_space<vmem>>, vector<1x16xf32>,
      %swap3A_199 = vector.shape_cast %swap3A_198 : vector<1x16xf32> to vector<16xf32>
      %swap3A_200 = vector.shape_cast %add3A_195 : vector<16xf32> to vector<1x16xf32>
      tpu.vector_store %arg9[%swap3A_196, %swap3A_197], %swap3A_200 {strides = array<i32>} : memref<16x768xf32, #tpu.memory_space<vmem>>, vector<1x16xf32>,
      %get3A_201 = arith.index_cast %scan3A_62 : i32 to index
      %get3A_202 = arith.constant 160 : index
      %get3A_203 = tpu.vector_load %arg9[%get3A_201, %get3A_202] {strides = array<i32>} : memref<16x768xf32, #tpu.memory_space<vmem>>, vector<1x16xf32>,
      %get3A_204 = vector.shape_cast %get3A_203 : vector<1x16xf32> to vector<16xf32>
      %get3A_205 = arith.index_cast %scan3A_62 : i32 to index
      %get3A_206 = arith.constant 160 : index
      %get3A_207 = tpu.vector_load %arg10[%get3A_205, %get3A_206] {strides = array<i32>} : memref<16x768xf32, #tpu.memory_space<vmem>>, vector<1x16xf32>,
      %get3A_208 = vector.shape_cast %get3A_207 : vector<1x16xf32> to vector<16xf32>
      %add3A_209 = arith.addf %get3A_204, %get3A_208 : vector<16xf32>
      %swap3A_210 = arith.index_cast %scan3A_62 : i32 to index
      %swap3A_211 = arith.constant 160 : index
      %swap3A_212 = tpu.vector_load %arg9[%swap3A_210, %swap3A_211] {strides = array<i32>} : memref<16x768xf32, #tpu.memory_space<vmem>>, vector<1x16xf32>,
      %swap3A_213 = vector.shape_cast %swap3A_212 : vector<1x16xf32> to vector<16xf32>
      %swap3A_214 = vector.shape_cast %add3A_209 : vector<16xf32> to vector<1x16xf32>
      tpu.vector_store %arg9[%swap3A_210, %swap3A_211], %swap3A_214 {strides = array<i32>} : memref<16x768xf32, #tpu.memory_space<vmem>>, vector<1x16xf32>,
      %get3A_215 = arith.index_cast %scan3A_62 : i32 to index
      %get3A_216 = arith.constant 176 : index
      %get3A_217 = tpu.vector_load %arg9[%get3A_215, %get3A_216] {strides = array<i32>} : memref<16x768xf32, #tpu.memory_space<vmem>>, vector<1x16xf32>,
      %get3A_218 = vector.shape_cast %get3A_217 : vector<1x16xf32> to vector<16xf32>
      %get3A_219 = arith.index_cast %scan3A_62 : i32 to index
      %get3A_220 = arith.constant 176 : index
      %get3A_221 = tpu.vector_load %arg10[%get3A_219, %get3A_220] {strides = array<i32>} : memref<16x768xf32, #tpu.memory_space<vmem>>, vector<1x16xf32>,
      %get3A_222 = vector.shape_cast %get3A_221 : vector<1x16xf32> to vector<16xf32>
      %add3A_223 = arith.addf %get3A_218, %get3A_222 : vector<16xf32>
      %swap3A_224 = arith.index_cast %scan3A_62 : i32 to index
      %swap3A_225 = arith.constant 176 : index
      %swap3A_226 = tpu.vector_load %arg9[%swap3A_224, %swap3A_225] {strides = array<i32>} : memref<16x768xf32, #tpu.memory_space<vmem>>, vector<1x16xf32>,
      %swap3A_227 = vector.shape_cast %swap3A_226 : vector<1x16xf32> to vector<16xf32>
      %swap3A_228 = vector.shape_cast %add3A_223 : vector<16xf32> to vector<1x16xf32>
      tpu.vector_store %arg9[%swap3A_224, %swap3A_225], %swap3A_228 {strides = array<i32>} : memref<16x768xf32, #tpu.memory_space<vmem>>, vector<1x16xf32>,
      %get3A_229 = arith.index_cast %scan3A_62 : i32 to index
      %get3A_230 = arith.constant 192 : index
      %get3A_231 = tpu.vector_load %arg9[%get3A_229, %get3A_230] {strides = array<i32>} : memref<16x768xf32, #tpu.memory_space<vmem>>, vector<1x16xf32>,
      %get3A_232 = vector.shape_cast %get3A_231 : vector<1x16xf32> to vector<16xf32>
      %get3A_233 = arith.index_cast %scan3A_62 : i32 to index
      %get3A_234 = arith.constant 192 : index
      %get3A_235 = tpu.vector_load %arg10[%get3A_233, %get3A_234] {strides = array<i32>} : memref<16x768xf32, #tpu.memory_space<vmem>>, vector<1x16xf32>,
      %get3A_236 = vector.shape_cast %get3A_235 : vector<1x16xf32> to vector<16xf32>
      %add3A_237 = arith.addf %get3A_232, %get3A_236 : vector<16xf32>
      %swap3A_238 = arith.index_cast %scan3A_62 : i32 to index
      %swap3A_239 = arith.constant 192 : index
      %swap3A_240 = tpu.vector_load %arg9[%swap3A_238, %swap3A_239] {strides = array<i32>} : memref<16x768xf32, #tpu.memory_space<vmem>>, vector<1x16xf32>,
      %swap3A_241 = vector.shape_cast %swap3A_240 : vector<1x16xf32> to vector<16xf32>
      %swap3A_242 = vector.shape_cast %add3A_237 : vector<16xf32> to vector<1x16xf32>
      tpu.vector_store %arg9[%swap3A_238, %swap3A_239], %swap3A_242 {strides = array<i32>} : memref<16x768xf32, #tpu.memory_space<vmem>>, vector<1x16xf32>,
      %get3A_243 = arith.index_cast %scan3A_62 : i32 to index
      %get3A_244 = arith.constant 208 : index
      %get3A_245 = tpu.vector_load %arg9[%get3A_243, %get3A_244] {strides = array<i32>} : memref<16x768xf32, #tpu.memory_space<vmem>>, vector<1x16xf32>,
      %get3A_246 = vector.shape_cast %get3A_245 : vector<1x16xf32> to vector<16xf32>
      %get3A_247 = arith.index_cast %scan3A_62 : i32 to index
      %get3A_248 = arith.constant 208 : index
      %get3A_249 = tpu.vector_load %arg10[%get3A_247, %get3A_248] {strides = array<i32>} : memref<16x768xf32, #tpu.memory_space<vmem>>, vector<1x16xf32>,
      %get3A_250 = vector.shape_cast %get3A_249 : vector<1x16xf32> to vector<16xf32>
      %add3A_251 = arith.addf %get3A_246, %get3A_250 : vector<16xf32>
      %swap3A_252 = arith.index_cast %scan3A_62 : i32 to index
      %swap3A_253 = arith.constant 208 : index
      %swap3A_254 = tpu.vector_load %arg9[%swap3A_252, %swap3A_253] {strides = array<i32>} : memref<16x768xf32, #tpu.memory_space<vmem>>, vector<1x16xf32>,
      %swap3A_255 = vector.shape_cast %swap3A_254 : vector<1x16xf32> to vector<16xf32>
      %swap3A_256 = vector.shape_cast %add3A_251 : vector<16xf32> to vector<1x16xf32>
      tpu.vector_store %arg9[%swap3A_252, %swap3A_253], %swap3A_256 {strides = array<i32>} : memref<16x768xf32, #tpu.memory_space<vmem>>, vector<1x16xf32>,
      %get3A_257 = arith.index_cast %scan3A_62 : i32 to index
      %get3A_258 = arith.constant 224 : index
      %get3A_259 = tpu.vector_load %arg9[%get3A_257, %get3A_258] {strides = array<i32>} : memref<16x768xf32, #tpu.memory_space<vmem>>, vector<1x16xf32>,
      %get3A_260 = vector.shape_cast %get3A_259 : vector<1x16xf32> to vector<16xf32>
      %get3A_261 = arith.index_cast %scan3A_62 : i32 to index
      %get3A_262 = arith.constant 224 : index
      %get3A_263 = tpu.vector_load %arg10[%get3A_261, %get3A_262] {strides = array<i32>} : memref<16x768xf32, #tpu.memory_space<vmem>>, vector<1x16xf32>,
      %get3A_264 = vector.shape_cast %get3A_263 : vector<1x16xf32> to vector<16xf32>
      %add3A_265 = arith.addf %get3A_260, %get3A_264 : vector<16xf32>
      %swap3A_266 = arith.index_cast %scan3A_62 : i32 to index
      %swap3A_267 = arith.constant 224 : index
      %swap3A_268 = tpu.vector_load %arg9[%swap3A_266, %swap3A_267] {strides = array<i32>} : memref<16x768xf32, #tpu.memory_space<vmem>>, vector<1x16xf32>,
      %swap3A_269 = vector.shape_cast %swap3A_268 : vector<1x16xf32> to vector<16xf32>
      %swap3A_270 = vector.shape_cast %add3A_265 : vector<16xf32> to vector<1x16xf32>
      tpu.vector_store %arg9[%swap3A_266, %swap3A_267], %swap3A_270 {strides = array<i32>} : memref<16x768xf32, #tpu.memory_space<vmem>>, vector<1x16xf32>,
      %get3A_271 = arith.index_cast %scan3A_62 : i32 to index
      %get3A_272 = arith.constant 240 : index
      %get3A_273 = tpu.vector_load %arg9[%get3A_271, %get3A_272] {strides = array<i32>} : memref<16x768xf32, #tpu.memory_space<vmem>>, vector<1x16xf32>,
      %get3A_274 = vector.shape_cast %get3A_273 : vector<1x16xf32> to vector<16xf32>
      %get3A_275 = arith.index_cast %scan3A_62 : i32 to index
      %get3A_276 = arith.constant 240 : index
      %get3A_277 = tpu.vector_load %arg10[%get3A_275, %get3A_276] {strides = array<i32>} : memref<16x768xf32, #tpu.memory_space<vmem>>, vector<1x16xf32>,
      %get3A_278 = vector.shape_cast %get3A_277 : vector<1x16xf32> to vector<16xf32>
      %add3A_279 = arith.addf %get3A_274, %get3A_278 : vector<16xf32>
      %swap3A_280 = arith.index_cast %scan3A_62 : i32 to index
      %swap3A_281 = arith.constant 240 : index
      %swap3A_282 = tpu.vector_load %arg9[%swap3A_280, %swap3A_281] {strides = array<i32>} : memref<16x768xf32, #tpu.memory_space<vmem>>, vector<1x16xf32>,
      %swap3A_283 = vector.shape_cast %swap3A_282 : vector<1x16xf32> to vector<16xf32>
      %swap3A_284 = vector.shape_cast %add3A_279 : vector<16xf32> to vector<1x16xf32>
      tpu.vector_store %arg9[%swap3A_280, %swap3A_281], %swap3A_284 {strides = array<i32>} : memref<16x768xf32, #tpu.memory_space<vmem>>, vector<1x16xf32>,
      %get3A_285 = arith.index_cast %scan3A_62 : i32 to index
      %get3A_286 = arith.constant 256 : index
      %get3A_287 = tpu.vector_load %arg9[%get3A_285, %get3A_286] {strides = array<i32>} : memref<16x768xf32, #tpu.memory_space<vmem>>, vector<1x16xf32>,
      %get3A_288 = vector.shape_cast %get3A_287 : vector<1x16xf32> to vector<16xf32>
      %get3A_289 = arith.index_cast %scan3A_62 : i32 to index
      %get3A_290 = arith.constant 256 : index
      %get3A_291 = tpu.vector_load %arg10[%get3A_289, %get3A_290] {strides = array<i32>} : memref<16x768xf32, #tpu.memory_space<vmem>>, vector<1x16xf32>,
      %get3A_292 = vector.shape_cast %get3A_291 : vector<1x16xf32> to vector<16xf32>
      %add3A_293 = arith.addf %get3A_288, %get3A_292 : vector<16xf32>
      %swap3A_294 = arith.index_cast %scan3A_62 : i32 to index
      %swap3A_295 = arith.constant 256 : index
      %swap3A_296 = tpu.vector_load %arg9[%swap3A_294, %swap3A_295] {strides = array<i32>} : memref<16x768xf32, #tpu.memory_space<vmem>>, vector<1x16xf32>,
      %swap3A_297 = vector.shape_cast %swap3A_296 : vector<1x16xf32> to vector<16xf32>
      %swap3A_298 = vector.shape_cast %add3A_293 : vector<16xf32> to vector<1x16xf32>
      tpu.vector_store %arg9[%swap3A_294, %swap3A_295], %swap3A_298 {strides = array<i32>} : memref<16x768xf32, #tpu.memory_space<vmem>>, vector<1x16xf32>,
      %get3A_299 = arith.index_cast %scan3A_62 : i32 to index
      %get3A_300 = arith.constant 272 : index
      %get3A_301 = tpu.vector_load %arg9[%get3A_299, %get3A_300] {strides = array<i32>} : memref<16x768xf32, #tpu.memory_space<vmem>>, vector<1x16xf32>,
      %get3A_302 = vector.shape_cast %get3A_301 : vector<1x16xf32> to vector<16xf32>
      %get3A_303 = arith.index_cast %scan3A_62 : i32 to index
      %get3A_304 = arith.constant 272 : index
      %get3A_305 = tpu.vector_load %arg10[%get3A_303, %get3A_304] {strides = array<i32>} : memref<16x768xf32, #tpu.memory_space<vmem>>, vector<1x16xf32>,
      %get3A_306 = vector.shape_cast %get3A_305 : vector<1x16xf32> to vector<16xf32>
      %add3A_307 = arith.addf %get3A_302, %get3A_306 : vector<16xf32>
      %swap3A_308 = arith.index_cast %scan3A_62 : i32 to index
      %swap3A_309 = arith.constant 272 : index
      %swap3A_310 = tpu.vector_load %arg9[%swap3A_308, %swap3A_309] {strides = array<i32>} : memref<16x768xf32, #tpu.memory_space<vmem>>, vector<1x16xf32>,
      %swap3A_311 = vector.shape_cast %swap3A_310 : vector<1x16xf32> to vector<16xf32>
      %swap3A_312 = vector.shape_cast %add3A_307 : vector<16xf32> to vector<1x16xf32>
      tpu.vector_store %arg9[%swap3A_308, %swap3A_309], %swap3A_312 {strides = array<i32>} : memref<16x768xf32, #tpu.memory_space<vmem>>, vector<1x16xf32>,
      %get3A_313 = arith.index_cast %scan3A_62 : i32 to index
      %get3A_314 = arith.constant 288 : index
      %get3A_315 = tpu.vector_load %arg9[%get3A_313, %get3A_314] {strides = array<i32>} : memref<16x768xf32, #tpu.memory_space<vmem>>, vector<1x16xf32>,
      %get3A_316 = vector.shape_cast %get3A_315 : vector<1x16xf32> to vector<16xf32>
      %get3A_317 = arith.index_cast %scan3A_62 : i32 to index
      %get3A_318 = arith.constant 288 : index
      %get3A_319 = tpu.vector_load %arg10[%get3A_317, %get3A_318] {strides = array<i32>} : memref<16x768xf32, #tpu.memory_space<vmem>>, vector<1x16xf32>,
      %get3A_320 = vector.shape_cast %get3A_319 : vector<1x16xf32> to vector<16xf32>
      %add3A_321 = arith.addf %get3A_316, %get3A_320 : vector<16xf32>
      %swap3A_322 = arith.index_cast %scan3A_62 : i32 to index
      %swap3A_323 = arith.constant 288 : index
      %swap3A_324 = tpu.vector_load %arg9[%swap3A_322, %swap3A_323] {strides = array<i32>} : memref<16x768xf32, #tpu.memory_space<vmem>>, vector<1x16xf32>,
      %swap3A_325 = vector.shape_cast %swap3A_324 : vector<1x16xf32> to vector<16xf32>
      %swap3A_326 = vector.shape_cast %add3A_321 : vector<16xf32> to vector<1x16xf32>
      tpu.vector_store %arg9[%swap3A_322, %swap3A_323], %swap3A_326 {strides = array<i32>} : memref<16x768xf32, #tpu.memory_space<vmem>>, vector<1x16xf32>,
      %get3A_327 = arith.index_cast %scan3A_62 : i32 to index
      %get3A_328 = arith.constant 304 : index
      %get3A_329 = tpu.vector_load %arg9[%get3A_327, %get3A_328] {strides = array<i32>} : memref<16x768xf32, #tpu.memory_space<vmem>>, vector<1x16xf32>,
      %get3A_330 = vector.shape_cast %get3A_329 : vector<1x16xf32> to vector<16xf32>
      %get3A_331 = arith.index_cast %scan3A_62 : i32 to index
      %get3A_332 = arith.constant 304 : index
      %get3A_333 = tpu.vector_load %arg10[%get3A_331, %get3A_332] {strides = array<i32>} : memref<16x768xf32, #tpu.memory_space<vmem>>, vector<1x16xf32>,
      %get3A_334 = vector.shape_cast %get3A_333 : vector<1x16xf32> to vector<16xf32>
      %add3A_335 = arith.addf %get3A_330, %get3A_334 : vector<16xf32>
      %swap3A_336 = arith.index_cast %scan3A_62 : i32 to index
      %swap3A_337 = arith.constant 304 : index
      %swap3A_338 = tpu.vector_load %arg9[%swap3A_336, %swap3A_337] {strides = array<i32>} : memref<16x768xf32, #tpu.memory_space<vmem>>, vector<1x16xf32>,
      %swap3A_339 = vector.shape_cast %swap3A_338 : vector<1x16xf32> to vector<16xf32>
      %swap3A_340 = vector.shape_cast %add3A_335 : vector<16xf32> to vector<1x16xf32>
      tpu.vector_store %arg9[%swap3A_336, %swap3A_337], %swap3A_340 {strides = array<i32>} : memref<16x768xf32, #tpu.memory_space<vmem>>, vector<1x16xf32>,
      %get3A_341 = arith.index_cast %scan3A_62 : i32 to index
      %get3A_342 = arith.constant 320 : index
      %get3A_343 = tpu.vector_load %arg9[%get3A_341, %get3A_342] {strides = array<i32>} : memref<16x768xf32, #tpu.memory_space<vmem>>, vector<1x16xf32>,
      %get3A_344 = vector.shape_cast %get3A_343 : vector<1x16xf32> to vector<16xf32>
      %get3A_345 = arith.index_cast %scan3A_62 : i32 to index
      %get3A_346 = arith.constant 320 : index
      %get3A_347 = tpu.vector_load %arg10[%get3A_345, %get3A_346] {strides = array<i32>} : memref<16x768xf32, #tpu.memory_space<vmem>>, vector<1x16xf32>,
      %get3A_348 = vector.shape_cast %get3A_347 : vector<1x16xf32> to vector<16xf32>
      %add3A_349 = arith.addf %get3A_344, %get3A_348 : vector<16xf32>
      %swap3A_350 = arith.index_cast %scan3A_62 : i32 to index
      %swap3A_351 = arith.constant 320 : index
      %swap3A_352 = tpu.vector_load %arg9[%swap3A_350, %swap3A_351] {strides = array<i32>} : memref<16x768xf32, #tpu.memory_space<vmem>>, vector<1x16xf32>,
      %swap3A_353 = vector.shape_cast %swap3A_352 : vector<1x16xf32> to vector<16xf32>
      %swap3A_354 = vector.shape_cast %add3A_349 : vector<16xf32> to vector<1x16xf32>
      tpu.vector_store %arg9[%swap3A_350, %swap3A_351], %swap3A_354 {strides = array<i32>} : memref<16x768xf32, #tpu.memory_space<vmem>>, vector<1x16xf32>,
      %get3A_355 = arith.index_cast %scan3A_62 : i32 to index
      %get3A_356 = arith.constant 336 : index
      %get3A_357 = tpu.vector_load %arg9[%get3A_355, %get3A_356] {strides = array<i32>} : memref<16x768xf32, #tpu.memory_space<vmem>>, vector<1x16xf32>,
      %get3A_358 = vector.shape_cast %get3A_357 : vector<1x16xf32> to vector<16xf32>
      %get3A_359 = arith.index_cast %scan3A_62 : i32 to index
      %get3A_360 = arith.constant 336 : index
      %get3A_361 = tpu.vector_load %arg10[%get3A_359, %get3A_360] {strides = array<i32>} : memref<16x768xf32, #tpu.memory_space<vmem>>, vector<1x16xf32>,
      %get3A_362 = vector.shape_cast %get3A_361 : vector<1x16xf32> to vector<16xf32>
      %add3A_363 = arith.addf %get3A_358, %get3A_362 : vector<16xf32>
      %swap3A_364 = arith.index_cast %scan3A_62 : i32 to index
      %swap3A_365 = arith.constant 336 : index
      %swap3A_366 = tpu.vector_load %arg9[%swap3A_364, %swap3A_365] {strides = array<i32>} : memref<16x768xf32, #tpu.memory_space<vmem>>, vector<1x16xf32>,
      %swap3A_367 = vector.shape_cast %swap3A_366 : vector<1x16xf32> to vector<16xf32>
      %swap3A_368 = vector.shape_cast %add3A_363 : vector<16xf32> to vector<1x16xf32>
      tpu.vector_store %arg9[%swap3A_364, %swap3A_365], %swap3A_368 {strides = array<i32>} : memref<16x768xf32, #tpu.memory_space<vmem>>, vector<1x16xf32>,
      %get3A_369 = arith.index_cast %scan3A_62 : i32 to index
      %get3A_370 = arith.constant 352 : index
      %get3A_371 = tpu.vector_load %arg9[%get3A_369, %get3A_370] {strides = array<i32>} : memref<16x768xf32, #tpu.memory_space<vmem>>, vector<1x16xf32>,
      %get3A_372 = vector.shape_cast %get3A_371 : vector<1x16xf32> to vector<16xf32>
      %get3A_373 = arith.index_cast %scan3A_62 : i32 to index
      %get3A_374 = arith.constant 352 : index
      %get3A_375 = tpu.vector_load %arg10[%get3A_373, %get3A_374] {strides = array<i32>} : memref<16x768xf32, #tpu.memory_space<vmem>>, vector<1x16xf32>,
      %get3A_376 = vector.shape_cast %get3A_375 : vector<1x16xf32> to vector<16xf32>
      %add3A_377 = arith.addf %get3A_372, %get3A_376 : vector<16xf32>
      %swap3A_378 = arith.index_cast %scan3A_62 : i32 to index
      %swap3A_379 = arith.constant 352 : index
      %swap3A_380 = tpu.vector_load %arg9[%swap3A_378, %swap3A_379] {strides = array<i32>} : memref<16x768xf32, #tpu.memory_space<vmem>>, vector<1x16xf32>,
      %swap3A_381 = vector.shape_cast %swap3A_380 : vector<1x16xf32> to vector<16xf32>
      %swap3A_382 = vector.shape_cast %add3A_377 : vector<16xf32> to vector<1x16xf32>
      tpu.vector_store %arg9[%swap3A_378, %swap3A_379], %swap3A_382 {strides = array<i32>} : memref<16x768xf32, #tpu.memory_space<vmem>>, vector<1x16xf32>,
      %get3A_383 = arith.index_cast %scan3A_62 : i32 to index
      %get3A_384 = arith.constant 368 : index
      %get3A_385 = tpu.vector_load %arg9[%get3A_383, %get3A_384] {strides = array<i32>} : memref<16x768xf32, #tpu.memory_space<vmem>>, vector<1x16xf32>,
      %get3A_386 = vector.shape_cast %get3A_385 : vector<1x16xf32> to vector<16xf32>
      %get3A_387 = arith.index_cast %scan3A_62 : i32 to index
      %get3A_388 = arith.constant 368 : index
      %get3A_389 = tpu.vector_load %arg10[%get3A_387, %get3A_388] {strides = array<i32>} : memref<16x768xf32, #tpu.memory_space<vmem>>, vector<1x16xf32>,
      %get3A_390 = vector.shape_cast %get3A_389 : vector<1x16xf32> to vector<16xf32>
      %add3A_391 = arith.addf %get3A_386, %get3A_390 : vector<16xf32>
      %swap3A_392 = arith.index_cast %scan3A_62 : i32 to index
      %swap3A_393 = arith.constant 368 : index
      %swap3A_394 = tpu.vector_load %arg9[%swap3A_392, %swap3A_393] {strides = array<i32>} : memref<16x768xf32, #tpu.memory_space<vmem>>, vector<1x16xf32>,
      %swap3A_395 = vector.shape_cast %swap3A_394 : vector<1x16xf32> to vector<16xf32>
      %swap3A_396 = vector.shape_cast %add3A_391 : vector<16xf32> to vector<1x16xf32>
      tpu.vector_store %arg9[%swap3A_392, %swap3A_393], %swap3A_396 {strides = array<i32>} : memref<16x768xf32, #tpu.memory_space<vmem>>, vector<1x16xf32>,
      %get3A_397 = arith.index_cast %scan3A_62 : i32 to index
      %get3A_398 = arith.constant 384 : index
      %get3A_399 = tpu.vector_load %arg9[%get3A_397, %get3A_398] {strides = array<i32>} : memref<16x768xf32, #tpu.memory_space<vmem>>, vector<1x16xf32>,
      %get3A_400 = vector.shape_cast %get3A_399 : vector<1x16xf32> to vector<16xf32>
      %get3A_401 = arith.index_cast %scan3A_62 : i32 to index
      %get3A_402 = arith.constant 384 : index
      %get3A_403 = tpu.vector_load %arg10[%get3A_401, %get3A_402] {strides = array<i32>} : memref<16x768xf32, #tpu.memory_space<vmem>>, vector<1x16xf32>,
      %get3A_404 = vector.shape_cast %get3A_403 : vector<1x16xf32> to vector<16xf32>
      %add3A_405 = arith.addf %get3A_400, %get3A_404 : vector<16xf32>
      %swap3A_406 = arith.index_cast %scan3A_62 : i32 to index
      %swap3A_407 = arith.constant 384 : index
      %swap3A_408 = tpu.vector_load %arg9[%swap3A_406, %swap3A_407] {strides = array<i32>} : memref<16x768xf32, #tpu.memory_space<vmem>>, vector<1x16xf32>,
      %swap3A_409 = vector.shape_cast %swap3A_408 : vector<1x16xf32> to vector<16xf32>
      %swap3A_410 = vector.shape_cast %add3A_405 : vector<16xf32> to vector<1x16xf32>
      tpu.vector_store %arg9[%swap3A_406, %swap3A_407], %swap3A_410 {strides = array<i32>} : memref<16x768xf32, #tpu.memory_space<vmem>>, vector<1x16xf32>,
      %get3A_411 = arith.index_cast %scan3A_62 : i32 to index
      %get3A_412 = arith.constant 400 : index
      %get3A_413 = tpu.vector_load %arg9[%get3A_411, %get3A_412] {strides = array<i32>} : memref<16x768xf32, #tpu.memory_space<vmem>>, vector<1x16xf32>,
      %get3A_414 = vector.shape_cast %get3A_413 : vector<1x16xf32> to vector<16xf32>
      %get3A_415 = arith.index_cast %scan3A_62 : i32 to index
      %get3A_416 = arith.constant 400 : index
      %get3A_417 = tpu.vector_load %arg10[%get3A_415, %get3A_416] {strides = array<i32>} : memref<16x768xf32, #tpu.memory_space<vmem>>, vector<1x16xf32>,
      %get3A_418 = vector.shape_cast %get3A_417 : vector<1x16xf32> to vector<16xf32>
      %add3A_419 = arith.addf %get3A_414, %get3A_418 : vector<16xf32>
      %swap3A_420 = arith.index_cast %scan3A_62 : i32 to index
      %swap3A_421 = arith.constant 400 : index
      %swap3A_422 = tpu.vector_load %arg9[%swap3A_420, %swap3A_421] {strides = array<i32>} : memref<16x768xf32, #tpu.memory_space<vmem>>, vector<1x16xf32>,
      %swap3A_423 = vector.shape_cast %swap3A_422 : vector<1x16xf32> to vector<16xf32>
      %swap3A_424 = vector.shape_cast %add3A_419 : vector<16xf32> to vector<1x16xf32>
      tpu.vector_store %arg9[%swap3A_420, %swap3A_421], %swap3A_424 {strides = array<i32>} : memref<16x768xf32, #tpu.memory_space<vmem>>, vector<1x16xf32>,
      %get3A_425 = arith.index_cast %scan3A_62 : i32 to index
      %get3A_426 = arith.constant 416 : index
      %get3A_427 = tpu.vector_load %arg9[%get3A_425, %get3A_426] {strides = array<i32>} : memref<16x768xf32, #tpu.memory_space<vmem>>, vector<1x16xf32>,
      %get3A_428 = vector.shape_cast %get3A_427 : vector<1x16xf32> to vector<16xf32>
      %get3A_429 = arith.index_cast %scan3A_62 : i32 to index
      %get3A_430 = arith.constant 416 : index
      %get3A_431 = tpu.vector_load %arg10[%get3A_429, %get3A_430] {strides = array<i32>} : memref<16x768xf32, #tpu.memory_space<vmem>>, vector<1x16xf32>,
      %get3A_432 = vector.shape_cast %get3A_431 : vector<1x16xf32> to vector<16xf32>
      %add3A_433 = arith.addf %get3A_428, %get3A_432 : vector<16xf32>
      %swap3A_434 = arith.index_cast %scan3A_62 : i32 to index
      %swap3A_435 = arith.constant 416 : index
      %swap3A_436 = tpu.vector_load %arg9[%swap3A_434, %swap3A_435] {strides = array<i32>} : memref<16x768xf32, #tpu.memory_space<vmem>>, vector<1x16xf32>,
      %swap3A_437 = vector.shape_cast %swap3A_436 : vector<1x16xf32> to vector<16xf32>
      %swap3A_438 = vector.shape_cast %add3A_433 : vector<16xf32> to vector<1x16xf32>
      tpu.vector_store %arg9[%swap3A_434, %swap3A_435], %swap3A_438 {strides = array<i32>} : memref<16x768xf32, #tpu.memory_space<vmem>>, vector<1x16xf32>,
      %get3A_439 = arith.index_cast %scan3A_62 : i32 to index
      %get3A_440 = arith.constant 432 : index
      %get3A_441 = tpu.vector_load %arg9[%get3A_439, %get3A_440] {strides = array<i32>} : memref<16x768xf32, #tpu.memory_space<vmem>>, vector<1x16xf32>,
      %get3A_442 = vector.shape_cast %get3A_441 : vector<1x16xf32> to vector<16xf32>
      %get3A_443 = arith.index_cast %scan3A_62 : i32 to index
      %get3A_444 = arith.constant 432 : index
      %get3A_445 = tpu.vector_load %arg10[%get3A_443, %get3A_444] {strides = array<i32>} : memref<16x768xf32, #tpu.memory_space<vmem>>, vector<1x16xf32>,
      %get3A_446 = vector.shape_cast %get3A_445 : vector<1x16xf32> to vector<16xf32>
      %add3A_447 = arith.addf %get3A_442, %get3A_446 : vector<16xf32>
      %swap3A_448 = arith.index_cast %scan3A_62 : i32 to index
      %swap3A_449 = arith.constant 432 : index
      %swap3A_450 = tpu.vector_load %arg9[%swap3A_448, %swap3A_449] {strides = array<i32>} : memref<16x768xf32, #tpu.memory_space<vmem>>, vector<1x16xf32>,
      %swap3A_451 = vector.shape_cast %swap3A_450 : vector<1x16xf32> to vector<16xf32>
      %swap3A_452 = vector.shape_cast %add3A_447 : vector<16xf32> to vector<1x16xf32>
      tpu.vector_store %arg9[%swap3A_448, %swap3A_449], %swap3A_452 {strides = array<i32>} : memref<16x768xf32, #tpu.memory_space<vmem>>, vector<1x16xf32>,
      %get3A_453 = arith.index_cast %scan3A_62 : i32 to index
      %get3A_454 = arith.constant 448 : index
      %get3A_455 = tpu.vector_load %arg9[%get3A_453, %get3A_454] {strides = array<i32>} : memref<16x768xf32, #tpu.memory_space<vmem>>, vector<1x16xf32>,
      %get3A_456 = vector.shape_cast %get3A_455 : vector<1x16xf32> to vector<16xf32>
      %get3A_457 = arith.index_cast %scan3A_62 : i32 to index
      %get3A_458 = arith.constant 448 : index
      %get3A_459 = tpu.vector_load %arg10[%get3A_457, %get3A_458] {strides = array<i32>} : memref<16x768xf32, #tpu.memory_space<vmem>>, vector<1x16xf32>,
      %get3A_460 = vector.shape_cast %get3A_459 : vector<1x16xf32> to vector<16xf32>
      %add3A_461 = arith.addf %get3A_456, %get3A_460 : vector<16xf32>
      %swap3A_462 = arith.index_cast %scan3A_62 : i32 to index
      %swap3A_463 = arith.constant 448 : index
      %swap3A_464 = tpu.vector_load %arg9[%swap3A_462, %swap3A_463] {strides = array<i32>} : memref<16x768xf32, #tpu.memory_space<vmem>>, vector<1x16xf32>,
      %swap3A_465 = vector.shape_cast %swap3A_464 : vector<1x16xf32> to vector<16xf32>
      %swap3A_466 = vector.shape_cast %add3A_461 : vector<16xf32> to vector<1x16xf32>
      tpu.vector_store %arg9[%swap3A_462, %swap3A_463], %swap3A_466 {strides = array<i32>} : memref<16x768xf32, #tpu.memory_space<vmem>>, vector<1x16xf32>,
      %get3A_467 = arith.index_cast %scan3A_62 : i32 to index
      %get3A_468 = arith.constant 464 : index
      %get3A_469 = tpu.vector_load %arg9[%get3A_467, %get3A_468] {strides = array<i32>} : memref<16x768xf32, #tpu.memory_space<vmem>>, vector<1x16xf32>,
      %get3A_470 = vector.shape_cast %get3A_469 : vector<1x16xf32> to vector<16xf32>
      %get3A_471 = arith.index_cast %scan3A_62 : i32 to index
      %get3A_472 = arith.constant 464 : index
      %get3A_473 = tpu.vector_load %arg10[%get3A_471, %get3A_472] {strides = array<i32>} : memref<16x768xf32, #tpu.memory_space<vmem>>, vector<1x16xf32>,
      %get3A_474 = vector.shape_cast %get3A_473 : vector<1x16xf32> to vector<16xf32>
      %add3A_475 = arith.addf %get3A_470, %get3A_474 : vector<16xf32>
      %swap3A_476 = arith.index_cast %scan3A_62 : i32 to index
      %swap3A_477 = arith.constant 464 : index
      %swap3A_478 = tpu.vector_load %arg9[%swap3A_476, %swap3A_477] {strides = array<i32>} : memref<16x768xf32, #tpu.memory_space<vmem>>, vector<1x16xf32>,
      %swap3A_479 = vector.shape_cast %swap3A_478 : vector<1x16xf32> to vector<16xf32>
      %swap3A_480 = vector.shape_cast %add3A_475 : vector<16xf32> to vector<1x16xf32>
      tpu.vector_store %arg9[%swap3A_476, %swap3A_477], %swap3A_480 {strides = array<i32>} : memref<16x768xf32, #tpu.memory_space<vmem>>, vector<1x16xf32>,
      %get3A_481 = arith.index_cast %scan3A_62 : i32 to index
      %get3A_482 = arith.constant 480 : index
      %get3A_483 = tpu.vector_load %arg9[%get3A_481, %get3A_482] {strides = array<i32>} : memref<16x768xf32, #tpu.memory_space<vmem>>, vector<1x16xf32>,
      %get3A_484 = vector.shape_cast %get3A_483 : vector<1x16xf32> to vector<16xf32>
      %get3A_485 = arith.index_cast %scan3A_62 : i32 to index
      %get3A_486 = arith.constant 480 : index
      %get3A_487 = tpu.vector_load %arg10[%get3A_485, %get3A_486] {strides = array<i32>} : memref<16x768xf32, #tpu.memory_space<vmem>>, vector<1x16xf32>,
      %get3A_488 = vector.shape_cast %get3A_487 : vector<1x16xf32> to vector<16xf32>
      %add3A_489 = arith.addf %get3A_484, %get3A_488 : vector<16xf32>
      %swap3A_490 = arith.index_cast %scan3A_62 : i32 to index
      %swap3A_491 = arith.constant 480 : index
      %swap3A_492 = tpu.vector_load %arg9[%swap3A_490, %swap3A_491] {strides = array<i32>} : memref<16x768xf32, #tpu.memory_space<vmem>>, vector<1x16xf32>,
      %swap3A_493 = vector.shape_cast %swap3A_492 : vector<1x16xf32> to vector<16xf32>
      %swap3A_494 = vector.shape_cast %add3A_489 : vector<16xf32> to vector<1x16xf32>
      tpu.vector_store %arg9[%swap3A_490, %swap3A_491], %swap3A_494 {strides = array<i32>} : memref<16x768xf32, #tpu.memory_space<vmem>>, vector<1x16xf32>,
      %get3A_495 = arith.index_cast %scan3A_62 : i32 to index
      %get3A_496 = arith.constant 496 : index
      %get3A_497 = tpu.vector_load %arg9[%get3A_495, %get3A_496] {strides = array<i32>} : memref<16x768xf32, #tpu.memory_space<vmem>>, vector<1x16xf32>,
      %get3A_498 = vector.shape_cast %get3A_497 : vector<1x16xf32> to vector<16xf32>
      %get3A_499 = arith.index_cast %scan3A_62 : i32 to index
      %get3A_500 = arith.constant 496 : index
      %get3A_501 = tpu.vector_load %arg10[%get3A_499, %get3A_500] {strides = array<i32>} : memref<16x768xf32, #tpu.memory_space<vmem>>, vector<1x16xf32>,
      %get3A_502 = vector.shape_cast %get3A_501 : vector<1x16xf32> to vector<16xf32>
      %add3A_503 = arith.addf %get3A_498, %get3A_502 : vector<16xf32>
      %swap3A_504 = arith.index_cast %scan3A_62 : i32 to index
      %swap3A_505 = arith.constant 496 : index
      %swap3A_506 = tpu.vector_load %arg9[%swap3A_504, %swap3A_505] {strides = array<i32>} : memref<16x768xf32, #tpu.memory_space<vmem>>, vector<1x16xf32>,
      %swap3A_507 = vector.shape_cast %swap3A_506 : vector<1x16xf32> to vector<16xf32>
      %swap3A_508 = vector.shape_cast %add3A_503 : vector<16xf32> to vector<1x16xf32>
      tpu.vector_store %arg9[%swap3A_504, %swap3A_505], %swap3A_508 {strides = array<i32>} : memref<16x768xf32, #tpu.memory_space<vmem>>, vector<1x16xf32>,
      %get3A_509 = arith.index_cast %scan3A_62 : i32 to index
      %get3A_510 = arith.constant 512 : index
      %get3A_511 = tpu.vector_load %arg9[%get3A_509, %get3A_510] {strides = array<i32>} : memref<16x768xf32, #tpu.memory_space<vmem>>, vector<1x16xf32>,
      %get3A_512 = vector.shape_cast %get3A_511 : vector<1x16xf32> to vector<16xf32>
      %get3A_513 = arith.index_cast %scan3A_62 : i32 to index
      %get3A_514 = arith.constant 512 : index
      %get3A_515 = tpu.vector_load %arg10[%get3A_513, %get3A_514] {strides = array<i32>} : memref<16x768xf32, #tpu.memory_space<vmem>>, vector<1x16xf32>,
      %get3A_516 = vector.shape_cast %get3A_515 : vector<1x16xf32> to vector<16xf32>
      %add3A_517 = arith.addf %get3A_512, %get3A_516 : vector<16xf32>
      %swap3A_518 = arith.index_cast %scan3A_62 : i32 to index
      %swap3A_519 = arith.constant 512 : index
      %swap3A_520 = tpu.vector_load %arg9[%swap3A_518, %swap3A_519] {strides = array<i32>} : memref<16x768xf32, #tpu.memory_space<vmem>>, vector<1x16xf32>,
      %swap3A_521 = vector.shape_cast %swap3A_520 : vector<1x16xf32> to vector<16xf32>
      %swap3A_522 = vector.shape_cast %add3A_517 : vector<16xf32> to vector<1x16xf32>
      tpu.vector_store %arg9[%swap3A_518, %swap3A_519], %swap3A_522 {strides = array<i32>} : memref<16x768xf32, #tpu.memory_space<vmem>>, vector<1x16xf32>,
      %get3A_523 = arith.index_cast %scan3A_62 : i32 to index
      %get3A_524 = arith.constant 528 : index
      %get3A_525 = tpu.vector_load %arg9[%get3A_523, %get3A_524] {strides = array<i32>} : memref<16x768xf32, #tpu.memory_space<vmem>>, vector<1x16xf32>,
      %get3A_526 = vector.shape_cast %get3A_525 : vector<1x16xf32> to vector<16xf32>
      %get3A_527 = arith.index_cast %scan3A_62 : i32 to index
      %get3A_528 = arith.constant 528 : index
      %get3A_529 = tpu.vector_load %arg10[%get3A_527, %get3A_528] {strides = array<i32>} : memref<16x768xf32, #tpu.memory_space<vmem>>, vector<1x16xf32>,
      %get3A_530 = vector.shape_cast %get3A_529 : vector<1x16xf32> to vector<16xf32>
      %add3A_531 = arith.addf %get3A_526, %get3A_530 : vector<16xf32>
      %swap3A_532 = arith.index_cast %scan3A_62 : i32 to index
      %swap3A_533 = arith.constant 528 : index
      %swap3A_534 = tpu.vector_load %arg9[%swap3A_532, %swap3A_533] {strides = array<i32>} : memref<16x768xf32, #tpu.memory_space<vmem>>, vector<1x16xf32>,
      %swap3A_535 = vector.shape_cast %swap3A_534 : vector<1x16xf32> to vector<16xf32>
      %swap3A_536 = vector.shape_cast %add3A_531 : vector<16xf32> to vector<1x16xf32>
      tpu.vector_store %arg9[%swap3A_532, %swap3A_533], %swap3A_536 {strides = array<i32>} : memref<16x768xf32, #tpu.memory_space<vmem>>, vector<1x16xf32>,
      %get3A_537 = arith.index_cast %scan3A_62 : i32 to index
      %get3A_538 = arith.constant 544 : index
      %get3A_539 = tpu.vector_load %arg9[%get3A_537, %get3A_538] {strides = array<i32>} : memref<16x768xf32, #tpu.memory_space<vmem>>, vector<1x16xf32>,
      %get3A_540 = vector.shape_cast %get3A_539 : vector<1x16xf32> to vector<16xf32>
      %get3A_541 = arith.index_cast %scan3A_62 : i32 to index
      %get3A_542 = arith.constant 544 : index
      %get3A_543 = tpu.vector_load %arg10[%get3A_541, %get3A_542] {strides = array<i32>} : memref<16x768xf32, #tpu.memory_space<vmem>>, vector<1x16xf32>,
      %get3A_544 = vector.shape_cast %get3A_543 : vector<1x16xf32> to vector<16xf32>
      %add3A_545 = arith.addf %get3A_540, %get3A_544 : vector<16xf32>
      %swap3A_546 = arith.index_cast %scan3A_62 : i32 to index
      %swap3A_547 = arith.constant 544 : index
      %swap3A_548 = tpu.vector_load %arg9[%swap3A_546, %swap3A_547] {strides = array<i32>} : memref<16x768xf32, #tpu.memory_space<vmem>>, vector<1x16xf32>,
      %swap3A_549 = vector.shape_cast %swap3A_548 : vector<1x16xf32> to vector<16xf32>
      %swap3A_550 = vector.shape_cast %add3A_545 : vector<16xf32> to vector<1x16xf32>
      tpu.vector_store %arg9[%swap3A_546, %swap3A_547], %swap3A_550 {strides = array<i32>} : memref<16x768xf32, #tpu.memory_space<vmem>>, vector<1x16xf32>,
      %get3A_551 = arith.index_cast %scan3A_62 : i32 to index
      %get3A_552 = arith.constant 560 : index
      %get3A_553 = tpu.vector_load %arg9[%get3A_551, %get3A_552] {strides = array<i32>} : memref<16x768xf32, #tpu.memory_space<vmem>>, vector<1x16xf32>,
      %get3A_554 = vector.shape_cast %get3A_553 : vector<1x16xf32> to vector<16xf32>
      %get3A_555 = arith.index_cast %scan3A_62 : i32 to index
      %get3A_556 = arith.constant 560 : index
      %get3A_557 = tpu.vector_load %arg10[%get3A_555, %get3A_556] {strides = array<i32>} : memref<16x768xf32, #tpu.memory_space<vmem>>, vector<1x16xf32>,
      %get3A_558 = vector.shape_cast %get3A_557 : vector<1x16xf32> to vector<16xf32>
      %add3A_559 = arith.addf %get3A_554, %get3A_558 : vector<16xf32>
      %swap3A_560 = arith.index_cast %scan3A_62 : i32 to index
      %swap3A_561 = arith.constant 560 : index
      %swap3A_562 = tpu.vector_load %arg9[%swap3A_560, %swap3A_561] {strides = array<i32>} : memref<16x768xf32, #tpu.memory_space<vmem>>, vector<1x16xf32>,
      %swap3A_563 = vector.shape_cast %swap3A_562 : vector<1x16xf32> to vector<16xf32>
      %swap3A_564 = vector.shape_cast %add3A_559 : vector<16xf32> to vector<1x16xf32>
      tpu.vector_store %arg9[%swap3A_560, %swap3A_561], %swap3A_564 {strides = array<i32>} : memref<16x768xf32, #tpu.memory_space<vmem>>, vector<1x16xf32>,
      %get3A_565 = arith.index_cast %scan3A_62 : i32 to index
      %get3A_566 = arith.constant 576 : index
      %get3A_567 = tpu.vector_load %arg9[%get3A_565, %get3A_566] {strides = array<i32>} : memref<16x768xf32, #tpu.memory_space<vmem>>, vector<1x16xf32>,
      %get3A_568 = vector.shape_cast %get3A_567 : vector<1x16xf32> to vector<16xf32>
      %get3A_569 = arith.index_cast %scan3A_62 : i32 to index
      %get3A_570 = arith.constant 576 : index
      %get3A_571 = tpu.vector_load %arg10[%get3A_569, %get3A_570] {strides = array<i32>} : memref<16x768xf32, #tpu.memory_space<vmem>>, vector<1x16xf32>,
      %get3A_572 = vector.shape_cast %get3A_571 : vector<1x16xf32> to vector<16xf32>
      %add3A_573 = arith.addf %get3A_568, %get3A_572 : vector<16xf32>
      %swap3A_574 = arith.index_cast %scan3A_62 : i32 to index
      %swap3A_575 = arith.constant 576 : index
      %swap3A_576 = tpu.vector_load %arg9[%swap3A_574, %swap3A_575] {strides = array<i32>} : memref<16x768xf32, #tpu.memory_space<vmem>>, vector<1x16xf32>,
      %swap3A_577 = vector.shape_cast %swap3A_576 : vector<1x16xf32> to vector<16xf32>
      %swap3A_578 = vector.shape_cast %add3A_573 : vector<16xf32> to vector<1x16xf32>
      tpu.vector_store %arg9[%swap3A_574, %swap3A_575], %swap3A_578 {strides = array<i32>} : memref<16x768xf32, #tpu.memory_space<vmem>>, vector<1x16xf32>,
      %get3A_579 = arith.index_cast %scan3A_62 : i32 to index
      %get3A_580 = arith.constant 592 : index
      %get3A_581 = tpu.vector_load %arg9[%get3A_579, %get3A_580] {strides = array<i32>} : memref<16x768xf32, #tpu.memory_space<vmem>>, vector<1x16xf32>,
      %get3A_582 = vector.shape_cast %get3A_581 : vector<1x16xf32> to vector<16xf32>
      %get3A_583 = arith.index_cast %scan3A_62 : i32 to index
      %get3A_584 = arith.constant 592 : index
      %get3A_585 = tpu.vector_load %arg10[%get3A_583, %get3A_584] {strides = array<i32>} : memref<16x768xf32, #tpu.memory_space<vmem>>, vector<1x16xf32>,
      %get3A_586 = vector.shape_cast %get3A_585 : vector<1x16xf32> to vector<16xf32>
      %add3A_587 = arith.addf %get3A_582, %get3A_586 : vector<16xf32>
      %swap3A_588 = arith.index_cast %scan3A_62 : i32 to index
      %swap3A_589 = arith.constant 592 : index
      %swap3A_590 = tpu.vector_load %arg9[%swap3A_588, %swap3A_589] {strides = array<i32>} : memref<16x768xf32, #tpu.memory_space<vmem>>, vector<1x16xf32>,
      %swap3A_591 = vector.shape_cast %swap3A_590 : vector<1x16xf32> to vector<16xf32>
      %swap3A_592 = vector.shape_cast %add3A_587 : vector<16xf32> to vector<1x16xf32>
      tpu.vector_store %arg9[%swap3A_588, %swap3A_589], %swap3A_592 {strides = array<i32>} : memref<16x768xf32, #tpu.memory_space<vmem>>, vector<1x16xf32>,
      %get3A_593 = arith.index_cast %scan3A_62 : i32 to index
      %get3A_594 = arith.constant 608 : index
      %get3A_595 = tpu.vector_load %arg9[%get3A_593, %get3A_594] {strides = array<i32>} : memref<16x768xf32, #tpu.memory_space<vmem>>, vector<1x16xf32>,
      %get3A_596 = vector.shape_cast %get3A_595 : vector<1x16xf32> to vector<16xf32>
      %get3A_597 = arith.index_cast %scan3A_62 : i32 to index
      %get3A_598 = arith.constant 608 : index
      %get3A_599 = tpu.vector_load %arg10[%get3A_597, %get3A_598] {strides = array<i32>} : memref<16x768xf32, #tpu.memory_space<vmem>>, vector<1x16xf32>,
      %get3A_600 = vector.shape_cast %get3A_599 : vector<1x16xf32> to vector<16xf32>
      %add3A_601 = arith.addf %get3A_596, %get3A_600 : vector<16xf32>
      %swap3A_602 = arith.index_cast %scan3A_62 : i32 to index
      %swap3A_603 = arith.constant 608 : index
      %swap3A_604 = tpu.vector_load %arg9[%swap3A_602, %swap3A_603] {strides = array<i32>} : memref<16x768xf32, #tpu.memory_space<vmem>>, vector<1x16xf32>,
      %swap3A_605 = vector.shape_cast %swap3A_604 : vector<1x16xf32> to vector<16xf32>
      %swap3A_606 = vector.shape_cast %add3A_601 : vector<16xf32> to vector<1x16xf32>
      tpu.vector_store %arg9[%swap3A_602, %swap3A_603], %swap3A_606 {strides = array<i32>} : memref<16x768xf32, #tpu.memory_space<vmem>>, vector<1x16xf32>,
      %get3A_607 = arith.index_cast %scan3A_62 : i32 to index
      %get3A_608 = arith.constant 624 : index
      %get3A_609 = tpu.vector_load %arg9[%get3A_607, %get3A_608] {strides = array<i32>} : memref<16x768xf32, #tpu.memory_space<vmem>>, vector<1x16xf32>,
      %get3A_610 = vector.shape_cast %get3A_609 : vector<1x16xf32> to vector<16xf32>
      %get3A_611 = arith.index_cast %scan3A_62 : i32 to index
      %get3A_612 = arith.constant 624 : index
      %get3A_613 = tpu.vector_load %arg10[%get3A_611, %get3A_612] {strides = array<i32>} : memref<16x768xf32, #tpu.memory_space<vmem>>, vector<1x16xf32>,
      %get3A_614 = vector.shape_cast %get3A_613 : vector<1x16xf32> to vector<16xf32>
      %add3A_615 = arith.addf %get3A_610, %get3A_614 : vector<16xf32>
      %swap3A_616 = arith.index_cast %scan3A_62 : i32 to index
      %swap3A_617 = arith.constant 624 : index
      %swap3A_618 = tpu.vector_load %arg9[%swap3A_616, %swap3A_617] {strides = array<i32>} : memref<16x768xf32, #tpu.memory_space<vmem>>, vector<1x16xf32>,
      %swap3A_619 = vector.shape_cast %swap3A_618 : vector<1x16xf32> to vector<16xf32>
      %swap3A_620 = vector.shape_cast %add3A_615 : vector<16xf32> to vector<1x16xf32>
      tpu.vector_store %arg9[%swap3A_616, %swap3A_617], %swap3A_620 {strides = array<i32>} : memref<16x768xf32, #tpu.memory_space<vmem>>, vector<1x16xf32>,
      %get3A_621 = arith.index_cast %scan3A_62 : i32 to index
      %get3A_622 = arith.constant 640 : index
      %get3A_623 = tpu.vector_load %arg9[%get3A_621, %get3A_622] {strides = array<i32>} : memref<16x768xf32, #tpu.memory_space<vmem>>, vector<1x16xf32>,
      %get3A_624 = vector.shape_cast %get3A_623 : vector<1x16xf32> to vector<16xf32>
      %get3A_625 = arith.index_cast %scan3A_62 : i32 to index
      %get3A_626 = arith.constant 640 : index
      %get3A_627 = tpu.vector_load %arg10[%get3A_625, %get3A_626] {strides = array<i32>} : memref<16x768xf32, #tpu.memory_space<vmem>>, vector<1x16xf32>,
      %get3A_628 = vector.shape_cast %get3A_627 : vector<1x16xf32> to vector<16xf32>
      %add3A_629 = arith.addf %get3A_624, %get3A_628 : vector<16xf32>
      %swap3A_630 = arith.index_cast %scan3A_62 : i32 to index
      %swap3A_631 = arith.constant 640 : index
      %swap3A_632 = tpu.vector_load %arg9[%swap3A_630, %swap3A_631] {strides = array<i32>} : memref<16x768xf32, #tpu.memory_space<vmem>>, vector<1x16xf32>,
      %swap3A_633 = vector.shape_cast %swap3A_632 : vector<1x16xf32> to vector<16xf32>
      %swap3A_634 = vector.shape_cast %add3A_629 : vector<16xf32> to vector<1x16xf32>
      tpu.vector_store %arg9[%swap3A_630, %swap3A_631], %swap3A_634 {strides = array<i32>} : memref<16x768xf32, #tpu.memory_space<vmem>>, vector<1x16xf32>,
      %get3A_635 = arith.index_cast %scan3A_62 : i32 to index
      %get3A_636 = arith.constant 656 : index
      %get3A_637 = tpu.vector_load %arg9[%get3A_635, %get3A_636] {strides = array<i32>} : memref<16x768xf32, #tpu.memory_space<vmem>>, vector<1x16xf32>,
      %get3A_638 = vector.shape_cast %get3A_637 : vector<1x16xf32> to vector<16xf32>
      %get3A_639 = arith.index_cast %scan3A_62 : i32 to index
      %get3A_640 = arith.constant 656 : index
      %get3A_641 = tpu.vector_load %arg10[%get3A_639, %get3A_640] {strides = array<i32>} : memref<16x768xf32, #tpu.memory_space<vmem>>, vector<1x16xf32>,
      %get3A_642 = vector.shape_cast %get3A_641 : vector<1x16xf32> to vector<16xf32>
      %add3A_643 = arith.addf %get3A_638, %get3A_642 : vector<16xf32>
      %swap3A_644 = arith.index_cast %scan3A_62 : i32 to index
      %swap3A_645 = arith.constant 656 : index
      %swap3A_646 = tpu.vector_load %arg9[%swap3A_644, %swap3A_645] {strides = array<i32>} : memref<16x768xf32, #tpu.memory_space<vmem>>, vector<1x16xf32>,
      %swap3A_647 = vector.shape_cast %swap3A_646 : vector<1x16xf32> to vector<16xf32>
      %swap3A_648 = vector.shape_cast %add3A_643 : vector<16xf32> to vector<1x16xf32>
      tpu.vector_store %arg9[%swap3A_644, %swap3A_645], %swap3A_648 {strides = array<i32>} : memref<16x768xf32, #tpu.memory_space<vmem>>, vector<1x16xf32>,
      %get3A_649 = arith.index_cast %scan3A_62 : i32 to index
      %get3A_650 = arith.constant 672 : index
      %get3A_651 = tpu.vector_load %arg9[%get3A_649, %get3A_650] {strides = array<i32>} : memref<16x768xf32, #tpu.memory_space<vmem>>, vector<1x16xf32>,
      %get3A_652 = vector.shape_cast %get3A_651 : vector<1x16xf32> to vector<16xf32>
      %get3A_653 = arith.index_cast %scan3A_62 : i32 to index
      %get3A_654 = arith.constant 672 : index
      %get3A_655 = tpu.vector_load %arg10[%get3A_653, %get3A_654] {strides = array<i32>} : memref<16x768xf32, #tpu.memory_space<vmem>>, vector<1x16xf32>,
      %get3A_656 = vector.shape_cast %get3A_655 : vector<1x16xf32> to vector<16xf32>
      %add3A_657 = arith.addf %get3A_652, %get3A_656 : vector<16xf32>
      %swap3A_658 = arith.index_cast %scan3A_62 : i32 to index
      %swap3A_659 = arith.constant 672 : index
      %swap3A_660 = tpu.vector_load %arg9[%swap3A_658, %swap3A_659] {strides = array<i32>} : memref<16x768xf32, #tpu.memory_space<vmem>>, vector<1x16xf32>,
      %swap3A_661 = vector.shape_cast %swap3A_660 : vector<1x16xf32> to vector<16xf32>
      %swap3A_662 = vector.shape_cast %add3A_657 : vector<16xf32> to vector<1x16xf32>
      tpu.vector_store %arg9[%swap3A_658, %swap3A_659], %swap3A_662 {strides = array<i32>} : memref<16x768xf32, #tpu.memory_space<vmem>>, vector<1x16xf32>,
      %get3A_663 = arith.index_cast %scan3A_62 : i32 to index
      %get3A_664 = arith.constant 688 : index
      %get3A_665 = tpu.vector_load %arg9[%get3A_663, %get3A_664] {strides = array<i32>} : memref<16x768xf32, #tpu.memory_space<vmem>>, vector<1x16xf32>,
      %get3A_666 = vector.shape_cast %get3A_665 : vector<1x16xf32> to vector<16xf32>
      %get3A_667 = arith.index_cast %scan3A_62 : i32 to index
      %get3A_668 = arith.constant 688 : index
      %get3A_669 = tpu.vector_load %arg10[%get3A_667, %get3A_668] {strides = array<i32>} : memref<16x768xf32, #tpu.memory_space<vmem>>, vector<1x16xf32>,
      %get3A_670 = vector.shape_cast %get3A_669 : vector<1x16xf32> to vector<16xf32>
      %add3A_671 = arith.addf %get3A_666, %get3A_670 : vector<16xf32>
      %swap3A_672 = arith.index_cast %scan3A_62 : i32 to index
      %swap3A_673 = arith.constant 688 : index
      %swap3A_674 = tpu.vector_load %arg9[%swap3A_672, %swap3A_673] {strides = array<i32>} : memref<16x768xf32, #tpu.memory_space<vmem>>, vector<1x16xf32>,
      %swap3A_675 = vector.shape_cast %swap3A_674 : vector<1x16xf32> to vector<16xf32>
      %swap3A_676 = vector.shape_cast %add3A_671 : vector<16xf32> to vector<1x16xf32>
      tpu.vector_store %arg9[%swap3A_672, %swap3A_673], %swap3A_676 {strides = array<i32>} : memref<16x768xf32, #tpu.memory_space<vmem>>, vector<1x16xf32>,
      %get3A_677 = arith.index_cast %scan3A_62 : i32 to index
      %get3A_678 = arith.constant 704 : index
      %get3A_679 = tpu.vector_load %arg9[%get3A_677, %get3A_678] {strides = array<i32>} : memref<16x768xf32, #tpu.memory_space<vmem>>, vector<1x16xf32>,
      %get3A_680 = vector.shape_cast %get3A_679 : vector<1x16xf32> to vector<16xf32>
      %get3A_681 = arith.index_cast %scan3A_62 : i32 to index
      %get3A_682 = arith.constant 704 : index
      %get3A_683 = tpu.vector_load %arg10[%get3A_681, %get3A_682] {strides = array<i32>} : memref<16x768xf32, #tpu.memory_space<vmem>>, vector<1x16xf32>,
      %get3A_684 = vector.shape_cast %get3A_683 : vector<1x16xf32> to vector<16xf32>
      %add3A_685 = arith.addf %get3A_680, %get3A_684 : vector<16xf32>
      %swap3A_686 = arith.index_cast %scan3A_62 : i32 to index
      %swap3A_687 = arith.constant 704 : index
      %swap3A_688 = tpu.vector_load %arg9[%swap3A_686, %swap3A_687] {strides = array<i32>} : memref<16x768xf32, #tpu.memory_space<vmem>>, vector<1x16xf32>,
      %swap3A_689 = vector.shape_cast %swap3A_688 : vector<1x16xf32> to vector<16xf32>
      %swap3A_690 = vector.shape_cast %add3A_685 : vector<16xf32> to vector<1x16xf32>
      tpu.vector_store %arg9[%swap3A_686, %swap3A_687], %swap3A_690 {strides = array<i32>} : memref<16x768xf32, #tpu.memory_space<vmem>>, vector<1x16xf32>,
      %get3A_691 = arith.index_cast %scan3A_62 : i32 to index
      %get3A_692 = arith.constant 720 : index
      %get3A_693 = tpu.vector_load %arg9[%get3A_691, %get3A_692] {strides = array<i32>} : memref<16x768xf32, #tpu.memory_space<vmem>>, vector<1x16xf32>,
      %get3A_694 = vector.shape_cast %get3A_693 : vector<1x16xf32> to vector<16xf32>
      %get3A_695 = arith.index_cast %scan3A_62 : i32 to index
      %get3A_696 = arith.constant 720 : index
      %get3A_697 = tpu.vector_load %arg10[%get3A_695, %get3A_696] {strides = array<i32>} : memref<16x768xf32, #tpu.memory_space<vmem>>, vector<1x16xf32>,
      %get3A_698 = vector.shape_cast %get3A_697 : vector<1x16xf32> to vector<16xf32>
      %add3A_699 = arith.addf %get3A_694, %get3A_698 : vector<16xf32>
      %swap3A_700 = arith.index_cast %scan3A_62 : i32 to index
      %swap3A_701 = arith.constant 720 : index
      %swap3A_702 = tpu.vector_load %arg9[%swap3A_700, %swap3A_701] {strides = array<i32>} : memref<16x768xf32, #tpu.memory_space<vmem>>, vector<1x16xf32>,
      %swap3A_703 = vector.shape_cast %swap3A_702 : vector<1x16xf32> to vector<16xf32>
      %swap3A_704 = vector.shape_cast %add3A_699 : vector<16xf32> to vector<1x16xf32>
      tpu.vector_store %arg9[%swap3A_700, %swap3A_701], %swap3A_704 {strides = array<i32>} : memref<16x768xf32, #tpu.memory_space<vmem>>, vector<1x16xf32>,
      %get3A_705 = arith.index_cast %scan3A_62 : i32 to index
      %get3A_706 = arith.constant 736 : index
      %get3A_707 = tpu.vector_load %arg9[%get3A_705, %get3A_706] {strides = array<i32>} : memref<16x768xf32, #tpu.memory_space<vmem>>, vector<1x16xf32>,
      %get3A_708 = vector.shape_cast %get3A_707 : vector<1x16xf32> to vector<16xf32>
      %get3A_709 = arith.index_cast %scan3A_62 : i32 to index
      %get3A_710 = arith.constant 736 : index
      %get3A_711 = tpu.vector_load %arg10[%get3A_709, %get3A_710] {strides = array<i32>} : memref<16x768xf32, #tpu.memory_space<vmem>>, vector<1x16xf32>,
      %get3A_712 = vector.shape_cast %get3A_711 : vector<1x16xf32> to vector<16xf32>
      %add3A_713 = arith.addf %get3A_708, %get3A_712 : vector<16xf32>
      %swap3A_714 = arith.index_cast %scan3A_62 : i32 to index
      %swap3A_715 = arith.constant 736 : index
      %swap3A_716 = tpu.vector_load %arg9[%swap3A_714, %swap3A_715] {strides = array<i32>} : memref<16x768xf32, #tpu.memory_space<vmem>>, vector<1x16xf32>,
      %swap3A_717 = vector.shape_cast %swap3A_716 : vector<1x16xf32> to vector<16xf32>
      %swap3A_718 = vector.shape_cast %add3A_713 : vector<16xf32> to vector<1x16xf32>
      tpu.vector_store %arg9[%swap3A_714, %swap3A_715], %swap3A_718 {strides = array<i32>} : memref<16x768xf32, #tpu.memory_space<vmem>>, vector<1x16xf32>,
      %get3A_719 = arith.index_cast %scan3A_62 : i32 to index
      %get3A_720 = arith.constant 752 : index
      %get3A_721 = tpu.vector_load %arg9[%get3A_719, %get3A_720] {strides = array<i32>} : memref<16x768xf32, #tpu.memory_space<vmem>>, vector<1x16xf32>,
      %get3A_722 = vector.shape_cast %get3A_721 : vector<1x16xf32> to vector<16xf32>
      %get3A_723 = arith.index_cast %scan3A_62 : i32 to index
      %get3A_724 = arith.constant 752 : index
      %get3A_725 = tpu.vector_load %arg10[%get3A_723, %get3A_724] {strides = array<i32>} : memref<16x768xf32, #tpu.memory_space<vmem>>, vector<1x16xf32>,
      %get3A_726 = vector.shape_cast %get3A_725 : vector<1x16xf32> to vector<16xf32>
      %add3A_727 = arith.addf %get3A_722, %get3A_726 : vector<16xf32>
      %swap3A_728 = arith.index_cast %scan3A_62 : i32 to index
      %swap3A_729 = arith.constant 752 : index
      %swap3A_730 = tpu.vector_load %arg9[%swap3A_728, %swap3A_729] {strides = array<i32>} : memref<16x768xf32, #tpu.memory_space<vmem>>, vector<1x16xf32>,
      %swap3A_731 = vector.shape_cast %swap3A_730 : vector<1x16xf32> to vector<16xf32>
      %swap3A_732 = vector.shape_cast %add3A_727 : vector<16xf32> to vector<1x16xf32>
      tpu.vector_store %arg9[%swap3A_728, %swap3A_729], %swap3A_732 {strides = array<i32>} : memref<16x768xf32, #tpu.memory_space<vmem>>, vector<1x16xf32>,
    }
    %scan3A_41 = arith.constant 16 : i32
    %add3A_42 = arith.constant 992 : i32
    %add3A_43 = arith.addi %mul3A_2, %add3A_42 : i32
    "tpu.region"() ({
      %run_scoped3A = tpu.sem_alloc : memref<!tpu.dma_semaphore, #tpu.memory_space<semaphore_mem>>
      %dma_start3A_62 = arith.constant 0 : i32
      %dma_start3A_63 = tpu.memref_slice %arg6[%add3A_43, %dma_start3A_62] : memref<32768x768xf32, #tpu.memory_space<hbm>> -> memref<16x768xf32, #tpu.memory_space<hbm>>
      %dma_start3A_64 = arith.constant 0 : i32
      %dma_start3A_65 = tpu.memref_slice %arg6[%add3A_43, %dma_start3A_64] : memref<32768x768xf32, #tpu.memory_space<hbm>> -> memref<16x768xf32, #tpu.memory_space<hbm>>
      tpu.enqueue_dma source(%arg9 : memref<16x768xf32, #tpu.memory_space<vmem>>) target(%dma_start3A_65 : memref<16x768xf32, #tpu.memory_space<hbm>>) target_semaphore(%run_scoped3A : memref<!tpu.dma_semaphore, #tpu.memory_space<semaphore_mem>>)
      %dma_wait3A_66 = arith.constant 0 : i32
      %dma_wait3A_67 = tpu.memref_slice %arg6[%add3A_43, %dma_wait3A_66] : memref<32768x768xf32, #tpu.memory_space<hbm>> -> memref<16x768xf32, #tpu.memory_space<hbm>>
      %dma_wait3A_68 = arith.constant 0 : i32
      %dma_wait3A_69 = tpu.memref_slice %arg6[%add3A_43, %dma_wait3A_68] : memref<32768x768xf32, #tpu.memory_space<hbm>> -> memref<16x768xf32, #tpu.memory_space<hbm>>
      tpu.wait_dma2 semaphore(%run_scoped3A : memref<!tpu.dma_semaphore, #tpu.memory_space<semaphore_mem>>) src(%arg9 : memref<16x768xf32, #tpu.memory_space<vmem>>) dst(%dma_wait3A_69 : memref<16x768xf32, #tpu.memory_space<hbm>>)
      tpu.yield
    }) : () -> ()
    %dma_wait3A_44 = arith.constant 1008 : i32
    %dma_wait3A_45 = tpu.memref_slice %arg7[%dma_wait3A_44] : memref<1024xi32, #tpu.memory_space<vmem>> -> memref<16xi32, #tpu.memory_space<vmem>>
    %dma_wait3A_46 = arith.constant 0 : i32
    %dma_wait3A_47 = arith.constant 0 : i32
    %dma_wait3A_48 = tpu.memref_slice %arg2[%dma_wait3A_46, %dma_wait3A_47] : memref<65536x768xf32, #tpu.memory_space<hbm>> -> memref<65536x768xf32, #tpu.memory_space<hbm>>
    tpu.wait_indirect_dma semaphore(%arg15 : memref<!tpu.dma_semaphore, #tpu.memory_space<semaphore_mem>>) src(%dma_wait3A_48 : memref<65536x768xf32, #tpu.memory_space<hbm>>) dst(%arg11 : memref<16x768xf32, #tpu.memory_space<vmem>>)
    %dma_wait3A_49 = arith.constant 1008 : i32
    %dma_wait3A_50 = tpu.memref_slice %arg8[%dma_wait3A_49] : memref<1024xi32, #tpu.memory_space<vmem>> -> memref<16xi32, #tpu.memory_space<vmem>>
    %dma_wait3A_51 = arith.constant 0 : i32
    %dma_wait3A_52 = arith.constant 0 : i32
    %dma_wait3A_53 = tpu.memref_slice %arg3[%dma_wait3A_51, %dma_wait3A_52] : memref<1024x768xf32, #tpu.memory_space<hbm>> -> memref<1024x768xf32, #tpu.memory_space<hbm>>
    tpu.wait_indirect_dma semaphore(%arg16 : memref<!tpu.dma_semaphore, #tpu.memory_space<semaphore_mem>>) src(%dma_wait3A_53 : memref<1024x768xf32, #tpu.memory_space<hbm>>) dst(%arg12 : memref<16x768xf32, #tpu.memory_space<vmem>>)
    %scan3A_54 = arith.constant 0 : i32
    %scan3A_55 = arith.constant 0 : i32
    %scan3A_56 = arith.constant 16 : i32
    %scan3A_57 = arith.addi %scan3A_55, %scan3A_56 : i32
    %scan3A_58 = arith.constant 1 : i32
    scf.for %scan3A_62 = %scan3A_55 to %scan3A_57 step %scan3A_58  : i32 {
      %get3A = arith.index_cast %scan3A_62 : i32 to index
      %get3A_63 = arith.constant 0 : index
      %get3A_64 = tpu.vector_load %arg11[%get3A, %get3A_63] {strides = array<i32>} : memref<16x768xf32, #tpu.memory_space<vmem>>, vector<1x16xf32>,
      %get3A_65 = vector.shape_cast %get3A_64 : vector<1x16xf32> to vector<16xf32>
      %get3A_66 = arith.index_cast %scan3A_62 : i32 to index
      %get3A_67 = arith.constant 0 : index
      %get3A_68 = tpu.vector_load %arg12[%get3A_66, %get3A_67] {strides = array<i32>} : memref<16x768xf32, #tpu.memory_space<vmem>>, vector<1x16xf32>,
      %get3A_69 = vector.shape_cast %get3A_68 : vector<1x16xf32> to vector<16xf32>
      %add3A_70 = arith.addf %get3A_65, %get3A_69 : vector<16xf32>
      %swap3A = arith.index_cast %scan3A_62 : i32 to index
      %swap3A_71 = arith.constant 0 : index
      %swap3A_72 = tpu.vector_load %arg11[%swap3A, %swap3A_71] {strides = array<i32>} : memref<16x768xf32, #tpu.memory_space<vmem>>, vector<1x16xf32>,
      %swap3A_73 = vector.shape_cast %swap3A_72 : vector<1x16xf32> to vector<16xf32>
      %swap3A_74 = vector.shape_cast %add3A_70 : vector<16xf32> to vector<1x16xf32>
      tpu.vector_store %arg11[%swap3A, %swap3A_71], %swap3A_74 {strides = array<i32>} : memref<16x768xf32, #tpu.memory_space<vmem>>, vector<1x16xf32>,
      %get3A_75 = arith.index_cast %scan3A_62 : i32 to index
      %get3A_76 = arith.constant 16 : index
      %get3A_77 = tpu.vector_load %arg11[%get3A_75, %get3A_76] {strides = array<i32>} : memref<16x768xf32, #tpu.memory_space<vmem>>, vector<1x16xf32>,
      %get3A_78 = vector.shape_cast %get3A_77 : vector<1x16xf32> to vector<16xf32>
      %get3A_79 = arith.index_cast %scan3A_62 : i32 to index
      %get3A_80 = arith.constant 16 : index
      %get3A_81 = tpu.vector_load %arg12[%get3A_79, %get3A_80] {strides = array<i32>} : memref<16x768xf32, #tpu.memory_space<vmem>>, vector<1x16xf32>,
      %get3A_82 = vector.shape_cast %get3A_81 : vector<1x16xf32> to vector<16xf32>
      %add3A_83 = arith.addf %get3A_78, %get3A_82 : vector<16xf32>
      %swap3A_84 = arith.index_cast %scan3A_62 : i32 to index
      %swap3A_85 = arith.constant 16 : index
      %swap3A_86 = tpu.vector_load %arg11[%swap3A_84, %swap3A_85] {strides = array<i32>} : memref<16x768xf32, #tpu.memory_space<vmem>>, vector<1x16xf32>,
      %swap3A_87 = vector.shape_cast %swap3A_86 : vector<1x16xf32> to vector<16xf32>
      %swap3A_88 = vector.shape_cast %add3A_83 : vector<16xf32> to vector<1x16xf32>
      tpu.vector_store %arg11[%swap3A_84, %swap3A_85], %swap3A_88 {strides = array<i32>} : memref<16x768xf32, #tpu.memory_space<vmem>>, vector<1x16xf32>,
      %get3A_89 = arith.index_cast %scan3A_62 : i32 to index
      %get3A_90 = arith.constant 32 : index
      %get3A_91 = tpu.vector_load %arg11[%get3A_89, %get3A_90] {strides = array<i32>} : memref<16x768xf32, #tpu.memory_space<vmem>>, vector<1x16xf32>,
      %get3A_92 = vector.shape_cast %get3A_91 : vector<1x16xf32> to vector<16xf32>
      %get3A_93 = arith.index_cast %scan3A_62 : i32 to index
      %get3A_94 = arith.constant 32 : index
      %get3A_95 = tpu.vector_load %arg12[%get3A_93, %get3A_94] {strides = array<i32>} : memref<16x768xf32, #tpu.memory_space<vmem>>, vector<1x16xf32>,
      %get3A_96 = vector.shape_cast %get3A_95 : vector<1x16xf32> to vector<16xf32>
      %add3A_97 = arith.addf %get3A_92, %get3A_96 : vector<16xf32>
      %swap3A_98 = arith.index_cast %scan3A_62 : i32 to index
      %swap3A_99 = arith.constant 32 : index
      %swap3A_100 = tpu.vector_load %arg11[%swap3A_98, %swap3A_99] {strides = array<i32>} : memref<16x768xf32, #tpu.memory_space<vmem>>, vector<1x16xf32>,
      %swap3A_101 = vector.shape_cast %swap3A_100 : vector<1x16xf32> to vector<16xf32>
      %swap3A_102 = vector.shape_cast %add3A_97 : vector<16xf32> to vector<1x16xf32>
      tpu.vector_store %arg11[%swap3A_98, %swap3A_99], %swap3A_102 {strides = array<i32>} : memref<16x768xf32, #tpu.memory_space<vmem>>, vector<1x16xf32>,
      %get3A_103 = arith.index_cast %scan3A_62 : i32 to index
      %get3A_104 = arith.constant 48 : index
      %get3A_105 = tpu.vector_load %arg11[%get3A_103, %get3A_104] {strides = array<i32>} : memref<16x768xf32, #tpu.memory_space<vmem>>, vector<1x16xf32>,
      %get3A_106 = vector.shape_cast %get3A_105 : vector<1x16xf32> to vector<16xf32>
      %get3A_107 = arith.index_cast %scan3A_62 : i32 to index
      %get3A_108 = arith.constant 48 : index
      %get3A_109 = tpu.vector_load %arg12[%get3A_107, %get3A_108] {strides = array<i32>} : memref<16x768xf32, #tpu.memory_space<vmem>>, vector<1x16xf32>,
      %get3A_110 = vector.shape_cast %get3A_109 : vector<1x16xf32> to vector<16xf32>
      %add3A_111 = arith.addf %get3A_106, %get3A_110 : vector<16xf32>
      %swap3A_112 = arith.index_cast %scan3A_62 : i32 to index
      %swap3A_113 = arith.constant 48 : index
      %swap3A_114 = tpu.vector_load %arg11[%swap3A_112, %swap3A_113] {strides = array<i32>} : memref<16x768xf32, #tpu.memory_space<vmem>>, vector<1x16xf32>,
      %swap3A_115 = vector.shape_cast %swap3A_114 : vector<1x16xf32> to vector<16xf32>
      %swap3A_116 = vector.shape_cast %add3A_111 : vector<16xf32> to vector<1x16xf32>
      tpu.vector_store %arg11[%swap3A_112, %swap3A_113], %swap3A_116 {strides = array<i32>} : memref<16x768xf32, #tpu.memory_space<vmem>>, vector<1x16xf32>,
      %get3A_117 = arith.index_cast %scan3A_62 : i32 to index
      %get3A_118 = arith.constant 64 : index
      %get3A_119 = tpu.vector_load %arg11[%get3A_117, %get3A_118] {strides = array<i32>} : memref<16x768xf32, #tpu.memory_space<vmem>>, vector<1x16xf32>,
      %get3A_120 = vector.shape_cast %get3A_119 : vector<1x16xf32> to vector<16xf32>
      %get3A_121 = arith.index_cast %scan3A_62 : i32 to index
      %get3A_122 = arith.constant 64 : index
      %get3A_123 = tpu.vector_load %arg12[%get3A_121, %get3A_122] {strides = array<i32>} : memref<16x768xf32, #tpu.memory_space<vmem>>, vector<1x16xf32>,
      %get3A_124 = vector.shape_cast %get3A_123 : vector<1x16xf32> to vector<16xf32>
      %add3A_125 = arith.addf %get3A_120, %get3A_124 : vector<16xf32>
      %swap3A_126 = arith.index_cast %scan3A_62 : i32 to index
      %swap3A_127 = arith.constant 64 : index
      %swap3A_128 = tpu.vector_load %arg11[%swap3A_126, %swap3A_127] {strides = array<i32>} : memref<16x768xf32, #tpu.memory_space<vmem>>, vector<1x16xf32>,
      %swap3A_129 = vector.shape_cast %swap3A_128 : vector<1x16xf32> to vector<16xf32>
      %swap3A_130 = vector.shape_cast %add3A_125 : vector<16xf32> to vector<1x16xf32>
      tpu.vector_store %arg11[%swap3A_126, %swap3A_127], %swap3A_130 {strides = array<i32>} : memref<16x768xf32, #tpu.memory_space<vmem>>, vector<1x16xf32>,
      %get3A_131 = arith.index_cast %scan3A_62 : i32 to index
      %get3A_132 = arith.constant 80 : index
      %get3A_133 = tpu.vector_load %arg11[%get3A_131, %get3A_132] {strides = array<i32>} : memref<16x768xf32, #tpu.memory_space<vmem>>, vector<1x16xf32>,
      %get3A_134 = vector.shape_cast %get3A_133 : vector<1x16xf32> to vector<16xf32>
      %get3A_135 = arith.index_cast %scan3A_62 : i32 to index
      %get3A_136 = arith.constant 80 : index
      %get3A_137 = tpu.vector_load %arg12[%get3A_135, %get3A_136] {strides = array<i32>} : memref<16x768xf32, #tpu.memory_space<vmem>>, vector<1x16xf32>,
      %get3A_138 = vector.shape_cast %get3A_137 : vector<1x16xf32> to vector<16xf32>
      %add3A_139 = arith.addf %get3A_134, %get3A_138 : vector<16xf32>
      %swap3A_140 = arith.index_cast %scan3A_62 : i32 to index
      %swap3A_141 = arith.constant 80 : index
      %swap3A_142 = tpu.vector_load %arg11[%swap3A_140, %swap3A_141] {strides = array<i32>} : memref<16x768xf32, #tpu.memory_space<vmem>>, vector<1x16xf32>,
      %swap3A_143 = vector.shape_cast %swap3A_142 : vector<1x16xf32> to vector<16xf32>
      %swap3A_144 = vector.shape_cast %add3A_139 : vector<16xf32> to vector<1x16xf32>
      tpu.vector_store %arg11[%swap3A_140, %swap3A_141], %swap3A_144 {strides = array<i32>} : memref<16x768xf32, #tpu.memory_space<vmem>>, vector<1x16xf32>,
      %get3A_145 = arith.index_cast %scan3A_62 : i32 to index
      %get3A_146 = arith.constant 96 : index
      %get3A_147 = tpu.vector_load %arg11[%get3A_145, %get3A_146] {strides = array<i32>} : memref<16x768xf32, #tpu.memory_space<vmem>>, vector<1x16xf32>,
      %get3A_148 = vector.shape_cast %get3A_147 : vector<1x16xf32> to vector<16xf32>
      %get3A_149 = arith.index_cast %scan3A_62 : i32 to index
      %get3A_150 = arith.constant 96 : index
      %get3A_151 = tpu.vector_load %arg12[%get3A_149, %get3A_150] {strides = array<i32>} : memref<16x768xf32, #tpu.memory_space<vmem>>, vector<1x16xf32>,
      %get3A_152 = vector.shape_cast %get3A_151 : vector<1x16xf32> to vector<16xf32>
      %add3A_153 = arith.addf %get3A_148, %get3A_152 : vector<16xf32>
      %swap3A_154 = arith.index_cast %scan3A_62 : i32 to index
      %swap3A_155 = arith.constant 96 : index
      %swap3A_156 = tpu.vector_load %arg11[%swap3A_154, %swap3A_155] {strides = array<i32>} : memref<16x768xf32, #tpu.memory_space<vmem>>, vector<1x16xf32>,
      %swap3A_157 = vector.shape_cast %swap3A_156 : vector<1x16xf32> to vector<16xf32>
      %swap3A_158 = vector.shape_cast %add3A_153 : vector<16xf32> to vector<1x16xf32>
      tpu.vector_store %arg11[%swap3A_154, %swap3A_155], %swap3A_158 {strides = array<i32>} : memref<16x768xf32, #tpu.memory_space<vmem>>, vector<1x16xf32>,
      %get3A_159 = arith.index_cast %scan3A_62 : i32 to index
      %get3A_160 = arith.constant 112 : index
      %get3A_161 = tpu.vector_load %arg11[%get3A_159, %get3A_160] {strides = array<i32>} : memref<16x768xf32, #tpu.memory_space<vmem>>, vector<1x16xf32>,
      %get3A_162 = vector.shape_cast %get3A_161 : vector<1x16xf32> to vector<16xf32>
      %get3A_163 = arith.index_cast %scan3A_62 : i32 to index
      %get3A_164 = arith.constant 112 : index
      %get3A_165 = tpu.vector_load %arg12[%get3A_163, %get3A_164] {strides = array<i32>} : memref<16x768xf32, #tpu.memory_space<vmem>>, vector<1x16xf32>,
      %get3A_166 = vector.shape_cast %get3A_165 : vector<1x16xf32> to vector<16xf32>
      %add3A_167 = arith.addf %get3A_162, %get3A_166 : vector<16xf32>
      %swap3A_168 = arith.index_cast %scan3A_62 : i32 to index
      %swap3A_169 = arith.constant 112 : index
      %swap3A_170 = tpu.vector_load %arg11[%swap3A_168, %swap3A_169] {strides = array<i32>} : memref<16x768xf32, #tpu.memory_space<vmem>>, vector<1x16xf32>,
      %swap3A_171 = vector.shape_cast %swap3A_170 : vector<1x16xf32> to vector<16xf32>
      %swap3A_172 = vector.shape_cast %add3A_167 : vector<16xf32> to vector<1x16xf32>
      tpu.vector_store %arg11[%swap3A_168, %swap3A_169], %swap3A_172 {strides = array<i32>} : memref<16x768xf32, #tpu.memory_space<vmem>>, vector<1x16xf32>,
      %get3A_173 = arith.index_cast %scan3A_62 : i32 to index
      %get3A_174 = arith.constant 128 : index
      %get3A_175 = tpu.vector_load %arg11[%get3A_173, %get3A_174] {strides = array<i32>} : memref<16x768xf32, #tpu.memory_space<vmem>>, vector<1x16xf32>,
      %get3A_176 = vector.shape_cast %get3A_175 : vector<1x16xf32> to vector<16xf32>
      %get3A_177 = arith.index_cast %scan3A_62 : i32 to index
      %get3A_178 = arith.constant 128 : index
      %get3A_179 = tpu.vector_load %arg12[%get3A_177, %get3A_178] {strides = array<i32>} : memref<16x768xf32, #tpu.memory_space<vmem>>, vector<1x16xf32>,
      %get3A_180 = vector.shape_cast %get3A_179 : vector<1x16xf32> to vector<16xf32>
      %add3A_181 = arith.addf %get3A_176, %get3A_180 : vector<16xf32>
      %swap3A_182 = arith.index_cast %scan3A_62 : i32 to index
      %swap3A_183 = arith.constant 128 : index
      %swap3A_184 = tpu.vector_load %arg11[%swap3A_182, %swap3A_183] {strides = array<i32>} : memref<16x768xf32, #tpu.memory_space<vmem>>, vector<1x16xf32>,
      %swap3A_185 = vector.shape_cast %swap3A_184 : vector<1x16xf32> to vector<16xf32>
      %swap3A_186 = vector.shape_cast %add3A_181 : vector<16xf32> to vector<1x16xf32>
      tpu.vector_store %arg11[%swap3A_182, %swap3A_183], %swap3A_186 {strides = array<i32>} : memref<16x768xf32, #tpu.memory_space<vmem>>, vector<1x16xf32>,
      %get3A_187 = arith.index_cast %scan3A_62 : i32 to index
      %get3A_188 = arith.constant 144 : index
      %get3A_189 = tpu.vector_load %arg11[%get3A_187, %get3A_188] {strides = array<i32>} : memref<16x768xf32, #tpu.memory_space<vmem>>, vector<1x16xf32>,
      %get3A_190 = vector.shape_cast %get3A_189 : vector<1x16xf32> to vector<16xf32>
      %get3A_191 = arith.index_cast %scan3A_62 : i32 to index
      %get3A_192 = arith.constant 144 : index
      %get3A_193 = tpu.vector_load %arg12[%get3A_191, %get3A_192] {strides = array<i32>} : memref<16x768xf32, #tpu.memory_space<vmem>>, vector<1x16xf32>,
      %get3A_194 = vector.shape_cast %get3A_193 : vector<1x16xf32> to vector<16xf32>
      %add3A_195 = arith.addf %get3A_190, %get3A_194 : vector<16xf32>
      %swap3A_196 = arith.index_cast %scan3A_62 : i32 to index
      %swap3A_197 = arith.constant 144 : index
      %swap3A_198 = tpu.vector_load %arg11[%swap3A_196, %swap3A_197] {strides = array<i32>} : memref<16x768xf32, #tpu.memory_space<vmem>>, vector<1x16xf32>,
      %swap3A_199 = vector.shape_cast %swap3A_198 : vector<1x16xf32> to vector<16xf32>
      %swap3A_200 = vector.shape_cast %add3A_195 : vector<16xf32> to vector<1x16xf32>
      tpu.vector_store %arg11[%swap3A_196, %swap3A_197], %swap3A_200 {strides = array<i32>} : memref<16x768xf32, #tpu.memory_space<vmem>>, vector<1x16xf32>,
      %get3A_201 = arith.index_cast %scan3A_62 : i32 to index
      %get3A_202 = arith.constant 160 : index
      %get3A_203 = tpu.vector_load %arg11[%get3A_201, %get3A_202] {strides = array<i32>} : memref<16x768xf32, #tpu.memory_space<vmem>>, vector<1x16xf32>,
      %get3A_204 = vector.shape_cast %get3A_203 : vector<1x16xf32> to vector<16xf32>
      %get3A_205 = arith.index_cast %scan3A_62 : i32 to index
      %get3A_206 = arith.constant 160 : index
      %get3A_207 = tpu.vector_load %arg12[%get3A_205, %get3A_206] {strides = array<i32>} : memref<16x768xf32, #tpu.memory_space<vmem>>, vector<1x16xf32>,
      %get3A_208 = vector.shape_cast %get3A_207 : vector<1x16xf32> to vector<16xf32>
      %add3A_209 = arith.addf %get3A_204, %get3A_208 : vector<16xf32>
      %swap3A_210 = arith.index_cast %scan3A_62 : i32 to index
      %swap3A_211 = arith.constant 160 : index
      %swap3A_212 = tpu.vector_load %arg11[%swap3A_210, %swap3A_211] {strides = array<i32>} : memref<16x768xf32, #tpu.memory_space<vmem>>, vector<1x16xf32>,
      %swap3A_213 = vector.shape_cast %swap3A_212 : vector<1x16xf32> to vector<16xf32>
      %swap3A_214 = vector.shape_cast %add3A_209 : vector<16xf32> to vector<1x16xf32>
      tpu.vector_store %arg11[%swap3A_210, %swap3A_211], %swap3A_214 {strides = array<i32>} : memref<16x768xf32, #tpu.memory_space<vmem>>, vector<1x16xf32>,
      %get3A_215 = arith.index_cast %scan3A_62 : i32 to index
      %get3A_216 = arith.constant 176 : index
      %get3A_217 = tpu.vector_load %arg11[%get3A_215, %get3A_216] {strides = array<i32>} : memref<16x768xf32, #tpu.memory_space<vmem>>, vector<1x16xf32>,
      %get3A_218 = vector.shape_cast %get3A_217 : vector<1x16xf32> to vector<16xf32>
      %get3A_219 = arith.index_cast %scan3A_62 : i32 to index
      %get3A_220 = arith.constant 176 : index
      %get3A_221 = tpu.vector_load %arg12[%get3A_219, %get3A_220] {strides = array<i32>} : memref<16x768xf32, #tpu.memory_space<vmem>>, vector<1x16xf32>,
      %get3A_222 = vector.shape_cast %get3A_221 : vector<1x16xf32> to vector<16xf32>
      %add3A_223 = arith.addf %get3A_218, %get3A_222 : vector<16xf32>
      %swap3A_224 = arith.index_cast %scan3A_62 : i32 to index
      %swap3A_225 = arith.constant 176 : index
      %swap3A_226 = tpu.vector_load %arg11[%swap3A_224, %swap3A_225] {strides = array<i32>} : memref<16x768xf32, #tpu.memory_space<vmem>>, vector<1x16xf32>,
      %swap3A_227 = vector.shape_cast %swap3A_226 : vector<1x16xf32> to vector<16xf32>
      %swap3A_228 = vector.shape_cast %add3A_223 : vector<16xf32> to vector<1x16xf32>
      tpu.vector_store %arg11[%swap3A_224, %swap3A_225], %swap3A_228 {strides = array<i32>} : memref<16x768xf32, #tpu.memory_space<vmem>>, vector<1x16xf32>,
      %get3A_229 = arith.index_cast %scan3A_62 : i32 to index
      %get3A_230 = arith.constant 192 : index
      %get3A_231 = tpu.vector_load %arg11[%get3A_229, %get3A_230] {strides = array<i32>} : memref<16x768xf32, #tpu.memory_space<vmem>>, vector<1x16xf32>,
      %get3A_232 = vector.shape_cast %get3A_231 : vector<1x16xf32> to vector<16xf32>
      %get3A_233 = arith.index_cast %scan3A_62 : i32 to index
      %get3A_234 = arith.constant 192 : index
      %get3A_235 = tpu.vector_load %arg12[%get3A_233, %get3A_234] {strides = array<i32>} : memref<16x768xf32, #tpu.memory_space<vmem>>, vector<1x16xf32>,
      %get3A_236 = vector.shape_cast %get3A_235 : vector<1x16xf32> to vector<16xf32>
      %add3A_237 = arith.addf %get3A_232, %get3A_236 : vector<16xf32>
      %swap3A_238 = arith.index_cast %scan3A_62 : i32 to index
      %swap3A_239 = arith.constant 192 : index
      %swap3A_240 = tpu.vector_load %arg11[%swap3A_238, %swap3A_239] {strides = array<i32>} : memref<16x768xf32, #tpu.memory_space<vmem>>, vector<1x16xf32>,
      %swap3A_241 = vector.shape_cast %swap3A_240 : vector<1x16xf32> to vector<16xf32>
      %swap3A_242 = vector.shape_cast %add3A_237 : vector<16xf32> to vector<1x16xf32>
      tpu.vector_store %arg11[%swap3A_238, %swap3A_239], %swap3A_242 {strides = array<i32>} : memref<16x768xf32, #tpu.memory_space<vmem>>, vector<1x16xf32>,
      %get3A_243 = arith.index_cast %scan3A_62 : i32 to index
      %get3A_244 = arith.constant 208 : index
      %get3A_245 = tpu.vector_load %arg11[%get3A_243, %get3A_244] {strides = array<i32>} : memref<16x768xf32, #tpu.memory_space<vmem>>, vector<1x16xf32>,
      %get3A_246 = vector.shape_cast %get3A_245 : vector<1x16xf32> to vector<16xf32>
      %get3A_247 = arith.index_cast %scan3A_62 : i32 to index
      %get3A_248 = arith.constant 208 : index
      %get3A_249 = tpu.vector_load %arg12[%get3A_247, %get3A_248] {strides = array<i32>} : memref<16x768xf32, #tpu.memory_space<vmem>>, vector<1x16xf32>,
      %get3A_250 = vector.shape_cast %get3A_249 : vector<1x16xf32> to vector<16xf32>
      %add3A_251 = arith.addf %get3A_246, %get3A_250 : vector<16xf32>
      %swap3A_252 = arith.index_cast %scan3A_62 : i32 to index
      %swap3A_253 = arith.constant 208 : index
      %swap3A_254 = tpu.vector_load %arg11[%swap3A_252, %swap3A_253] {strides = array<i32>} : memref<16x768xf32, #tpu.memory_space<vmem>>, vector<1x16xf32>,
      %swap3A_255 = vector.shape_cast %swap3A_254 : vector<1x16xf32> to vector<16xf32>
      %swap3A_256 = vector.shape_cast %add3A_251 : vector<16xf32> to vector<1x16xf32>
      tpu.vector_store %arg11[%swap3A_252, %swap3A_253], %swap3A_256 {strides = array<i32>} : memref<16x768xf32, #tpu.memory_space<vmem>>, vector<1x16xf32>,
      %get3A_257 = arith.index_cast %scan3A_62 : i32 to index
      %get3A_258 = arith.constant 224 : index
      %get3A_259 = tpu.vector_load %arg11[%get3A_257, %get3A_258] {strides = array<i32>} : memref<16x768xf32, #tpu.memory_space<vmem>>, vector<1x16xf32>,
      %get3A_260 = vector.shape_cast %get3A_259 : vector<1x16xf32> to vector<16xf32>
      %get3A_261 = arith.index_cast %scan3A_62 : i32 to index
      %get3A_262 = arith.constant 224 : index
      %get3A_263 = tpu.vector_load %arg12[%get3A_261, %get3A_262] {strides = array<i32>} : memref<16x768xf32, #tpu.memory_space<vmem>>, vector<1x16xf32>,
      %get3A_264 = vector.shape_cast %get3A_263 : vector<1x16xf32> to vector<16xf32>
      %add3A_265 = arith.addf %get3A_260, %get3A_264 : vector<16xf32>
      %swap3A_266 = arith.index_cast %scan3A_62 : i32 to index
      %swap3A_267 = arith.constant 224 : index
      %swap3A_268 = tpu.vector_load %arg11[%swap3A_266, %swap3A_267] {strides = array<i32>} : memref<16x768xf32, #tpu.memory_space<vmem>>, vector<1x16xf32>,
      %swap3A_269 = vector.shape_cast %swap3A_268 : vector<1x16xf32> to vector<16xf32>
      %swap3A_270 = vector.shape_cast %add3A_265 : vector<16xf32> to vector<1x16xf32>
      tpu.vector_store %arg11[%swap3A_266, %swap3A_267], %swap3A_270 {strides = array<i32>} : memref<16x768xf32, #tpu.memory_space<vmem>>, vector<1x16xf32>,
      %get3A_271 = arith.index_cast %scan3A_62 : i32 to index
      %get3A_272 = arith.constant 240 : index
      %get3A_273 = tpu.vector_load %arg11[%get3A_271, %get3A_272] {strides = array<i32>} : memref<16x768xf32, #tpu.memory_space<vmem>>, vector<1x16xf32>,
      %get3A_274 = vector.shape_cast %get3A_273 : vector<1x16xf32> to vector<16xf32>
      %get3A_275 = arith.index_cast %scan3A_62 : i32 to index
      %get3A_276 = arith.constant 240 : index
      %get3A_277 = tpu.vector_load %arg12[%get3A_275, %get3A_276] {strides = array<i32>} : memref<16x768xf32, #tpu.memory_space<vmem>>, vector<1x16xf32>,
      %get3A_278 = vector.shape_cast %get3A_277 : vector<1x16xf32> to vector<16xf32>
      %add3A_279 = arith.addf %get3A_274, %get3A_278 : vector<16xf32>
      %swap3A_280 = arith.index_cast %scan3A_62 : i32 to index
      %swap3A_281 = arith.constant 240 : index
      %swap3A_282 = tpu.vector_load %arg11[%swap3A_280, %swap3A_281] {strides = array<i32>} : memref<16x768xf32, #tpu.memory_space<vmem>>, vector<1x16xf32>,
      %swap3A_283 = vector.shape_cast %swap3A_282 : vector<1x16xf32> to vector<16xf32>
      %swap3A_284 = vector.shape_cast %add3A_279 : vector<16xf32> to vector<1x16xf32>
      tpu.vector_store %arg11[%swap3A_280, %swap3A_281], %swap3A_284 {strides = array<i32>} : memref<16x768xf32, #tpu.memory_space<vmem>>, vector<1x16xf32>,
      %get3A_285 = arith.index_cast %scan3A_62 : i32 to index
      %get3A_286 = arith.constant 256 : index
      %get3A_287 = tpu.vector_load %arg11[%get3A_285, %get3A_286] {strides = array<i32>} : memref<16x768xf32, #tpu.memory_space<vmem>>, vector<1x16xf32>,
      %get3A_288 = vector.shape_cast %get3A_287 : vector<1x16xf32> to vector<16xf32>
      %get3A_289 = arith.index_cast %scan3A_62 : i32 to index
      %get3A_290 = arith.constant 256 : index
      %get3A_291 = tpu.vector_load %arg12[%get3A_289, %get3A_290] {strides = array<i32>} : memref<16x768xf32, #tpu.memory_space<vmem>>, vector<1x16xf32>,
      %get3A_292 = vector.shape_cast %get3A_291 : vector<1x16xf32> to vector<16xf32>
      %add3A_293 = arith.addf %get3A_288, %get3A_292 : vector<16xf32>
      %swap3A_294 = arith.index_cast %scan3A_62 : i32 to index
      %swap3A_295 = arith.constant 256 : index
      %swap3A_296 = tpu.vector_load %arg11[%swap3A_294, %swap3A_295] {strides = array<i32>} : memref<16x768xf32, #tpu.memory_space<vmem>>, vector<1x16xf32>,
      %swap3A_297 = vector.shape_cast %swap3A_296 : vector<1x16xf32> to vector<16xf32>
      %swap3A_298 = vector.shape_cast %add3A_293 : vector<16xf32> to vector<1x16xf32>
      tpu.vector_store %arg11[%swap3A_294, %swap3A_295], %swap3A_298 {strides = array<i32>} : memref<16x768xf32, #tpu.memory_space<vmem>>, vector<1x16xf32>,
      %get3A_299 = arith.index_cast %scan3A_62 : i32 to index
      %get3A_300 = arith.constant 272 : index
      %get3A_301 = tpu.vector_load %arg11[%get3A_299, %get3A_300] {strides = array<i32>} : memref<16x768xf32, #tpu.memory_space<vmem>>, vector<1x16xf32>,
      %get3A_302 = vector.shape_cast %get3A_301 : vector<1x16xf32> to vector<16xf32>
      %get3A_303 = arith.index_cast %scan3A_62 : i32 to index
      %get3A_304 = arith.constant 272 : index
      %get3A_305 = tpu.vector_load %arg12[%get3A_303, %get3A_304] {strides = array<i32>} : memref<16x768xf32, #tpu.memory_space<vmem>>, vector<1x16xf32>,
      %get3A_306 = vector.shape_cast %get3A_305 : vector<1x16xf32> to vector<16xf32>
      %add3A_307 = arith.addf %get3A_302, %get3A_306 : vector<16xf32>
      %swap3A_308 = arith.index_cast %scan3A_62 : i32 to index
      %swap3A_309 = arith.constant 272 : index
      %swap3A_310 = tpu.vector_load %arg11[%swap3A_308, %swap3A_309] {strides = array<i32>} : memref<16x768xf32, #tpu.memory_space<vmem>>, vector<1x16xf32>,
      %swap3A_311 = vector.shape_cast %swap3A_310 : vector<1x16xf32> to vector<16xf32>
      %swap3A_312 = vector.shape_cast %add3A_307 : vector<16xf32> to vector<1x16xf32>
      tpu.vector_store %arg11[%swap3A_308, %swap3A_309], %swap3A_312 {strides = array<i32>} : memref<16x768xf32, #tpu.memory_space<vmem>>, vector<1x16xf32>,
      %get3A_313 = arith.index_cast %scan3A_62 : i32 to index
      %get3A_314 = arith.constant 288 : index
      %get3A_315 = tpu.vector_load %arg11[%get3A_313, %get3A_314] {strides = array<i32>} : memref<16x768xf32, #tpu.memory_space<vmem>>, vector<1x16xf32>,
      %get3A_316 = vector.shape_cast %get3A_315 : vector<1x16xf32> to vector<16xf32>
      %get3A_317 = arith.index_cast %scan3A_62 : i32 to index
      %get3A_318 = arith.constant 288 : index
      %get3A_319 = tpu.vector_load %arg12[%get3A_317, %get3A_318] {strides = array<i32>} : memref<16x768xf32, #tpu.memory_space<vmem>>, vector<1x16xf32>,
      %get3A_320 = vector.shape_cast %get3A_319 : vector<1x16xf32> to vector<16xf32>
      %add3A_321 = arith.addf %get3A_316, %get3A_320 : vector<16xf32>
      %swap3A_322 = arith.index_cast %scan3A_62 : i32 to index
      %swap3A_323 = arith.constant 288 : index
      %swap3A_324 = tpu.vector_load %arg11[%swap3A_322, %swap3A_323] {strides = array<i32>} : memref<16x768xf32, #tpu.memory_space<vmem>>, vector<1x16xf32>,
      %swap3A_325 = vector.shape_cast %swap3A_324 : vector<1x16xf32> to vector<16xf32>
      %swap3A_326 = vector.shape_cast %add3A_321 : vector<16xf32> to vector<1x16xf32>
      tpu.vector_store %arg11[%swap3A_322, %swap3A_323], %swap3A_326 {strides = array<i32>} : memref<16x768xf32, #tpu.memory_space<vmem>>, vector<1x16xf32>,
      %get3A_327 = arith.index_cast %scan3A_62 : i32 to index
      %get3A_328 = arith.constant 304 : index
      %get3A_329 = tpu.vector_load %arg11[%get3A_327, %get3A_328] {strides = array<i32>} : memref<16x768xf32, #tpu.memory_space<vmem>>, vector<1x16xf32>,
      %get3A_330 = vector.shape_cast %get3A_329 : vector<1x16xf32> to vector<16xf32>
      %get3A_331 = arith.index_cast %scan3A_62 : i32 to index
      %get3A_332 = arith.constant 304 : index
      %get3A_333 = tpu.vector_load %arg12[%get3A_331, %get3A_332] {strides = array<i32>} : memref<16x768xf32, #tpu.memory_space<vmem>>, vector<1x16xf32>,
      %get3A_334 = vector.shape_cast %get3A_333 : vector<1x16xf32> to vector<16xf32>
      %add3A_335 = arith.addf %get3A_330, %get3A_334 : vector<16xf32>
      %swap3A_336 = arith.index_cast %scan3A_62 : i32 to index
      %swap3A_337 = arith.constant 304 : index
      %swap3A_338 = tpu.vector_load %arg11[%swap3A_336, %swap3A_337] {strides = array<i32>} : memref<16x768xf32, #tpu.memory_space<vmem>>, vector<1x16xf32>,
      %swap3A_339 = vector.shape_cast %swap3A_338 : vector<1x16xf32> to vector<16xf32>
      %swap3A_340 = vector.shape_cast %add3A_335 : vector<16xf32> to vector<1x16xf32>
      tpu.vector_store %arg11[%swap3A_336, %swap3A_337], %swap3A_340 {strides = array<i32>} : memref<16x768xf32, #tpu.memory_space<vmem>>, vector<1x16xf32>,
      %get3A_341 = arith.index_cast %scan3A_62 : i32 to index
      %get3A_342 = arith.constant 320 : index
      %get3A_343 = tpu.vector_load %arg11[%get3A_341, %get3A_342] {strides = array<i32>} : memref<16x768xf32, #tpu.memory_space<vmem>>, vector<1x16xf32>,
      %get3A_344 = vector.shape_cast %get3A_343 : vector<1x16xf32> to vector<16xf32>
      %get3A_345 = arith.index_cast %scan3A_62 : i32 to index
      %get3A_346 = arith.constant 320 : index
      %get3A_347 = tpu.vector_load %arg12[%get3A_345, %get3A_346] {strides = array<i32>} : memref<16x768xf32, #tpu.memory_space<vmem>>, vector<1x16xf32>,
      %get3A_348 = vector.shape_cast %get3A_347 : vector<1x16xf32> to vector<16xf32>
      %add3A_349 = arith.addf %get3A_344, %get3A_348 : vector<16xf32>
      %swap3A_350 = arith.index_cast %scan3A_62 : i32 to index
      %swap3A_351 = arith.constant 320 : index
      %swap3A_352 = tpu.vector_load %arg11[%swap3A_350, %swap3A_351] {strides = array<i32>} : memref<16x768xf32, #tpu.memory_space<vmem>>, vector<1x16xf32>,
      %swap3A_353 = vector.shape_cast %swap3A_352 : vector<1x16xf32> to vector<16xf32>
      %swap3A_354 = vector.shape_cast %add3A_349 : vector<16xf32> to vector<1x16xf32>
      tpu.vector_store %arg11[%swap3A_350, %swap3A_351], %swap3A_354 {strides = array<i32>} : memref<16x768xf32, #tpu.memory_space<vmem>>, vector<1x16xf32>,
      %get3A_355 = arith.index_cast %scan3A_62 : i32 to index
      %get3A_356 = arith.constant 336 : index
      %get3A_357 = tpu.vector_load %arg11[%get3A_355, %get3A_356] {strides = array<i32>} : memref<16x768xf32, #tpu.memory_space<vmem>>, vector<1x16xf32>,
      %get3A_358 = vector.shape_cast %get3A_357 : vector<1x16xf32> to vector<16xf32>
      %get3A_359 = arith.index_cast %scan3A_62 : i32 to index
      %get3A_360 = arith.constant 336 : index
      %get3A_361 = tpu.vector_load %arg12[%get3A_359, %get3A_360] {strides = array<i32>} : memref<16x768xf32, #tpu.memory_space<vmem>>, vector<1x16xf32>,
      %get3A_362 = vector.shape_cast %get3A_361 : vector<1x16xf32> to vector<16xf32>
      %add3A_363 = arith.addf %get3A_358, %get3A_362 : vector<16xf32>
      %swap3A_364 = arith.index_cast %scan3A_62 : i32 to index
      %swap3A_365 = arith.constant 336 : index
      %swap3A_366 = tpu.vector_load %arg11[%swap3A_364, %swap3A_365] {strides = array<i32>} : memref<16x768xf32, #tpu.memory_space<vmem>>, vector<1x16xf32>,
      %swap3A_367 = vector.shape_cast %swap3A_366 : vector<1x16xf32> to vector<16xf32>
      %swap3A_368 = vector.shape_cast %add3A_363 : vector<16xf32> to vector<1x16xf32>
      tpu.vector_store %arg11[%swap3A_364, %swap3A_365], %swap3A_368 {strides = array<i32>} : memref<16x768xf32, #tpu.memory_space<vmem>>, vector<1x16xf32>,
      %get3A_369 = arith.index_cast %scan3A_62 : i32 to index
      %get3A_370 = arith.constant 352 : index
      %get3A_371 = tpu.vector_load %arg11[%get3A_369, %get3A_370] {strides = array<i32>} : memref<16x768xf32, #tpu.memory_space<vmem>>, vector<1x16xf32>,
      %get3A_372 = vector.shape_cast %get3A_371 : vector<1x16xf32> to vector<16xf32>
      %get3A_373 = arith.index_cast %scan3A_62 : i32 to index
      %get3A_374 = arith.constant 352 : index
      %get3A_375 = tpu.vector_load %arg12[%get3A_373, %get3A_374] {strides = array<i32>} : memref<16x768xf32, #tpu.memory_space<vmem>>, vector<1x16xf32>,
      %get3A_376 = vector.shape_cast %get3A_375 : vector<1x16xf32> to vector<16xf32>
      %add3A_377 = arith.addf %get3A_372, %get3A_376 : vector<16xf32>
      %swap3A_378 = arith.index_cast %scan3A_62 : i32 to index
      %swap3A_379 = arith.constant 352 : index
      %swap3A_380 = tpu.vector_load %arg11[%swap3A_378, %swap3A_379] {strides = array<i32>} : memref<16x768xf32, #tpu.memory_space<vmem>>, vector<1x16xf32>,
      %swap3A_381 = vector.shape_cast %swap3A_380 : vector<1x16xf32> to vector<16xf32>
      %swap3A_382 = vector.shape_cast %add3A_377 : vector<16xf32> to vector<1x16xf32>
      tpu.vector_store %arg11[%swap3A_378, %swap3A_379], %swap3A_382 {strides = array<i32>} : memref<16x768xf32, #tpu.memory_space<vmem>>, vector<1x16xf32>,
      %get3A_383 = arith.index_cast %scan3A_62 : i32 to index
      %get3A_384 = arith.constant 368 : index
      %get3A_385 = tpu.vector_load %arg11[%get3A_383, %get3A_384] {strides = array<i32>} : memref<16x768xf32, #tpu.memory_space<vmem>>, vector<1x16xf32>,
      %get3A_386 = vector.shape_cast %get3A_385 : vector<1x16xf32> to vector<16xf32>
      %get3A_387 = arith.index_cast %scan3A_62 : i32 to index
      %get3A_388 = arith.constant 368 : index
      %get3A_389 = tpu.vector_load %arg12[%get3A_387, %get3A_388] {strides = array<i32>} : memref<16x768xf32, #tpu.memory_space<vmem>>, vector<1x16xf32>,
      %get3A_390 = vector.shape_cast %get3A_389 : vector<1x16xf32> to vector<16xf32>
      %add3A_391 = arith.addf %get3A_386, %get3A_390 : vector<16xf32>
      %swap3A_392 = arith.index_cast %scan3A_62 : i32 to index
      %swap3A_393 = arith.constant 368 : index
      %swap3A_394 = tpu.vector_load %arg11[%swap3A_392, %swap3A_393] {strides = array<i32>} : memref<16x768xf32, #tpu.memory_space<vmem>>, vector<1x16xf32>,
      %swap3A_395 = vector.shape_cast %swap3A_394 : vector<1x16xf32> to vector<16xf32>
      %swap3A_396 = vector.shape_cast %add3A_391 : vector<16xf32> to vector<1x16xf32>
      tpu.vector_store %arg11[%swap3A_392, %swap3A_393], %swap3A_396 {strides = array<i32>} : memref<16x768xf32, #tpu.memory_space<vmem>>, vector<1x16xf32>,
      %get3A_397 = arith.index_cast %scan3A_62 : i32 to index
      %get3A_398 = arith.constant 384 : index
      %get3A_399 = tpu.vector_load %arg11[%get3A_397, %get3A_398] {strides = array<i32>} : memref<16x768xf32, #tpu.memory_space<vmem>>, vector<1x16xf32>,
      %get3A_400 = vector.shape_cast %get3A_399 : vector<1x16xf32> to vector<16xf32>
      %get3A_401 = arith.index_cast %scan3A_62 : i32 to index
      %get3A_402 = arith.constant 384 : index
      %get3A_403 = tpu.vector_load %arg12[%get3A_401, %get3A_402] {strides = array<i32>} : memref<16x768xf32, #tpu.memory_space<vmem>>, vector<1x16xf32>,
      %get3A_404 = vector.shape_cast %get3A_403 : vector<1x16xf32> to vector<16xf32>
      %add3A_405 = arith.addf %get3A_400, %get3A_404 : vector<16xf32>
      %swap3A_406 = arith.index_cast %scan3A_62 : i32 to index
      %swap3A_407 = arith.constant 384 : index
      %swap3A_408 = tpu.vector_load %arg11[%swap3A_406, %swap3A_407] {strides = array<i32>} : memref<16x768xf32, #tpu.memory_space<vmem>>, vector<1x16xf32>,
      %swap3A_409 = vector.shape_cast %swap3A_408 : vector<1x16xf32> to vector<16xf32>
      %swap3A_410 = vector.shape_cast %add3A_405 : vector<16xf32> to vector<1x16xf32>
      tpu.vector_store %arg11[%swap3A_406, %swap3A_407], %swap3A_410 {strides = array<i32>} : memref<16x768xf32, #tpu.memory_space<vmem>>, vector<1x16xf32>,
      %get3A_411 = arith.index_cast %scan3A_62 : i32 to index
      %get3A_412 = arith.constant 400 : index
      %get3A_413 = tpu.vector_load %arg11[%get3A_411, %get3A_412] {strides = array<i32>} : memref<16x768xf32, #tpu.memory_space<vmem>>, vector<1x16xf32>,
      %get3A_414 = vector.shape_cast %get3A_413 : vector<1x16xf32> to vector<16xf32>
      %get3A_415 = arith.index_cast %scan3A_62 : i32 to index
      %get3A_416 = arith.constant 400 : index
      %get3A_417 = tpu.vector_load %arg12[%get3A_415, %get3A_416] {strides = array<i32>} : memref<16x768xf32, #tpu.memory_space<vmem>>, vector<1x16xf32>,
      %get3A_418 = vector.shape_cast %get3A_417 : vector<1x16xf32> to vector<16xf32>
      %add3A_419 = arith.addf %get3A_414, %get3A_418 : vector<16xf32>
      %swap3A_420 = arith.index_cast %scan3A_62 : i32 to index
      %swap3A_421 = arith.constant 400 : index
      %swap3A_422 = tpu.vector_load %arg11[%swap3A_420, %swap3A_421] {strides = array<i32>} : memref<16x768xf32, #tpu.memory_space<vmem>>, vector<1x16xf32>,
      %swap3A_423 = vector.shape_cast %swap3A_422 : vector<1x16xf32> to vector<16xf32>
      %swap3A_424 = vector.shape_cast %add3A_419 : vector<16xf32> to vector<1x16xf32>
      tpu.vector_store %arg11[%swap3A_420, %swap3A_421], %swap3A_424 {strides = array<i32>} : memref<16x768xf32, #tpu.memory_space<vmem>>, vector<1x16xf32>,
      %get3A_425 = arith.index_cast %scan3A_62 : i32 to index
      %get3A_426 = arith.constant 416 : index
      %get3A_427 = tpu.vector_load %arg11[%get3A_425, %get3A_426] {strides = array<i32>} : memref<16x768xf32, #tpu.memory_space<vmem>>, vector<1x16xf32>,
      %get3A_428 = vector.shape_cast %get3A_427 : vector<1x16xf32> to vector<16xf32>
      %get3A_429 = arith.index_cast %scan3A_62 : i32 to index
      %get3A_430 = arith.constant 416 : index
      %get3A_431 = tpu.vector_load %arg12[%get3A_429, %get3A_430] {strides = array<i32>} : memref<16x768xf32, #tpu.memory_space<vmem>>, vector<1x16xf32>,
      %get3A_432 = vector.shape_cast %get3A_431 : vector<1x16xf32> to vector<16xf32>
      %add3A_433 = arith.addf %get3A_428, %get3A_432 : vector<16xf32>
      %swap3A_434 = arith.index_cast %scan3A_62 : i32 to index
      %swap3A_435 = arith.constant 416 : index
      %swap3A_436 = tpu.vector_load %arg11[%swap3A_434, %swap3A_435] {strides = array<i32>} : memref<16x768xf32, #tpu.memory_space<vmem>>, vector<1x16xf32>,
      %swap3A_437 = vector.shape_cast %swap3A_436 : vector<1x16xf32> to vector<16xf32>
      %swap3A_438 = vector.shape_cast %add3A_433 : vector<16xf32> to vector<1x16xf32>
      tpu.vector_store %arg11[%swap3A_434, %swap3A_435], %swap3A_438 {strides = array<i32>} : memref<16x768xf32, #tpu.memory_space<vmem>>, vector<1x16xf32>,
      %get3A_439 = arith.index_cast %scan3A_62 : i32 to index
      %get3A_440 = arith.constant 432 : index
      %get3A_441 = tpu.vector_load %arg11[%get3A_439, %get3A_440] {strides = array<i32>} : memref<16x768xf32, #tpu.memory_space<vmem>>, vector<1x16xf32>,
      %get3A_442 = vector.shape_cast %get3A_441 : vector<1x16xf32> to vector<16xf32>
      %get3A_443 = arith.index_cast %scan3A_62 : i32 to index
      %get3A_444 = arith.constant 432 : index
      %get3A_445 = tpu.vector_load %arg12[%get3A_443, %get3A_444] {strides = array<i32>} : memref<16x768xf32, #tpu.memory_space<vmem>>, vector<1x16xf32>,
      %get3A_446 = vector.shape_cast %get3A_445 : vector<1x16xf32> to vector<16xf32>
      %add3A_447 = arith.addf %get3A_442, %get3A_446 : vector<16xf32>
      %swap3A_448 = arith.index_cast %scan3A_62 : i32 to index
      %swap3A_449 = arith.constant 432 : index
      %swap3A_450 = tpu.vector_load %arg11[%swap3A_448, %swap3A_449] {strides = array<i32>} : memref<16x768xf32, #tpu.memory_space<vmem>>, vector<1x16xf32>,
      %swap3A_451 = vector.shape_cast %swap3A_450 : vector<1x16xf32> to vector<16xf32>
      %swap3A_452 = vector.shape_cast %add3A_447 : vector<16xf32> to vector<1x16xf32>
      tpu.vector_store %arg11[%swap3A_448, %swap3A_449], %swap3A_452 {strides = array<i32>} : memref<16x768xf32, #tpu.memory_space<vmem>>, vector<1x16xf32>,
      %get3A_453 = arith.index_cast %scan3A_62 : i32 to index
      %get3A_454 = arith.constant 448 : index
      %get3A_455 = tpu.vector_load %arg11[%get3A_453, %get3A_454] {strides = array<i32>} : memref<16x768xf32, #tpu.memory_space<vmem>>, vector<1x16xf32>,
      %get3A_456 = vector.shape_cast %get3A_455 : vector<1x16xf32> to vector<16xf32>
      %get3A_457 = arith.index_cast %scan3A_62 : i32 to index
      %get3A_458 = arith.constant 448 : index
      %get3A_459 = tpu.vector_load %arg12[%get3A_457, %get3A_458] {strides = array<i32>} : memref<16x768xf32, #tpu.memory_space<vmem>>, vector<1x16xf32>,
      %get3A_460 = vector.shape_cast %get3A_459 : vector<1x16xf32> to vector<16xf32>
      %add3A_461 = arith.addf %get3A_456, %get3A_460 : vector<16xf32>
      %swap3A_462 = arith.index_cast %scan3A_62 : i32 to index
      %swap3A_463 = arith.constant 448 : index
      %swap3A_464 = tpu.vector_load %arg11[%swap3A_462, %swap3A_463] {strides = array<i32>} : memref<16x768xf32, #tpu.memory_space<vmem>>, vector<1x16xf32>,
      %swap3A_465 = vector.shape_cast %swap3A_464 : vector<1x16xf32> to vector<16xf32>
      %swap3A_466 = vector.shape_cast %add3A_461 : vector<16xf32> to vector<1x16xf32>
      tpu.vector_store %arg11[%swap3A_462, %swap3A_463], %swap3A_466 {strides = array<i32>} : memref<16x768xf32, #tpu.memory_space<vmem>>, vector<1x16xf32>,
      %get3A_467 = arith.index_cast %scan3A_62 : i32 to index
      %get3A_468 = arith.constant 464 : index
      %get3A_469 = tpu.vector_load %arg11[%get3A_467, %get3A_468] {strides = array<i32>} : memref<16x768xf32, #tpu.memory_space<vmem>>, vector<1x16xf32>,
      %get3A_470 = vector.shape_cast %get3A_469 : vector<1x16xf32> to vector<16xf32>
      %get3A_471 = arith.index_cast %scan3A_62 : i32 to index
      %get3A_472 = arith.constant 464 : index
      %get3A_473 = tpu.vector_load %arg12[%get3A_471, %get3A_472] {strides = array<i32>} : memref<16x768xf32, #tpu.memory_space<vmem>>, vector<1x16xf32>,
      %get3A_474 = vector.shape_cast %get3A_473 : vector<1x16xf32> to vector<16xf32>
      %add3A_475 = arith.addf %get3A_470, %get3A_474 : vector<16xf32>
      %swap3A_476 = arith.index_cast %scan3A_62 : i32 to index
      %swap3A_477 = arith.constant 464 : index
      %swap3A_478 = tpu.vector_load %arg11[%swap3A_476, %swap3A_477] {strides = array<i32>} : memref<16x768xf32, #tpu.memory_space<vmem>>, vector<1x16xf32>,
      %swap3A_479 = vector.shape_cast %swap3A_478 : vector<1x16xf32> to vector<16xf32>
      %swap3A_480 = vector.shape_cast %add3A_475 : vector<16xf32> to vector<1x16xf32>
      tpu.vector_store %arg11[%swap3A_476, %swap3A_477], %swap3A_480 {strides = array<i32>} : memref<16x768xf32, #tpu.memory_space<vmem>>, vector<1x16xf32>,
      %get3A_481 = arith.index_cast %scan3A_62 : i32 to index
      %get3A_482 = arith.constant 480 : index
      %get3A_483 = tpu.vector_load %arg11[%get3A_481, %get3A_482] {strides = array<i32>} : memref<16x768xf32, #tpu.memory_space<vmem>>, vector<1x16xf32>,
      %get3A_484 = vector.shape_cast %get3A_483 : vector<1x16xf32> to vector<16xf32>
      %get3A_485 = arith.index_cast %scan3A_62 : i32 to index
      %get3A_486 = arith.constant 480 : index
      %get3A_487 = tpu.vector_load %arg12[%get3A_485, %get3A_486] {strides = array<i32>} : memref<16x768xf32, #tpu.memory_space<vmem>>, vector<1x16xf32>,
      %get3A_488 = vector.shape_cast %get3A_487 : vector<1x16xf32> to vector<16xf32>
      %add3A_489 = arith.addf %get3A_484, %get3A_488 : vector<16xf32>
      %swap3A_490 = arith.index_cast %scan3A_62 : i32 to index
      %swap3A_491 = arith.constant 480 : index
      %swap3A_492 = tpu.vector_load %arg11[%swap3A_490, %swap3A_491] {strides = array<i32>} : memref<16x768xf32, #tpu.memory_space<vmem>>, vector<1x16xf32>,
      %swap3A_493 = vector.shape_cast %swap3A_492 : vector<1x16xf32> to vector<16xf32>
      %swap3A_494 = vector.shape_cast %add3A_489 : vector<16xf32> to vector<1x16xf32>
      tpu.vector_store %arg11[%swap3A_490, %swap3A_491], %swap3A_494 {strides = array<i32>} : memref<16x768xf32, #tpu.memory_space<vmem>>, vector<1x16xf32>,
      %get3A_495 = arith.index_cast %scan3A_62 : i32 to index
      %get3A_496 = arith.constant 496 : index
      %get3A_497 = tpu.vector_load %arg11[%get3A_495, %get3A_496] {strides = array<i32>} : memref<16x768xf32, #tpu.memory_space<vmem>>, vector<1x16xf32>,
      %get3A_498 = vector.shape_cast %get3A_497 : vector<1x16xf32> to vector<16xf32>
      %get3A_499 = arith.index_cast %scan3A_62 : i32 to index
      %get3A_500 = arith.constant 496 : index
      %get3A_501 = tpu.vector_load %arg12[%get3A_499, %get3A_500] {strides = array<i32>} : memref<16x768xf32, #tpu.memory_space<vmem>>, vector<1x16xf32>,
      %get3A_502 = vector.shape_cast %get3A_501 : vector<1x16xf32> to vector<16xf32>
      %add3A_503 = arith.addf %get3A_498, %get3A_502 : vector<16xf32>
      %swap3A_504 = arith.index_cast %scan3A_62 : i32 to index
      %swap3A_505 = arith.constant 496 : index
      %swap3A_506 = tpu.vector_load %arg11[%swap3A_504, %swap3A_505] {strides = array<i32>} : memref<16x768xf32, #tpu.memory_space<vmem>>, vector<1x16xf32>,
      %swap3A_507 = vector.shape_cast %swap3A_506 : vector<1x16xf32> to vector<16xf32>
      %swap3A_508 = vector.shape_cast %add3A_503 : vector<16xf32> to vector<1x16xf32>
      tpu.vector_store %arg11[%swap3A_504, %swap3A_505], %swap3A_508 {strides = array<i32>} : memref<16x768xf32, #tpu.memory_space<vmem>>, vector<1x16xf32>,
      %get3A_509 = arith.index_cast %scan3A_62 : i32 to index
      %get3A_510 = arith.constant 512 : index
      %get3A_511 = tpu.vector_load %arg11[%get3A_509, %get3A_510] {strides = array<i32>} : memref<16x768xf32, #tpu.memory_space<vmem>>, vector<1x16xf32>,
      %get3A_512 = vector.shape_cast %get3A_511 : vector<1x16xf32> to vector<16xf32>
      %get3A_513 = arith.index_cast %scan3A_62 : i32 to index
      %get3A_514 = arith.constant 512 : index
      %get3A_515 = tpu.vector_load %arg12[%get3A_513, %get3A_514] {strides = array<i32>} : memref<16x768xf32, #tpu.memory_space<vmem>>, vector<1x16xf32>,
      %get3A_516 = vector.shape_cast %get3A_515 : vector<1x16xf32> to vector<16xf32>
      %add3A_517 = arith.addf %get3A_512, %get3A_516 : vector<16xf32>
      %swap3A_518 = arith.index_cast %scan3A_62 : i32 to index
      %swap3A_519 = arith.constant 512 : index
      %swap3A_520 = tpu.vector_load %arg11[%swap3A_518, %swap3A_519] {strides = array<i32>} : memref<16x768xf32, #tpu.memory_space<vmem>>, vector<1x16xf32>,
      %swap3A_521 = vector.shape_cast %swap3A_520 : vector<1x16xf32> to vector<16xf32>
      %swap3A_522 = vector.shape_cast %add3A_517 : vector<16xf32> to vector<1x16xf32>
      tpu.vector_store %arg11[%swap3A_518, %swap3A_519], %swap3A_522 {strides = array<i32>} : memref<16x768xf32, #tpu.memory_space<vmem>>, vector<1x16xf32>,
      %get3A_523 = arith.index_cast %scan3A_62 : i32 to index
      %get3A_524 = arith.constant 528 : index
      %get3A_525 = tpu.vector_load %arg11[%get3A_523, %get3A_524] {strides = array<i32>} : memref<16x768xf32, #tpu.memory_space<vmem>>, vector<1x16xf32>,
      %get3A_526 = vector.shape_cast %get3A_525 : vector<1x16xf32> to vector<16xf32>
      %get3A_527 = arith.index_cast %scan3A_62 : i32 to index
      %get3A_528 = arith.constant 528 : index
      %get3A_529 = tpu.vector_load %arg12[%get3A_527, %get3A_528] {strides = array<i32>} : memref<16x768xf32, #tpu.memory_space<vmem>>, vector<1x16xf32>,
      %get3A_530 = vector.shape_cast %get3A_529 : vector<1x16xf32> to vector<16xf32>
      %add3A_531 = arith.addf %get3A_526, %get3A_530 : vector<16xf32>
      %swap3A_532 = arith.index_cast %scan3A_62 : i32 to index
      %swap3A_533 = arith.constant 528 : index
      %swap3A_534 = tpu.vector_load %arg11[%swap3A_532, %swap3A_533] {strides = array<i32>} : memref<16x768xf32, #tpu.memory_space<vmem>>, vector<1x16xf32>,
      %swap3A_535 = vector.shape_cast %swap3A_534 : vector<1x16xf32> to vector<16xf32>
      %swap3A_536 = vector.shape_cast %add3A_531 : vector<16xf32> to vector<1x16xf32>
      tpu.vector_store %arg11[%swap3A_532, %swap3A_533], %swap3A_536 {strides = array<i32>} : memref<16x768xf32, #tpu.memory_space<vmem>>, vector<1x16xf32>,
      %get3A_537 = arith.index_cast %scan3A_62 : i32 to index
      %get3A_538 = arith.constant 544 : index
      %get3A_539 = tpu.vector_load %arg11[%get3A_537, %get3A_538] {strides = array<i32>} : memref<16x768xf32, #tpu.memory_space<vmem>>, vector<1x16xf32>,
      %get3A_540 = vector.shape_cast %get3A_539 : vector<1x16xf32> to vector<16xf32>
      %get3A_541 = arith.index_cast %scan3A_62 : i32 to index
      %get3A_542 = arith.constant 544 : index
      %get3A_543 = tpu.vector_load %arg12[%get3A_541, %get3A_542] {strides = array<i32>} : memref<16x768xf32, #tpu.memory_space<vmem>>, vector<1x16xf32>,
      %get3A_544 = vector.shape_cast %get3A_543 : vector<1x16xf32> to vector<16xf32>
      %add3A_545 = arith.addf %get3A_540, %get3A_544 : vector<16xf32>
      %swap3A_546 = arith.index_cast %scan3A_62 : i32 to index
      %swap3A_547 = arith.constant 544 : index
      %swap3A_548 = tpu.vector_load %arg11[%swap3A_546, %swap3A_547] {strides = array<i32>} : memref<16x768xf32, #tpu.memory_space<vmem>>, vector<1x16xf32>,
      %swap3A_549 = vector.shape_cast %swap3A_548 : vector<1x16xf32> to vector<16xf32>
      %swap3A_550 = vector.shape_cast %add3A_545 : vector<16xf32> to vector<1x16xf32>
      tpu.vector_store %arg11[%swap3A_546, %swap3A_547], %swap3A_550 {strides = array<i32>} : memref<16x768xf32, #tpu.memory_space<vmem>>, vector<1x16xf32>,
      %get3A_551 = arith.index_cast %scan3A_62 : i32 to index
      %get3A_552 = arith.constant 560 : index
      %get3A_553 = tpu.vector_load %arg11[%get3A_551, %get3A_552] {strides = array<i32>} : memref<16x768xf32, #tpu.memory_space<vmem>>, vector<1x16xf32>,
      %get3A_554 = vector.shape_cast %get3A_553 : vector<1x16xf32> to vector<16xf32>
      %get3A_555 = arith.index_cast %scan3A_62 : i32 to index
      %get3A_556 = arith.constant 560 : index
      %get3A_557 = tpu.vector_load %arg12[%get3A_555, %get3A_556] {strides = array<i32>} : memref<16x768xf32, #tpu.memory_space<vmem>>, vector<1x16xf32>,
      %get3A_558 = vector.shape_cast %get3A_557 : vector<1x16xf32> to vector<16xf32>
      %add3A_559 = arith.addf %get3A_554, %get3A_558 : vector<16xf32>
      %swap3A_560 = arith.index_cast %scan3A_62 : i32 to index
      %swap3A_561 = arith.constant 560 : index
      %swap3A_562 = tpu.vector_load %arg11[%swap3A_560, %swap3A_561] {strides = array<i32>} : memref<16x768xf32, #tpu.memory_space<vmem>>, vector<1x16xf32>,
      %swap3A_563 = vector.shape_cast %swap3A_562 : vector<1x16xf32> to vector<16xf32>
      %swap3A_564 = vector.shape_cast %add3A_559 : vector<16xf32> to vector<1x16xf32>
      tpu.vector_store %arg11[%swap3A_560, %swap3A_561], %swap3A_564 {strides = array<i32>} : memref<16x768xf32, #tpu.memory_space<vmem>>, vector<1x16xf32>,
      %get3A_565 = arith.index_cast %scan3A_62 : i32 to index
      %get3A_566 = arith.constant 576 : index
      %get3A_567 = tpu.vector_load %arg11[%get3A_565, %get3A_566] {strides = array<i32>} : memref<16x768xf32, #tpu.memory_space<vmem>>, vector<1x16xf32>,
      %get3A_568 = vector.shape_cast %get3A_567 : vector<1x16xf32> to vector<16xf32>
      %get3A_569 = arith.index_cast %scan3A_62 : i32 to index
      %get3A_570 = arith.constant 576 : index
      %get3A_571 = tpu.vector_load %arg12[%get3A_569, %get3A_570] {strides = array<i32>} : memref<16x768xf32, #tpu.memory_space<vmem>>, vector<1x16xf32>,
      %get3A_572 = vector.shape_cast %get3A_571 : vector<1x16xf32> to vector<16xf32>
      %add3A_573 = arith.addf %get3A_568, %get3A_572 : vector<16xf32>
      %swap3A_574 = arith.index_cast %scan3A_62 : i32 to index
      %swap3A_575 = arith.constant 576 : index
      %swap3A_576 = tpu.vector_load %arg11[%swap3A_574, %swap3A_575] {strides = array<i32>} : memref<16x768xf32, #tpu.memory_space<vmem>>, vector<1x16xf32>,
      %swap3A_577 = vector.shape_cast %swap3A_576 : vector<1x16xf32> to vector<16xf32>
      %swap3A_578 = vector.shape_cast %add3A_573 : vector<16xf32> to vector<1x16xf32>
      tpu.vector_store %arg11[%swap3A_574, %swap3A_575], %swap3A_578 {strides = array<i32>} : memref<16x768xf32, #tpu.memory_space<vmem>>, vector<1x16xf32>,
      %get3A_579 = arith.index_cast %scan3A_62 : i32 to index
      %get3A_580 = arith.constant 592 : index
      %get3A_581 = tpu.vector_load %arg11[%get3A_579, %get3A_580] {strides = array<i32>} : memref<16x768xf32, #tpu.memory_space<vmem>>, vector<1x16xf32>,
      %get3A_582 = vector.shape_cast %get3A_581 : vector<1x16xf32> to vector<16xf32>
      %get3A_583 = arith.index_cast %scan3A_62 : i32 to index
      %get3A_584 = arith.constant 592 : index
      %get3A_585 = tpu.vector_load %arg12[%get3A_583, %get3A_584] {strides = array<i32>} : memref<16x768xf32, #tpu.memory_space<vmem>>, vector<1x16xf32>,
      %get3A_586 = vector.shape_cast %get3A_585 : vector<1x16xf32> to vector<16xf32>
      %add3A_587 = arith.addf %get3A_582, %get3A_586 : vector<16xf32>
      %swap3A_588 = arith.index_cast %scan3A_62 : i32 to index
      %swap3A_589 = arith.constant 592 : index
      %swap3A_590 = tpu.vector_load %arg11[%swap3A_588, %swap3A_589] {strides = array<i32>} : memref<16x768xf32, #tpu.memory_space<vmem>>, vector<1x16xf32>,
      %swap3A_591 = vector.shape_cast %swap3A_590 : vector<1x16xf32> to vector<16xf32>
      %swap3A_592 = vector.shape_cast %add3A_587 : vector<16xf32> to vector<1x16xf32>
      tpu.vector_store %arg11[%swap3A_588, %swap3A_589], %swap3A_592 {strides = array<i32>} : memref<16x768xf32, #tpu.memory_space<vmem>>, vector<1x16xf32>,
      %get3A_593 = arith.index_cast %scan3A_62 : i32 to index
      %get3A_594 = arith.constant 608 : index
      %get3A_595 = tpu.vector_load %arg11[%get3A_593, %get3A_594] {strides = array<i32>} : memref<16x768xf32, #tpu.memory_space<vmem>>, vector<1x16xf32>,
      %get3A_596 = vector.shape_cast %get3A_595 : vector<1x16xf32> to vector<16xf32>
      %get3A_597 = arith.index_cast %scan3A_62 : i32 to index
      %get3A_598 = arith.constant 608 : index
      %get3A_599 = tpu.vector_load %arg12[%get3A_597, %get3A_598] {strides = array<i32>} : memref<16x768xf32, #tpu.memory_space<vmem>>, vector<1x16xf32>,
      %get3A_600 = vector.shape_cast %get3A_599 : vector<1x16xf32> to vector<16xf32>
      %add3A_601 = arith.addf %get3A_596, %get3A_600 : vector<16xf32>
      %swap3A_602 = arith.index_cast %scan3A_62 : i32 to index
      %swap3A_603 = arith.constant 608 : index
      %swap3A_604 = tpu.vector_load %arg11[%swap3A_602, %swap3A_603] {strides = array<i32>} : memref<16x768xf32, #tpu.memory_space<vmem>>, vector<1x16xf32>,
      %swap3A_605 = vector.shape_cast %swap3A_604 : vector<1x16xf32> to vector<16xf32>
      %swap3A_606 = vector.shape_cast %add3A_601 : vector<16xf32> to vector<1x16xf32>
      tpu.vector_store %arg11[%swap3A_602, %swap3A_603], %swap3A_606 {strides = array<i32>} : memref<16x768xf32, #tpu.memory_space<vmem>>, vector<1x16xf32>,
      %get3A_607 = arith.index_cast %scan3A_62 : i32 to index
      %get3A_608 = arith.constant 624 : index
      %get3A_609 = tpu.vector_load %arg11[%get3A_607, %get3A_608] {strides = array<i32>} : memref<16x768xf32, #tpu.memory_space<vmem>>, vector<1x16xf32>,
      %get3A_610 = vector.shape_cast %get3A_609 : vector<1x16xf32> to vector<16xf32>
      %get3A_611 = arith.index_cast %scan3A_62 : i32 to index
      %get3A_612 = arith.constant 624 : index
      %get3A_613 = tpu.vector_load %arg12[%get3A_611, %get3A_612] {strides = array<i32>} : memref<16x768xf32, #tpu.memory_space<vmem>>, vector<1x16xf32>,
      %get3A_614 = vector.shape_cast %get3A_613 : vector<1x16xf32> to vector<16xf32>
      %add3A_615 = arith.addf %get3A_610, %get3A_614 : vector<16xf32>
      %swap3A_616 = arith.index_cast %scan3A_62 : i32 to index
      %swap3A_617 = arith.constant 624 : index
      %swap3A_618 = tpu.vector_load %arg11[%swap3A_616, %swap3A_617] {strides = array<i32>} : memref<16x768xf32, #tpu.memory_space<vmem>>, vector<1x16xf32>,
      %swap3A_619 = vector.shape_cast %swap3A_618 : vector<1x16xf32> to vector<16xf32>
      %swap3A_620 = vector.shape_cast %add3A_615 : vector<16xf32> to vector<1x16xf32>
      tpu.vector_store %arg11[%swap3A_616, %swap3A_617], %swap3A_620 {strides = array<i32>} : memref<16x768xf32, #tpu.memory_space<vmem>>, vector<1x16xf32>,
      %get3A_621 = arith.index_cast %scan3A_62 : i32 to index
      %get3A_622 = arith.constant 640 : index
      %get3A_623 = tpu.vector_load %arg11[%get3A_621, %get3A_622] {strides = array<i32>} : memref<16x768xf32, #tpu.memory_space<vmem>>, vector<1x16xf32>,
      %get3A_624 = vector.shape_cast %get3A_623 : vector<1x16xf32> to vector<16xf32>
      %get3A_625 = arith.index_cast %scan3A_62 : i32 to index
      %get3A_626 = arith.constant 640 : index
      %get3A_627 = tpu.vector_load %arg12[%get3A_625, %get3A_626] {strides = array<i32>} : memref<16x768xf32, #tpu.memory_space<vmem>>, vector<1x16xf32>,
      %get3A_628 = vector.shape_cast %get3A_627 : vector<1x16xf32> to vector<16xf32>
      %add3A_629 = arith.addf %get3A_624, %get3A_628 : vector<16xf32>
      %swap3A_630 = arith.index_cast %scan3A_62 : i32 to index
      %swap3A_631 = arith.constant 640 : index
      %swap3A_632 = tpu.vector_load %arg11[%swap3A_630, %swap3A_631] {strides = array<i32>} : memref<16x768xf32, #tpu.memory_space<vmem>>, vector<1x16xf32>,
      %swap3A_633 = vector.shape_cast %swap3A_632 : vector<1x16xf32> to vector<16xf32>
      %swap3A_634 = vector.shape_cast %add3A_629 : vector<16xf32> to vector<1x16xf32>
      tpu.vector_store %arg11[%swap3A_630, %swap3A_631], %swap3A_634 {strides = array<i32>} : memref<16x768xf32, #tpu.memory_space<vmem>>, vector<1x16xf32>,
      %get3A_635 = arith.index_cast %scan3A_62 : i32 to index
      %get3A_636 = arith.constant 656 : index
      %get3A_637 = tpu.vector_load %arg11[%get3A_635, %get3A_636] {strides = array<i32>} : memref<16x768xf32, #tpu.memory_space<vmem>>, vector<1x16xf32>,
      %get3A_638 = vector.shape_cast %get3A_637 : vector<1x16xf32> to vector<16xf32>
      %get3A_639 = arith.index_cast %scan3A_62 : i32 to index
      %get3A_640 = arith.constant 656 : index
      %get3A_641 = tpu.vector_load %arg12[%get3A_639, %get3A_640] {strides = array<i32>} : memref<16x768xf32, #tpu.memory_space<vmem>>, vector<1x16xf32>,
      %get3A_642 = vector.shape_cast %get3A_641 : vector<1x16xf32> to vector<16xf32>
      %add3A_643 = arith.addf %get3A_638, %get3A_642 : vector<16xf32>
      %swap3A_644 = arith.index_cast %scan3A_62 : i32 to index
      %swap3A_645 = arith.constant 656 : index
      %swap3A_646 = tpu.vector_load %arg11[%swap3A_644, %swap3A_645] {strides = array<i32>} : memref<16x768xf32, #tpu.memory_space<vmem>>, vector<1x16xf32>,
      %swap3A_647 = vector.shape_cast %swap3A_646 : vector<1x16xf32> to vector<16xf32>
      %swap3A_648 = vector.shape_cast %add3A_643 : vector<16xf32> to vector<1x16xf32>
      tpu.vector_store %arg11[%swap3A_644, %swap3A_645], %swap3A_648 {strides = array<i32>} : memref<16x768xf32, #tpu.memory_space<vmem>>, vector<1x16xf32>,
      %get3A_649 = arith.index_cast %scan3A_62 : i32 to index
      %get3A_650 = arith.constant 672 : index
      %get3A_651 = tpu.vector_load %arg11[%get3A_649, %get3A_650] {strides = array<i32>} : memref<16x768xf32, #tpu.memory_space<vmem>>, vector<1x16xf32>,
      %get3A_652 = vector.shape_cast %get3A_651 : vector<1x16xf32> to vector<16xf32>
      %get3A_653 = arith.index_cast %scan3A_62 : i32 to index
      %get3A_654 = arith.constant 672 : index
      %get3A_655 = tpu.vector_load %arg12[%get3A_653, %get3A_654] {strides = array<i32>} : memref<16x768xf32, #tpu.memory_space<vmem>>, vector<1x16xf32>,
      %get3A_656 = vector.shape_cast %get3A_655 : vector<1x16xf32> to vector<16xf32>
      %add3A_657 = arith.addf %get3A_652, %get3A_656 : vector<16xf32>
      %swap3A_658 = arith.index_cast %scan3A_62 : i32 to index
      %swap3A_659 = arith.constant 672 : index
      %swap3A_660 = tpu.vector_load %arg11[%swap3A_658, %swap3A_659] {strides = array<i32>} : memref<16x768xf32, #tpu.memory_space<vmem>>, vector<1x16xf32>,
      %swap3A_661 = vector.shape_cast %swap3A_660 : vector<1x16xf32> to vector<16xf32>
      %swap3A_662 = vector.shape_cast %add3A_657 : vector<16xf32> to vector<1x16xf32>
      tpu.vector_store %arg11[%swap3A_658, %swap3A_659], %swap3A_662 {strides = array<i32>} : memref<16x768xf32, #tpu.memory_space<vmem>>, vector<1x16xf32>,
      %get3A_663 = arith.index_cast %scan3A_62 : i32 to index
      %get3A_664 = arith.constant 688 : index
      %get3A_665 = tpu.vector_load %arg11[%get3A_663, %get3A_664] {strides = array<i32>} : memref<16x768xf32, #tpu.memory_space<vmem>>, vector<1x16xf32>,
      %get3A_666 = vector.shape_cast %get3A_665 : vector<1x16xf32> to vector<16xf32>
      %get3A_667 = arith.index_cast %scan3A_62 : i32 to index
      %get3A_668 = arith.constant 688 : index
      %get3A_669 = tpu.vector_load %arg12[%get3A_667, %get3A_668] {strides = array<i32>} : memref<16x768xf32, #tpu.memory_space<vmem>>, vector<1x16xf32>,
      %get3A_670 = vector.shape_cast %get3A_669 : vector<1x16xf32> to vector<16xf32>
      %add3A_671 = arith.addf %get3A_666, %get3A_670 : vector<16xf32>
      %swap3A_672 = arith.index_cast %scan3A_62 : i32 to index
      %swap3A_673 = arith.constant 688 : index
      %swap3A_674 = tpu.vector_load %arg11[%swap3A_672, %swap3A_673] {strides = array<i32>} : memref<16x768xf32, #tpu.memory_space<vmem>>, vector<1x16xf32>,
      %swap3A_675 = vector.shape_cast %swap3A_674 : vector<1x16xf32> to vector<16xf32>
      %swap3A_676 = vector.shape_cast %add3A_671 : vector<16xf32> to vector<1x16xf32>
      tpu.vector_store %arg11[%swap3A_672, %swap3A_673], %swap3A_676 {strides = array<i32>} : memref<16x768xf32, #tpu.memory_space<vmem>>, vector<1x16xf32>,
      %get3A_677 = arith.index_cast %scan3A_62 : i32 to index
      %get3A_678 = arith.constant 704 : index
      %get3A_679 = tpu.vector_load %arg11[%get3A_677, %get3A_678] {strides = array<i32>} : memref<16x768xf32, #tpu.memory_space<vmem>>, vector<1x16xf32>,
      %get3A_680 = vector.shape_cast %get3A_679 : vector<1x16xf32> to vector<16xf32>
      %get3A_681 = arith.index_cast %scan3A_62 : i32 to index
      %get3A_682 = arith.constant 704 : index
      %get3A_683 = tpu.vector_load %arg12[%get3A_681, %get3A_682] {strides = array<i32>} : memref<16x768xf32, #tpu.memory_space<vmem>>, vector<1x16xf32>,
      %get3A_684 = vector.shape_cast %get3A_683 : vector<1x16xf32> to vector<16xf32>
      %add3A_685 = arith.addf %get3A_680, %get3A_684 : vector<16xf32>
      %swap3A_686 = arith.index_cast %scan3A_62 : i32 to index
      %swap3A_687 = arith.constant 704 : index
      %swap3A_688 = tpu.vector_load %arg11[%swap3A_686, %swap3A_687] {strides = array<i32>} : memref<16x768xf32, #tpu.memory_space<vmem>>, vector<1x16xf32>,
      %swap3A_689 = vector.shape_cast %swap3A_688 : vector<1x16xf32> to vector<16xf32>
      %swap3A_690 = vector.shape_cast %add3A_685 : vector<16xf32> to vector<1x16xf32>
      tpu.vector_store %arg11[%swap3A_686, %swap3A_687], %swap3A_690 {strides = array<i32>} : memref<16x768xf32, #tpu.memory_space<vmem>>, vector<1x16xf32>,
      %get3A_691 = arith.index_cast %scan3A_62 : i32 to index
      %get3A_692 = arith.constant 720 : index
      %get3A_693 = tpu.vector_load %arg11[%get3A_691, %get3A_692] {strides = array<i32>} : memref<16x768xf32, #tpu.memory_space<vmem>>, vector<1x16xf32>,
      %get3A_694 = vector.shape_cast %get3A_693 : vector<1x16xf32> to vector<16xf32>
      %get3A_695 = arith.index_cast %scan3A_62 : i32 to index
      %get3A_696 = arith.constant 720 : index
      %get3A_697 = tpu.vector_load %arg12[%get3A_695, %get3A_696] {strides = array<i32>} : memref<16x768xf32, #tpu.memory_space<vmem>>, vector<1x16xf32>,
      %get3A_698 = vector.shape_cast %get3A_697 : vector<1x16xf32> to vector<16xf32>
      %add3A_699 = arith.addf %get3A_694, %get3A_698 : vector<16xf32>
      %swap3A_700 = arith.index_cast %scan3A_62 : i32 to index
      %swap3A_701 = arith.constant 720 : index
      %swap3A_702 = tpu.vector_load %arg11[%swap3A_700, %swap3A_701] {strides = array<i32>} : memref<16x768xf32, #tpu.memory_space<vmem>>, vector<1x16xf32>,
      %swap3A_703 = vector.shape_cast %swap3A_702 : vector<1x16xf32> to vector<16xf32>
      %swap3A_704 = vector.shape_cast %add3A_699 : vector<16xf32> to vector<1x16xf32>
      tpu.vector_store %arg11[%swap3A_700, %swap3A_701], %swap3A_704 {strides = array<i32>} : memref<16x768xf32, #tpu.memory_space<vmem>>, vector<1x16xf32>,
      %get3A_705 = arith.index_cast %scan3A_62 : i32 to index
      %get3A_706 = arith.constant 736 : index
      %get3A_707 = tpu.vector_load %arg11[%get3A_705, %get3A_706] {strides = array<i32>} : memref<16x768xf32, #tpu.memory_space<vmem>>, vector<1x16xf32>,
      %get3A_708 = vector.shape_cast %get3A_707 : vector<1x16xf32> to vector<16xf32>
      %get3A_709 = arith.index_cast %scan3A_62 : i32 to index
      %get3A_710 = arith.constant 736 : index
      %get3A_711 = tpu.vector_load %arg12[%get3A_709, %get3A_710] {strides = array<i32>} : memref<16x768xf32, #tpu.memory_space<vmem>>, vector<1x16xf32>,
      %get3A_712 = vector.shape_cast %get3A_711 : vector<1x16xf32> to vector<16xf32>
      %add3A_713 = arith.addf %get3A_708, %get3A_712 : vector<16xf32>
      %swap3A_714 = arith.index_cast %scan3A_62 : i32 to index
      %swap3A_715 = arith.constant 736 : index
      %swap3A_716 = tpu.vector_load %arg11[%swap3A_714, %swap3A_715] {strides = array<i32>} : memref<16x768xf32, #tpu.memory_space<vmem>>, vector<1x16xf32>,
      %swap3A_717 = vector.shape_cast %swap3A_716 : vector<1x16xf32> to vector<16xf32>
      %swap3A_718 = vector.shape_cast %add3A_713 : vector<16xf32> to vector<1x16xf32>
      tpu.vector_store %arg11[%swap3A_714, %swap3A_715], %swap3A_718 {strides = array<i32>} : memref<16x768xf32, #tpu.memory_space<vmem>>, vector<1x16xf32>,
      %get3A_719 = arith.index_cast %scan3A_62 : i32 to index
      %get3A_720 = arith.constant 752 : index
      %get3A_721 = tpu.vector_load %arg11[%get3A_719, %get3A_720] {strides = array<i32>} : memref<16x768xf32, #tpu.memory_space<vmem>>, vector<1x16xf32>,
      %get3A_722 = vector.shape_cast %get3A_721 : vector<1x16xf32> to vector<16xf32>
      %get3A_723 = arith.index_cast %scan3A_62 : i32 to index
      %get3A_724 = arith.constant 752 : index
      %get3A_725 = tpu.vector_load %arg12[%get3A_723, %get3A_724] {strides = array<i32>} : memref<16x768xf32, #tpu.memory_space<vmem>>, vector<1x16xf32>,
      %get3A_726 = vector.shape_cast %get3A_725 : vector<1x16xf32> to vector<16xf32>
      %add3A_727 = arith.addf %get3A_722, %get3A_726 : vector<16xf32>
      %swap3A_728 = arith.index_cast %scan3A_62 : i32 to index
      %swap3A_729 = arith.constant 752 : index
      %swap3A_730 = tpu.vector_load %arg11[%swap3A_728, %swap3A_729] {strides = array<i32>} : memref<16x768xf32, #tpu.memory_space<vmem>>, vector<1x16xf32>,
      %swap3A_731 = vector.shape_cast %swap3A_730 : vector<1x16xf32> to vector<16xf32>
      %swap3A_732 = vector.shape_cast %add3A_727 : vector<16xf32> to vector<1x16xf32>
      tpu.vector_store %arg11[%swap3A_728, %swap3A_729], %swap3A_732 {strides = array<i32>} : memref<16x768xf32, #tpu.memory_space<vmem>>, vector<1x16xf32>,
    }
    %scan3A_59 = arith.constant 16 : i32
    %add3A_60 = arith.constant 1008 : i32
    %add3A_61 = arith.addi %mul3A_2, %add3A_60 : i32
    "tpu.region"() ({
      %run_scoped3A = tpu.sem_alloc : memref<!tpu.dma_semaphore, #tpu.memory_space<semaphore_mem>>
      %dma_start3A_62 = arith.constant 0 : i32
      %dma_start3A_63 = tpu.memref_slice %arg6[%add3A_61, %dma_start3A_62] : memref<32768x768xf32, #tpu.memory_space<hbm>> -> memref<16x768xf32, #tpu.memory_space<hbm>>
      %dma_start3A_64 = arith.constant 0 : i32
      %dma_start3A_65 = tpu.memref_slice %arg6[%add3A_61, %dma_start3A_64] : memref<32768x768xf32, #tpu.memory_space<hbm>> -> memref<16x768xf32, #tpu.memory_space<hbm>>
      tpu.enqueue_dma source(%arg11 : memref<16x768xf32, #tpu.memory_space<vmem>>) target(%dma_start3A_65 : memref<16x768xf32, #tpu.memory_space<hbm>>) target_semaphore(%run_scoped3A : memref<!tpu.dma_semaphore, #tpu.memory_space<semaphore_mem>>)
      %dma_wait3A_66 = arith.constant 0 : i32
      %dma_wait3A_67 = tpu.memref_slice %arg6[%add3A_61, %dma_wait3A_66] : memref<32768x768xf32, #tpu.memory_space<hbm>> -> memref<16x768xf32, #tpu.memory_space<hbm>>
      %dma_wait3A_68 = arith.constant 0 : i32
      %dma_wait3A_69 = tpu.memref_slice %arg6[%add3A_61, %dma_wait3A_68] : memref<32768x768xf32, #tpu.memory_space<hbm>> -> memref<16x768xf32, #tpu.memory_space<hbm>>
      tpu.wait_dma2 semaphore(%run_scoped3A : memref<!tpu.dma_semaphore, #tpu.memory_space<semaphore_mem>>) src(%arg11 : memref<16x768xf32, #tpu.memory_space<vmem>>) dst(%dma_wait3A_69 : memref<16x768xf32, #tpu.memory_space<hbm>>)
      tpu.yield
    }) : () -> ()
    return
  }
}

module attributes {stable_mosaic.version = 14 : i64} {
  func.func @_select_body(%arg0: i32, %arg1: memref<1024x1024xf32, #tpu.memory_space<hbm>>, %arg2: memref<4x1x1024xf32, #tpu.memory_space<vmem>>, %arg3: memref<4x1x512xi32, #tpu.memory_space<vmem>>, %arg4: memref<4x1x512xi32, #tpu.memory_space<vmem>>, %arg5: memref<1024x1024xf32, #tpu.memory_space<vmem>>, %arg6: memref<!tpu.dma_semaphore, #tpu.memory_space<semaphore_mem>>) attributes {dimension_semantics = [#tpu.dimension_semantics<arbitrary>], iteration_bounds = array<i64: 16>, scalar_prefetch = 0 : i64, scratch_operands = 2 : i64, tpu.core_type = #tpu.core_type<tc>, window_params = [{}, {transform_indices = @transform_1, window_bounds = array<i64: 4, 1, 1024>}, {transform_indices = @transform_2, window_bounds = array<i64: 4, 1, 512>}, {transform_indices = @transform_3, window_bounds = array<i64: 4, 1, 512>}]} {
    %eq3A = arith.constant 0 : i32
    %eq3A_0 = arith.cmpi eq, %arg0, %eq3A : i32
    %convert_element_type3A = arith.extui %eq3A_0 : i1 to i32
    %cond3A = arith.constant 0 : i32
    %cond3A_1 = arith.cmpi ne, %convert_element_type3A, %cond3A : i32
    scf.if %cond3A_1 {
      tpu.enqueue_dma source(%arg1 : memref<1024x1024xf32, #tpu.memory_space<hbm>>) target(%arg5 : memref<1024x1024xf32, #tpu.memory_space<vmem>>) target_semaphore(%arg6 : memref<!tpu.dma_semaphore, #tpu.memory_space<semaphore_mem>>)
      tpu.wait_dma2 semaphore(%arg6 : memref<!tpu.dma_semaphore, #tpu.memory_space<semaphore_mem>>) src(%arg1 : memref<1024x1024xf32, #tpu.memory_space<hbm>>) dst(%arg5 : memref<1024x1024xf32, #tpu.memory_space<vmem>>)
    } else {
    }
    %get3A = arith.constant 0 : index
    %get3A_2 = arith.constant 0 : index
    %get3A_3 = vector.load %arg5[%get3A, %get3A_2] : memref<1024x1024xf32, #tpu.memory_space<vmem>>, vector<1024x1024xf32>
    %get3A_4 = arith.constant 0 : index
    %get3A_5 = arith.constant 0 : index
    %get3A_6 = arith.constant 0 : index
    %get3A_7 = vector.load %arg2[%get3A_4, %get3A_5, %get3A_6] : memref<4x1x1024xf32, #tpu.memory_space<vmem>>, vector<1x1x1024xf32>
    %get3A_8 = vector.shape_cast %get3A_7 : vector<1x1x1024xf32> to vector<1024xf32>
    %reshape3A = vector.shape_cast %get3A_8 : vector<1024xf32> to vector<1024x1xf32>
    %reshape3A_9 = vector.shape_cast %get3A_8 : vector<1024xf32> to vector<1x1024xf32>
    %gt3A = vector.broadcast %reshape3A_9 : vector<1x1024xf32> to vector<1024x1024xf32>
    %gt3A_10 = vector.broadcast %reshape3A : vector<1024x1xf32> to vector<1024x1024xf32>
    %gt3A_11 = arith.cmpf ogt, %gt3A, %gt3A_10 : vector<1024x1024xf32>
    %jit3A = arith.constant 1.000000e+00 : f32
    %jit3A_12 = arith.constant 0.000000e+00 : f32
    %broadcast_in_dim3A = vector.broadcast %jit3A : f32 to vector<1024x1024xf32>
    %broadcast_in_dim3A_13 = vector.broadcast %jit3A_12 : f32 to vector<1024x1024xf32>
    %select_n3A = arith.select %gt3A_11, %broadcast_in_dim3A, %broadcast_in_dim3A_13 : vector<1024x1024xi1>, vector<1024x1024xf32>
    %eq3A_14 = vector.broadcast %reshape3A_9 : vector<1x1024xf32> to vector<1024x1024xf32>
    %eq3A_15 = vector.broadcast %reshape3A : vector<1024x1xf32> to vector<1024x1024xf32>
    %eq3A_16 = arith.cmpf oeq, %eq3A_14, %eq3A_15 : vector<1024x1024xf32>
    %select_n3A_17 = arith.select %eq3A_16, %get3A_3, %select_n3A : vector<1024x1024xi1>, vector<1024x1024xf32>
    %gt3A_18 = arith.constant 3.000000e-01 : f32
    %gt3A_19 = vector.broadcast %gt3A_18 : f32 to vector<1024x1xf32>
    %gt3A_20 = arith.cmpf ogt, %reshape3A, %gt3A_19 : vector<1024x1xf32>
    %jit3A_21 = arith.constant 1.000000e+00 : f32
    %jit3A_22 = arith.constant 0.000000e+00 : f32
    %broadcast_in_dim3A_23 = vector.broadcast %jit3A_21 : f32 to vector<1024x1xf32>
    %broadcast_in_dim3A_24 = vector.broadcast %jit3A_22 : f32 to vector<1024x1xf32>
    %select_n3A_25 = arith.select %gt3A_20, %broadcast_in_dim3A_23, %broadcast_in_dim3A_24 : vector<1024x1xi1>, vector<1024x1xf32>
    %broadcast_in_dim3A_26 = arith.constant 1.000000e+00 : f32
    %broadcast_in_dim3A_27 = vector.broadcast %broadcast_in_dim3A_26 : f32 to vector<1024x1xf32>
    %sub3A = arith.constant 1.000000e+00 : f32
    %sub3A_28 = vector.broadcast %sub3A : f32 to vector<1024x1xf32>
    %sub3A_29 = arith.subf %sub3A_28, %select_n3A_25 : vector<1024x1xf32>
    %concatenate3A = tpu.concatenate %broadcast_in_dim3A_27, %sub3A_29, %select_n3A_25 in 1 : vector<1024x1xf32>, vector<1024x1xf32>, vector<1024x1xf32> -> vector<1024x3xf32>
    %dot_general3A = arith.constant dense<0.000000e+00> : vector<1024x3xf32>
    %dot_general3A_30 = tpu.matmul %select_n3A_17, %concatenate3A, %dot_general3A {dimension_numbers = #tpu.dot_dimension_numbers<[1], [0], [0], [1], [0, 0, 1, 1], [], []>, transpose_lhs_hint = false} : vector<1024x1024xf32>, vector<1024x3xf32>, vector<1024x3xf32> -> vector<1024x3xf32>
    %slice3A = vector.extract_strided_slice %dot_general3A_30 {offsets = [0, 0], sizes = [1024, 1], strides = [1, 1]} : vector<1024x3xf32> to vector<1024x1xf32>
    %squeeze3A = vector.shape_cast %slice3A : vector<1024x1xf32> to vector<1024xf32>
    %slice3A_31 = vector.extract_strided_slice %dot_general3A_30 {offsets = [0, 1], sizes = [1024, 1], strides = [1, 1]} : vector<1024x3xf32> to vector<1024x1xf32>
    %squeeze3A_32 = vector.shape_cast %slice3A_31 : vector<1024x1xf32> to vector<1024xf32>
    %dot_general3A_33 = arith.constant dense<0.000000e+00> : vector<1024x1xf32>
    %dot_general3A_34 = tpu.matmul %get3A_3, %select_n3A_25, %dot_general3A_33 {dimension_numbers = #tpu.dot_dimension_numbers<[1], [0], [0], [1], [0, 0, 1, 1], [], []>, transpose_lhs_hint = false} : vector<1024x1024xf32>, vector<1024x1xf32>, vector<1024x1xf32> -> vector<1024x1xf32>
    %squeeze3A_35 = vector.shape_cast %dot_general3A_34 : vector<1024x1xf32> to vector<1024xf32>
    %squeeze3A_36 = vector.shape_cast %select_n3A_25 : vector<1024x1xf32> to vector<1024xf32>
    %gt3A_37 = arith.constant 5.000000e-01 : f32
    %gt3A_38 = vector.broadcast %gt3A_37 : f32 to vector<1024xf32>
    %gt3A_39 = arith.cmpf ogt, %squeeze3A_36, %gt3A_38 : vector<1024xf32>
    %reduce_sum3A = vector.shape_cast %select_n3A_25 : vector<1024x1xf32> to vector<1x1024x1xf32>
    %reduce_sum3A_40 = arith.constant dense<0.000000e+00> : vector<1xf32>
    %reduce_sum3A_41 = vector.multi_reduction <add>, %reduce_sum3A, %reduce_sum3A_40 [1, 2] : vector<1x1024x1xf32> to vector<1xf32>
    %reduce_sum3A_42 = vector.shape_cast %reduce_sum3A_41 : vector<1xf32> to vector<1x1x1xf32>
    %reduce_sum3A_43 = vector.extract %reduce_sum3A_42[0, 0, 0] : f32 from vector<1x1x1xf32>
    %ge3A = arith.constant 5.120000e+02 : f32
    %ge3A_44 = arith.cmpf oge, %reduce_sum3A_43, %ge3A : f32
    %eq3A_45 = arith.constant 0.000000e+00 : f32
    %eq3A_46 = arith.cmpf oeq, %reduce_sum3A_43, %eq3A_45 : f32
    %or3A = arith.ori %ge3A_44, %eq3A_46 : i1
    %add3A = vector.broadcast %reduce_sum3A_43 : f32 to vector<1024xf32>
    %add3A_47 = arith.addf %add3A, %squeeze3A_32 : vector<1024xf32>
    %select_n3A_48 = arith.select %gt3A_39, %squeeze3A_35, %add3A_47 : vector<1024xi1>, vector<1024xf32>
    %select_n3A_49 = arith.select %or3A, %squeeze3A, %select_n3A_48 : vector<1024xf32>
    %convert_element_type3A_50 = arith.fptosi %select_n3A_49 : vector<1024xf32> to vector<1024xi32>
    %iota3A = tpu.iota {dimensions = array<i32: 0>} : vector<512x1024xi32>
    %reshape3A_51 = vector.shape_cast %convert_element_type3A_50 : vector<1024xi32> to vector<1x1024xi32>
    %eq3A_52 = vector.broadcast %reshape3A_51 : vector<1x1024xi32> to vector<512x1024xi32>
    %eq3A_53 = arith.cmpi eq, %iota3A, %eq3A_52 : vector<512x1024xi32>
    %jit3A_54 = arith.constant 1.000000e+00 : f32
    %jit3A_55 = arith.constant 0.000000e+00 : f32
    %broadcast_in_dim3A_56 = vector.broadcast %jit3A_54 : f32 to vector<512x1024xf32>
    %broadcast_in_dim3A_57 = vector.broadcast %jit3A_55 : f32 to vector<512x1024xf32>
    %select_n3A_58 = arith.select %eq3A_53, %broadcast_in_dim3A_56, %broadcast_in_dim3A_57 : vector<512x1024xi1>, vector<512x1024xf32>
    %iota3A_59 = tpu.iota {dimensions = array<i32: 0>} : vector<1024x1xi32>
    %shift_right_arithmetic3A = arith.constant 5 : i32
    %shift_right_arithmetic3A_60 = vector.broadcast %shift_right_arithmetic3A : i32 to vector<1024x1xi32>
    %shift_right_arithmetic3A_61 = arith.shrsi %iota3A_59, %shift_right_arithmetic3A_60 : vector<1024x1xi32>
    %convert_element_type3A_62 = arith.sitofp %shift_right_arithmetic3A_61 : vector<1024x1xi32> to vector<1024x1xf32>
    %and3A = arith.constant 31 : i32
    %and3A_63 = vector.broadcast %and3A : i32 to vector<1024x1xi32>
    %and3A_64 = arith.andi %iota3A_59, %and3A_63 : vector<1024x1xi32>
    %convert_element_type3A_65 = arith.sitofp %and3A_64 : vector<1024x1xi32> to vector<1024x1xf32>
    %concatenate3A_66 = tpu.concatenate %convert_element_type3A_62, %convert_element_type3A_65 in 1 : vector<1024x1xf32>, vector<1024x1xf32> -> vector<1024x2xf32>
    %dot_general3A_67 = arith.constant dense<0.000000e+00> : vector<512x2xf32>
    %dot_general3A_68 = tpu.matmul %select_n3A_58, %concatenate3A_66, %dot_general3A_67 {dimension_numbers = #tpu.dot_dimension_numbers<[1], [0], [0], [1], [0, 0, 1, 1], [], []>, transpose_lhs_hint = false} : vector<512x1024xf32>, vector<1024x2xf32>, vector<512x2xf32> -> vector<512x2xf32>
    %slice3A_69 = vector.extract_strided_slice %dot_general3A_68 {offsets = [0, 0], sizes = [512, 1], strides = [1, 1]} : vector<512x2xf32> to vector<512x1xf32>
    %squeeze3A_70 = vector.shape_cast %slice3A_69 : vector<512x1xf32> to vector<512xf32>
    %convert_element_type3A_71 = arith.fptosi %squeeze3A_70 : vector<512xf32> to vector<512xi32>
    %mul3A = arith.constant 32 : i32
    %mul3A_72 = vector.broadcast %mul3A : i32 to vector<512xi32>
    %mul3A_73 = arith.muli %convert_element_type3A_71, %mul3A_72 : vector<512xi32>
    %slice3A_74 = vector.extract_strided_slice %dot_general3A_68 {offsets = [0, 1], sizes = [512, 1], strides = [1, 1]} : vector<512x2xf32> to vector<512x1xf32>
    %squeeze3A_75 = vector.shape_cast %slice3A_74 : vector<512x1xf32> to vector<512xf32>
    %convert_element_type3A_76 = arith.fptosi %squeeze3A_75 : vector<512xf32> to vector<512xi32>
    %add3A_77 = arith.addi %mul3A_73, %convert_element_type3A_76 : vector<512xi32>
    %swap3A = arith.constant 0 : index
    %swap3A_78 = arith.constant 0 : index
    %swap3A_79 = arith.constant 0 : index
    %swap3A_80 = vector.load %arg3[%swap3A, %swap3A_78, %swap3A_79] : memref<4x1x512xi32, #tpu.memory_space<vmem>>, vector<1x1x512xi32>
    %swap3A_81 = vector.shape_cast %swap3A_80 : vector<1x1x512xi32> to vector<512xi32>
    %swap3A_82 = vector.shape_cast %add3A_77 : vector<512xi32> to vector<1x1x512xi32>
    tpu.vector_store %arg3[%swap3A, %swap3A_78, %swap3A_79], %swap3A_82 {strides = array<i32>} : memref<4x1x512xi32, #tpu.memory_space<vmem>>, vector<1x1x512xi32>,
    %mul3A_83 = arith.constant 4 : i32
    %mul3A_84 = arith.muli %arg0, %mul3A_83 : i32
    %add3A_85 = arith.constant 0 : i32
    %add3A_86 = arith.addi %mul3A_84, %add3A_85 : i32
    %mul3A_87 = arith.constant 1024 : i32
    %mul3A_88 = arith.muli %add3A_86, %mul3A_87 : i32
    %add3A_89 = vector.broadcast %mul3A_88 : i32 to vector<512xi32>
    %add3A_90 = arith.addi %add3A_77, %add3A_89 : vector<512xi32>
    %swap3A_91 = arith.constant 0 : index
    %swap3A_92 = arith.constant 0 : index
    %swap3A_93 = arith.constant 0 : index
    %swap3A_94 = vector.load %arg4[%swap3A_91, %swap3A_92, %swap3A_93] : memref<4x1x512xi32, #tpu.memory_space<vmem>>, vector<1x1x512xi32>
    %swap3A_95 = vector.shape_cast %swap3A_94 : vector<1x1x512xi32> to vector<512xi32>
    %swap3A_96 = vector.shape_cast %add3A_90 : vector<512xi32> to vector<1x1x512xi32>
    tpu.vector_store %arg4[%swap3A_91, %swap3A_92, %swap3A_93], %swap3A_96 {strides = array<i32>} : memref<4x1x512xi32, #tpu.memory_space<vmem>>, vector<1x1x512xi32>,
    %get3A_97 = arith.constant 1 : index
    %get3A_98 = arith.constant 0 : index
    %get3A_99 = arith.constant 0 : index
    %get3A_100 = vector.load %arg2[%get3A_97, %get3A_98, %get3A_99] : memref<4x1x1024xf32, #tpu.memory_space<vmem>>, vector<1x1x1024xf32>
    %get3A_101 = vector.shape_cast %get3A_100 : vector<1x1x1024xf32> to vector<1024xf32>
    %reshape3A_102 = vector.shape_cast %get3A_101 : vector<1024xf32> to vector<1024x1xf32>
    %reshape3A_103 = vector.shape_cast %get3A_101 : vector<1024xf32> to vector<1x1024xf32>
    %gt3A_104 = vector.broadcast %reshape3A_103 : vector<1x1024xf32> to vector<1024x1024xf32>
    %gt3A_105 = vector.broadcast %reshape3A_102 : vector<1024x1xf32> to vector<1024x1024xf32>
    %gt3A_106 = arith.cmpf ogt, %gt3A_104, %gt3A_105 : vector<1024x1024xf32>
    %jit3A_107 = arith.constant 1.000000e+00 : f32
    %jit3A_108 = arith.constant 0.000000e+00 : f32
    %broadcast_in_dim3A_109 = vector.broadcast %jit3A_107 : f32 to vector<1024x1024xf32>
    %broadcast_in_dim3A_110 = vector.broadcast %jit3A_108 : f32 to vector<1024x1024xf32>
    %select_n3A_111 = arith.select %gt3A_106, %broadcast_in_dim3A_109, %broadcast_in_dim3A_110 : vector<1024x1024xi1>, vector<1024x1024xf32>
    %eq3A_112 = vector.broadcast %reshape3A_103 : vector<1x1024xf32> to vector<1024x1024xf32>
    %eq3A_113 = vector.broadcast %reshape3A_102 : vector<1024x1xf32> to vector<1024x1024xf32>
    %eq3A_114 = arith.cmpf oeq, %eq3A_112, %eq3A_113 : vector<1024x1024xf32>
    %select_n3A_115 = arith.select %eq3A_114, %get3A_3, %select_n3A_111 : vector<1024x1024xi1>, vector<1024x1024xf32>
    %gt3A_116 = arith.constant 3.000000e-01 : f32
    %gt3A_117 = vector.broadcast %gt3A_116 : f32 to vector<1024x1xf32>
    %gt3A_118 = arith.cmpf ogt, %reshape3A_102, %gt3A_117 : vector<1024x1xf32>
    %jit3A_119 = arith.constant 1.000000e+00 : f32
    %jit3A_120 = arith.constant 0.000000e+00 : f32
    %broadcast_in_dim3A_121 = vector.broadcast %jit3A_119 : f32 to vector<1024x1xf32>
    %broadcast_in_dim3A_122 = vector.broadcast %jit3A_120 : f32 to vector<1024x1xf32>
    %select_n3A_123 = arith.select %gt3A_118, %broadcast_in_dim3A_121, %broadcast_in_dim3A_122 : vector<1024x1xi1>, vector<1024x1xf32>
    %broadcast_in_dim3A_124 = arith.constant 1.000000e+00 : f32
    %broadcast_in_dim3A_125 = vector.broadcast %broadcast_in_dim3A_124 : f32 to vector<1024x1xf32>
    %sub3A_126 = arith.constant 1.000000e+00 : f32
    %sub3A_127 = vector.broadcast %sub3A_126 : f32 to vector<1024x1xf32>
    %sub3A_128 = arith.subf %sub3A_127, %select_n3A_123 : vector<1024x1xf32>
    %concatenate3A_129 = tpu.concatenate %broadcast_in_dim3A_125, %sub3A_128, %select_n3A_123 in 1 : vector<1024x1xf32>, vector<1024x1xf32>, vector<1024x1xf32> -> vector<1024x3xf32>
    %dot_general3A_130 = arith.constant dense<0.000000e+00> : vector<1024x3xf32>
    %dot_general3A_131 = tpu.matmul %select_n3A_115, %concatenate3A_129, %dot_general3A_130 {dimension_numbers = #tpu.dot_dimension_numbers<[1], [0], [0], [1], [0, 0, 1, 1], [], []>, transpose_lhs_hint = false} : vector<1024x1024xf32>, vector<1024x3xf32>, vector<1024x3xf32> -> vector<1024x3xf32>
    %slice3A_132 = vector.extract_strided_slice %dot_general3A_131 {offsets = [0, 0], sizes = [1024, 1], strides = [1, 1]} : vector<1024x3xf32> to vector<1024x1xf32>
    %squeeze3A_133 = vector.shape_cast %slice3A_132 : vector<1024x1xf32> to vector<1024xf32>
    %slice3A_134 = vector.extract_strided_slice %dot_general3A_131 {offsets = [0, 1], sizes = [1024, 1], strides = [1, 1]} : vector<1024x3xf32> to vector<1024x1xf32>
    %squeeze3A_135 = vector.shape_cast %slice3A_134 : vector<1024x1xf32> to vector<1024xf32>
    %dot_general3A_136 = arith.constant dense<0.000000e+00> : vector<1024x1xf32>
    %dot_general3A_137 = tpu.matmul %get3A_3, %select_n3A_123, %dot_general3A_136 {dimension_numbers = #tpu.dot_dimension_numbers<[1], [0], [0], [1], [0, 0, 1, 1], [], []>, transpose_lhs_hint = false} : vector<1024x1024xf32>, vector<1024x1xf32>, vector<1024x1xf32> -> vector<1024x1xf32>
    %squeeze3A_138 = vector.shape_cast %dot_general3A_137 : vector<1024x1xf32> to vector<1024xf32>
    %squeeze3A_139 = vector.shape_cast %select_n3A_123 : vector<1024x1xf32> to vector<1024xf32>
    %gt3A_140 = arith.constant 5.000000e-01 : f32
    %gt3A_141 = vector.broadcast %gt3A_140 : f32 to vector<1024xf32>
    %gt3A_142 = arith.cmpf ogt, %squeeze3A_139, %gt3A_141 : vector<1024xf32>
    %reduce_sum3A_143 = vector.shape_cast %select_n3A_123 : vector<1024x1xf32> to vector<1x1024x1xf32>
    %reduce_sum3A_144 = arith.constant dense<0.000000e+00> : vector<1xf32>
    %reduce_sum3A_145 = vector.multi_reduction <add>, %reduce_sum3A_143, %reduce_sum3A_144 [1, 2] : vector<1x1024x1xf32> to vector<1xf32>
    %reduce_sum3A_146 = vector.shape_cast %reduce_sum3A_145 : vector<1xf32> to vector<1x1x1xf32>
    %reduce_sum3A_147 = vector.extract %reduce_sum3A_146[0, 0, 0] : f32 from vector<1x1x1xf32>
    %ge3A_148 = arith.constant 5.120000e+02 : f32
    %ge3A_149 = arith.cmpf oge, %reduce_sum3A_147, %ge3A_148 : f32
    %eq3A_150 = arith.constant 0.000000e+00 : f32
    %eq3A_151 = arith.cmpf oeq, %reduce_sum3A_147, %eq3A_150 : f32
    %or3A_152 = arith.ori %ge3A_149, %eq3A_151 : i1
    %add3A_153 = vector.broadcast %reduce_sum3A_147 : f32 to vector<1024xf32>
    %add3A_154 = arith.addf %add3A_153, %squeeze3A_135 : vector<1024xf32>
    %select_n3A_155 = arith.select %gt3A_142, %squeeze3A_138, %add3A_154 : vector<1024xi1>, vector<1024xf32>
    %select_n3A_156 = arith.select %or3A_152, %squeeze3A_133, %select_n3A_155 : vector<1024xf32>
    %convert_element_type3A_157 = arith.fptosi %select_n3A_156 : vector<1024xf32> to vector<1024xi32>
    %iota3A_158 = tpu.iota {dimensions = array<i32: 0>} : vector<512x1024xi32>
    %reshape3A_159 = vector.shape_cast %convert_element_type3A_157 : vector<1024xi32> to vector<1x1024xi32>
    %eq3A_160 = vector.broadcast %reshape3A_159 : vector<1x1024xi32> to vector<512x1024xi32>
    %eq3A_161 = arith.cmpi eq, %iota3A_158, %eq3A_160 : vector<512x1024xi32>
    %jit3A_162 = arith.constant 1.000000e+00 : f32
    %jit3A_163 = arith.constant 0.000000e+00 : f32
    %broadcast_in_dim3A_164 = vector.broadcast %jit3A_162 : f32 to vector<512x1024xf32>
    %broadcast_in_dim3A_165 = vector.broadcast %jit3A_163 : f32 to vector<512x1024xf32>
    %select_n3A_166 = arith.select %eq3A_161, %broadcast_in_dim3A_164, %broadcast_in_dim3A_165 : vector<512x1024xi1>, vector<512x1024xf32>
    %iota3A_167 = tpu.iota {dimensions = array<i32: 0>} : vector<1024x1xi32>
    %shift_right_arithmetic3A_168 = arith.constant 5 : i32
    %shift_right_arithmetic3A_169 = vector.broadcast %shift_right_arithmetic3A_168 : i32 to vector<1024x1xi32>
    %shift_right_arithmetic3A_170 = arith.shrsi %iota3A_167, %shift_right_arithmetic3A_169 : vector<1024x1xi32>
    %convert_element_type3A_171 = arith.sitofp %shift_right_arithmetic3A_170 : vector<1024x1xi32> to vector<1024x1xf32>
    %and3A_172 = arith.constant 31 : i32
    %and3A_173 = vector.broadcast %and3A_172 : i32 to vector<1024x1xi32>
    %and3A_174 = arith.andi %iota3A_167, %and3A_173 : vector<1024x1xi32>
    %convert_element_type3A_175 = arith.sitofp %and3A_174 : vector<1024x1xi32> to vector<1024x1xf32>
    %concatenate3A_176 = tpu.concatenate %convert_element_type3A_171, %convert_element_type3A_175 in 1 : vector<1024x1xf32>, vector<1024x1xf32> -> vector<1024x2xf32>
    %dot_general3A_177 = arith.constant dense<0.000000e+00> : vector<512x2xf32>
    %dot_general3A_178 = tpu.matmul %select_n3A_166, %concatenate3A_176, %dot_general3A_177 {dimension_numbers = #tpu.dot_dimension_numbers<[1], [0], [0], [1], [0, 0, 1, 1], [], []>, transpose_lhs_hint = false} : vector<512x1024xf32>, vector<1024x2xf32>, vector<512x2xf32> -> vector<512x2xf32>
    %slice3A_179 = vector.extract_strided_slice %dot_general3A_178 {offsets = [0, 0], sizes = [512, 1], strides = [1, 1]} : vector<512x2xf32> to vector<512x1xf32>
    %squeeze3A_180 = vector.shape_cast %slice3A_179 : vector<512x1xf32> to vector<512xf32>
    %convert_element_type3A_181 = arith.fptosi %squeeze3A_180 : vector<512xf32> to vector<512xi32>
    %mul3A_182 = arith.constant 32 : i32
    %mul3A_183 = vector.broadcast %mul3A_182 : i32 to vector<512xi32>
    %mul3A_184 = arith.muli %convert_element_type3A_181, %mul3A_183 : vector<512xi32>
    %slice3A_185 = vector.extract_strided_slice %dot_general3A_178 {offsets = [0, 1], sizes = [512, 1], strides = [1, 1]} : vector<512x2xf32> to vector<512x1xf32>
    %squeeze3A_186 = vector.shape_cast %slice3A_185 : vector<512x1xf32> to vector<512xf32>
    %convert_element_type3A_187 = arith.fptosi %squeeze3A_186 : vector<512xf32> to vector<512xi32>
    %add3A_188 = arith.addi %mul3A_184, %convert_element_type3A_187 : vector<512xi32>
    %swap3A_189 = arith.constant 1 : index
    %swap3A_190 = arith.constant 0 : index
    %swap3A_191 = arith.constant 0 : index
    %swap3A_192 = vector.load %arg3[%swap3A_189, %swap3A_190, %swap3A_191] : memref<4x1x512xi32, #tpu.memory_space<vmem>>, vector<1x1x512xi32>
    %swap3A_193 = vector.shape_cast %swap3A_192 : vector<1x1x512xi32> to vector<512xi32>
    %swap3A_194 = vector.shape_cast %add3A_188 : vector<512xi32> to vector<1x1x512xi32>
    tpu.vector_store %arg3[%swap3A_189, %swap3A_190, %swap3A_191], %swap3A_194 {strides = array<i32>} : memref<4x1x512xi32, #tpu.memory_space<vmem>>, vector<1x1x512xi32>,
    %mul3A_195 = arith.constant 4 : i32
    %mul3A_196 = arith.muli %arg0, %mul3A_195 : i32
    %add3A_197 = arith.constant 1 : i32
    %add3A_198 = arith.addi %mul3A_196, %add3A_197 : i32
    %mul3A_199 = arith.constant 1024 : i32
    %mul3A_200 = arith.muli %add3A_198, %mul3A_199 : i32
    %add3A_201 = vector.broadcast %mul3A_200 : i32 to vector<512xi32>
    %add3A_202 = arith.addi %add3A_188, %add3A_201 : vector<512xi32>
    %swap3A_203 = arith.constant 1 : index
    %swap3A_204 = arith.constant 0 : index
    %swap3A_205 = arith.constant 0 : index
    %swap3A_206 = vector.load %arg4[%swap3A_203, %swap3A_204, %swap3A_205] : memref<4x1x512xi32, #tpu.memory_space<vmem>>, vector<1x1x512xi32>
    %swap3A_207 = vector.shape_cast %swap3A_206 : vector<1x1x512xi32> to vector<512xi32>
    %swap3A_208 = vector.shape_cast %add3A_202 : vector<512xi32> to vector<1x1x512xi32>
    tpu.vector_store %arg4[%swap3A_203, %swap3A_204, %swap3A_205], %swap3A_208 {strides = array<i32>} : memref<4x1x512xi32, #tpu.memory_space<vmem>>, vector<1x1x512xi32>,
    %get3A_209 = arith.constant 2 : index
    %get3A_210 = arith.constant 0 : index
    %get3A_211 = arith.constant 0 : index
    %get3A_212 = vector.load %arg2[%get3A_209, %get3A_210, %get3A_211] : memref<4x1x1024xf32, #tpu.memory_space<vmem>>, vector<1x1x1024xf32>
    %get3A_213 = vector.shape_cast %get3A_212 : vector<1x1x1024xf32> to vector<1024xf32>
    %reshape3A_214 = vector.shape_cast %get3A_213 : vector<1024xf32> to vector<1024x1xf32>
    %reshape3A_215 = vector.shape_cast %get3A_213 : vector<1024xf32> to vector<1x1024xf32>
    %gt3A_216 = vector.broadcast %reshape3A_215 : vector<1x1024xf32> to vector<1024x1024xf32>
    %gt3A_217 = vector.broadcast %reshape3A_214 : vector<1024x1xf32> to vector<1024x1024xf32>
    %gt3A_218 = arith.cmpf ogt, %gt3A_216, %gt3A_217 : vector<1024x1024xf32>
    %jit3A_219 = arith.constant 1.000000e+00 : f32
    %jit3A_220 = arith.constant 0.000000e+00 : f32
    %broadcast_in_dim3A_221 = vector.broadcast %jit3A_219 : f32 to vector<1024x1024xf32>
    %broadcast_in_dim3A_222 = vector.broadcast %jit3A_220 : f32 to vector<1024x1024xf32>
    %select_n3A_223 = arith.select %gt3A_218, %broadcast_in_dim3A_221, %broadcast_in_dim3A_222 : vector<1024x1024xi1>, vector<1024x1024xf32>
    %eq3A_224 = vector.broadcast %reshape3A_215 : vector<1x1024xf32> to vector<1024x1024xf32>
    %eq3A_225 = vector.broadcast %reshape3A_214 : vector<1024x1xf32> to vector<1024x1024xf32>
    %eq3A_226 = arith.cmpf oeq, %eq3A_224, %eq3A_225 : vector<1024x1024xf32>
    %select_n3A_227 = arith.select %eq3A_226, %get3A_3, %select_n3A_223 : vector<1024x1024xi1>, vector<1024x1024xf32>
    %gt3A_228 = arith.constant 3.000000e-01 : f32
    %gt3A_229 = vector.broadcast %gt3A_228 : f32 to vector<1024x1xf32>
    %gt3A_230 = arith.cmpf ogt, %reshape3A_214, %gt3A_229 : vector<1024x1xf32>
    %jit3A_231 = arith.constant 1.000000e+00 : f32
    %jit3A_232 = arith.constant 0.000000e+00 : f32
    %broadcast_in_dim3A_233 = vector.broadcast %jit3A_231 : f32 to vector<1024x1xf32>
    %broadcast_in_dim3A_234 = vector.broadcast %jit3A_232 : f32 to vector<1024x1xf32>
    %select_n3A_235 = arith.select %gt3A_230, %broadcast_in_dim3A_233, %broadcast_in_dim3A_234 : vector<1024x1xi1>, vector<1024x1xf32>
    %broadcast_in_dim3A_236 = arith.constant 1.000000e+00 : f32
    %broadcast_in_dim3A_237 = vector.broadcast %broadcast_in_dim3A_236 : f32 to vector<1024x1xf32>
    %sub3A_238 = arith.constant 1.000000e+00 : f32
    %sub3A_239 = vector.broadcast %sub3A_238 : f32 to vector<1024x1xf32>
    %sub3A_240 = arith.subf %sub3A_239, %select_n3A_235 : vector<1024x1xf32>
    %concatenate3A_241 = tpu.concatenate %broadcast_in_dim3A_237, %sub3A_240, %select_n3A_235 in 1 : vector<1024x1xf32>, vector<1024x1xf32>, vector<1024x1xf32> -> vector<1024x3xf32>
    %dot_general3A_242 = arith.constant dense<0.000000e+00> : vector<1024x3xf32>
    %dot_general3A_243 = tpu.matmul %select_n3A_227, %concatenate3A_241, %dot_general3A_242 {dimension_numbers = #tpu.dot_dimension_numbers<[1], [0], [0], [1], [0, 0, 1, 1], [], []>, transpose_lhs_hint = false} : vector<1024x1024xf32>, vector<1024x3xf32>, vector<1024x3xf32> -> vector<1024x3xf32>
    %slice3A_244 = vector.extract_strided_slice %dot_general3A_243 {offsets = [0, 0], sizes = [1024, 1], strides = [1, 1]} : vector<1024x3xf32> to vector<1024x1xf32>
    %squeeze3A_245 = vector.shape_cast %slice3A_244 : vector<1024x1xf32> to vector<1024xf32>
    %slice3A_246 = vector.extract_strided_slice %dot_general3A_243 {offsets = [0, 1], sizes = [1024, 1], strides = [1, 1]} : vector<1024x3xf32> to vector<1024x1xf32>
    %squeeze3A_247 = vector.shape_cast %slice3A_246 : vector<1024x1xf32> to vector<1024xf32>
    %dot_general3A_248 = arith.constant dense<0.000000e+00> : vector<1024x1xf32>
    %dot_general3A_249 = tpu.matmul %get3A_3, %select_n3A_235, %dot_general3A_248 {dimension_numbers = #tpu.dot_dimension_numbers<[1], [0], [0], [1], [0, 0, 1, 1], [], []>, transpose_lhs_hint = false} : vector<1024x1024xf32>, vector<1024x1xf32>, vector<1024x1xf32> -> vector<1024x1xf32>
    %squeeze3A_250 = vector.shape_cast %dot_general3A_249 : vector<1024x1xf32> to vector<1024xf32>
    %squeeze3A_251 = vector.shape_cast %select_n3A_235 : vector<1024x1xf32> to vector<1024xf32>
    %gt3A_252 = arith.constant 5.000000e-01 : f32
    %gt3A_253 = vector.broadcast %gt3A_252 : f32 to vector<1024xf32>
    %gt3A_254 = arith.cmpf ogt, %squeeze3A_251, %gt3A_253 : vector<1024xf32>
    %reduce_sum3A_255 = vector.shape_cast %select_n3A_235 : vector<1024x1xf32> to vector<1x1024x1xf32>
    %reduce_sum3A_256 = arith.constant dense<0.000000e+00> : vector<1xf32>
    %reduce_sum3A_257 = vector.multi_reduction <add>, %reduce_sum3A_255, %reduce_sum3A_256 [1, 2] : vector<1x1024x1xf32> to vector<1xf32>
    %reduce_sum3A_258 = vector.shape_cast %reduce_sum3A_257 : vector<1xf32> to vector<1x1x1xf32>
    %reduce_sum3A_259 = vector.extract %reduce_sum3A_258[0, 0, 0] : f32 from vector<1x1x1xf32>
    %ge3A_260 = arith.constant 5.120000e+02 : f32
    %ge3A_261 = arith.cmpf oge, %reduce_sum3A_259, %ge3A_260 : f32
    %eq3A_262 = arith.constant 0.000000e+00 : f32
    %eq3A_263 = arith.cmpf oeq, %reduce_sum3A_259, %eq3A_262 : f32
    %or3A_264 = arith.ori %ge3A_261, %eq3A_263 : i1
    %add3A_265 = vector.broadcast %reduce_sum3A_259 : f32 to vector<1024xf32>
    %add3A_266 = arith.addf %add3A_265, %squeeze3A_247 : vector<1024xf32>
    %select_n3A_267 = arith.select %gt3A_254, %squeeze3A_250, %add3A_266 : vector<1024xi1>, vector<1024xf32>
    %select_n3A_268 = arith.select %or3A_264, %squeeze3A_245, %select_n3A_267 : vector<1024xf32>
    %convert_element_type3A_269 = arith.fptosi %select_n3A_268 : vector<1024xf32> to vector<1024xi32>
    %iota3A_270 = tpu.iota {dimensions = array<i32: 0>} : vector<512x1024xi32>
    %reshape3A_271 = vector.shape_cast %convert_element_type3A_269 : vector<1024xi32> to vector<1x1024xi32>
    %eq3A_272 = vector.broadcast %reshape3A_271 : vector<1x1024xi32> to vector<512x1024xi32>
    %eq3A_273 = arith.cmpi eq, %iota3A_270, %eq3A_272 : vector<512x1024xi32>
    %jit3A_274 = arith.constant 1.000000e+00 : f32
    %jit3A_275 = arith.constant 0.000000e+00 : f32
    %broadcast_in_dim3A_276 = vector.broadcast %jit3A_274 : f32 to vector<512x1024xf32>
    %broadcast_in_dim3A_277 = vector.broadcast %jit3A_275 : f32 to vector<512x1024xf32>
    %select_n3A_278 = arith.select %eq3A_273, %broadcast_in_dim3A_276, %broadcast_in_dim3A_277 : vector<512x1024xi1>, vector<512x1024xf32>
    %iota3A_279 = tpu.iota {dimensions = array<i32: 0>} : vector<1024x1xi32>
    %shift_right_arithmetic3A_280 = arith.constant 5 : i32
    %shift_right_arithmetic3A_281 = vector.broadcast %shift_right_arithmetic3A_280 : i32 to vector<1024x1xi32>
    %shift_right_arithmetic3A_282 = arith.shrsi %iota3A_279, %shift_right_arithmetic3A_281 : vector<1024x1xi32>
    %convert_element_type3A_283 = arith.sitofp %shift_right_arithmetic3A_282 : vector<1024x1xi32> to vector<1024x1xf32>
    %and3A_284 = arith.constant 31 : i32
    %and3A_285 = vector.broadcast %and3A_284 : i32 to vector<1024x1xi32>
    %and3A_286 = arith.andi %iota3A_279, %and3A_285 : vector<1024x1xi32>
    %convert_element_type3A_287 = arith.sitofp %and3A_286 : vector<1024x1xi32> to vector<1024x1xf32>
    %concatenate3A_288 = tpu.concatenate %convert_element_type3A_283, %convert_element_type3A_287 in 1 : vector<1024x1xf32>, vector<1024x1xf32> -> vector<1024x2xf32>
    %dot_general3A_289 = arith.constant dense<0.000000e+00> : vector<512x2xf32>
    %dot_general3A_290 = tpu.matmul %select_n3A_278, %concatenate3A_288, %dot_general3A_289 {dimension_numbers = #tpu.dot_dimension_numbers<[1], [0], [0], [1], [0, 0, 1, 1], [], []>, transpose_lhs_hint = false} : vector<512x1024xf32>, vector<1024x2xf32>, vector<512x2xf32> -> vector<512x2xf32>
    %slice3A_291 = vector.extract_strided_slice %dot_general3A_290 {offsets = [0, 0], sizes = [512, 1], strides = [1, 1]} : vector<512x2xf32> to vector<512x1xf32>
    %squeeze3A_292 = vector.shape_cast %slice3A_291 : vector<512x1xf32> to vector<512xf32>
    %convert_element_type3A_293 = arith.fptosi %squeeze3A_292 : vector<512xf32> to vector<512xi32>
    %mul3A_294 = arith.constant 32 : i32
    %mul3A_295 = vector.broadcast %mul3A_294 : i32 to vector<512xi32>
    %mul3A_296 = arith.muli %convert_element_type3A_293, %mul3A_295 : vector<512xi32>
    %slice3A_297 = vector.extract_strided_slice %dot_general3A_290 {offsets = [0, 1], sizes = [512, 1], strides = [1, 1]} : vector<512x2xf32> to vector<512x1xf32>
    %squeeze3A_298 = vector.shape_cast %slice3A_297 : vector<512x1xf32> to vector<512xf32>
    %convert_element_type3A_299 = arith.fptosi %squeeze3A_298 : vector<512xf32> to vector<512xi32>
    %add3A_300 = arith.addi %mul3A_296, %convert_element_type3A_299 : vector<512xi32>
    %swap3A_301 = arith.constant 2 : index
    %swap3A_302 = arith.constant 0 : index
    %swap3A_303 = arith.constant 0 : index
    %swap3A_304 = vector.load %arg3[%swap3A_301, %swap3A_302, %swap3A_303] : memref<4x1x512xi32, #tpu.memory_space<vmem>>, vector<1x1x512xi32>
    %swap3A_305 = vector.shape_cast %swap3A_304 : vector<1x1x512xi32> to vector<512xi32>
    %swap3A_306 = vector.shape_cast %add3A_300 : vector<512xi32> to vector<1x1x512xi32>
    tpu.vector_store %arg3[%swap3A_301, %swap3A_302, %swap3A_303], %swap3A_306 {strides = array<i32>} : memref<4x1x512xi32, #tpu.memory_space<vmem>>, vector<1x1x512xi32>,
    %mul3A_307 = arith.constant 4 : i32
    %mul3A_308 = arith.muli %arg0, %mul3A_307 : i32
    %add3A_309 = arith.constant 2 : i32
    %add3A_310 = arith.addi %mul3A_308, %add3A_309 : i32
    %mul3A_311 = arith.constant 1024 : i32
    %mul3A_312 = arith.muli %add3A_310, %mul3A_311 : i32
    %add3A_313 = vector.broadcast %mul3A_312 : i32 to vector<512xi32>
    %add3A_314 = arith.addi %add3A_300, %add3A_313 : vector<512xi32>
    %swap3A_315 = arith.constant 2 : index
    %swap3A_316 = arith.constant 0 : index
    %swap3A_317 = arith.constant 0 : index
    %swap3A_318 = vector.load %arg4[%swap3A_315, %swap3A_316, %swap3A_317] : memref<4x1x512xi32, #tpu.memory_space<vmem>>, vector<1x1x512xi32>
    %swap3A_319 = vector.shape_cast %swap3A_318 : vector<1x1x512xi32> to vector<512xi32>
    %swap3A_320 = vector.shape_cast %add3A_314 : vector<512xi32> to vector<1x1x512xi32>
    tpu.vector_store %arg4[%swap3A_315, %swap3A_316, %swap3A_317], %swap3A_320 {strides = array<i32>} : memref<4x1x512xi32, #tpu.memory_space<vmem>>, vector<1x1x512xi32>,
    %get3A_321 = arith.constant 3 : index
    %get3A_322 = arith.constant 0 : index
    %get3A_323 = arith.constant 0 : index
    %get3A_324 = vector.load %arg2[%get3A_321, %get3A_322, %get3A_323] : memref<4x1x1024xf32, #tpu.memory_space<vmem>>, vector<1x1x1024xf32>
    %get3A_325 = vector.shape_cast %get3A_324 : vector<1x1x1024xf32> to vector<1024xf32>
    %reshape3A_326 = vector.shape_cast %get3A_325 : vector<1024xf32> to vector<1024x1xf32>
    %reshape3A_327 = vector.shape_cast %get3A_325 : vector<1024xf32> to vector<1x1024xf32>
    %gt3A_328 = vector.broadcast %reshape3A_327 : vector<1x1024xf32> to vector<1024x1024xf32>
    %gt3A_329 = vector.broadcast %reshape3A_326 : vector<1024x1xf32> to vector<1024x1024xf32>
    %gt3A_330 = arith.cmpf ogt, %gt3A_328, %gt3A_329 : vector<1024x1024xf32>
    %jit3A_331 = arith.constant 1.000000e+00 : f32
    %jit3A_332 = arith.constant 0.000000e+00 : f32
    %broadcast_in_dim3A_333 = vector.broadcast %jit3A_331 : f32 to vector<1024x1024xf32>
    %broadcast_in_dim3A_334 = vector.broadcast %jit3A_332 : f32 to vector<1024x1024xf32>
    %select_n3A_335 = arith.select %gt3A_330, %broadcast_in_dim3A_333, %broadcast_in_dim3A_334 : vector<1024x1024xi1>, vector<1024x1024xf32>
    %eq3A_336 = vector.broadcast %reshape3A_327 : vector<1x1024xf32> to vector<1024x1024xf32>
    %eq3A_337 = vector.broadcast %reshape3A_326 : vector<1024x1xf32> to vector<1024x1024xf32>
    %eq3A_338 = arith.cmpf oeq, %eq3A_336, %eq3A_337 : vector<1024x1024xf32>
    %select_n3A_339 = arith.select %eq3A_338, %get3A_3, %select_n3A_335 : vector<1024x1024xi1>, vector<1024x1024xf32>
    %gt3A_340 = arith.constant 3.000000e-01 : f32
    %gt3A_341 = vector.broadcast %gt3A_340 : f32 to vector<1024x1xf32>
    %gt3A_342 = arith.cmpf ogt, %reshape3A_326, %gt3A_341 : vector<1024x1xf32>
    %jit3A_343 = arith.constant 1.000000e+00 : f32
    %jit3A_344 = arith.constant 0.000000e+00 : f32
    %broadcast_in_dim3A_345 = vector.broadcast %jit3A_343 : f32 to vector<1024x1xf32>
    %broadcast_in_dim3A_346 = vector.broadcast %jit3A_344 : f32 to vector<1024x1xf32>
    %select_n3A_347 = arith.select %gt3A_342, %broadcast_in_dim3A_345, %broadcast_in_dim3A_346 : vector<1024x1xi1>, vector<1024x1xf32>
    %broadcast_in_dim3A_348 = arith.constant 1.000000e+00 : f32
    %broadcast_in_dim3A_349 = vector.broadcast %broadcast_in_dim3A_348 : f32 to vector<1024x1xf32>
    %sub3A_350 = arith.constant 1.000000e+00 : f32
    %sub3A_351 = vector.broadcast %sub3A_350 : f32 to vector<1024x1xf32>
    %sub3A_352 = arith.subf %sub3A_351, %select_n3A_347 : vector<1024x1xf32>
    %concatenate3A_353 = tpu.concatenate %broadcast_in_dim3A_349, %sub3A_352, %select_n3A_347 in 1 : vector<1024x1xf32>, vector<1024x1xf32>, vector<1024x1xf32> -> vector<1024x3xf32>
    %dot_general3A_354 = arith.constant dense<0.000000e+00> : vector<1024x3xf32>
    %dot_general3A_355 = tpu.matmul %select_n3A_339, %concatenate3A_353, %dot_general3A_354 {dimension_numbers = #tpu.dot_dimension_numbers<[1], [0], [0], [1], [0, 0, 1, 1], [], []>, transpose_lhs_hint = false} : vector<1024x1024xf32>, vector<1024x3xf32>, vector<1024x3xf32> -> vector<1024x3xf32>
    %slice3A_356 = vector.extract_strided_slice %dot_general3A_355 {offsets = [0, 0], sizes = [1024, 1], strides = [1, 1]} : vector<1024x3xf32> to vector<1024x1xf32>
    %squeeze3A_357 = vector.shape_cast %slice3A_356 : vector<1024x1xf32> to vector<1024xf32>
    %slice3A_358 = vector.extract_strided_slice %dot_general3A_355 {offsets = [0, 1], sizes = [1024, 1], strides = [1, 1]} : vector<1024x3xf32> to vector<1024x1xf32>
    %squeeze3A_359 = vector.shape_cast %slice3A_358 : vector<1024x1xf32> to vector<1024xf32>
    %dot_general3A_360 = arith.constant dense<0.000000e+00> : vector<1024x1xf32>
    %dot_general3A_361 = tpu.matmul %get3A_3, %select_n3A_347, %dot_general3A_360 {dimension_numbers = #tpu.dot_dimension_numbers<[1], [0], [0], [1], [0, 0, 1, 1], [], []>, transpose_lhs_hint = false} : vector<1024x1024xf32>, vector<1024x1xf32>, vector<1024x1xf32> -> vector<1024x1xf32>
    %squeeze3A_362 = vector.shape_cast %dot_general3A_361 : vector<1024x1xf32> to vector<1024xf32>
    %squeeze3A_363 = vector.shape_cast %select_n3A_347 : vector<1024x1xf32> to vector<1024xf32>
    %gt3A_364 = arith.constant 5.000000e-01 : f32
    %gt3A_365 = vector.broadcast %gt3A_364 : f32 to vector<1024xf32>
    %gt3A_366 = arith.cmpf ogt, %squeeze3A_363, %gt3A_365 : vector<1024xf32>
    %reduce_sum3A_367 = vector.shape_cast %select_n3A_347 : vector<1024x1xf32> to vector<1x1024x1xf32>
    %reduce_sum3A_368 = arith.constant dense<0.000000e+00> : vector<1xf32>
    %reduce_sum3A_369 = vector.multi_reduction <add>, %reduce_sum3A_367, %reduce_sum3A_368 [1, 2] : vector<1x1024x1xf32> to vector<1xf32>
    %reduce_sum3A_370 = vector.shape_cast %reduce_sum3A_369 : vector<1xf32> to vector<1x1x1xf32>
    %reduce_sum3A_371 = vector.extract %reduce_sum3A_370[0, 0, 0] : f32 from vector<1x1x1xf32>
    %ge3A_372 = arith.constant 5.120000e+02 : f32
    %ge3A_373 = arith.cmpf oge, %reduce_sum3A_371, %ge3A_372 : f32
    %eq3A_374 = arith.constant 0.000000e+00 : f32
    %eq3A_375 = arith.cmpf oeq, %reduce_sum3A_371, %eq3A_374 : f32
    %or3A_376 = arith.ori %ge3A_373, %eq3A_375 : i1
    %add3A_377 = vector.broadcast %reduce_sum3A_371 : f32 to vector<1024xf32>
    %add3A_378 = arith.addf %add3A_377, %squeeze3A_359 : vector<1024xf32>
    %select_n3A_379 = arith.select %gt3A_366, %squeeze3A_362, %add3A_378 : vector<1024xi1>, vector<1024xf32>
    %select_n3A_380 = arith.select %or3A_376, %squeeze3A_357, %select_n3A_379 : vector<1024xf32>
    %convert_element_type3A_381 = arith.fptosi %select_n3A_380 : vector<1024xf32> to vector<1024xi32>
    %iota3A_382 = tpu.iota {dimensions = array<i32: 0>} : vector<512x1024xi32>
    %reshape3A_383 = vector.shape_cast %convert_element_type3A_381 : vector<1024xi32> to vector<1x1024xi32>
    %eq3A_384 = vector.broadcast %reshape3A_383 : vector<1x1024xi32> to vector<512x1024xi32>
    %eq3A_385 = arith.cmpi eq, %iota3A_382, %eq3A_384 : vector<512x1024xi32>
    %jit3A_386 = arith.constant 1.000000e+00 : f32
    %jit3A_387 = arith.constant 0.000000e+00 : f32
    %broadcast_in_dim3A_388 = vector.broadcast %jit3A_386 : f32 to vector<512x1024xf32>
    %broadcast_in_dim3A_389 = vector.broadcast %jit3A_387 : f32 to vector<512x1024xf32>
    %select_n3A_390 = arith.select %eq3A_385, %broadcast_in_dim3A_388, %broadcast_in_dim3A_389 : vector<512x1024xi1>, vector<512x1024xf32>
    %iota3A_391 = tpu.iota {dimensions = array<i32: 0>} : vector<1024x1xi32>
    %shift_right_arithmetic3A_392 = arith.constant 5 : i32
    %shift_right_arithmetic3A_393 = vector.broadcast %shift_right_arithmetic3A_392 : i32 to vector<1024x1xi32>
    %shift_right_arithmetic3A_394 = arith.shrsi %iota3A_391, %shift_right_arithmetic3A_393 : vector<1024x1xi32>
    %convert_element_type3A_395 = arith.sitofp %shift_right_arithmetic3A_394 : vector<1024x1xi32> to vector<1024x1xf32>
    %and3A_396 = arith.constant 31 : i32
    %and3A_397 = vector.broadcast %and3A_396 : i32 to vector<1024x1xi32>
    %and3A_398 = arith.andi %iota3A_391, %and3A_397 : vector<1024x1xi32>
    %convert_element_type3A_399 = arith.sitofp %and3A_398 : vector<1024x1xi32> to vector<1024x1xf32>
    %concatenate3A_400 = tpu.concatenate %convert_element_type3A_395, %convert_element_type3A_399 in 1 : vector<1024x1xf32>, vector<1024x1xf32> -> vector<1024x2xf32>
    %dot_general3A_401 = arith.constant dense<0.000000e+00> : vector<512x2xf32>
    %dot_general3A_402 = tpu.matmul %select_n3A_390, %concatenate3A_400, %dot_general3A_401 {dimension_numbers = #tpu.dot_dimension_numbers<[1], [0], [0], [1], [0, 0, 1, 1], [], []>, transpose_lhs_hint = false} : vector<512x1024xf32>, vector<1024x2xf32>, vector<512x2xf32> -> vector<512x2xf32>
    %slice3A_403 = vector.extract_strided_slice %dot_general3A_402 {offsets = [0, 0], sizes = [512, 1], strides = [1, 1]} : vector<512x2xf32> to vector<512x1xf32>
    %squeeze3A_404 = vector.shape_cast %slice3A_403 : vector<512x1xf32> to vector<512xf32>
    %convert_element_type3A_405 = arith.fptosi %squeeze3A_404 : vector<512xf32> to vector<512xi32>
    %mul3A_406 = arith.constant 32 : i32
    %mul3A_407 = vector.broadcast %mul3A_406 : i32 to vector<512xi32>
    %mul3A_408 = arith.muli %convert_element_type3A_405, %mul3A_407 : vector<512xi32>
    %slice3A_409 = vector.extract_strided_slice %dot_general3A_402 {offsets = [0, 1], sizes = [512, 1], strides = [1, 1]} : vector<512x2xf32> to vector<512x1xf32>
    %squeeze3A_410 = vector.shape_cast %slice3A_409 : vector<512x1xf32> to vector<512xf32>
    %convert_element_type3A_411 = arith.fptosi %squeeze3A_410 : vector<512xf32> to vector<512xi32>
    %add3A_412 = arith.addi %mul3A_408, %convert_element_type3A_411 : vector<512xi32>
    %swap3A_413 = arith.constant 3 : index
    %swap3A_414 = arith.constant 0 : index
    %swap3A_415 = arith.constant 0 : index
    %swap3A_416 = vector.load %arg3[%swap3A_413, %swap3A_414, %swap3A_415] : memref<4x1x512xi32, #tpu.memory_space<vmem>>, vector<1x1x512xi32>
    %swap3A_417 = vector.shape_cast %swap3A_416 : vector<1x1x512xi32> to vector<512xi32>
    %swap3A_418 = vector.shape_cast %add3A_412 : vector<512xi32> to vector<1x1x512xi32>
    tpu.vector_store %arg3[%swap3A_413, %swap3A_414, %swap3A_415], %swap3A_418 {strides = array<i32>} : memref<4x1x512xi32, #tpu.memory_space<vmem>>, vector<1x1x512xi32>,
    %mul3A_419 = arith.constant 4 : i32
    %mul3A_420 = arith.muli %arg0, %mul3A_419 : i32
    %add3A_421 = arith.constant 3 : i32
    %add3A_422 = arith.addi %mul3A_420, %add3A_421 : i32
    %mul3A_423 = arith.constant 1024 : i32
    %mul3A_424 = arith.muli %add3A_422, %mul3A_423 : i32
    %add3A_425 = vector.broadcast %mul3A_424 : i32 to vector<512xi32>
    %add3A_426 = arith.addi %add3A_412, %add3A_425 : vector<512xi32>
    %swap3A_427 = arith.constant 3 : index
    %swap3A_428 = arith.constant 0 : index
    %swap3A_429 = arith.constant 0 : index
    %swap3A_430 = vector.load %arg4[%swap3A_427, %swap3A_428, %swap3A_429] : memref<4x1x512xi32, #tpu.memory_space<vmem>>, vector<1x1x512xi32>
    %swap3A_431 = vector.shape_cast %swap3A_430 : vector<1x1x512xi32> to vector<512xi32>
    %swap3A_432 = vector.shape_cast %add3A_426 : vector<512xi32> to vector<1x1x512xi32>
    tpu.vector_store %arg4[%swap3A_427, %swap3A_428, %swap3A_429], %swap3A_432 {strides = array<i32>} : memref<4x1x512xi32, #tpu.memory_space<vmem>>, vector<1x1x512xi32>,
    return
  }
  func.func @transform_1(%arg0: i32) -> (i32, i32, i32) {
    %c0_i32 = arith.constant 0 : i32
    %c0_i32_0 = arith.constant 0 : i32
    %c0_i32_1 = arith.constant 0 : i32
    return %arg0, %c0_i32, %c0_i32_0 : i32, i32, i32
  }
  func.func @transform_2(%arg0: i32) -> (i32, i32, i32) {
    %c0_i32 = arith.constant 0 : i32
    %c0_i32_0 = arith.constant 0 : i32
    %c0_i32_1 = arith.constant 0 : i32
    return %arg0, %c0_i32, %c0_i32_0 : i32, i32, i32
  }
  func.func @transform_3(%arg0: i32) -> (i32, i32, i32) {
    %c0_i32 = arith.constant 0 : i32
    %c0_i32_0 = arith.constant 0 : i32
    %c0_i32_1 = arith.constant 0 : i32
    return %arg0, %c0_i32, %c0_i32_0 : i32, i32, i32
  }
}

</mosaic_0001>

<sc_bundles>
// kernel: kernel.4.cloned.1.call-start
scs
__scs_entry_jumppad:
0x0: {  	(pc) =	sbr.rel $0x88, $3  }
0x1: {  	(tag) =	ssettag $0x0;
	lr =	simm.s32 $0x1  }
0x2: {  	[smem:$0x3F9D] =	sst lr;
	_ =	strace $0xD0000000  }
0x3: {  	_ = 	snop  }
0x4: {  	_ = 	snop  }
0x5: {  	_ = 	snop  }
0x6: {  	_ = 	snop  }
0x7: {  	_ = 	snop  }
__scs_overlays_trampoline_lowered:
0x8: {  	[smem:$0x3FAC] =	sst s0  }
0x9: {  	[smem:$0x3FAD] =	sst s1  }
0xa: {  	[smem:$0x3FAE] =	sst s2  }
0xb: {  	[smem:$0x3FAF] =	sst s3  }
0xc: {  	[smem:$0x3FB0] =	sst s4  }
0xd: {  	[smem:$0x3FB1] =	sst s5  }
0xe: {  	[smem:$0x3FB2] =	sst s6  }
0xf: {  	[smem:$0x3FB3] =	sst s7  }
0x10: {  	[smem:$0x3FB4] =	sst s8  }
0x11: {  	[smem:$0x3FB5] =	sst s9;
	s0 =	simm.s32 @!p0 $0x0  }
0x12: {  	s1 =	sld [smem:$0x3F9B];
	s0 =	simm.s32 @p0 $0x1  }
0x13: {  	[smem:$0x3FB6] =	sst s0;
	s0 =	simm.s32 @!p1 $0x0  }
0x14: {  	s2 =	sld [smem:$0x3F9A];
	s0 =	simm.s32 @p1 $0x1  }
0x15: {  	[smem:$0x3FB7] =	sst s0;
	s0 =	simm.s32 @!p2 $0x0  }
0x16: {  	s3 =	sld [smem:$0x3FDB];
	s0 =	simm.s32 @p2 $0x1  }
0x17: {  	s4 =	simm.s32 $0x1BF5;
	[smem:$0x3FB9] =	sst s0  }
0x18: {  	s0 =	sld [smem:$0x3F9C];
	_ =	swait.ge [sflag:s4], $0x0  }
0x19: {  	s7 =	sld [smem:$0x3F9D]  }
0x1a: {  	s8 =	sadd.s32 $0xFFFFE003, lr  }
0x1b: {  	s9 =	sadd.s32 $0xFFFFFEF7, lr;
	s5 =	simm.s32 $0xFFFFFFFF;
	p2 =	slt.u32 s8, $0xFFFFF086  }
0x1c: {  	p1 =	slt.u32 s9, $0xF7A;
	s5 =	simm.s32 @!p2 $0x0  }
0x1d: {  	s5 =	simm.s32 @p1 $0x1;
	p0 =	seq.s32 s7, s2  }
0x1e: {  	s7 =	smul.u32 @!p0 $0xF7A, s2;
	p2 =	seq.s32 @!p0 s5, $0x0  }
0x1f: {  	s9 =	smul.u32 $0xF7A, s1;
	s8 =	simm.s32 @!p0 $0x1BF5;
	p2 =	por !p2, p0  }
0x20: {  	[sflag:s8] =	ssyncset.s32 @!p0 $0xFFFFF086;
	s6 =	sadd.s32 @!p0 s3, s7;
	s7 =	simm.s32 @!p0 $0x108  }
0x21: {  	s3 =	sadd.s32 s3, s9;
	s6 =	sadd.s32 @!p0 $0x88, s6;
	s7 =	simm.s32 @p2 $0x1082  }
0x22: {  	[simem:s7], [sflag:s8] =	dma.local @!p0 [hbm:s6], $0xF7A  }
0x23: {  	s9 =	sor.u32 $0xD0000000, s2;
	s6 =	simm.s32 $0x108;
	_ =	swait.ge @!p0 [sflag:s8], $0x0  }
0x24: {  	s3 =	sadd.s32 $0x88, s3;
	s6 =	simm.s32 @!p1 $0x1082;
	[sflag:s4] =	ssyncset.s32 $0xFFFFF086  }
0x25: {  	[simem:s6], [sflag:s4] =	dma.local [hbm:s3], $0xF7A  }
0x26: {  	[smem:$0x3F9D] =	sst s1;
	(tag) =	ssettag s2;
	_ =	strace s9  }
0x27: {  	s1 =	sld [smem:$0x3FAD]  }
0x28: {  	s2 =	sld [smem:$0x3FAE]  }
0x29: {  	s4 =	sld [smem:$0x3FB0]  }
0x2a: {  	p0 =	seq.s32 s5, $0x0;
	s5 =	sld [smem:$0x3FB1]  }
0x2b: {  	s6 =	sld [smem:$0x3FB2]  }
0x2c: {  	s7 =	sld [smem:$0x3FB3]  }
0x2d: {  	s3 =	simm.s32 $0x108;
	s8 =	sld [smem:$0x3FB4]  }
0x2e: {  	s3 =	simm.s32 @!p0 $0x1082;
	s9 =	sld [smem:$0x3FB5]  }
0x2f: {  	lr =	sadd.s32 s0, s3;
	s0 =	sld [smem:$0x3FAC]  }
0x30: {  	s3 =	sld [smem:$0x3FAF]  }
0x31: {  	[smem:$0x3FB8] =	sst s10  }
0x32: {  	s10 =	sld [smem:$0x3FB6];
	_ =	sdelay $0x3  }
0x33: {  	p0 =	seq.s32 s10, $0x1;
	s10 =	sld [smem:$0x3FB8];
	_ =	sdelay $0x3  }
0x34: {  	[smem:$0x3FB8] =	sst s10  }
0x35: {  	s10 =	sld [smem:$0x3FB7];
	_ =	sdelay $0x3  }
0x36: {  	p1 =	seq.s32 s10, $0x1;
	s10 =	sld [smem:$0x3FB8];
	_ =	sdelay $0x3  }
0x37: {  	[smem:$0x3FB8] =	sst s10  }
0x38: {  	s10 =	sld [smem:$0x3FB9]  }
0x39: {  	_ = 	snop;
	(pc) =	sbr.ind lr, $3  }
0x3a: {  	_ = 	snop  }
0x3b: {  	_ = 	snop  }
0x3c: {  	p2 =	seq.s32 s10, $0x1;
	s10 =	sld [smem:$0x3FB8]  }
0x3d: {  	_ =	shalt  }
0x3e: {  	_ =	shalt  }
0x3f: {  	_ =	shalt  }
0x40: {  	_ =	shalt  }
0x41: {  	_ =	shalt  }
0x42: {  	_ =	shalt  }
0x43: {  	_ =	shalt  }
0x44: {  	_ =	shalt  }
0x45: {  	_ =	shalt  }
0x46: {  	_ =	shalt  }
0x47: {  	_ =	shalt  }
0x48: {  	_ =	shalt  }
0x49: {  	_ =	shalt  }
0x4a: {  	_ =	shalt  }
0x4b: {  	_ =	shalt  }
0x4c: {  	_ =	shalt  }
0x4d: {  	_ =	shalt  }
0x4e: {  	_ =	shalt  }
0x4f: {  	_ =	shalt  }
0x50: {  	_ =	shalt  }
0x51: {  	_ =	shalt  }
0x52: {  	_ =	shalt  }
0x53: {  	_ =	shalt  }
0x54: {  	_ =	shalt  }
0x55: {  	_ =	shalt  }
0x56: {  	_ =	shalt  }
0x57: {  	_ =	shalt  }
0x58: {  	_ =	shalt  }
0x59: {  	_ =	shalt  }
0x5a: {  	_ =	shalt  }
0x5b: {  	_ =	shalt  }
0x5c: {  	_ =	shalt  }
0x5d: {  	_ =	shalt  }
0x5e: {  	_ =	shalt  }
0x5f: {  	_ =	shalt  }
0x60: {  	_ =	shalt  }
0x61: {  	_ =	shalt  }
0x62: {  	_ =	shalt  }
0x63: {  	_ =	shalt  }
0x64: {  	_ =	shalt  }
0x65: {  	_ =	shalt  }
0x66: {  	_ =	shalt  }
0x67: {  	_ =	shalt  }
0x68: {  	_ =	shalt  }
0x69: {  	_ =	shalt  }
0x6a: {  	_ =	shalt  }
0x6b: {  	_ =	shalt  }
0x6c: {  	_ =	shalt  }
0x6d: {  	_ =	shalt  }
0x6e: {  	_ =	shalt  }
0x6f: {  	_ =	shalt  }
0x70: {  	_ =	shalt  }
0x71: {  	_ =	shalt  }
0x72: {  	_ =	shalt  }
0x73: {  	_ =	shalt  }
0x74: {  	_ =	shalt  }
0x75: {  	_ =	shalt  }
0x76: {  	_ =	shalt  }
0x77: {  	_ =	shalt  }
0x78: {  	_ =	shalt  }
0x79: {  	_ =	shalt  }
0x7a: {  	_ =	shalt  }
0x7b: {  	_ =	shalt  }
0x7c: {  	_ =	shalt  }
0x7d: {  	_ =	shalt  }
0x7e: {  	_ =	shalt  }
0x7f: {  	_ =	shalt  }
0x80: {  	_ =	shalt  }
0x81: {  	_ =	shalt  }
0x82: {  	_ =	shalt  }
0x83: {  	_ =	shalt  }
0x84: {  	_ =	shalt  }
0x85: {  	_ =	shalt  }
0x86: {  	_ =	shalt  }
0x87: {  	_ =	shalt  }
.Lfunc_end0:
.L_simem_size_0:
called_computation_lowered:
.L_overlay_start_0:
0x88: {  	s2 =	sld [smem:$0x3FD9]  }
0x89: {  	s3 =	sld [smem:$0x3FFE];
	_ =	sdelay $0x1  }
0x8a: {  	s1 =	srdreg.scid  }
0x8b: {  	s0 =	sand.u32 $0x1, s1  }
0x8c: {  	s17 =	sshll.u32 s0, $0xA;
	s2 =	sadd.s32 s3, s2  }
0x8d: {  	s2 =	sadd.s32 s2, s17  }
0x8e: {  	[smem:$0x3FC4] =	sst s2  }
0x8f: {  	_ = 	snop  }
0x90: {  	s2 =	sld [smem:$0x3FC9]  }
0x91: {  	s18 =	sld [smem:$0x3FD0];
	(tm) =	ssettm $0x1  }
0x92: {  	s4 =	sld [smem:$0x3FFB];
	_ =	sdelay $0x3  }
0x93: {  	_ =	strace s4  }
0x94: {  	s4 =	sld [smem:$0x3FFC];
	_ =	sdelay $0x3  }
0x95: {  	_ =	strace s4  }
0x96: {  	s4 =	sld [smem:$0x3FFD];
	_ =	sdelay $0x3  }
0x97: {  	_ =	strace s4  }
0x98: {  	_ =	strace $0x8FFFFFFF  }
0x99: {  	s19 =	sld [smem:$0x3FDB];
	_ =	sdelay $0x1  }
0x9a: {  	s5 =	simm.s32 $_scs_section_size  }
0x9b: {  	s6 =	simm.s32 $_size__tile_overlayer_lowered;
	s7 =	simm.s32 $_tile_overlayer_lowered  }
0x9c: {  	s22 =	simm.s32 $0x1BFF;
	s21 =	sshll.u32 s7, $0x1;
	s4 =	sadd.s32 s5, s19  }
0x9d: {  	s8 =	simm.s32 $0x0;
	s20 =	sshll.u32 s6, $0x1;
	s6 =	sadd.s32 s21, s4  }
0x9e: {  	[timem:s8], [sflag:s22] =	dma.local [hbm:s6], s20  }
0x9f: {  	_ =	swait.ge [sflag:s22], s20  }
0xa0: {  	s5 =	ssub.s32 $0x0, s20;
	[sflag:s22] =	ssyncset.done $0x0  }
0xa1: {  	[sflag:s22] =	ssyncadd.s32 s5;
	_ =	sdelay $0x1  }
0xa2: {  	s23 =	simm.s32 $0x1B8B  }
0xa3: {  	_ =	swait.ge [sflag:s23], $0x1  }
0xa4: {  	[sflag:s23] =	ssyncset.done $0x0  }
0xa5: {  	s25 =	simm.s32 $0x1B8E;
	s24 =	sld [smem:$0x3FFE];
	[sflag:s23] =	ssyncadd.s32 $0xFFFFFFFF  }
0xa6: {  	s26 =	simm.s32 $execute0_lowered;
	[smem:$0x3FD2] =	sst s25  }
0xa7: {  	s6 =	sshll.u32 s26, $0x1;
	_ =	strace $0x80000046;
	[dreg:$0x1] =	wrdreg $0xFFFFFFFF  }
0xa8: {  	s28 =	simm.s32 $_size_execute0_lowered;
	s4 =	sadd.s32 s4, s6;
	[dreg:$0x0] =	wrdreg $0x0  }
0xa9: {  	s6 =	sshll.u32 s28, $0x1;
	[dreg:$0x2] =	wrdreg s4  }
0xaa: {  	[dreg:$0x3] =	wrdreg s6  }
0xab: {  	[dreg:$0x4] =	wrdreg $0xC0  }
0xac: {  	_ =	task [dreg:s8], $0x5FFFF  }
0xad: {  	[dreg:$0x1] =	wrdreg $0xFFFFFFFF  }
0xae: {  	[dreg:$0x0] =	wrdreg $0x60  }
0xaf: {  	[dreg:$0x2] =	wrdreg s2  }
0xb0: {  	[dreg:$0x3] =	wrdreg s24  }
0xb1: {  	[dreg:$0x4] =	wrdreg s18  }
0xb2: {  	[dreg:$0x5] =	wrdreg $0x9  }
0xb3: {  	_ =	task.clear_ibuf [dreg:s8], $0x6FFFF;
	_ =	strace $0x90000046  }
0xb4: {  	s29 =	simm.s32 $0x9;
	_ =	strace $0x80000048  }
0xb5: {  	_ =	swait.ge [sflag:s29], $0x1  }
0xb6: {  	[sflag:s29] =	ssyncadd.s32 $0xFFFFFFFF  }
0xb7: {  	_ =	strace $0x90000048  }
0xb8: {  	_ =	sfence  }
0xb9: {  	s30 =	sld [smem:$0x0];
	_ =	sdelay $0x2  }
0xba: {  	s31 =	sshll.u32 s1, $0xD;
	s1 =	sshrl.u32 s1, $0x2  }
0xbb: {  	s3 =	sand.u32 $0x4000, s31;
	s1 =	sadd.s32 s1, s30  }
0xbc: {  	s0 =	sor.u32 s3, s0;
	s1 =	sshll.u32 s1, $0x11  }
0xbd: {  	s0 =	sor.u32 s1, s0  }
0xbe: {  	s0 =	sadd.s32 $0x8F2B, s0  }
0xbf: {  	[sflag:s0] =	ssyncadd.remote.s32 $0x1  }
0xc0: {  	_ =	sfence.sel $0xFFFF  }
0xc1: {  	[dreg:$0x0] =	wrdreg $0xFFFFFFFF;
	(pc) =	sbr.abs _section_cstart, $3  }
0xc2: {  	[dreg:$0x1] =	wrdreg $0xFFFFFFFF  }
0xc3: {  	_ =	task.clear_ibuf [dreg:s8], $0x2FFFF;
	_ =	strace $0x9FFFFFFF  }
0xc4: {  	(tm) =	ssettm $0x7FFFFFFF  }
0xc5: {  	_ =	shalt  }
tec
execute0_lowered:
.L_overlay_start_1:
0x0: {  	(tag) =	ssettag $0x1  }
0x1: {  	s1 =	rddreg [dreg:$0x0];
	s0 =	srdreg.scid  }
0x2: {  	s3 =	rddreg [dreg:$0x1];
	s2 =	stileid.u32  }
0x3: {  	s4 =	rddreg [dreg:$0x2];
	s6 =	simm.s32 $0x0;
	s16 =	simm.s32 $0x5  }
0x4: {  	s18 =	simm.s32 $0x800;
	s31 =	simm.s32 $0x6800;
	s13 =	simm.s32 $0x9800  }
0x5: {  	s14 =	simm.s32 $0xA000;
	s15 =	simm.s32 $0xA800;
	s19 =	simm.s32 $0xB000  }
0x6: {  	s20 =	simm.s32 $0xB800;
	s21 =	simm.s32 $0xC000;
	s22 =	simm.s32 $0x1  }
0x7: {  	s23 =	simm.s32 $0x2;
	s24 =	simm.s32 $0x3;
	s0 =	sand.u32 $0x1, s0  }
0x8: {  	s25 =	simm.s32 $0x4;
	s2 =	sshll.u32 s2, $0xB;
	s5 =	sshll.u32 s0, $0xA  }
0x9: {  	[smem:$0x7FF] =	sst s6;
	s0 =	ssub.s32 $0x2, s0;
	s5 =	sor.u32 s5, s2  }
0xa: {  	s9 =	sadd.s32 $0x100, s1;
	s7 =	sshrl.u32 s0, $0x1;
	s2 =	sshrl.u32 s5, $0x3  }
0xb: {  	s0 =	ssub.s32 s0, s7;
	s8 =	smul.u32 $0x1800, s2;
	s2 =	sadd.s32 s2, s3  }
0xc: {  	_ =	strace $0x80000047;
	s0 =	smax.u32 s0, $0x1;
	s28 =	sadd.s32 $0x19000, s2  }
0xd: {  	s2 =	sadd.s32 $0x18000, s2;
	[dreg:$0x8] =	wrdreg s0;
	s29 =	sshrl.u32 s8, $0x3  }
0xe: {  	s10 =	sadd.s32 $0x200, s1;
	[dreg:$0x5] =	wrdreg s2;
	s2 =	sadd.s32 s4, s29  }
0xf: {  	v2 =	vlaneseq.u32;
	s11 =	sadd.s32 $0x100, s3;
	[dreg:$0x4] =	wrdreg s28;
	s30 =	sadd.s32 $0x17400, s2  }
0x10: {  	vm0 =	vmmov $0xffff;
	s12 =	sadd.s32 $0x200, s3;
	v1 =	vshrl.u32 v2, $0x3;
	s2 =	sadd.s32 $0x17A00, s2;
	[dreg:$0x6] =	wrdreg s30  }
0x11: {  	v0 =	vand.u32 $0x7, v2;
	v2 =	vor.u32 $0x8, v2;
	v1 =	vmul.u32 $0x8, v1;
	s8 =	simm.s32 $0x9000;
	[dreg:$0x7] =	wrdreg s2;
	s2 =	simm.s32 $0x0  }
.LBB2_1:
0x12: {  	[dreg:$0x9] =	wrdreg s2  }
0x13: {  	s0 =	rddreg [dreg:$0x4]  }
0x14: {  	[tilespmem:s6], [sflag:$0x5] =	stream.linear.gather [hbm4b:s0+s6], $0x400, $0x38;
	[tilespmem:$0xC800] =	vst v63  }
0x15: {  	_ =	swait.ge [sflag:s16], $0x400  }
0x16: {  	[sflag:s16] =	ssyncset.done $0x0  }
0x17: {  	s17 =	simm.s32 $0x400;
	s7 =	rddreg [dreg:$0x5];
	[sflag:s16] =	ssyncadd.s32 $0xFFFFFC00  }
0x18: {  	[tilespmem:s17], [sflag:$0x5] =	stream.linear.gather [hbm4b:s7+s6], $0x400, $0x38;
	[tilespmem:$0xC800] =	vst v63  }
0x19: {  	_ =	swait.ge [sflag:s16], $0x400  }
0x1a: {  	[sflag:s16] =	ssyncset.done $0x0  }
0x1b: {  	[sflag:s16] =	ssyncadd.s32 $0xFFFFFC00  }
0x1c: {  	v3 =	vld [tilespmem:$0x0];
	_ =	sdelay $0x4  }
0x1d: {  	v4 =	vshrl.u32 v3, $0x3  }
0x1e: {  	v4 =	vmul.u32 $0x30, v4  }
0x1f: {  	v3 =	vand.u32 $0x7, v3  }
0x20: {  	v3 =	vor.u32 v3, v4  }
0x21: {  	v4 =	vperm.xlane v3, v0;
	_ =	sdelay $0x1  }
0x22: {  	v4 =	vadd.s32 v1, v4;
	_ =	sdelay $0x3  }
0x23: {  	v3 =	vperm.xlane v3, v2  }
0x24: {  	[tilespmem:s18], [sflag:$0x1] =	stream.indirect_vreg.gather [hbm4b:s1+s6], $0x80, v4, vm0, $0xb8;
	[tilespmem:$0xC800] =	vst v63  }
0x25: {  	s26 =	simm.s32 $0x1000;
	v3 =	vadd.s32 v1, v3  }
0x26: {  	[tilespmem:s26], [sflag:$0x1] =	stream.indirect_vreg.gather [hbm4b:s9+s6], $0x80, v4, vm0, $0xb8;
	[tilespmem:$0xC800] =	vst v63  }
0x27: {  	s28 =	simm.s32 $0x1800  }
0x28: {  	[tilespmem:s28], [sflag:$0x1] =	stream.indirect_vreg.gather [hbm4b:s10+s6], $0x80, v4, vm0, $0xb8;
	[tilespmem:$0xC800] =	vst v63  }
0x29: {  	s29 =	simm.s32 $0x2000  }
0x2a: {  	[tilespmem:s29], [sflag:$0x1] =	stream.indirect_vreg.gather [hbm4b:s1+s6], $0x80, v3, vm0, $0xb8;
	[tilespmem:$0xC800] =	vst v63  }
0x2b: {  	s30 =	simm.s32 $0x2800  }
0x2c: {  	[tilespmem:s30], [sflag:$0x1] =	stream.indirect_vreg.gather [hbm4b:s9+s6], $0x80, v3, vm0, $0xb8;
	[tilespmem:$0xC800] =	vst v63  }
0x2d: {  	s2 =	simm.s32 $0x3000  }
0x2e: {  	[tilespmem:s2], [sflag:$0x1] =	stream.indirect_vreg.gather [hbm4b:s10+s6], $0x80, v3, vm0, $0xb8;
	[tilespmem:$0xC800] =	vst v63  }
0x2f: {  	v3 =	vld [tilespmem:$0x400];
	_ =	sdelay $0x4  }
0x30: {  	v63 =	vshrl.u32 v3, $0x3  }
0x31: {  	v4 =	vmul.u32 $0x30, v63  }
0x32: {  	v3 =	vand.u32 $0x7, v3  }
0x33: {  	v3 =	vor.u32 v3, v4  }
0x34: {  	v4 =	vperm.xlane v3, v0;
	_ =	sdelay $0x1  }
0x35: {  	v4 =	vadd.s32 v1, v4;
	_ =	sdelay $0x3  }
0x36: {  	s7 =	simm.s32 $0x3800;
	v3 =	vperm.xlane v3, v2  }
0x37: {  	[tilespmem:s7], [sflag:$0x2] =	stream.indirect_vreg.gather [hbm4b:s3+s6], $0x80, v4, vm0, $0xb8;
	[tilespmem:$0xC800] =	vst v63  }
0x38: {  	s17 =	simm.s32 $0x4000;
	v3 =	vadd.s32 v1, v3  }
0x39: {  	[tilespmem:s17], [sflag:$0x2] =	stream.indirect_vreg.gather [hbm4b:s11+s6], $0x80, v4, vm0, $0xb8;
	[tilespmem:$0xC800] =	vst v63  }
0x3a: {  	s26 =	simm.s32 $0x4800  }
0x3b: {  	[tilespmem:s26], [sflag:$0x2] =	stream.indirect_vreg.gather [hbm4b:s12+s6], $0x80, v4, vm0, $0xb8;
	[tilespmem:$0xC800] =	vst v63  }
0x3c: {  	s28 =	simm.s32 $0x5000  }
0x3d: {  	[tilespmem:s28], [sflag:$0x2] =	stream.indirect_vreg.gather [hbm4b:s3+s6], $0x80, v3, vm0, $0xb8;
	[tilespmem:$0xC800] =	vst v63  }
0x3e: {  	s29 =	simm.s32 $0x5800  }
0x3f: {  	[tilespmem:s29], [sflag:$0x2] =	stream.indirect_vreg.gather [hbm4b:s11+s6], $0x80, v3, vm0, $0xb8;
	[tilespmem:$0xC800] =	vst v63  }
0x40: {  	s30 =	simm.s32 $0x6000;
	s26 =	simm.s32 $0x0  }
0x41: {  	[tilespmem:s30], [sflag:$0x2] =	stream.indirect_vreg.gather [hbm4b:s12+s6], $0x80, v3, vm0, $0xb8;
	[tilespmem:$0xC800] =	vst v63  }
.LBB2_2:
0x42: {  	s29 =	sshll.u32 s26, $0x5  }
0x43: {  	v3 =	vld [tilespmem:s29+$0x10];
	_ =	sdelay $0x4  }
0x44: {  	v4 =	vshrl.u32 v3, $0x3  }
0x45: {  	v4 =	vmul.u32 $0x30, v4  }
0x46: {  	v3 =	vand.u32 $0x7, v3  }
0x47: {  	v3 =	vor.u32 v3, v4  }
0x48: {  	v4 =	vperm.xlane v3, v0;
	_ =	sdelay $0x1  }
0x49: {  	v4 =	vadd.s32 v1, v4;
	_ =	sdelay $0x3  }
0x4a: {  	s30 =	simm.s32 $0x0;
	v3 =	vperm.xlane v3, v2  }
0x4b: {  	[tilespmem:s31], [sflag:$0x3] =	stream.indirect_vreg.gather [hbm4b:s1+s30], $0x80, v4, vm0, $0xb8;
	[tilespmem:$0xC800] =	vst v63  }
0x4c: {  	s0 =	simm.s32 $0x7000;
	v3 =	vadd.s32 v1, v3  }
0x4d: {  	[tilespmem:s0], [sflag:$0x3] =	stream.indirect_vreg.gather [hbm4b:s9+s30], $0x80, v4, vm0, $0xb8;
	[tilespmem:$0xC800] =	vst v63  }
0x4e: {  	s17 =	simm.s32 $0x7800  }
0x4f: {  	[tilespmem:s17], [sflag:$0x3] =	stream.indirect_vreg.gather [hbm4b:s10+s30], $0x80, v4, vm0, $0xb8;
	[tilespmem:$0xC800] =	vst v63  }
0x50: {  	s2 =	simm.s32 $0x8000  }
0x51: {  	[tilespmem:s2], [sflag:$0x3] =	stream.indirect_vreg.gather [hbm4b:s1+s30], $0x80, v3, vm0, $0xb8;
	[tilespmem:$0xC800] =	vst v63  }
0x52: {  	s7 =	simm.s32 $0x8800  }
0x53: {  	[tilespmem:s7], [sflag:$0x3] =	stream.indirect_vreg.gather [hbm4b:s9+s30], $0x80, v3, vm0, $0xb8;
	[tilespmem:$0xC800] =	vst v63  }
0x54: {  	_ = 	snop  }
0x55: {  	[tilespmem:s8], [sflag:$0x3] =	stream.indirect_vreg.gather [hbm4b:s10+s30], $0x80, v3, vm0, $0xb8;
	[tilespmem:$0xC800] =	vst v63  }
0x56: {  	v3 =	vld [tilespmem:s29+$0x410];
	_ =	sdelay $0x4  }
0x57: {  	v4 =	vshrl.u32 v3, $0x3  }
0x58: {  	v4 =	vmul.u32 $0x30, v4  }
0x59: {  	v3 =	vand.u32 $0x7, v3  }
0x5a: {  	v3 =	vor.u32 v3, v4  }
0x5b: {  	v4 =	vperm.xlane v3, v0;
	_ =	sdelay $0x1  }
0x5c: {  	v4 =	vadd.s32 v1, v4;
	_ =	sdelay $0x3  }
0x5d: {  	v3 =	vperm.xlane v3, v2  }
0x5e: {  	[tilespmem:s13], [sflag:$0x4] =	stream.indirect_vreg.gather [hbm4b:s3+s30], $0x80, v4, vm0, $0xb8;
	[tilespmem:$0xC800] =	vst v63  }
0x5f: {  	v3 =	vadd.s32 v1, v3  }
0x60: {  	[tilespmem:s14], [sflag:$0x4] =	stream.indirect_vreg.gather [hbm4b:s11+s30], $0x80, v4, vm0, $0xb8;
	[tilespmem:$0xC800] =	vst v63  }
0x61: {  	_ = 	snop  }
0x62: {  	[tilespmem:s15], [sflag:$0x4] =	stream.indirect_vreg.gather [hbm4b:s12+s30], $0x80, v4, vm0, $0xb8;
	[tilespmem:$0xC800] =	vst v63  }
0x63: {  	_ = 	snop  }
0x64: {  	[tilespmem:s19], [sflag:$0x4] =	stream.indirect_vreg.gather [hbm4b:s3+s30], $0x80, v3, vm0, $0xb8;
	[tilespmem:$0xC800] =	vst v63  }
0x65: {  	_ = 	snop  }
0x66: {  	[tilespmem:s20], [sflag:$0x4] =	stream.indirect_vreg.gather [hbm4b:s11+s30], $0x80, v3, vm0, $0xb8;
	[tilespmem:$0xC800] =	vst v63  }
0x67: {  	_ = 	snop  }
0x68: {  	[tilespmem:s21], [sflag:$0x4] =	stream.indirect_vreg.gather [hbm4b:s12+s30], $0x80, v3, vm0, $0xb8;
	[tilespmem:$0xC800] =	vst v63  }
0x69: {  	_ =	swait.ge [sflag:s22], $0x3000  }
0x6a: {  	[sflag:s22] =	ssyncset.done $0x0  }
0x6b: {  	s17 =	simm.s32 $0x0;
	[sflag:s22] =	ssyncadd.s32 $0xFFFFD000  }
0x6c: {  	s0 =	smul.u32 $0x1800, s17;
	_ =	swait.ge [sflag:s23], $0x3000  }
0x6d: {  	s2 =	sand.u32 $0x380, s30;
	[sflag:s23] =	ssyncset.done $0x0  }
0x6e: {  	s2 =	sor.u32 s2, s0;
	[sflag:s23] =	ssyncadd.s32 $0xFFFFD000  }
0x6f: {  	v14 =	vld [tilespmem:s2+$0x3800]  }
0x70: {  	v15 =	vld [tilespmem:s2+$0x3810]  }
0x71: {  	v16 =	vld [tilespmem:s2+$0x3820]  }
0x72: {  	v17 =	vld [tilespmem:s2+$0x3830]  }
0x73: {  	v18 =	vld [tilespmem:s2+$0x3840]  }
0x74: {  	v19 =	vld [tilespmem:s2+$0x3850]  }
0x75: {  	v20 =	vld [tilespmem:s2+$0x3860]  }
0x76: {  	v21 =	vld [tilespmem:s2+$0x3870]  }
0x77: {  	v22 =	vld [tilespmem:s2+$0x3C00]  }
0x78: {  	v23 =	vld [tilespmem:s2+$0x3C10]  }
0x79: {  	v24 =	vld [tilespmem:s2+$0x3C20]  }
0x7a: {  	v25 =	vld [tilespmem:s2+$0x3C30]  }
0x7b: {  	v26 =	vld [tilespmem:s2+$0x3C40]  }
0x7c: {  	v27 =	vld [tilespmem:s2+$0x3C50]  }
0x7d: {  	v28 =	vld [tilespmem:s2+$0x3C60]  }
0x7e: {  	v29 =	vld [tilespmem:s2+$0x3C70]  }
0x7f: {  	v30 =	vld [tilespmem:s2+$0x4000]  }
0x80: {  	v31 =	vld [tilespmem:s2+$0x4010]  }
0x81: {  	v32 =	vld [tilespmem:s2+$0x4020]  }
0x82: {  	v33 =	vld [tilespmem:s2+$0x4030]  }
0x83: {  	v34 =	vld [tilespmem:s2+$0x4040]  }
0x84: {  	v35 =	vld [tilespmem:s2+$0x4050]  }
0x85: {  	v36 =	vld [tilespmem:s2+$0x4060]  }
0x86: {  	v37 =	vld [tilespmem:s2+$0x4070]  }
0x87: {  	v38 =	vld [tilespmem:s2+$0x4400]  }
0x88: {  	v39 =	vld [tilespmem:s2+$0x4410]  }
0x89: {  	v40 =	vld [tilespmem:s2+$0x4420]  }
0x8a: {  	v41 =	vld [tilespmem:s2+$0x4430]  }
0x8b: {  	v42 =	vld [tilespmem:s2+$0x4440]  }
0x8c: {  	v43 =	vld [tilespmem:s2+$0x4450]  }
0x8d: {  	v44 =	vld [tilespmem:s2+$0x4460]  }
0x8e: {  	v45 =	vld [tilespmem:s2+$0x4470]  }
0x8f: {  	v46 =	vld [tilespmem:s2+$0x4800]  }
0x90: {  	v47 =	vld [tilespmem:s2+$0x4810]  }
0x91: {  	v48 =	vld [tilespmem:s2+$0x4820]  }
0x92: {  	v49 =	vld [tilespmem:s2+$0x4830]  }
0x93: {  	v50 =	vld [tilespmem:s2+$0x4840]  }
0x94: {  	v12 =	vld [tilespmem:s2+$0x4850]  }
0x95: {  	v13 =	vld [tilespmem:s2+$0x4860]  }
0x96: {  	v11 =	vld [tilespmem:s2+$0x4870]  }
0x97: {  	v10 =	vld [tilespmem:s2+$0x4C00]  }
0x98: {  	v9 =	vld [tilespmem:s2+$0x4C10]  }
0x99: {  	v8 =	vld [tilespmem:s2+$0x4C20]  }
0x9a: {  	v7 =	vld [tilespmem:s2+$0x4C30]  }
0x9b: {  	v6 =	vld [tilespmem:s2+$0x4C40]  }
0x9c: {  	v51 =	vld [tilespmem:s2+$0x800]  }
0x9d: {  	v52 =	vld [tilespmem:s2+$0x810]  }
0x9e: {  	v53 =	vld [tilespmem:s2+$0x820]  }
0x9f: {  	v54 =	vld [tilespmem:s2+$0x830]  }
0xa0: {  	v55 =	vld [tilespmem:s2+$0x840]  }
0xa1: {  	v61 =	vld [tilespmem:s2+$0x850];
	v14 =	vadd.f32 v14, v51  }
0xa2: {  	v62 =	vld [tilespmem:s2+$0x860];
	v15 =	vadd.f32 v15, v52  }
0xa3: {  	[tilespmem:s2+$0x800] =	vst v14;
	v14 =	vadd.f32 v16, v53;
	v16 =	vld [tilespmem:s2+$0x870]  }
0xa4: {  	[tilespmem:s2+$0x810] =	vst v15;
	v15 =	vadd.f32 v17, v54;
	v17 =	vld [tilespmem:s2+$0xC00]  }
0xa5: {  	[tilespmem:s2+$0x820] =	vst v14;
	v14 =	vadd.f32 v18, v55;
	v18 =	vld [tilespmem:s2+$0xC10]  }
0xa6: {  	[tilespmem:s2+$0x830] =	vst v15;
	v15 =	vadd.f32 v19, v61;
	v19 =	vld [tilespmem:s2+$0xC20]  }
0xa7: {  	v5 =	vld [tilespmem:s2+$0x4C50];
	[tilespmem:s2+$0x840] =	vst v14;
	v14 =	vadd.f32 v20, v62  }
0xa8: {  	[tilespmem:s2+$0x850] =	vst v15;
	v20 =	vld [tilespmem:s2+$0xC70];
	v15 =	vadd.f32 v21, v16  }
0xa9: {  	v16 =	vld [tilespmem:s2+$0xC30];
	[tilespmem:s2+$0x860] =	vst v14;
	v14 =	vadd.f32 v22, v17  }
0xaa: {  	v17 =	vld [tilespmem:s2+$0xC40];
	[tilespmem:s2+$0x870] =	vst v15  }
0xab: {  	v15 =	vadd.f32 v23, v18;
	v18 =	vadd.f32 v24, v19;
	[tilespmem:s2+$0xC00] =	vst v14;
	v14 =	vld [tilespmem:s2+$0xC50]  }
0xac: {  	v19 =	vld [tilespmem:s2+$0xC60]  }
0xad: {  	[tilespmem:s2+$0xC20] =	vst v18;
	v18 =	vld [tilespmem:s2+$0x1010];
	v20 =	vadd.f32 v29, v20  }
0xae: {  	[tilespmem:s2+$0xC10] =	vst v15;
	v15 =	vld [tilespmem:s2+$0x1000];
	v16 =	vadd.f32 v25, v16  }
0xaf: {  	v4 =	vld [tilespmem:s2+$0x4C60];
	v17 =	vadd.f32 v26, v17;
	[tilespmem:s2+$0xC70] =	vst v20  }
0xb0: {  	[tilespmem:s2+$0xC30] =	vst v16;
	v16 =	vld [tilespmem:s2+$0x1020];
	v14 =	vadd.f32 v27, v14  }
0xb1: {  	v19 =	vadd.f32 v28, v19;
	[tilespmem:s2+$0xC40] =	vst v17;
	v17 =	vld [tilespmem:s2+$0x1030]  }
0xb2: {  	v18 =	vadd.f32 v31, v18;
	[tilespmem:s2+$0xC50] =	vst v14;
	v14 =	vld [tilespmem:s2+$0x1040]  }
0xb3: {  	[tilespmem:s2+$0xC60] =	vst v19;
	v15 =	vadd.f32 v30, v15;
	v19 =	vld [tilespmem:s2+$0x1050]  }
0xb4: {  	[tilespmem:s2+$0x1010] =	vst v18;
	v18 =	vld [tilespmem:s2+$0x1060]  }
0xb5: {  	v20 =	vld [tilespmem:s2+$0x1070];
	[tilespmem:s2+$0x1000] =	vst v15;
	v15 =	vadd.f32 v32, v16  }
0xb6: {  	v16 =	vld [tilespmem:s2+$0x1400];
	v17 =	vadd.f32 v33, v17  }
0xb7: {  	[tilespmem:s2+$0x1020] =	vst v15;
	v15 =	vld [tilespmem:s2+$0x1410];
	v14 =	vadd.f32 v34, v14  }
0xb8: {  	v19 =	vadd.f32 v35, v19;
	[tilespmem:s2+$0x1030] =	vst v17;
	v17 =	vld [tilespmem:s2+$0x1420]  }
0xb9: {  	v18 =	vadd.f32 v36, v18;
	[tilespmem:s2+$0x1040] =	vst v14;
	v14 =	vld [tilespmem:s2+$0x1430]  }
0xba: {  	v20 =	vadd.f32 v37, v20;
	[tilespmem:s2+$0x1050] =	vst v19;
	v19 =	vld [tilespmem:s2+$0x1440]  }
0xbb: {  	v16 =	vadd.f32 v38, v16;
	[tilespmem:s2+$0x1060] =	vst v18;
	v18 =	vld [tilespmem:s2+$0x1450]  }
0xbc: {  	[tilespmem:s2+$0x1070] =	vst v20;
	v20 =	vld [tilespmem:s2+$0x1470];
	v15 =	vadd.f32 v39, v15  }
0xbd: {  	[tilespmem:s2+$0x1400] =	vst v16;
	v16 =	vadd.f32 v40, v17;
	v17 =	vld [tilespmem:s2+$0x1460]  }
0xbe: {  	[tilespmem:s2+$0x1410] =	vst v15;
	v15 =	vld [tilespmem:s2+$0x1800];
	v14 =	vadd.f32 v41, v14  }
0xbf: {  	v19 =	vadd.f32 v42, v19;
	[tilespmem:s2+$0x1420] =	vst v16;
	v16 =	vld [tilespmem:s2+$0x1810]  }
0xc0: {  	v18 =	vadd.f32 v43, v18;
	[tilespmem:s2+$0x1430] =	vst v14;
	v14 =	vld [tilespmem:s2+$0x1820]  }
0xc1: {  	v20 =	vadd.f32 v45, v20;
	[tilespmem:s2+$0x1440] =	vst v19;
	v19 =	vld [tilespmem:s2+$0x1830]  }
0xc2: {  	v17 =	vadd.f32 v44, v17;
	[tilespmem:s2+$0x1450] =	vst v18;
	v18 =	vld [tilespmem:s2+$0x1840]  }
0xc3: {  	v3 =	vld [tilespmem:s2+$0x4C70];
	[tilespmem:s2+$0x1470] =	vst v20;
	v15 =	vadd.f32 v46, v15  }
0xc4: {  	v63 =	vld [tilespmem:s2+$0x1850];
	[tilespmem:s2+$0x1460] =	vst v17;
	v16 =	vadd.f32 v47, v16  }
0xc5: {  	v20 =	vld [tilespmem:s2+$0x1860];
	[tilespmem:s2+$0x1800] =	vst v15;
	v14 =	vadd.f32 v48, v14  }
0xc6: {  	v17 =	vld [tilespmem:s2+$0x1870];
	[tilespmem:s2+$0x1810] =	vst v16;
	v16 =	vadd.f32 v49, v19  }
0xc7: {  	v15 =	vld [tilespmem:s2+$0x1C00];
	v18 =	vadd.f32 v50, v18;
	[tilespmem:s2+$0x1820] =	vst v14  }
0xc8: {  	v14 =	vld [tilespmem:s2+$0x1C10];
	[tilespmem:s2+$0x1830] =	vst v16  }
0xc9: {  	v16 =	vld [tilespmem:s2+$0x1C20];
	[tilespmem:s2+$0x1840] =	vst v18;
	v18 =	vadd.f32 v12, v63  }
0xca: {  	s28 =	sor.u32 $0x10, s29;
	s0 =	simm.s32 $0x1;
	v13 =	vadd.f32 v13, v20;
	v12 =	vld [tilespmem:s2+$0x1C30]  }
.LBB2_3:
0xcb: {  	s17 =	sshrl.u32 s0, $0x3;
	p0 =	sne.s32 s0, $0xF;
	[tilespmem:s2+$0x1850] =	vst v18;
	v11 =	vadd.f32 v11, v17;
	v17 =	vld [tilespmem:s2+$0x1C40]  }
0xcc: {  	s30 =	sadd.s32 $0x80, s30;
	s17 =	smul.u32 $0x1800, s17;
	[tilespmem:s2+$0x1860] =	vst v13;
	v10 =	vadd.f32 v10, v15;
	v13 =	vld [tilespmem:s2+$0x1C50]  }
0xcd: {  	s7 =	sand.u32 $0x380, s30;
	[tilespmem:s2+$0x1870] =	vst v11;
	v9 =	vadd.f32 v9, v14;
	v11 =	vld [tilespmem:s2+$0x1C60]  }
0xce: {  	s7 =	sor.u32 s7, s17;
	[tilespmem:s2+$0x1C00] =	vst v10;
	v8 =	vadd.f32 v8, v16;
	v10 =	vld [tilespmem:s2+$0x1C70]  }
0xcf: {  	v39 =	vld [tilespmem:s7+$0x3800];
	[tilespmem:s2+$0x1C10] =	vst v9;
	v7 =	vadd.f32 v7, v12  }
0xd0: {  	v40 =	vld [tilespmem:s7+$0x3810];
	[tilespmem:s2+$0x1C20] =	vst v8;
	v6 =	vadd.f32 v6, v17  }
0xd1: {  	v41 =	vld [tilespmem:s7+$0x3820];
	[tilespmem:s2+$0x1C30] =	vst v7;
	v5 =	vadd.f32 v5, v13  }
0xd2: {  	v42 =	vld [tilespmem:s7+$0x3830];
	[tilespmem:s2+$0x1C40] =	vst v6;
	v4 =	vadd.f32 v4, v11  }
0xd3: {  	v43 =	vld [tilespmem:s7+$0x3840];
	[tilespmem:s2+$0x1C50] =	vst v5;
	v3 =	vadd.f32 v3, v10  }
0xd4: {  	v44 =	vld [tilespmem:s7+$0x3850];
	[tilespmem:s2+$0x1C60] =	vst v4  }
0xd5: {  	v45 =	vld [tilespmem:s7+$0x3860];
	[tilespmem:s2+$0x1C70] =	vst v3;
	s2 =	smov.u32 s7  }
0xd6: {  	v46 =	vld [tilespmem:s2+$0x3870]  }
0xd7: {  	v47 =	vld [tilespmem:s2+$0x3C00]  }
0xd8: {  	v48 =	vld [tilespmem:s2+$0x3C10]  }
0xd9: {  	v49 =	vld [tilespmem:s2+$0x3C20]  }
0xda: {  	v50 =	vld [tilespmem:s2+$0x3C30]  }
0xdb: {  	v38 =	vld [tilespmem:s2+$0x3C40]  }
0xdc: {  	v37 =	vld [tilespmem:s2+$0x3C50]  }
0xdd: {  	v36 =	vld [tilespmem:s2+$0x3C60]  }
0xde: {  	v35 =	vld [tilespmem:s2+$0x3C70]  }
0xdf: {  	v34 =	vld [tilespmem:s2+$0x4000]  }
0xe0: {  	v33 =	vld [tilespmem:s2+$0x4010]  }
0xe1: {  	v32 =	vld [tilespmem:s2+$0x4020]  }
0xe2: {  	v31 =	vld [tilespmem:s2+$0x4030]  }
0xe3: {  	v30 =	vld [tilespmem:s2+$0x4040]  }
0xe4: {  	v29 =	vld [tilespmem:s2+$0x4050]  }
0xe5: {  	v28 =	vld [tilespmem:s2+$0x4060]  }
0xe6: {  	v27 =	vld [tilespmem:s2+$0x4070]  }
0xe7: {  	v26 =	vld [tilespmem:s2+$0x4400]  }
0xe8: {  	v25 =	vld [tilespmem:s2+$0x4410]  }
0xe9: {  	v24 =	vld [tilespmem:s2+$0x4420]  }
0xea: {  	v23 =	vld [tilespmem:s2+$0x4430]  }
0xeb: {  	v22 =	vld [tilespmem:s2+$0x4440]  }
0xec: {  	v21 =	vld [tilespmem:s2+$0x4450]  }
0xed: {  	v20 =	vld [tilespmem:s2+$0x4460]  }
0xee: {  	v19 =	vld [tilespmem:s2+$0x4470]  }
0xef: {  	v18 =	vld [tilespmem:s2+$0x4800]  }
0xf0: {  	v17 =	vld [tilespmem:s2+$0x4810]  }
0xf1: {  	v16 =	vld [tilespmem:s2+$0x4820]  }
0xf2: {  	v15 =	vld [tilespmem:s2+$0x4830]  }
0xf3: {  	v14 =	vld [tilespmem:s2+$0x4840]  }
0xf4: {  	v13 =	vld [tilespmem:s2+$0x4850]  }
0xf5: {  	v12 =	vld [tilespmem:s2+$0x4860]  }
0xf6: {  	v11 =	vld [tilespmem:s2+$0x4870]  }
0xf7: {  	v10 =	vld [tilespmem:s2+$0x4C00]  }
0xf8: {  	v9 =	vld [tilespmem:s2+$0x4C10]  }
0xf9: {  	v8 =	vld [tilespmem:s2+$0x4C20]  }
0xfa: {  	v7 =	vld [tilespmem:s2+$0x4C30]  }
0xfb: {  	v6 =	vld [tilespmem:s2+$0x4C40]  }
0xfc: {  	v5 =	vld [tilespmem:s2+$0x4C50]  }
0xfd: {  	v4 =	vld [tilespmem:s2+$0x4C60]  }
0xfe: {  	v3 =	vld [tilespmem:s2+$0x4C70]  }
0xff: {  	v51 =	vld [tilespmem:s2+$0x800]  }
0x100: {  	v52 =	vld [tilespmem:s2+$0x810]  }
0x101: {  	v53 =	vld [tilespmem:s2+$0x820]  }
0x102: {  	v54 =	vld [tilespmem:s2+$0x830]  }
0x103: {  	v55 =	vld [tilespmem:s2+$0x840]  }
0x104: {  	v39 =	vadd.f32 v39, v51;
	v51 =	vld [tilespmem:s2+$0x850]  }
0x105: {  	v40 =	vadd.f32 v40, v52;
	v52 =	vld [tilespmem:s2+$0x860]  }
0x106: {  	[tilespmem:s2+$0x800] =	vst v39;
	v39 =	vadd.f32 v41, v53;
	v41 =	vld [tilespmem:s2+$0x870]  }
0x107: {  	[tilespmem:s2+$0x810] =	vst v40;
	v40 =	vadd.f32 v42, v54;
	v42 =	vld [tilespmem:s2+$0xC00]  }
0x108: {  	[tilespmem:s2+$0x820] =	vst v39;
	v39 =	vadd.f32 v43, v55;
	v43 =	vld [tilespmem:s2+$0xC10]  }
0x109: {  	[tilespmem:s2+$0x830] =	vst v40;
	v40 =	vadd.f32 v44, v51;
	v44 =	vld [tilespmem:s2+$0xC20]  }
0x10a: {  	[tilespmem:s2+$0x840] =	vst v39;
	v39 =	vadd.f32 v45, v52;
	v45 =	vld [tilespmem:s2+$0xC30]  }
0x10b: {  	[tilespmem:s2+$0x850] =	vst v40;
	v40 =	vadd.f32 v46, v41;
	v41 =	vld [tilespmem:s2+$0xC40]  }
0x10c: {  	[tilespmem:s2+$0x860] =	vst v39;
	v39 =	vadd.f32 v47, v42;
	v42 =	vld [tilespmem:s2+$0xC50]  }
0x10d: {  	[tilespmem:s2+$0x870] =	vst v40;
	v40 =	vadd.f32 v48, v43;
	v43 =	vld [tilespmem:s2+$0xC60]  }
0x10e: {  	[tilespmem:s2+$0xC00] =	vst v39;
	v39 =	vadd.f32 v49, v44;
	v44 =	vld [tilespmem:s2+$0xC70]  }
0x10f: {  	[tilespmem:s2+$0xC10] =	vst v40;
	v40 =	vadd.f32 v50, v45;
	v45 =	vld [tilespmem:s2+$0x1000]  }
0x110: {  	[tilespmem:s2+$0xC20] =	vst v39;
	v38 =	vadd.f32 v38, v41;
	v39 =	vld [tilespmem:s2+$0x1010]  }
0x111: {  	[tilespmem:s2+$0xC30] =	vst v40;
	v37 =	vadd.f32 v37, v42;
	v40 =	vld [tilespmem:s2+$0x1020]  }
0x112: {  	[tilespmem:s2+$0xC40] =	vst v38;
	v36 =	vadd.f32 v36, v43;
	v38 =	vld [tilespmem:s2+$0x1030]  }
0x113: {  	[tilespmem:s2+$0xC50] =	vst v37;
	v35 =	vadd.f32 v35, v44;
	v37 =	vld [tilespmem:s2+$0x1040]  }
0x114: {  	[tilespmem:s2+$0xC60] =	vst v36;
	v34 =	vadd.f32 v34, v45;
	v36 =	vld [tilespmem:s2+$0x1050]  }
0x115: {  	[tilespmem:s2+$0xC70] =	vst v35;
	v33 =	vadd.f32 v33, v39;
	v35 =	vld [tilespmem:s2+$0x1060]  }
0x116: {  	[tilespmem:s2+$0x1000] =	vst v34;
	v32 =	vadd.f32 v32, v40;
	v34 =	vld [tilespmem:s2+$0x1070]  }
0x117: {  	[tilespmem:s2+$0x1010] =	vst v33;
	v31 =	vadd.f32 v31, v38;
	v33 =	vld [tilespmem:s2+$0x1400]  }
0x118: {  	[tilespmem:s2+$0x1020] =	vst v32;
	v30 =	vadd.f32 v30, v37;
	v32 =	vld [tilespmem:s2+$0x1410]  }
0x119: {  	[tilespmem:s2+$0x1030] =	vst v31;
	v29 =	vadd.f32 v29, v36;
	v31 =	vld [tilespmem:s2+$0x1420]  }
0x11a: {  	[tilespmem:s2+$0x1040] =	vst v30;
	v28 =	vadd.f32 v28, v35;
	v30 =	vld [tilespmem:s2+$0x1430]  }
0x11b: {  	[tilespmem:s2+$0x1050] =	vst v29;
	v27 =	vadd.f32 v27, v34;
	v29 =	vld [tilespmem:s2+$0x1440]  }
0x11c: {  	[tilespmem:s2+$0x1060] =	vst v28;
	v26 =	vadd.f32 v26, v33;
	v28 =	vld [tilespmem:s2+$0x1450]  }
0x11d: {  	[tilespmem:s2+$0x1070] =	vst v27;
	v25 =	vadd.f32 v25, v32;
	v27 =	vld [tilespmem:s2+$0x1460]  }
0x11e: {  	[tilespmem:s2+$0x1400] =	vst v26;
	v24 =	vadd.f32 v24, v31;
	v26 =	vld [tilespmem:s2+$0x1470]  }
0x11f: {  	[tilespmem:s2+$0x1410] =	vst v25;
	v23 =	vadd.f32 v23, v30;
	v25 =	vld [tilespmem:s2+$0x1800]  }
0x120: {  	[tilespmem:s2+$0x1420] =	vst v24;
	v22 =	vadd.f32 v22, v29;
	v24 =	vld [tilespmem:s2+$0x1810]  }
0x121: {  	[tilespmem:s2+$0x1430] =	vst v23;
	v21 =	vadd.f32 v21, v28;
	v23 =	vld [tilespmem:s2+$0x1820]  }
0x122: {  	[tilespmem:s2+$0x1440] =	vst v22;
	v20 =	vadd.f32 v20, v27;
	v22 =	vld [tilespmem:s2+$0x1830]  }
0x123: {  	[tilespmem:s2+$0x1450] =	vst v21;
	v19 =	vadd.f32 v19, v26;
	v21 =	vld [tilespmem:s2+$0x1840]  }
0x124: {  	[tilespmem:s2+$0x1460] =	vst v20;
	v18 =	vadd.f32 v18, v25;
	v20 =	vld [tilespmem:s2+$0x1850]  }
0x125: {  	[tilespmem:s2+$0x1470] =	vst v19;
	v19 =	vadd.f32 v17, v24;
	v24 =	vld [tilespmem:s2+$0x1860]  }
.Ltmp0:
0x126: {  	[tilespmem:s2+$0x1800] =	vst v18;
	v16 =	vadd.f32 v16, v23;
	v17 =	vld [tilespmem:s2+$0x1870];
	(pc) =	sbr.rel @p0 .LBB2_3-.Ltmp0, $4  }
0x127: {  	[tilespmem:s2+$0x1810] =	vst v19;
	v18 =	vadd.f32 v15, v22;
	v15 =	vld [tilespmem:s2+$0x1C00]  }
0x128: {  	[tilespmem:s2+$0x1820] =	vst v16;
	v19 =	vadd.f32 v14, v21;
	v14 =	vld [tilespmem:s2+$0x1C10]  }
0x129: {  	[tilespmem:s2+$0x1830] =	vst v18;
	v18 =	vadd.f32 v13, v20;
	v16 =	vld [tilespmem:s2+$0x1C20]  }
0x12a: {  	s0 =	sadd.s32 $0x1, s0;
	[tilespmem:s2+$0x1840] =	vst v19;
	v13 =	vadd.f32 v12, v24;
	v12 =	vld [tilespmem:s2+$0x1C30]  }
0x12b: {  	[tilespmem:s2+$0x1850] =	vst v18;
	v18 =	vld [tilespmem:s2+$0x1C40];
	v11 =	vadd.f32 v11, v17  }
0x12c: {  	[tilespmem:s2+$0x1860] =	vst v13;
	v13 =	vld [tilespmem:s2+$0x1C50];
	v10 =	vadd.f32 v10, v15  }
0x12d: {  	[tilespmem:s2+$0x1870] =	vst v11;
	v9 =	vadd.f32 v9, v14;
	v11 =	vld [tilespmem:s2+$0x1C60]  }
0x12e: {  	[tilespmem:s2+$0x1C00] =	vst v10;
	v8 =	vadd.f32 v8, v16;
	v10 =	vld [tilespmem:s2+$0x1C70]  }
0x12f: {  	[tilespmem:s2+$0x1C10] =	vst v9;
	v7 =	vadd.f32 v7, v12  }
0x130: {  	[tilespmem:s2+$0x1C20] =	vst v8;
	v6 =	vadd.f32 v6, v18  }
0x131: {  	s0 =	sor.u32 s5, s29;
	[tilespmem:s2+$0x1C30] =	vst v7;
	v5 =	vadd.f32 v5, v13  }
0x132: {  	s0 =	sshrl.u32 s0, $0x3;
	[tilespmem:s2+$0x1C40] =	vst v6;
	v4 =	vadd.f32 v4, v11  }
0x133: {  	s0 =	smul.u32 $0x300, s0;
	[tilespmem:s2+$0x1C50] =	vst v5;
	v3 =	vadd.f32 v3, v10  }
0x134: {  	[tilespmem:s2+$0x1C60] =	vst v4  }
0x135: {  	s30 =	simm.s32 $0x0;
	s0 =	sadd.s32 s4, s0;
	[tilespmem:s2+$0x1C70] =	vst v3  }
0x136: {  	[hbm4b:s0+s30] =	stream.linear.scatter [tilespmem:s18], [sflag:$0x5], $0x3000, $0x38;
	[tilespmem:$0xC800] =	vst v63  }
0x137: {  	_ =	swait.ge [sflag:s16], $0x3000  }
0x138: {  	[sflag:s16] =	ssyncset.done $0x0  }
0x139: {  	[sflag:s16] =	ssyncadd.s32 $0xFFFFD000  }
0x13a: {  	v3 =	vld [tilespmem:s29+$0x20];
	_ =	sdelay $0x4  }
0x13b: {  	v4 =	vshrl.u32 v3, $0x3  }
0x13c: {  	v4 =	vmul.u32 $0x30, v4  }
0x13d: {  	v3 =	vand.u32 $0x7, v3  }
0x13e: {  	v3 =	vor.u32 v3, v4  }
0x13f: {  	v4 =	vperm.xlane v3, v0;
	_ =	sdelay $0x1  }
0x140: {  	v4 =	vadd.s32 v1, v4;
	_ =	sdelay $0x3  }
0x141: {  	v3 =	vperm.xlane v3, v2  }
0x142: {  	[tilespmem:s18], [sflag:$0x1] =	stream.indirect_vreg.gather [hbm4b:s1+s30], $0x80, v4, vm0, $0xb8;
	[tilespmem:$0xC800] =	vst v63  }
0x143: {  	s7 =	simm.s32 $0x1000;
	v3 =	vadd.s32 v1, v3  }
0x144: {  	[tilespmem:s7], [sflag:$0x1] =	stream.indirect_vreg.gather [hbm4b:s9+s30], $0x80, v4, vm0, $0xb8;
	[tilespmem:$0xC800] =	vst v63  }
0x145: {  	s17 =	simm.s32 $0x1800  }
0x146: {  	[tilespmem:s17], [sflag:$0x1] =	stream.indirect_vreg.gather [hbm4b:s10+s30], $0x80, v4, vm0, $0xb8;
	[tilespmem:$0xC800] =	vst v63  }
0x147: {  	s2 =	simm.s32 $0x2000  }
0x148: {  	[tilespmem:s2], [sflag:$0x1] =	stream.indirect_vreg.gather [hbm4b:s1+s30], $0x80, v3, vm0, $0xb8;
	[tilespmem:$0xC800] =	vst v63  }
0x149: {  	s7 =	simm.s32 $0x2800  }
0x14a: {  	[tilespmem:s7], [sflag:$0x1] =	stream.indirect_vreg.gather [hbm4b:s9+s30], $0x80, v3, vm0, $0xb8;
	[tilespmem:$0xC800] =	vst v63  }
0x14b: {  	s17 =	simm.s32 $0x3000  }
0x14c: {  	[tilespmem:s17], [sflag:$0x1] =	stream.indirect_vreg.gather [hbm4b:s10+s30], $0x80, v3, vm0, $0xb8;
	[tilespmem:$0xC800] =	vst v63  }
0x14d: {  	v3 =	vld [tilespmem:s29+$0x420];
	_ =	sdelay $0x4  }
0x14e: {  	v4 =	vshrl.u32 v3, $0x3  }
0x14f: {  	v4 =	vmul.u32 $0x30, v4  }
0x150: {  	v3 =	vand.u32 $0x7, v3  }
0x151: {  	v3 =	vor.u32 v3, v4  }
0x152: {  	v4 =	vperm.xlane v3, v0;
	_ =	sdelay $0x1  }
0x153: {  	v4 =	vadd.s32 v1, v4;
	_ =	sdelay $0x3  }
0x154: {  	s2 =	simm.s32 $0x3800;
	v3 =	vperm.xlane v3, v2  }
0x155: {  	[tilespmem:s2], [sflag:$0x2] =	stream.indirect_vreg.gather [hbm4b:s3+s30], $0x80, v4, vm0, $0xb8;
	[tilespmem:$0xC800] =	vst v63  }
0x156: {  	s7 =	simm.s32 $0x4000;
	v3 =	vadd.s32 v1, v3  }
0x157: {  	[tilespmem:s7], [sflag:$0x2] =	stream.indirect_vreg.gather [hbm4b:s11+s30], $0x80, v4, vm0, $0xb8;
	[tilespmem:$0xC800] =	vst v63  }
0x158: {  	s17 =	simm.s32 $0x4800  }
0x159: {  	[tilespmem:s17], [sflag:$0x2] =	stream.indirect_vreg.gather [hbm4b:s12+s30], $0x80, v4, vm0, $0xb8;
	[tilespmem:$0xC800] =	vst v63  }
0x15a: {  	s29 =	simm.s32 $0x5000  }
0x15b: {  	[tilespmem:s29], [sflag:$0x2] =	stream.indirect_vreg.gather [hbm4b:s3+s30], $0x80, v3, vm0, $0xb8;
	[tilespmem:$0xC800] =	vst v63  }
0x15c: {  	s2 =	simm.s32 $0x5800  }
0x15d: {  	[tilespmem:s2], [sflag:$0x2] =	stream.indirect_vreg.gather [hbm4b:s11+s30], $0x80, v3, vm0, $0xb8;
	[tilespmem:$0xC800] =	vst v63  }
0x15e: {  	s7 =	simm.s32 $0x6000  }
0x15f: {  	[tilespmem:s7], [sflag:$0x2] =	stream.indirect_vreg.gather [hbm4b:s12+s30], $0x80, v3, vm0, $0xb8;
	[tilespmem:$0xC800] =	vst v63  }
0x160: {  	_ =	swait.ge [sflag:s24], $0x3000  }
0x161: {  	[sflag:s24] =	ssyncset.done $0x0  }
0x162: {  	s17 =	simm.s32 $0x0;
	[sflag:s24] =	ssyncadd.s32 $0xFFFFD000  }
0x163: {  	s0 =	smul.u32 $0x1800, s17;
	_ =	swait.ge [sflag:s25], $0x3000  }
0x164: {  	s29 =	sand.u32 $0x380, s30;
	[sflag:s25] =	ssyncset.done $0x0  }
0x165: {  	s2 =	sor.u32 s29, s0;
	[sflag:s25] =	ssyncadd.s32 $0xFFFFD000  }
0x166: {  	v12 =	vld [tilespmem:s2+$0x9800]  }
0x167: {  	v13 =	vld [tilespmem:s2+$0x9810]  }
0x168: {  	v14 =	vld [tilespmem:s2+$0x9820]  }
0x169: {  	v15 =	vld [tilespmem:s2+$0x9830]  }
0x16a: {  	v16 =	vld [tilespmem:s2+$0x9840]  }
0x16b: {  	v17 =	vld [tilespmem:s2+$0x9850]  }
0x16c: {  	v18 =	vld [tilespmem:s2+$0x9860]  }
0x16d: {  	v19 =	vld [tilespmem:s2+$0x9870]  }
0x16e: {  	v20 =	vld [tilespmem:s2+$0x9C00]  }
0x16f: {  	v21 =	vld [tilespmem:s2+$0x9C10]  }
0x170: {  	v22 =	vld [tilespmem:s2+$0x9C20]  }
0x171: {  	v23 =	vld [tilespmem:s2+$0x9C30]  }
0x172: {  	v24 =	vld [tilespmem:s2+$0x9C40]  }
0x173: {  	v25 =	vld [tilespmem:s2+$0x9C50]  }
0x174: {  	v26 =	vld [tilespmem:s2+$0x9C60]  }
0x175: {  	v27 =	vld [tilespmem:s2+$0x9C70]  }
0x176: {  	v28 =	vld [tilespmem:s2+$0xA000]  }
0x177: {  	v29 =	vld [tilespmem:s2+$0xA010]  }
0x178: {  	v30 =	vld [tilespmem:s2+$0xA020]  }
0x179: {  	v31 =	vld [tilespmem:s2+$0xA030]  }
0x17a: {  	v32 =	vld [tilespmem:s2+$0xA040]  }
0x17b: {  	v33 =	vld [tilespmem:s2+$0xA050]  }
0x17c: {  	v34 =	vld [tilespmem:s2+$0xA060]  }
0x17d: {  	v35 =	vld [tilespmem:s2+$0xA070]  }
0x17e: {  	v36 =	vld [tilespmem:s2+$0xA400]  }
0x17f: {  	v37 =	vld [tilespmem:s2+$0xA410]  }
0x180: {  	v38 =	vld [tilespmem:s2+$0xA420]  }
0x181: {  	v39 =	vld [tilespmem:s2+$0xA430]  }
0x182: {  	v40 =	vld [tilespmem:s2+$0xA440]  }
0x183: {  	v41 =	vld [tilespmem:s2+$0xA450]  }
0x184: {  	v42 =	vld [tilespmem:s2+$0xA460]  }
0x185: {  	v43 =	vld [tilespmem:s2+$0xA470]  }
0x186: {  	v44 =	vld [tilespmem:s2+$0xA800]  }
0x187: {  	v45 =	vld [tilespmem:s2+$0xA810]  }
0x188: {  	v46 =	vld [tilespmem:s2+$0xA820]  }
0x189: {  	v47 =	vld [tilespmem:s2+$0xA830]  }
0x18a: {  	v48 =	vld [tilespmem:s2+$0xA840]  }
0x18b: {  	v49 =	vld [tilespmem:s2+$0xA850]  }
0x18c: {  	v50 =	vld [tilespmem:s2+$0xA860]  }
0x18d: {  	v11 =	vld [tilespmem:s2+$0xA870]  }
0x18e: {  	v10 =	vld [tilespmem:s2+$0xAC00]  }
0x18f: {  	v9 =	vld [tilespmem:s2+$0xAC10]  }
0x190: {  	v8 =	vld [tilespmem:s2+$0xAC20]  }
0x191: {  	v7 =	vld [tilespmem:s2+$0xAC30]  }
0x192: {  	v6 =	vld [tilespmem:s2+$0xAC40]  }
0x193: {  	v51 =	vld [tilespmem:s2+$0x6800]  }
0x194: {  	v52 =	vld [tilespmem:s2+$0x6810]  }
0x195: {  	v53 =	vld [tilespmem:s2+$0x6820]  }
0x196: {  	v54 =	vld [tilespmem:s2+$0x6830]  }
0x197: {  	v55 =	vld [tilespmem:s2+$0x6840]  }
0x198: {  	v62 =	vld [tilespmem:s2+$0x6850];
	v12 =	vadd.f32 v12, v51  }
0x199: {  	v63 =	vld [tilespmem:s2+$0x6860];
	v13 =	vadd.f32 v13, v52  }
0x19a: {  	[tilespmem:s2+$0x6800] =	vst v12;
	v12 =	vadd.f32 v14, v53;
	v14 =	vld [tilespmem:s2+$0x6870]  }
0x19b: {  	[tilespmem:s2+$0x6810] =	vst v13;
	v13 =	vadd.f32 v15, v54;
	v15 =	vld [tilespmem:s2+$0x6C00]  }
0x19c: {  	[tilespmem:s2+$0x6820] =	vst v12;
	v12 =	vadd.f32 v16, v55;
	v16 =	vld [tilespmem:s2+$0x6C10]  }
0x19d: {  	[tilespmem:s2+$0x6830] =	vst v13;
	v13 =	vadd.f32 v17, v62;
	v17 =	vld [tilespmem:s2+$0x6C20]  }
0x19e: {  	v5 =	vld [tilespmem:s2+$0xAC50]  }
0x19f: {  	[tilespmem:s2+$0x6840] =	vst v12;
	v12 =	vadd.f32 v18, v63;
	v18 =	vld [tilespmem:s2+$0x6C70]  }
0x1a0: {  	[tilespmem:s2+$0x6850] =	vst v13;
	v13 =	vadd.f32 v19, v14;
	v14 =	vld [tilespmem:s2+$0x6C30]  }
0x1a1: {  	[tilespmem:s2+$0x6860] =	vst v12;
	v12 =	vadd.f32 v20, v15;
	v15 =	vld [tilespmem:s2+$0x6C40]  }
0x1a2: {  	[tilespmem:s2+$0x6870] =	vst v13;
	v13 =	vadd.f32 v21, v16;
	v16 =	vadd.f32 v22, v17;
	v17 =	vld [tilespmem:s2+$0x6C60]  }
0x1a3: {  	[tilespmem:s2+$0x6C00] =	vst v12;
	v12 =	vld [tilespmem:s2+$0x6C50]  }
0x1a4: {  	[tilespmem:s2+$0x6C10] =	vst v13;
	v13 =	vld [tilespmem:s2+$0x7000];
	v18 =	vadd.f32 v27, v18  }
0x1a5: {  	[tilespmem:s2+$0x6C20] =	vst v16;
	v16 =	vld [tilespmem:s2+$0x7010];
	v14 =	vadd.f32 v23, v14  }
0x1a6: {  	v4 =	vld [tilespmem:s2+$0xAC60];
	v15 =	vadd.f32 v24, v15;
	[tilespmem:s2+$0x6C70] =	vst v18  }
0x1a7: {  	[tilespmem:s2+$0x6C30] =	vst v14;
	v14 =	vld [tilespmem:s2+$0x7020];
	v17 =	vadd.f32 v26, v17  }
0x1a8: {  	v12 =	vadd.f32 v25, v12;
	[tilespmem:s2+$0x6C40] =	vst v15;
	v15 =	vld [tilespmem:s2+$0x7030]  }
0x1a9: {  	v18 =	vld [tilespmem:s2+$0x7070];
	[tilespmem:s2+$0x6C60] =	vst v17;
	v13 =	vadd.f32 v28, v13  }
0x1aa: {  	v16 =	vadd.f32 v29, v16;
	[tilespmem:s2+$0x6C50] =	vst v12;
	v12 =	vld [tilespmem:s2+$0x7040]  }
0x1ab: {  	v17 =	vld [tilespmem:s2+$0x7050];
	[tilespmem:s2+$0x7000] =	vst v13  }
0x1ac: {  	[tilespmem:s2+$0x7010] =	vst v16;
	v16 =	vld [tilespmem:s2+$0x7060];
	v13 =	vadd.f32 v30, v14  }
0x1ad: {  	v14 =	vld [tilespmem:s2+$0x7400];
	v15 =	vadd.f32 v31, v15  }
0x1ae: {  	[tilespmem:s2+$0x7020] =	vst v13;
	v13 =	vld [tilespmem:s2+$0x7410]  }
0x1af: {  	v12 =	vadd.f32 v32, v12;
	[tilespmem:s2+$0x7030] =	vst v15;
	v15 =	vld [tilespmem:s2+$0x7420]  }
0x1b0: {  	v3 =	vld [tilespmem:s2+$0xAC70];
	v17 =	vadd.f32 v33, v17  }
0x1b1: {  	v16 =	vadd.f32 v34, v16;
	[tilespmem:s2+$0x7040] =	vst v12;
	v12 =	vld [tilespmem:s2+$0x7430]  }
0x1b2: {  	[tilespmem:s2+$0x7050] =	vst v17;
	v17 =	vld [tilespmem:s2+$0x7440];
	v14 =	vadd.f32 v36, v14  }
0x1b3: {  	v18 =	vadd.f32 v35, v18;
	[tilespmem:s2+$0x7060] =	vst v16;
	v16 =	vld [tilespmem:s2+$0x7450]  }
0x1b4: {  	v13 =	vadd.f32 v37, v13;
	[tilespmem:s2+$0x7400] =	vst v14;
	v14 =	vadd.f32 v38, v15;
	v15 =	vld [tilespmem:s2+$0x7460]  }
0x1b5: {  	[tilespmem:s2+$0x7070] =	vst v18;
	v18 =	vld [tilespmem:s2+$0x7470]  }
0x1b6: {  	[tilespmem:s2+$0x7410] =	vst v13;
	v13 =	vld [tilespmem:s2+$0x7800];
	v12 =	vadd.f32 v39, v12  }
0x1b7: {  	v17 =	vadd.f32 v40, v17;
	[tilespmem:s2+$0x7420] =	vst v14;
	v14 =	vld [tilespmem:s2+$0x7810]  }
0x1b8: {  	v16 =	vadd.f32 v41, v16;
	[tilespmem:s2+$0x7430] =	vst v12;
	v12 =	vld [tilespmem:s2+$0x7820]  }
0x1b9: {  	[tilespmem:s2+$0x7440] =	vst v17;
	v17 =	vld [tilespmem:s2+$0x7830];
	v15 =	vadd.f32 v42, v15  }
0x1ba: {  	v19 =	vld [tilespmem:s2+$0x7840];
	[tilespmem:s2+$0x7450] =	vst v16;
	v16 =	vadd.f32 v43, v18  }
0x1bb: {  	v18 =	vld [tilespmem:s2+$0x7850];
	v13 =	vadd.f32 v44, v13;
	[tilespmem:s2+$0x7460] =	vst v15  }
0x1bc: {  	v20 =	vld [tilespmem:s2+$0x7860];
	[tilespmem:s2+$0x7470] =	vst v16;
	v14 =	vadd.f32 v45, v14  }
0x1bd: {  	v16 =	vld [tilespmem:s2+$0x7870];
	[tilespmem:s2+$0x7800] =	vst v13;
	v12 =	vadd.f32 v46, v12  }
0x1be: {  	v15 =	vld [tilespmem:s2+$0x7C00];
	v13 =	vadd.f32 v47, v17;
	[tilespmem:s2+$0x7810] =	vst v14  }
0x1bf: {  	v14 =	vld [tilespmem:s2+$0x7C10];
	[tilespmem:s2+$0x7820] =	vst v12;
	v12 =	vadd.f32 v48, v19  }
0x1c0: {  	[tilespmem:s2+$0x7830] =	vst v13;
	v13 =	vld [tilespmem:s2+$0x7C20];
	v18 =	vadd.f32 v49, v18  }
0x1c1: {  	s0 =	simm.s32 $0x1;
	v17 =	vadd.f32 v50, v20;
	[tilespmem:s2+$0x7840] =	vst v12;
	v12 =	vld [tilespmem:s2+$0x7C30]  }
.LBB2_5:
0x1c2: {  	s7 =	sshrl.u32 s0, $0x3;
	p0 =	sne.s32 s0, $0xF;
	[tilespmem:s2+$0x7850] =	vst v18;
	v11 =	vadd.f32 v11, v16;
	v16 =	vld [tilespmem:s2+$0x7C40]  }
0x1c3: {  	s30 =	sadd.s32 $0x80, s30;
	s7 =	smul.u32 $0x1800, s7;
	[tilespmem:s2+$0x7860] =	vst v17;
	v10 =	vadd.f32 v10, v15;
	v15 =	vld [tilespmem:s2+$0x7C50]  }
0x1c4: {  	s17 =	sand.u32 $0x380, s30;
	[tilespmem:s2+$0x7870] =	vst v11;
	v9 =	vadd.f32 v9, v14;
	v11 =	vld [tilespmem:s2+$0x7C60]  }
0x1c5: {  	s7 =	sor.u32 s17, s7;
	[tilespmem:s2+$0x7C00] =	vst v10;
	v8 =	vadd.f32 v8, v13;
	v10 =	vld [tilespmem:s2+$0x7C70]  }
0x1c6: {  	v39 =	vld [tilespmem:s7+$0x9800];
	[tilespmem:s2+$0x7C10] =	vst v9;
	v7 =	vadd.f32 v7, v12  }
0x1c7: {  	v40 =	vld [tilespmem:s7+$0x9810];
	[tilespmem:s2+$0x7C20] =	vst v8;
	v6 =	vadd.f32 v6, v16  }
0x1c8: {  	v41 =	vld [tilespmem:s7+$0x9820];
	[tilespmem:s2+$0x7C30] =	vst v7;
	v5 =	vadd.f32 v5, v15  }
0x1c9: {  	v42 =	vld [tilespmem:s7+$0x9830];
	[tilespmem:s2+$0x7C40] =	vst v6;
	v4 =	vadd.f32 v4, v11  }
0x1ca: {  	v43 =	vld [tilespmem:s7+$0x9840];
	[tilespmem:s2+$0x7C50] =	vst v5;
	v3 =	vadd.f32 v3, v10  }
0x1cb: {  	v44 =	vld [tilespmem:s7+$0x9850];
	[tilespmem:s2+$0x7C60] =	vst v4  }
0x1cc: {  	v45 =	vld [tilespmem:s7+$0x9860];
	[tilespmem:s2+$0x7C70] =	vst v3;
	s2 =	smov.u32 s7  }
0x1cd: {  	v46 =	vld [tilespmem:s2+$0x9870]  }
0x1ce: {  	v47 =	vld [tilespmem:s2+$0x9C00]  }
0x1cf: {  	v48 =	vld [tilespmem:s2+$0x9C10]  }
0x1d0: {  	v49 =	vld [tilespmem:s2+$0x9C20]  }
0x1d1: {  	v50 =	vld [tilespmem:s2+$0x9C30]  }
0x1d2: {  	v38 =	vld [tilespmem:s2+$0x9C40]  }
0x1d3: {  	v37 =	vld [tilespmem:s2+$0x9C50]  }
0x1d4: {  	v36 =	vld [tilespmem:s2+$0x9C60]  }
0x1d5: {  	v35 =	vld [tilespmem:s2+$0x9C70]  }
0x1d6: {  	v34 =	vld [tilespmem:s2+$0xA000]  }
0x1d7: {  	v33 =	vld [tilespmem:s2+$0xA010]  }
0x1d8: {  	v32 =	vld [tilespmem:s2+$0xA020]  }
0x1d9: {  	v31 =	vld [tilespmem:s2+$0xA030]  }
0x1da: {  	v30 =	vld [tilespmem:s2+$0xA040]  }
0x1db: {  	v29 =	vld [tilespmem:s2+$0xA050]  }
0x1dc: {  	v28 =	vld [tilespmem:s2+$0xA060]  }
0x1dd: {  	v27 =	vld [tilespmem:s2+$0xA070]  }
0x1de: {  	v26 =	vld [tilespmem:s2+$0xA400]  }
0x1df: {  	v25 =	vld [tilespmem:s2+$0xA410]  }
0x1e0: {  	v24 =	vld [tilespmem:s2+$0xA420]  }
0x1e1: {  	v23 =	vld [tilespmem:s2+$0xA430]  }
0x1e2: {  	v22 =	vld [tilespmem:s2+$0xA440]  }
0x1e3: {  	v21 =	vld [tilespmem:s2+$0xA450]  }
0x1e4: {  	v20 =	vld [tilespmem:s2+$0xA460]  }
0x1e5: {  	v19 =	vld [tilespmem:s2+$0xA470]  }
0x1e6: {  	v18 =	vld [tilespmem:s2+$0xA800]  }
0x1e7: {  	v17 =	vld [tilespmem:s2+$0xA810]  }
0x1e8: {  	v16 =	vld [tilespmem:s2+$0xA820]  }
0x1e9: {  	v15 =	vld [tilespmem:s2+$0xA830]  }
0x1ea: {  	v14 =	vld [tilespmem:s2+$0xA840]  }
0x1eb: {  	v13 =	vld [tilespmem:s2+$0xA850]  }
0x1ec: {  	v12 =	vld [tilespmem:s2+$0xA860]  }
0x1ed: {  	v11 =	vld [tilespmem:s2+$0xA870]  }
0x1ee: {  	v10 =	vld [tilespmem:s2+$0xAC00]  }
0x1ef: {  	v9 =	vld [tilespmem:s2+$0xAC10]  }
0x1f0: {  	v8 =	vld [tilespmem:s2+$0xAC20]  }
0x1f1: {  	v7 =	vld [tilespmem:s2+$0xAC30]  }
0x1f2: {  	v6 =	vld [tilespmem:s2+$0xAC40]  }
0x1f3: {  	v5 =	vld [tilespmem:s2+$0xAC50]  }
0x1f4: {  	v4 =	vld [tilespmem:s2+$0xAC60]  }
0x1f5: {  	v3 =	vld [tilespmem:s2+$0xAC70]  }
0x1f6: {  	v51 =	vld [tilespmem:s2+$0x6800]  }
0x1f7: {  	v52 =	vld [tilespmem:s2+$0x6810]  }
0x1f8: {  	v53 =	vld [tilespmem:s2+$0x6820]  }
0x1f9: {  	v54 =	vld [tilespmem:s2+$0x6830]  }
0x1fa: {  	v55 =	vld [tilespmem:s2+$0x6840]  }
0x1fb: {  	v39 =	vadd.f32 v39, v51;
	v51 =	vld [tilespmem:s2+$0x6850]  }
0x1fc: {  	v40 =	vadd.f32 v40, v52;
	v52 =	vld [tilespmem:s2+$0x6860]  }
0x1fd: {  	[tilespmem:s2+$0x6800] =	vst v39;
	v39 =	vadd.f32 v41, v53;
	v41 =	vld [tilespmem:s2+$0x6870]  }
0x1fe: {  	[tilespmem:s2+$0x6810] =	vst v40;
	v40 =	vadd.f32 v42, v54;
	v42 =	vld [tilespmem:s2+$0x6C00]  }
0x1ff: {  	[tilespmem:s2+$0x6820] =	vst v39;
	v39 =	vadd.f32 v43, v55;
	v43 =	vld [tilespmem:s2+$0x6C10]  }
0x200: {  	[tilespmem:s2+$0x6830] =	vst v40;
	v40 =	vadd.f32 v44, v51;
	v44 =	vld [tilespmem:s2+$0x6C20]  }
0x201: {  	[tilespmem:s2+$0x6840] =	vst v39;
	v39 =	vadd.f32 v45, v52;
	v45 =	vld [tilespmem:s2+$0x6C30]  }
0x202: {  	[tilespmem:s2+$0x6850] =	vst v40;
	v40 =	vadd.f32 v46, v41;
	v41 =	vld [tilespmem:s2+$0x6C40]  }
0x203: {  	[tilespmem:s2+$0x6860] =	vst v39;
	v39 =	vadd.f32 v47, v42;
	v42 =	vld [tilespmem:s2+$0x6C50]  }
0x204: {  	[tilespmem:s2+$0x6870] =	vst v40;
	v40 =	vadd.f32 v48, v43;
	v43 =	vld [tilespmem:s2+$0x6C60]  }
0x205: {  	[tilespmem:s2+$0x6C00] =	vst v39;
	v39 =	vadd.f32 v49, v44;
	v44 =	vld [tilespmem:s2+$0x6C70]  }
0x206: {  	[tilespmem:s2+$0x6C10] =	vst v40;
	v40 =	vadd.f32 v50, v45;
	v45 =	vld [tilespmem:s2+$0x7000]  }
0x207: {  	[tilespmem:s2+$0x6C20] =	vst v39;
	v38 =	vadd.f32 v38, v41;
	v39 =	vld [tilespmem:s2+$0x7010]  }
0x208: {  	[tilespmem:s2+$0x6C30] =	vst v40;
	v37 =	vadd.f32 v37, v42;
	v40 =	vld [tilespmem:s2+$0x7020]  }
0x209: {  	[tilespmem:s2+$0x6C40] =	vst v38;
	v36 =	vadd.f32 v36, v43;
	v38 =	vld [tilespmem:s2+$0x7030]  }
0x20a: {  	[tilespmem:s2+$0x6C50] =	vst v37;
	v35 =	vadd.f32 v35, v44;
	v37 =	vld [tilespmem:s2+$0x7040]  }
0x20b: {  	[tilespmem:s2+$0x6C60] =	vst v36;
	v34 =	vadd.f32 v34, v45;
	v36 =	vld [tilespmem:s2+$0x7050]  }
0x20c: {  	[tilespmem:s2+$0x6C70] =	vst v35;
	v33 =	vadd.f32 v33, v39;
	v35 =	vld [tilespmem:s2+$0x7060]  }
0x20d: {  	[tilespmem:s2+$0x7000] =	vst v34;
	v32 =	vadd.f32 v32, v40;
	v34 =	vld [tilespmem:s2+$0x7070]  }
0x20e: {  	[tilespmem:s2+$0x7010] =	vst v33;
	v31 =	vadd.f32 v31, v38;
	v33 =	vld [tilespmem:s2+$0x7400]  }
0x20f: {  	[tilespmem:s2+$0x7020] =	vst v32;
	v30 =	vadd.f32 v30, v37;
	v32 =	vld [tilespmem:s2+$0x7410]  }
0x210: {  	[tilespmem:s2+$0x7030] =	vst v31;
	v29 =	vadd.f32 v29, v36;
	v31 =	vld [tilespmem:s2+$0x7420]  }
0x211: {  	[tilespmem:s2+$0x7040] =	vst v30;
	v28 =	vadd.f32 v28, v35;
	v30 =	vld [tilespmem:s2+$0x7430]  }
0x212: {  	[tilespmem:s2+$0x7050] =	vst v29;
	v27 =	vadd.f32 v27, v34;
	v29 =	vld [tilespmem:s2+$0x7440]  }
0x213: {  	[tilespmem:s2+$0x7060] =	vst v28;
	v26 =	vadd.f32 v26, v33;
	v28 =	vld [tilespmem:s2+$0x7450]  }
0x214: {  	[tilespmem:s2+$0x7070] =	vst v27;
	v25 =	vadd.f32 v25, v32;
	v27 =	vld [tilespmem:s2+$0x7460]  }
0x215: {  	[tilespmem:s2+$0x7400] =	vst v26;
	v24 =	vadd.f32 v24, v31;
	v26 =	vld [tilespmem:s2+$0x7470]  }
0x216: {  	[tilespmem:s2+$0x7410] =	vst v25;
	v23 =	vadd.f32 v23, v30;
	v25 =	vld [tilespmem:s2+$0x7800]  }
0x217: {  	[tilespmem:s2+$0x7420] =	vst v24;
	v22 =	vadd.f32 v22, v29;
	v24 =	vld [tilespmem:s2+$0x7810]  }
0x218: {  	[tilespmem:s2+$0x7430] =	vst v23;
	v21 =	vadd.f32 v21, v28;
	v23 =	vld [tilespmem:s2+$0x7820]  }
0x219: {  	[tilespmem:s2+$0x7440] =	vst v22;
	v20 =	vadd.f32 v20, v27;
	v22 =	vld [tilespmem:s2+$0x7830]  }
0x21a: {  	[tilespmem:s2+$0x7450] =	vst v21;
	v19 =	vadd.f32 v19, v26;
	v21 =	vld [tilespmem:s2+$0x7840]  }
0x21b: {  	[tilespmem:s2+$0x7460] =	vst v20;
	v18 =	vadd.f32 v18, v25;
	v20 =	vld [tilespmem:s2+$0x7850]  }
0x21c: {  	[tilespmem:s2+$0x7470] =	vst v19;
	v17 =	vadd.f32 v17, v24;
	v19 =	vld [tilespmem:s2+$0x7860]  }
.Ltmp1:
0x21d: {  	[tilespmem:s2+$0x7800] =	vst v18;
	v18 =	vadd.f32 v16, v23;
	v16 =	vld [tilespmem:s2+$0x7870];
	(pc) =	sbr.rel @p0 .LBB2_5-.Ltmp1, $4  }
0x21e: {  	[tilespmem:s2+$0x7810] =	vst v17;
	v17 =	vadd.f32 v15, v22;
	v15 =	vld [tilespmem:s2+$0x7C00]  }
0x21f: {  	[tilespmem:s2+$0x7820] =	vst v18;
	v21 =	vadd.f32 v14, v21;
	v14 =	vld [tilespmem:s2+$0x7C10]  }
0x220: {  	[tilespmem:s2+$0x7830] =	vst v17;
	v18 =	vadd.f32 v13, v20;
	v13 =	vld [tilespmem:s2+$0x7C20]  }
0x221: {  	s0 =	sadd.s32 $0x1, s0;
	[tilespmem:s2+$0x7840] =	vst v21;
	v17 =	vadd.f32 v12, v19;
	v12 =	vld [tilespmem:s2+$0x7C30]  }
0x222: {  	[tilespmem:s2+$0x7850] =	vst v18;
	v60 =	vld [tilespmem:s2+$0x7C40];
	v11 =	vadd.f32 v11, v16  }
0x223: {  	v61 =	vld [tilespmem:s2+$0x7C50];
	[tilespmem:s2+$0x7860] =	vst v17;
	v10 =	vadd.f32 v10, v15  }
0x224: {  	v62 =	vld [tilespmem:s2+$0x7C60];
	[tilespmem:s2+$0x7870] =	vst v11;
	v9 =	vadd.f32 v9, v14  }
0x225: {  	v63 =	vld [tilespmem:s2+$0x7C70];
	[tilespmem:s2+$0x7C00] =	vst v10;
	v8 =	vadd.f32 v8, v13  }
0x226: {  	[tilespmem:s2+$0x7C10] =	vst v9;
	v7 =	vadd.f32 v7, v12  }
0x227: {  	[tilespmem:s2+$0x7C20] =	vst v8;
	v6 =	vadd.f32 v6, v60  }
0x228: {  	s0 =	sor.u32 s5, s28;
	v5 =	vadd.f32 v5, v61;
	[tilespmem:s2+$0x7C30] =	vst v7  }
0x229: {  	s0 =	sshrl.u32 s0, $0x3;
	v4 =	vadd.f32 v4, v62;
	[tilespmem:s2+$0x7C40] =	vst v6  }
0x22a: {  	s26 =	sadd.s32 $0x1, s26;
	s0 =	smul.u32 $0x300, s0;
	v3 =	vadd.f32 v3, v63;
	[tilespmem:s2+$0x7C50] =	vst v5  }
0x22b: {  	p0 =	sne.s32 s26, $0x1F;
	[tilespmem:s2+$0x7C60] =	vst v4  }
.Ltmp2:
0x22c: {  	s0 =	sadd.s32 s4, s0;
	[tilespmem:s2+$0x7C70] =	vst v3;
	(pc) =	sbr.rel @p0 .LBB2_2-.Ltmp2, $4  }
0x22d: {  	[hbm4b:s0+s6] =	stream.linear.scatter [tilespmem:s31], [sflag:$0x5], $0x3000, $0x38;
	[tilespmem:$0xC800] =	vst v63  }
0x22e: {  	_ =	swait.ge [sflag:s16], $0x3000  }
0x22f: {  	[sflag:s16] =	ssyncset.done $0x0  }
0x230: {  	[sflag:s16] =	ssyncadd.s32 $0xFFFFD000  }
0x231: {  	v3 =	vld [tilespmem:$0x3F0];
	_ =	sdelay $0x4  }
0x232: {  	v4 =	vshrl.u32 v3, $0x3  }
0x233: {  	v4 =	vmul.u32 $0x30, v4  }
0x234: {  	v3 =	vand.u32 $0x7, v3  }
0x235: {  	v3 =	vor.u32 v3, v4  }
0x236: {  	v4 =	vperm.xlane v3, v0;
	_ =	sdelay $0x1  }
0x237: {  	v4 =	vadd.s32 v1, v4;
	_ =	sdelay $0x3  }
0x238: {  	s26 =	simm.s32 $0x0;
	v3 =	vperm.xlane v3, v2  }
0x239: {  	[tilespmem:s31], [sflag:$0x3] =	stream.indirect_vreg.gather [hbm4b:s1+s26], $0x80, v4, vm0, $0xb8;
	[tilespmem:$0xC800] =	vst v63  }
0x23a: {  	s0 =	simm.s32 $0x7000;
	v3 =	vadd.s32 v1, v3  }
0x23b: {  	[tilespmem:s0], [sflag:$0x3] =	stream.indirect_vreg.gather [hbm4b:s9+s26], $0x80, v4, vm0, $0xb8;
	[tilespmem:$0xC800] =	vst v63  }
0x23c: {  	s17 =	simm.s32 $0x7800  }
0x23d: {  	[tilespmem:s17], [sflag:$0x3] =	stream.indirect_vreg.gather [hbm4b:s10+s26], $0x80, v4, vm0, $0xb8;
	[tilespmem:$0xC800] =	vst v63  }
0x23e: {  	s28 =	simm.s32 $0x8000  }
0x23f: {  	[tilespmem:s28], [sflag:$0x3] =	stream.indirect_vreg.gather [hbm4b:s1+s26], $0x80, v3, vm0, $0xb8;
	[tilespmem:$0xC800] =	vst v63  }
0x240: {  	s29 =	simm.s32 $0x8800  }
0x241: {  	[tilespmem:s29], [sflag:$0x3] =	stream.indirect_vreg.gather [hbm4b:s9+s26], $0x80, v3, vm0, $0xb8;
	[tilespmem:$0xC800] =	vst v63  }
0x242: {  	_ = 	snop  }
0x243: {  	[tilespmem:s8], [sflag:$0x3] =	stream.indirect_vreg.gather [hbm4b:s10+s26], $0x80, v3, vm0, $0xb8;
	[tilespmem:$0xC800] =	vst v63  }
0x244: {  	v3 =	vld [tilespmem:$0x7F0];
	_ =	sdelay $0x4  }
0x245: {  	v4 =	vshrl.u32 v3, $0x3  }
0x246: {  	v4 =	vmul.u32 $0x30, v4  }
0x247: {  	v3 =	vand.u32 $0x7, v3  }
0x248: {  	v3 =	vor.u32 v3, v4  }
0x249: {  	v4 =	vperm.xlane v3, v0;
	_ =	sdelay $0x1  }
0x24a: {  	v4 =	vadd.s32 v1, v4;
	_ =	sdelay $0x3  }
0x24b: {  	v3 =	vperm.xlane v3, v2  }
0x24c: {  	[tilespmem:s13], [sflag:$0x4] =	stream.indirect_vreg.gather [hbm4b:s3+s26], $0x80, v4, vm0, $0xb8;
	[tilespmem:$0xC800] =	vst v63  }
0x24d: {  	v3 =	vadd.s32 v1, v3  }
0x24e: {  	[tilespmem:s14], [sflag:$0x4] =	stream.indirect_vreg.gather [hbm4b:s11+s26], $0x80, v4, vm0, $0xb8;
	[tilespmem:$0xC800] =	vst v63  }
0x24f: {  	_ = 	snop  }
0x250: {  	[tilespmem:s15], [sflag:$0x4] =	stream.indirect_vreg.gather [hbm4b:s12+s26], $0x80, v4, vm0, $0xb8;
	[tilespmem:$0xC800] =	vst v63  }
0x251: {  	_ = 	snop  }
0x252: {  	[tilespmem:s19], [sflag:$0x4] =	stream.indirect_vreg.gather [hbm4b:s3+s26], $0x80, v3, vm0, $0xb8;
	[tilespmem:$0xC800] =	vst v63  }
0x253: {  	_ = 	snop  }
0x254: {  	[tilespmem:s20], [sflag:$0x4] =	stream.indirect_vreg.gather [hbm4b:s11+s26], $0x80, v3, vm0, $0xb8;
	[tilespmem:$0xC800] =	vst v63  }
0x255: {  	_ = 	snop  }
0x256: {  	[tilespmem:s21], [sflag:$0x4] =	stream.indirect_vreg.gather [hbm4b:s12+s26], $0x80, v3, vm0, $0xb8;
	[tilespmem:$0xC800] =	vst v63  }
0x257: {  	_ =	swait.ge [sflag:s22], $0x3000  }
0x258: {  	[sflag:s22] =	ssyncset.done $0x0  }
0x259: {  	s30 =	simm.s32 $0x0;
	[sflag:s22] =	ssyncadd.s32 $0xFFFFD000  }
0x25a: {  	s0 =	smul.u32 $0x1800, s30;
	_ =	swait.ge [sflag:s23], $0x3000  }
0x25b: {  	s2 =	sand.u32 $0x380, s26;
	[sflag:s23] =	ssyncset.done $0x0  }
0x25c: {  	s2 =	sor.u32 s2, s0;
	[sflag:s23] =	ssyncadd.s32 $0xFFFFD000  }
0x25d: {  	v12 =	vld [tilespmem:s2+$0x3800]  }
0x25e: {  	v13 =	vld [tilespmem:s2+$0x3810]  }
0x25f: {  	v14 =	vld [tilespmem:s2+$0x3820]  }
0x260: {  	v15 =	vld [tilespmem:s2+$0x3830]  }
0x261: {  	v16 =	vld [tilespmem:s2+$0x3840]  }
0x262: {  	v17 =	vld [tilespmem:s2+$0x3850]  }
0x263: {  	v18 =	vld [tilespmem:s2+$0x3860]  }
0x264: {  	v19 =	vld [tilespmem:s2+$0x3870]  }
0x265: {  	v20 =	vld [tilespmem:s2+$0x3C00]  }
0x266: {  	v21 =	vld [tilespmem:s2+$0x3C10]  }
0x267: {  	v22 =	vld [tilespmem:s2+$0x3C20]  }
0x268: {  	v23 =	vld [tilespmem:s2+$0x3C30]  }
0x269: {  	v24 =	vld [tilespmem:s2+$0x3C40]  }
0x26a: {  	v25 =	vld [tilespmem:s2+$0x3C50]  }
0x26b: {  	v26 =	vld [tilespmem:s2+$0x3C60]  }
0x26c: {  	v27 =	vld [tilespmem:s2+$0x3C70]  }
0x26d: {  	v28 =	vld [tilespmem:s2+$0x4000]  }
0x26e: {  	v29 =	vld [tilespmem:s2+$0x4010]  }
0x26f: {  	v30 =	vld [tilespmem:s2+$0x4020]  }
0x270: {  	v31 =	vld [tilespmem:s2+$0x4030]  }
0x271: {  	v32 =	vld [tilespmem:s2+$0x4040]  }
0x272: {  	v33 =	vld [tilespmem:s2+$0x4050]  }
0x273: {  	v34 =	vld [tilespmem:s2+$0x4060]  }
0x274: {  	v35 =	vld [tilespmem:s2+$0x4070]  }
0x275: {  	v36 =	vld [tilespmem:s2+$0x4400]  }
0x276: {  	v37 =	vld [tilespmem:s2+$0x4410]  }
0x277: {  	v38 =	vld [tilespmem:s2+$0x4420]  }
0x278: {  	v39 =	vld [tilespmem:s2+$0x4430]  }
0x279: {  	v40 =	vld [tilespmem:s2+$0x4440]  }
0x27a: {  	v41 =	vld [tilespmem:s2+$0x4450]  }
0x27b: {  	v42 =	vld [tilespmem:s2+$0x4460]  }
0x27c: {  	v43 =	vld [tilespmem:s2+$0x4470]  }
0x27d: {  	v44 =	vld [tilespmem:s2+$0x4800]  }
0x27e: {  	v45 =	vld [tilespmem:s2+$0x4810]  }
0x27f: {  	v46 =	vld [tilespmem:s2+$0x4820]  }
0x280: {  	v47 =	vld [tilespmem:s2+$0x4830]  }
0x281: {  	v48 =	vld [tilespmem:s2+$0x4840]  }
0x282: {  	v49 =	vld [tilespmem:s2+$0x4850]  }
0x283: {  	v50 =	vld [tilespmem:s2+$0x4860]  }
0x284: {  	v11 =	vld [tilespmem:s2+$0x4870]  }
0x285: {  	v10 =	vld [tilespmem:s2+$0x4C00]  }
0x286: {  	v9 =	vld [tilespmem:s2+$0x4C10]  }
0x287: {  	v8 =	vld [tilespmem:s2+$0x4C20]  }
0x288: {  	v7 =	vld [tilespmem:s2+$0x4C30]  }
0x289: {  	v6 =	vld [tilespmem:s2+$0x4C40]  }
0x28a: {  	v51 =	vld [tilespmem:s2+$0x800]  }
0x28b: {  	v52 =	vld [tilespmem:s2+$0x810]  }
0x28c: {  	v53 =	vld [tilespmem:s2+$0x820]  }
0x28d: {  	v54 =	vld [tilespmem:s2+$0x830]  }
0x28e: {  	v55 =	vld [tilespmem:s2+$0x840]  }
0x28f: {  	v62 =	vld [tilespmem:s2+$0x850];
	v12 =	vadd.f32 v12, v51  }
0x290: {  	v63 =	vld [tilespmem:s2+$0x860];
	v13 =	vadd.f32 v13, v52  }
0x291: {  	[tilespmem:s2+$0x800] =	vst v12;
	v12 =	vadd.f32 v14, v53;
	v14 =	vld [tilespmem:s2+$0x870]  }
0x292: {  	[tilespmem:s2+$0x810] =	vst v13;
	v13 =	vadd.f32 v15, v54;
	v15 =	vld [tilespmem:s2+$0xC00]  }
0x293: {  	[tilespmem:s2+$0x820] =	vst v12;
	v12 =	vadd.f32 v16, v55;
	v16 =	vld [tilespmem:s2+$0xC10]  }
0x294: {  	[tilespmem:s2+$0x830] =	vst v13;
	v13 =	vadd.f32 v17, v62;
	v17 =	vld [tilespmem:s2+$0xC20]  }
0x295: {  	v5 =	vld [tilespmem:s2+$0x4C50]  }
0x296: {  	[tilespmem:s2+$0x840] =	vst v12;
	v12 =	vadd.f32 v18, v63;
	v18 =	vld [tilespmem:s2+$0xC70]  }
0x297: {  	[tilespmem:s2+$0x850] =	vst v13;
	v13 =	vadd.f32 v19, v14;
	v14 =	vld [tilespmem:s2+$0xC30]  }
0x298: {  	[tilespmem:s2+$0x860] =	vst v12;
	v12 =	vadd.f32 v20, v15;
	v15 =	vld [tilespmem:s2+$0xC40]  }
0x299: {  	[tilespmem:s2+$0x870] =	vst v13;
	v13 =	vadd.f32 v21, v16;
	v16 =	vadd.f32 v22, v17;
	v17 =	vld [tilespmem:s2+$0xC60]  }
0x29a: {  	[tilespmem:s2+$0xC00] =	vst v12;
	v12 =	vld [tilespmem:s2+$0xC50]  }
0x29b: {  	[tilespmem:s2+$0xC10] =	vst v13;
	v13 =	vld [tilespmem:s2+$0x1000];
	v18 =	vadd.f32 v27, v18  }
0x29c: {  	[tilespmem:s2+$0xC20] =	vst v16;
	v16 =	vld [tilespmem:s2+$0x1010];
	v14 =	vadd.f32 v23, v14  }
0x29d: {  	v4 =	vld [tilespmem:s2+$0x4C60];
	v15 =	vadd.f32 v24, v15;
	[tilespmem:s2+$0xC70] =	vst v18  }
0x29e: {  	[tilespmem:s2+$0xC30] =	vst v14;
	v14 =	vld [tilespmem:s2+$0x1020];
	v17 =	vadd.f32 v26, v17  }
0x29f: {  	v12 =	vadd.f32 v25, v12;
	[tilespmem:s2+$0xC40] =	vst v15;
	v15 =	vld [tilespmem:s2+$0x1030]  }
0x2a0: {  	v18 =	vld [tilespmem:s2+$0x1070];
	[tilespmem:s2+$0xC60] =	vst v17;
	v13 =	vadd.f32 v28, v13  }
0x2a1: {  	v16 =	vadd.f32 v29, v16;
	[tilespmem:s2+$0xC50] =	vst v12;
	v12 =	vld [tilespmem:s2+$0x1040]  }
0x2a2: {  	v17 =	vld [tilespmem:s2+$0x1050];
	[tilespmem:s2+$0x1000] =	vst v13  }
0x2a3: {  	[tilespmem:s2+$0x1010] =	vst v16;
	v16 =	vld [tilespmem:s2+$0x1060];
	v13 =	vadd.f32 v30, v14  }
0x2a4: {  	v14 =	vld [tilespmem:s2+$0x1400];
	v15 =	vadd.f32 v31, v15  }
0x2a5: {  	[tilespmem:s2+$0x1020] =	vst v13;
	v13 =	vld [tilespmem:s2+$0x1410]  }
0x2a6: {  	v12 =	vadd.f32 v32, v12;
	[tilespmem:s2+$0x1030] =	vst v15;
	v15 =	vld [tilespmem:s2+$0x1420]  }
0x2a7: {  	v3 =	vld [tilespmem:s2+$0x4C70];
	v17 =	vadd.f32 v33, v17  }
0x2a8: {  	v16 =	vadd.f32 v34, v16;
	[tilespmem:s2+$0x1040] =	vst v12;
	v12 =	vld [tilespmem:s2+$0x1430]  }
0x2a9: {  	[tilespmem:s2+$0x1050] =	vst v17;
	v17 =	vld [tilespmem:s2+$0x1440];
	v14 =	vadd.f32 v36, v14  }
0x2aa: {  	v18 =	vadd.f32 v35, v18;
	[tilespmem:s2+$0x1060] =	vst v16;
	v16 =	vld [tilespmem:s2+$0x1450]  }
0x2ab: {  	v13 =	vadd.f32 v37, v13;
	[tilespmem:s2+$0x1400] =	vst v14;
	v14 =	vadd.f32 v38, v15;
	v15 =	vld [tilespmem:s2+$0x1460]  }
0x2ac: {  	[tilespmem:s2+$0x1070] =	vst v18;
	v18 =	vld [tilespmem:s2+$0x1470]  }
0x2ad: {  	[tilespmem:s2+$0x1410] =	vst v13;
	v13 =	vld [tilespmem:s2+$0x1800];
	v12 =	vadd.f32 v39, v12  }
0x2ae: {  	v17 =	vadd.f32 v40, v17;
	[tilespmem:s2+$0x1420] =	vst v14;
	v14 =	vld [tilespmem:s2+$0x1810]  }
0x2af: {  	v16 =	vadd.f32 v41, v16;
	[tilespmem:s2+$0x1430] =	vst v12;
	v12 =	vld [tilespmem:s2+$0x1820]  }
0x2b0: {  	[tilespmem:s2+$0x1440] =	vst v17;
	v17 =	vld [tilespmem:s2+$0x1830];
	v15 =	vadd.f32 v42, v15  }
0x2b1: {  	v19 =	vld [tilespmem:s2+$0x1840];
	[tilespmem:s2+$0x1450] =	vst v16;
	v16 =	vadd.f32 v43, v18  }
0x2b2: {  	v18 =	vld [tilespmem:s2+$0x1850];
	v13 =	vadd.f32 v44, v13;
	[tilespmem:s2+$0x1460] =	vst v15  }
0x2b3: {  	v20 =	vld [tilespmem:s2+$0x1860];
	[tilespmem:s2+$0x1470] =	vst v16;
	v14 =	vadd.f32 v45, v14  }
0x2b4: {  	v16 =	vld [tilespmem:s2+$0x1870];
	[tilespmem:s2+$0x1800] =	vst v13;
	v12 =	vadd.f32 v46, v12  }
0x2b5: {  	v15 =	vld [tilespmem:s2+$0x1C00];
	v13 =	vadd.f32 v47, v17;
	[tilespmem:s2+$0x1810] =	vst v14  }
0x2b6: {  	v14 =	vld [tilespmem:s2+$0x1C10];
	[tilespmem:s2+$0x1820] =	vst v12;
	v12 =	vadd.f32 v48, v19  }
0x2b7: {  	[tilespmem:s2+$0x1830] =	vst v13;
	v13 =	vld [tilespmem:s2+$0x1C20];
	v18 =	vadd.f32 v49, v18  }
0x2b8: {  	s0 =	simm.s32 $0x1;
	v17 =	vadd.f32 v50, v20;
	[tilespmem:s2+$0x1840] =	vst v12;
	v12 =	vld [tilespmem:s2+$0x1C30]  }
.LBB2_8:
0x2b9: {  	s7 =	sshrl.u32 s0, $0x3;
	p0 =	sne.s32 s0, $0xF;
	[tilespmem:s2+$0x1850] =	vst v18;
	v11 =	vadd.f32 v11, v16;
	v16 =	vld [tilespmem:s2+$0x1C40]  }
0x2ba: {  	s26 =	sadd.s32 $0x80, s26;
	s7 =	smul.u32 $0x1800, s7;
	[tilespmem:s2+$0x1860] =	vst v17;
	v10 =	vadd.f32 v10, v15;
	v15 =	vld [tilespmem:s2+$0x1C50]  }
0x2bb: {  	s17 =	sand.u32 $0x380, s26;
	[tilespmem:s2+$0x1870] =	vst v11;
	v9 =	vadd.f32 v9, v14;
	v11 =	vld [tilespmem:s2+$0x1C60]  }
0x2bc: {  	s7 =	sor.u32 s17, s7;
	[tilespmem:s2+$0x1C00] =	vst v10;
	v8 =	vadd.f32 v8, v13;
	v10 =	vld [tilespmem:s2+$0x1C70]  }
0x2bd: {  	v39 =	vld [tilespmem:s7+$0x3800];
	[tilespmem:s2+$0x1C10] =	vst v9;
	v7 =	vadd.f32 v7, v12  }
0x2be: {  	v40 =	vld [tilespmem:s7+$0x3810];
	[tilespmem:s2+$0x1C20] =	vst v8;
	v6 =	vadd.f32 v6, v16  }
0x2bf: {  	v41 =	vld [tilespmem:s7+$0x3820];
	[tilespmem:s2+$0x1C30] =	vst v7;
	v5 =	vadd.f32 v5, v15  }
0x2c0: {  	v42 =	vld [tilespmem:s7+$0x3830];
	[tilespmem:s2+$0x1C40] =	vst v6;
	v4 =	vadd.f32 v4, v11  }
0x2c1: {  	v43 =	vld [tilespmem:s7+$0x3840];
	[tilespmem:s2+$0x1C50] =	vst v5;
	v3 =	vadd.f32 v3, v10  }
0x2c2: {  	v44 =	vld [tilespmem:s7+$0x3850];
	[tilespmem:s2+$0x1C60] =	vst v4  }
0x2c3: {  	v45 =	vld [tilespmem:s7+$0x3860];
	[tilespmem:s2+$0x1C70] =	vst v3;
	s2 =	smov.u32 s7  }
0x2c4: {  	v46 =	vld [tilespmem:s2+$0x3870]  }
0x2c5: {  	v47 =	vld [tilespmem:s2+$0x3C00]  }
0x2c6: {  	v48 =	vld [tilespmem:s2+$0x3C10]  }
0x2c7: {  	v49 =	vld [tilespmem:s2+$0x3C20]  }
0x2c8: {  	v50 =	vld [tilespmem:s2+$0x3C30]  }
0x2c9: {  	v38 =	vld [tilespmem:s2+$0x3C40]  }
0x2ca: {  	v37 =	vld [tilespmem:s2+$0x3C50]  }
0x2cb: {  	v36 =	vld [tilespmem:s2+$0x3C60]  }
0x2cc: {  	v35 =	vld [tilespmem:s2+$0x3C70]  }
0x2cd: {  	v34 =	vld [tilespmem:s2+$0x4000]  }
0x2ce: {  	v33 =	vld [tilespmem:s2+$0x4010]  }
0x2cf: {  	v32 =	vld [tilespmem:s2+$0x4020]  }
0x2d0: {  	v31 =	vld [tilespmem:s2+$0x4030]  }
0x2d1: {  	v30 =	vld [tilespmem:s2+$0x4040]  }
0x2d2: {  	v29 =	vld [tilespmem:s2+$0x4050]  }
0x2d3: {  	v28 =	vld [tilespmem:s2+$0x4060]  }
0x2d4: {  	v27 =	vld [tilespmem:s2+$0x4070]  }
0x2d5: {  	v26 =	vld [tilespmem:s2+$0x4400]  }
0x2d6: {  	v25 =	vld [tilespmem:s2+$0x4410]  }
0x2d7: {  	v24 =	vld [tilespmem:s2+$0x4420]  }
0x2d8: {  	v23 =	vld [tilespmem:s2+$0x4430]  }
0x2d9: {  	v22 =	vld [tilespmem:s2+$0x4440]  }
0x2da: {  	v21 =	vld [tilespmem:s2+$0x4450]  }
0x2db: {  	v20 =	vld [tilespmem:s2+$0x4460]  }
0x2dc: {  	v19 =	vld [tilespmem:s2+$0x4470]  }
0x2dd: {  	v18 =	vld [tilespmem:s2+$0x4800]  }
0x2de: {  	v17 =	vld [tilespmem:s2+$0x4810]  }
0x2df: {  	v16 =	vld [tilespmem:s2+$0x4820]  }
0x2e0: {  	v15 =	vld [tilespmem:s2+$0x4830]  }
0x2e1: {  	v14 =	vld [tilespmem:s2+$0x4840]  }
0x2e2: {  	v13 =	vld [tilespmem:s2+$0x4850]  }
0x2e3: {  	v12 =	vld [tilespmem:s2+$0x4860]  }
0x2e4: {  	v11 =	vld [tilespmem:s2+$0x4870]  }
0x2e5: {  	v10 =	vld [tilespmem:s2+$0x4C00]  }
0x2e6: {  	v9 =	vld [tilespmem:s2+$0x4C10]  }
0x2e7: {  	v8 =	vld [tilespmem:s2+$0x4C20]  }
0x2e8: {  	v7 =	vld [tilespmem:s2+$0x4C30]  }
0x2e9: {  	v6 =	vld [tilespmem:s2+$0x4C40]  }
0x2ea: {  	v5 =	vld [tilespmem:s2+$0x4C50]  }
0x2eb: {  	v4 =	vld [tilespmem:s2+$0x4C60]  }
0x2ec: {  	v3 =	vld [tilespmem:s2+$0x4C70]  }
0x2ed: {  	v51 =	vld [tilespmem:s2+$0x800]  }
0x2ee: {  	v52 =	vld [tilespmem:s2+$0x810]  }
0x2ef: {  	v53 =	vld [tilespmem:s2+$0x820]  }
0x2f0: {  	v54 =	vld [tilespmem:s2+$0x830]  }
0x2f1: {  	v55 =	vld [tilespmem:s2+$0x840]  }
0x2f2: {  	v39 =	vadd.f32 v39, v51;
	v51 =	vld [tilespmem:s2+$0x850]  }
0x2f3: {  	v40 =	vadd.f32 v40, v52;
	v52 =	vld [tilespmem:s2+$0x860]  }
0x2f4: {  	[tilespmem:s2+$0x800] =	vst v39;
	v39 =	vadd.f32 v41, v53;
	v41 =	vld [tilespmem:s2+$0x870]  }
0x2f5: {  	[tilespmem:s2+$0x810] =	vst v40;
	v40 =	vadd.f32 v42, v54;
	v42 =	vld [tilespmem:s2+$0xC00]  }
0x2f6: {  	[tilespmem:s2+$0x820] =	vst v39;
	v39 =	vadd.f32 v43, v55;
	v43 =	vld [tilespmem:s2+$0xC10]  }
0x2f7: {  	[tilespmem:s2+$0x830] =	vst v40;
	v40 =	vadd.f32 v44, v51;
	v44 =	vld [tilespmem:s2+$0xC20]  }
0x2f8: {  	[tilespmem:s2+$0x840] =	vst v39;
	v39 =	vadd.f32 v45, v52;
	v45 =	vld [tilespmem:s2+$0xC30]  }
0x2f9: {  	[tilespmem:s2+$0x850] =	vst v40;
	v40 =	vadd.f32 v46, v41;
	v41 =	vld [tilespmem:s2+$0xC40]  }
0x2fa: {  	[tilespmem:s2+$0x860] =	vst v39;
	v39 =	vadd.f32 v47, v42;
	v42 =	vld [tilespmem:s2+$0xC50]  }
0x2fb: {  	[tilespmem:s2+$0x870] =	vst v40;
	v40 =	vadd.f32 v48, v43;
	v43 =	vld [tilespmem:s2+$0xC60]  }
0x2fc: {  	[tilespmem:s2+$0xC00] =	vst v39;
	v39 =	vadd.f32 v49, v44;
	v44 =	vld [tilespmem:s2+$0xC70]  }
0x2fd: {  	[tilespmem:s2+$0xC10] =	vst v40;
	v40 =	vadd.f32 v50, v45;
	v45 =	vld [tilespmem:s2+$0x1000]  }
0x2fe: {  	[tilespmem:s2+$0xC20] =	vst v39;
	v38 =	vadd.f32 v38, v41;
	v39 =	vld [tilespmem:s2+$0x1010]  }
0x2ff: {  	[tilespmem:s2+$0xC30] =	vst v40;
	v37 =	vadd.f32 v37, v42;
	v40 =	vld [tilespmem:s2+$0x1020]  }
0x300: {  	[tilespmem:s2+$0xC40] =	vst v38;
	v36 =	vadd.f32 v36, v43;
	v38 =	vld [tilespmem:s2+$0x1030]  }
0x301: {  	[tilespmem:s2+$0xC50] =	vst v37;
	v35 =	vadd.f32 v35, v44;
	v37 =	vld [tilespmem:s2+$0x1040]  }
0x302: {  	[tilespmem:s2+$0xC60] =	vst v36;
	v34 =	vadd.f32 v34, v45;
	v36 =	vld [tilespmem:s2+$0x1050]  }
0x303: {  	[tilespmem:s2+$0xC70] =	vst v35;
	v33 =	vadd.f32 v33, v39;
	v35 =	vld [tilespmem:s2+$0x1060]  }
0x304: {  	[tilespmem:s2+$0x1000] =	vst v34;
	v32 =	vadd.f32 v32, v40;
	v34 =	vld [tilespmem:s2+$0x1070]  }
0x305: {  	[tilespmem:s2+$0x1010] =	vst v33;
	v31 =	vadd.f32 v31, v38;
	v33 =	vld [tilespmem:s2+$0x1400]  }
0x306: {  	[tilespmem:s2+$0x1020] =	vst v32;
	v30 =	vadd.f32 v30, v37;
	v32 =	vld [tilespmem:s2+$0x1410]  }
0x307: {  	[tilespmem:s2+$0x1030] =	vst v31;
	v29 =	vadd.f32 v29, v36;
	v31 =	vld [tilespmem:s2+$0x1420]  }
0x308: {  	[tilespmem:s2+$0x1040] =	vst v30;
	v28 =	vadd.f32 v28, v35;
	v30 =	vld [tilespmem:s2+$0x1430]  }
0x309: {  	[tilespmem:s2+$0x1050] =	vst v29;
	v27 =	vadd.f32 v27, v34;
	v29 =	vld [tilespmem:s2+$0x1440]  }
0x30a: {  	[tilespmem:s2+$0x1060] =	vst v28;
	v26 =	vadd.f32 v26, v33;
	v28 =	vld [tilespmem:s2+$0x1450]  }
0x30b: {  	[tilespmem:s2+$0x1070] =	vst v27;
	v25 =	vadd.f32 v25, v32;
	v27 =	vld [tilespmem:s2+$0x1460]  }
0x30c: {  	[tilespmem:s2+$0x1400] =	vst v26;
	v24 =	vadd.f32 v24, v31;
	v26 =	vld [tilespmem:s2+$0x1470]  }
0x30d: {  	[tilespmem:s2+$0x1410] =	vst v25;
	v23 =	vadd.f32 v23, v30;
	v25 =	vld [tilespmem:s2+$0x1800]  }
0x30e: {  	[tilespmem:s2+$0x1420] =	vst v24;
	v22 =	vadd.f32 v22, v29;
	v24 =	vld [tilespmem:s2+$0x1810]  }
0x30f: {  	[tilespmem:s2+$0x1430] =	vst v23;
	v21 =	vadd.f32 v21, v28;
	v23 =	vld [tilespmem:s2+$0x1820]  }
0x310: {  	[tilespmem:s2+$0x1440] =	vst v22;
	v20 =	vadd.f32 v20, v27;
	v22 =	vld [tilespmem:s2+$0x1830]  }
0x311: {  	[tilespmem:s2+$0x1450] =	vst v21;
	v19 =	vadd.f32 v19, v26;
	v21 =	vld [tilespmem:s2+$0x1840]  }
0x312: {  	[tilespmem:s2+$0x1460] =	vst v20;
	v18 =	vadd.f32 v18, v25;
	v20 =	vld [tilespmem:s2+$0x1850]  }
0x313: {  	[tilespmem:s2+$0x1470] =	vst v19;
	v17 =	vadd.f32 v17, v24;
	v19 =	vld [tilespmem:s2+$0x1860]  }
.Ltmp3:
0x314: {  	[tilespmem:s2+$0x1800] =	vst v18;
	v18 =	vadd.f32 v16, v23;
	v16 =	vld [tilespmem:s2+$0x1870];
	(pc) =	sbr.rel @p0 .LBB2_8-.Ltmp3, $4  }
0x315: {  	[tilespmem:s2+$0x1810] =	vst v17;
	v17 =	vadd.f32 v15, v22;
	v15 =	vld [tilespmem:s2+$0x1C00]  }
0x316: {  	[tilespmem:s2+$0x1820] =	vst v18;
	v21 =	vadd.f32 v14, v21;
	v14 =	vld [tilespmem:s2+$0x1C10]  }
0x317: {  	[tilespmem:s2+$0x1830] =	vst v17;
	v18 =	vadd.f32 v13, v20;
	v13 =	vld [tilespmem:s2+$0x1C20]  }
0x318: {  	s0 =	sadd.s32 $0x1, s0;
	[tilespmem:s2+$0x1840] =	vst v21;
	v17 =	vadd.f32 v12, v19;
	v12 =	vld [tilespmem:s2+$0x1C30]  }
0x319: {  	[tilespmem:s2+$0x1850] =	vst v18;
	v18 =	vld [tilespmem:s2+$0x1C40];
	v11 =	vadd.f32 v11, v16  }
0x31a: {  	v16 =	vld [tilespmem:s2+$0x1C50];
	[tilespmem:s2+$0x1860] =	vst v17;
	v10 =	vadd.f32 v10, v15  }
0x31b: {  	[tilespmem:s2+$0x1870] =	vst v11;
	v9 =	vadd.f32 v9, v14;
	v11 =	vld [tilespmem:s2+$0x1C60]  }
0x31c: {  	[tilespmem:s2+$0x1C00] =	vst v10;
	v8 =	vadd.f32 v8, v13;
	v10 =	vld [tilespmem:s2+$0x1C70]  }
0x31d: {  	[tilespmem:s2+$0x1C10] =	vst v9;
	v7 =	vadd.f32 v7, v12  }
0x31e: {  	[tilespmem:s2+$0x1C20] =	vst v8;
	v6 =	vadd.f32 v6, v18  }
0x31f: {  	v5 =	vadd.f32 v5, v16;
	[tilespmem:s2+$0x1C30] =	vst v7  }
0x320: {  	[tilespmem:s2+$0x1C40] =	vst v6;
	v4 =	vadd.f32 v4, v11  }
0x321: {  	[tilespmem:s2+$0x1C50] =	vst v5;
	v3 =	vadd.f32 v3, v10  }
0x322: {  	[tilespmem:s2+$0x1C60] =	vst v4  }
0x323: {  	s26 =	simm.s32 $0x0;
	s0 =	rddreg [dreg:$0x6];
	[tilespmem:s2+$0x1C70] =	vst v3  }
0x324: {  	[hbm4b:s0+s26] =	stream.linear.scatter [tilespmem:s18], [sflag:$0x5], $0x3000, $0x38;
	[tilespmem:$0xC800] =	vst v63  }
0x325: {  	_ =	swait.ge [sflag:s16], $0x3000  }
0x326: {  	[sflag:s16] =	ssyncset.done $0x0  }
0x327: {  	[sflag:s16] =	ssyncadd.s32 $0xFFFFD000  }
0x328: {  	_ =	swait.ge [sflag:s24], $0x3000  }
0x329: {  	[sflag:s24] =	ssyncset.done $0x0  }
0x32a: {  	s29 =	simm.s32 $0x0;
	[sflag:s24] =	ssyncadd.s32 $0xFFFFD000  }
0x32b: {  	s0 =	smul.u32 $0x1800, s29;
	_ =	swait.ge [sflag:s25], $0x3000  }
0x32c: {  	s30 =	sand.u32 $0x380, s26;
	[sflag:s25] =	ssyncset.done $0x0  }
0x32d: {  	s2 =	sor.u32 s30, s0;
	[sflag:s25] =	ssyncadd.s32 $0xFFFFD000  }
0x32e: {  	v12 =	vld [tilespmem:s2+$0x9800]  }
0x32f: {  	v13 =	vld [tilespmem:s2+$0x9810]  }
0x330: {  	v14 =	vld [tilespmem:s2+$0x9820]  }
0x331: {  	v15 =	vld [tilespmem:s2+$0x9830]  }
0x332: {  	v16 =	vld [tilespmem:s2+$0x9840]  }
0x333: {  	v17 =	vld [tilespmem:s2+$0x9850]  }
0x334: {  	v18 =	vld [tilespmem:s2+$0x9860]  }
0x335: {  	v19 =	vld [tilespmem:s2+$0x9870]  }
0x336: {  	v20 =	vld [tilespmem:s2+$0x9C00]  }
0x337: {  	v21 =	vld [tilespmem:s2+$0x9C10]  }
0x338: {  	v22 =	vld [tilespmem:s2+$0x9C20]  }
0x339: {  	v23 =	vld [tilespmem:s2+$0x9C30]  }
0x33a: {  	v24 =	vld [tilespmem:s2+$0x9C40]  }
0x33b: {  	v25 =	vld [tilespmem:s2+$0x9C50]  }
0x33c: {  	v26 =	vld [tilespmem:s2+$0x9C60]  }
0x33d: {  	v27 =	vld [tilespmem:s2+$0x9C70]  }
0x33e: {  	v28 =	vld [tilespmem:s2+$0xA000]  }
0x33f: {  	v29 =	vld [tilespmem:s2+$0xA010]  }
0x340: {  	v30 =	vld [tilespmem:s2+$0xA020]  }
0x341: {  	v31 =	vld [tilespmem:s2+$0xA030]  }
0x342: {  	v32 =	vld [tilespmem:s2+$0xA040]  }
0x343: {  	v33 =	vld [tilespmem:s2+$0xA050]  }
0x344: {  	v34 =	vld [tilespmem:s2+$0xA060]  }
0x345: {  	v35 =	vld [tilespmem:s2+$0xA070]  }
0x346: {  	v36 =	vld [tilespmem:s2+$0xA400]  }
0x347: {  	v37 =	vld [tilespmem:s2+$0xA410]  }
0x348: {  	v38 =	vld [tilespmem:s2+$0xA420]  }
0x349: {  	v39 =	vld [tilespmem:s2+$0xA430]  }
0x34a: {  	v40 =	vld [tilespmem:s2+$0xA440]  }
0x34b: {  	v41 =	vld [tilespmem:s2+$0xA450]  }
0x34c: {  	v42 =	vld [tilespmem:s2+$0xA460]  }
0x34d: {  	v43 =	vld [tilespmem:s2+$0xA470]  }
0x34e: {  	v44 =	vld [tilespmem:s2+$0xA800]  }
0x34f: {  	v45 =	vld [tilespmem:s2+$0xA810]  }
0x350: {  	v46 =	vld [tilespmem:s2+$0xA820]  }
0x351: {  	v47 =	vld [tilespmem:s2+$0xA830]  }
0x352: {  	v48 =	vld [tilespmem:s2+$0xA840]  }
0x353: {  	v49 =	vld [tilespmem:s2+$0xA850]  }
0x354: {  	v50 =	vld [tilespmem:s2+$0xA860]  }
0x355: {  	v11 =	vld [tilespmem:s2+$0xA870]  }
0x356: {  	v10 =	vld [tilespmem:s2+$0xAC00]  }
0x357: {  	v9 =	vld [tilespmem:s2+$0xAC10]  }
0x358: {  	v8 =	vld [tilespmem:s2+$0xAC20]  }
0x359: {  	v7 =	vld [tilespmem:s2+$0xAC30]  }
0x35a: {  	v6 =	vld [tilespmem:s2+$0xAC40]  }
0x35b: {  	v51 =	vld [tilespmem:s2+$0x6800]  }
0x35c: {  	v52 =	vld [tilespmem:s2+$0x6810]  }
0x35d: {  	v53 =	vld [tilespmem:s2+$0x6820]  }
0x35e: {  	v54 =	vld [tilespmem:s2+$0x6830]  }
0x35f: {  	v55 =	vld [tilespmem:s2+$0x6840]  }
0x360: {  	v62 =	vld [tilespmem:s2+$0x6850];
	v12 =	vadd.f32 v12, v51  }
0x361: {  	v63 =	vld [tilespmem:s2+$0x6860];
	v13 =	vadd.f32 v13, v52  }
0x362: {  	[tilespmem:s2+$0x6800] =	vst v12;
	v12 =	vadd.f32 v14, v53;
	v14 =	vld [tilespmem:s2+$0x6870]  }
0x363: {  	[tilespmem:s2+$0x6810] =	vst v13;
	v13 =	vadd.f32 v15, v54;
	v15 =	vld [tilespmem:s2+$0x6C00]  }
0x364: {  	[tilespmem:s2+$0x6820] =	vst v12;
	v12 =	vadd.f32 v16, v55;
	v16 =	vld [tilespmem:s2+$0x6C10]  }
0x365: {  	[tilespmem:s2+$0x6830] =	vst v13;
	v13 =	vadd.f32 v17, v62;
	v17 =	vld [tilespmem:s2+$0x6C20]  }
0x366: {  	v5 =	vld [tilespmem:s2+$0xAC50]  }
0x367: {  	[tilespmem:s2+$0x6840] =	vst v12;
	v12 =	vadd.f32 v18, v63;
	v18 =	vld [tilespmem:s2+$0x6C70]  }
0x368: {  	[tilespmem:s2+$0x6850] =	vst v13;
	v13 =	vadd.f32 v19, v14;
	v14 =	vld [tilespmem:s2+$0x6C30]  }
0x369: {  	[tilespmem:s2+$0x6860] =	vst v12;
	v12 =	vadd.f32 v20, v15;
	v15 =	vld [tilespmem:s2+$0x6C40]  }
0x36a: {  	[tilespmem:s2+$0x6870] =	vst v13;
	v13 =	vadd.f32 v21, v16;
	v16 =	vadd.f32 v22, v17;
	v17 =	vld [tilespmem:s2+$0x6C60]  }
0x36b: {  	[tilespmem:s2+$0x6C00] =	vst v12;
	v12 =	vld [tilespmem:s2+$0x6C50]  }
0x36c: {  	[tilespmem:s2+$0x6C10] =	vst v13;
	v13 =	vld [tilespmem:s2+$0x7000];
	v18 =	vadd.f32 v27, v18  }
0x36d: {  	[tilespmem:s2+$0x6C20] =	vst v16;
	v16 =	vld [tilespmem:s2+$0x7010];
	v14 =	vadd.f32 v23, v14  }
0x36e: {  	v4 =	vld [tilespmem:s2+$0xAC60];
	v15 =	vadd.f32 v24, v15;
	[tilespmem:s2+$0x6C70] =	vst v18  }
0x36f: {  	[tilespmem:s2+$0x6C30] =	vst v14;
	v14 =	vld [tilespmem:s2+$0x7020];
	v17 =	vadd.f32 v26, v17  }
0x370: {  	v12 =	vadd.f32 v25, v12;
	[tilespmem:s2+$0x6C40] =	vst v15;
	v15 =	vld [tilespmem:s2+$0x7030]  }
0x371: {  	v18 =	vld [tilespmem:s2+$0x7070];
	[tilespmem:s2+$0x6C60] =	vst v17;
	v13 =	vadd.f32 v28, v13  }
0x372: {  	v16 =	vadd.f32 v29, v16;
	[tilespmem:s2+$0x6C50] =	vst v12;
	v12 =	vld [tilespmem:s2+$0x7040]  }
0x373: {  	v17 =	vld [tilespmem:s2+$0x7050];
	[tilespmem:s2+$0x7000] =	vst v13  }
0x374: {  	[tilespmem:s2+$0x7010] =	vst v16;
	v16 =	vld [tilespmem:s2+$0x7060];
	v13 =	vadd.f32 v30, v14  }
0x375: {  	v14 =	vld [tilespmem:s2+$0x7400];
	v15 =	vadd.f32 v31, v15  }
0x376: {  	[tilespmem:s2+$0x7020] =	vst v13;
	v13 =	vld [tilespmem:s2+$0x7410]  }
0x377: {  	v12 =	vadd.f32 v32, v12;
	[tilespmem:s2+$0x7030] =	vst v15;
	v15 =	vld [tilespmem:s2+$0x7420]  }
0x378: {  	v3 =	vld [tilespmem:s2+$0xAC70];
	v17 =	vadd.f32 v33, v17  }
0x379: {  	v16 =	vadd.f32 v34, v16;
	[tilespmem:s2+$0x7040] =	vst v12;
	v12 =	vld [tilespmem:s2+$0x7430]  }
0x37a: {  	[tilespmem:s2+$0x7050] =	vst v17;
	v17 =	vld [tilespmem:s2+$0x7440];
	v14 =	vadd.f32 v36, v14  }
0x37b: {  	v18 =	vadd.f32 v35, v18;
	[tilespmem:s2+$0x7060] =	vst v16;
	v16 =	vld [tilespmem:s2+$0x7450]  }
0x37c: {  	v13 =	vadd.f32 v37, v13;
	[tilespmem:s2+$0x7400] =	vst v14;
	v14 =	vadd.f32 v38, v15;
	v15 =	vld [tilespmem:s2+$0x7460]  }
0x37d: {  	[tilespmem:s2+$0x7070] =	vst v18;
	v18 =	vld [tilespmem:s2+$0x7470]  }
0x37e: {  	[tilespmem:s2+$0x7410] =	vst v13;
	v13 =	vld [tilespmem:s2+$0x7800];
	v12 =	vadd.f32 v39, v12  }
0x37f: {  	v17 =	vadd.f32 v40, v17;
	[tilespmem:s2+$0x7420] =	vst v14;
	v14 =	vld [tilespmem:s2+$0x7810]  }
0x380: {  	v16 =	vadd.f32 v41, v16;
	[tilespmem:s2+$0x7430] =	vst v12;
	v12 =	vld [tilespmem:s2+$0x7820]  }
0x381: {  	[tilespmem:s2+$0x7440] =	vst v17;
	v17 =	vld [tilespmem:s2+$0x7830];
	v15 =	vadd.f32 v42, v15  }
0x382: {  	v19 =	vld [tilespmem:s2+$0x7840];
	[tilespmem:s2+$0x7450] =	vst v16;
	v16 =	vadd.f32 v43, v18  }
0x383: {  	v18 =	vld [tilespmem:s2+$0x7850];
	v13 =	vadd.f32 v44, v13;
	[tilespmem:s2+$0x7460] =	vst v15  }
0x384: {  	v20 =	vld [tilespmem:s2+$0x7860];
	[tilespmem:s2+$0x7470] =	vst v16;
	v14 =	vadd.f32 v45, v14  }
0x385: {  	v16 =	vld [tilespmem:s2+$0x7870];
	[tilespmem:s2+$0x7800] =	vst v13;
	v12 =	vadd.f32 v46, v12  }
0x386: {  	v15 =	vld [tilespmem:s2+$0x7C00];
	v13 =	vadd.f32 v47, v17;
	[tilespmem:s2+$0x7810] =	vst v14  }
0x387: {  	v14 =	vld [tilespmem:s2+$0x7C10];
	[tilespmem:s2+$0x7820] =	vst v12;
	v12 =	vadd.f32 v48, v19  }
0x388: {  	[tilespmem:s2+$0x7830] =	vst v13;
	v13 =	vld [tilespmem:s2+$0x7C20];
	v18 =	vadd.f32 v49, v18  }
0x389: {  	s0 =	simm.s32 $0x1;
	v17 =	vadd.f32 v50, v20;
	[tilespmem:s2+$0x7840] =	vst v12;
	v12 =	vld [tilespmem:s2+$0x7C30]  }
.LBB2_10:
0x38a: {  	s7 =	sshrl.u32 s0, $0x3;
	p0 =	sne.s32 s0, $0xF;
	[tilespmem:s2+$0x7850] =	vst v18;
	v11 =	vadd.f32 v11, v16;
	v16 =	vld [tilespmem:s2+$0x7C40]  }
0x38b: {  	s26 =	sadd.s32 $0x80, s26;
	s7 =	smul.u32 $0x1800, s7;
	[tilespmem:s2+$0x7860] =	vst v17;
	v10 =	vadd.f32 v10, v15;
	v15 =	vld [tilespmem:s2+$0x7C50]  }
0x38c: {  	s17 =	sand.u32 $0x380, s26;
	[tilespmem:s2+$0x7870] =	vst v11;
	v9 =	vadd.f32 v9, v14;
	v11 =	vld [tilespmem:s2+$0x7C60]  }
0x38d: {  	s7 =	sor.u32 s17, s7;
	[tilespmem:s2+$0x7C00] =	vst v10;
	v8 =	vadd.f32 v8, v13;
	v10 =	vld [tilespmem:s2+$0x7C70]  }
0x38e: {  	v39 =	vld [tilespmem:s7+$0x9800];
	[tilespmem:s2+$0x7C10] =	vst v9;
	v7 =	vadd.f32 v7, v12  }
0x38f: {  	v40 =	vld [tilespmem:s7+$0x9810];
	[tilespmem:s2+$0x7C20] =	vst v8;
	v6 =	vadd.f32 v6, v16  }
0x390: {  	v41 =	vld [tilespmem:s7+$0x9820];
	[tilespmem:s2+$0x7C30] =	vst v7;
	v5 =	vadd.f32 v5, v15  }
0x391: {  	v42 =	vld [tilespmem:s7+$0x9830];
	[tilespmem:s2+$0x7C40] =	vst v6;
	v4 =	vadd.f32 v4, v11  }
0x392: {  	v43 =	vld [tilespmem:s7+$0x9840];
	[tilespmem:s2+$0x7C50] =	vst v5;
	v3 =	vadd.f32 v3, v10  }
0x393: {  	v44 =	vld [tilespmem:s7+$0x9850];
	[tilespmem:s2+$0x7C60] =	vst v4  }
0x394: {  	v45 =	vld [tilespmem:s7+$0x9860];
	[tilespmem:s2+$0x7C70] =	vst v3;
	s2 =	smov.u32 s7  }
0x395: {  	v46 =	vld [tilespmem:s2+$0x9870]  }
0x396: {  	v47 =	vld [tilespmem:s2+$0x9C00]  }
0x397: {  	v48 =	vld [tilespmem:s2+$0x9C10]  }
0x398: {  	v49 =	vld [tilespmem:s2+$0x9C20]  }
0x399: {  	v50 =	vld [tilespmem:s2+$0x9C30]  }
0x39a: {  	v38 =	vld [tilespmem:s2+$0x9C40]  }
0x39b: {  	v37 =	vld [tilespmem:s2+$0x9C50]  }
0x39c: {  	v36 =	vld [tilespmem:s2+$0x9C60]  }
0x39d: {  	v35 =	vld [tilespmem:s2+$0x9C70]  }
0x39e: {  	v34 =	vld [tilespmem:s2+$0xA000]  }
0x39f: {  	v33 =	vld [tilespmem:s2+$0xA010]  }
0x3a0: {  	v32 =	vld [tilespmem:s2+$0xA020]  }
0x3a1: {  	v31 =	vld [tilespmem:s2+$0xA030]  }
0x3a2: {  	v30 =	vld [tilespmem:s2+$0xA040]  }
0x3a3: {  	v29 =	vld [tilespmem:s2+$0xA050]  }
0x3a4: {  	v28 =	vld [tilespmem:s2+$0xA060]  }
0x3a5: {  	v27 =	vld [tilespmem:s2+$0xA070]  }
0x3a6: {  	v26 =	vld [tilespmem:s2+$0xA400]  }
0x3a7: {  	v25 =	vld [tilespmem:s2+$0xA410]  }
0x3a8: {  	v24 =	vld [tilespmem:s2+$0xA420]  }
0x3a9: {  	v23 =	vld [tilespmem:s2+$0xA430]  }
0x3aa: {  	v22 =	vld [tilespmem:s2+$0xA440]  }
0x3ab: {  	v21 =	vld [tilespmem:s2+$0xA450]  }
0x3ac: {  	v20 =	vld [tilespmem:s2+$0xA460]  }
0x3ad: {  	v19 =	vld [tilespmem:s2+$0xA470]  }
0x3ae: {  	v18 =	vld [tilespmem:s2+$0xA800]  }
0x3af: {  	v17 =	vld [tilespmem:s2+$0xA810]  }
0x3b0: {  	v16 =	vld [tilespmem:s2+$0xA820]  }
0x3b1: {  	v15 =	vld [tilespmem:s2+$0xA830]  }
0x3b2: {  	v14 =	vld [tilespmem:s2+$0xA840]  }
0x3b3: {  	v13 =	vld [tilespmem:s2+$0xA850]  }
0x3b4: {  	v12 =	vld [tilespmem:s2+$0xA860]  }
0x3b5: {  	v11 =	vld [tilespmem:s2+$0xA870]  }
0x3b6: {  	v10 =	vld [tilespmem:s2+$0xAC00]  }
0x3b7: {  	v9 =	vld [tilespmem:s2+$0xAC10]  }
0x3b8: {  	v8 =	vld [tilespmem:s2+$0xAC20]  }
0x3b9: {  	v7 =	vld [tilespmem:s2+$0xAC30]  }
0x3ba: {  	v6 =	vld [tilespmem:s2+$0xAC40]  }
0x3bb: {  	v5 =	vld [tilespmem:s2+$0xAC50]  }
0x3bc: {  	v4 =	vld [tilespmem:s2+$0xAC60]  }
0x3bd: {  	v3 =	vld [tilespmem:s2+$0xAC70]  }
0x3be: {  	v51 =	vld [tilespmem:s2+$0x6800]  }
0x3bf: {  	v52 =	vld [tilespmem:s2+$0x6810]  }
0x3c0: {  	v53 =	vld [tilespmem:s2+$0x6820]  }
0x3c1: {  	v54 =	vld [tilespmem:s2+$0x6830]  }
0x3c2: {  	v55 =	vld [tilespmem:s2+$0x6840]  }
0x3c3: {  	v39 =	vadd.f32 v39, v51;
	v51 =	vld [tilespmem:s2+$0x6850]  }
0x3c4: {  	v40 =	vadd.f32 v40, v52;
	v52 =	vld [tilespmem:s2+$0x6860]  }
0x3c5: {  	[tilespmem:s2+$0x6800] =	vst v39;
	v39 =	vadd.f32 v41, v53;
	v41 =	vld [tilespmem:s2+$0x6870]  }
0x3c6: {  	[tilespmem:s2+$0x6810] =	vst v40;
	v40 =	vadd.f32 v42, v54;
	v42 =	vld [tilespmem:s2+$0x6C00]  }
0x3c7: {  	[tilespmem:s2+$0x6820] =	vst v39;
	v39 =	vadd.f32 v43, v55;
	v43 =	vld [tilespmem:s2+$0x6C10]  }
0x3c8: {  	[tilespmem:s2+$0x6830] =	vst v40;
	v40 =	vadd.f32 v44, v51;
	v44 =	vld [tilespmem:s2+$0x6C20]  }
0x3c9: {  	[tilespmem:s2+$0x6840] =	vst v39;
	v39 =	vadd.f32 v45, v52;
	v45 =	vld [tilespmem:s2+$0x6C30]  }
0x3ca: {  	[tilespmem:s2+$0x6850] =	vst v40;
	v40 =	vadd.f32 v46, v41;
	v41 =	vld [tilespmem:s2+$0x6C40]  }
0x3cb: {  	[tilespmem:s2+$0x6860] =	vst v39;
	v39 =	vadd.f32 v47, v42;
	v42 =	vld [tilespmem:s2+$0x6C50]  }
0x3cc: {  	[tilespmem:s2+$0x6870] =	vst v40;
	v40 =	vadd.f32 v48, v43;
	v43 =	vld [tilespmem:s2+$0x6C60]  }
0x3cd: {  	[tilespmem:s2+$0x6C00] =	vst v39;
	v39 =	vadd.f32 v49, v44;
	v44 =	vld [tilespmem:s2+$0x6C70]  }
0x3ce: {  	[tilespmem:s2+$0x6C10] =	vst v40;
	v40 =	vadd.f32 v50, v45;
	v45 =	vld [tilespmem:s2+$0x7000]  }
0x3cf: {  	[tilespmem:s2+$0x6C20] =	vst v39;
	v38 =	vadd.f32 v38, v41;
	v39 =	vld [tilespmem:s2+$0x7010]  }
0x3d0: {  	[tilespmem:s2+$0x6C30] =	vst v40;
	v37 =	vadd.f32 v37, v42;
	v40 =	vld [tilespmem:s2+$0x7020]  }
0x3d1: {  	[tilespmem:s2+$0x6C40] =	vst v38;
	v36 =	vadd.f32 v36, v43;
	v38 =	vld [tilespmem:s2+$0x7030]  }
0x3d2: {  	[tilespmem:s2+$0x6C50] =	vst v37;
	v35 =	vadd.f32 v35, v44;
	v37 =	vld [tilespmem:s2+$0x7040]  }
0x3d3: {  	[tilespmem:s2+$0x6C60] =	vst v36;
	v34 =	vadd.f32 v34, v45;
	v36 =	vld [tilespmem:s2+$0x7050]  }
0x3d4: {  	[tilespmem:s2+$0x6C70] =	vst v35;
	v33 =	vadd.f32 v33, v39;
	v35 =	vld [tilespmem:s2+$0x7060]  }
0x3d5: {  	[tilespmem:s2+$0x7000] =	vst v34;
	v32 =	vadd.f32 v32, v40;
	v34 =	vld [tilespmem:s2+$0x7070]  }
0x3d6: {  	[tilespmem:s2+$0x7010] =	vst v33;
	v31 =	vadd.f32 v31, v38;
	v33 =	vld [tilespmem:s2+$0x7400]  }
0x3d7: {  	[tilespmem:s2+$0x7020] =	vst v32;
	v30 =	vadd.f32 v30, v37;
	v32 =	vld [tilespmem:s2+$0x7410]  }
0x3d8: {  	[tilespmem:s2+$0x7030] =	vst v31;
	v29 =	vadd.f32 v29, v36;
	v31 =	vld [tilespmem:s2+$0x7420]  }
0x3d9: {  	[tilespmem:s2+$0x7040] =	vst v30;
	v28 =	vadd.f32 v28, v35;
	v30 =	vld [tilespmem:s2+$0x7430]  }
0x3da: {  	[tilespmem:s2+$0x7050] =	vst v29;
	v27 =	vadd.f32 v27, v34;
	v29 =	vld [tilespmem:s2+$0x7440]  }
0x3db: {  	[tilespmem:s2+$0x7060] =	vst v28;
	v26 =	vadd.f32 v26, v33;
	v28 =	vld [tilespmem:s2+$0x7450]  }
0x3dc: {  	[tilespmem:s2+$0x7070] =	vst v27;
	v25 =	vadd.f32 v25, v32;
	v27 =	vld [tilespmem:s2+$0x7460]  }
0x3dd: {  	[tilespmem:s2+$0x7400] =	vst v26;
	v24 =	vadd.f32 v24, v31;
	v26 =	vld [tilespmem:s2+$0x7470]  }
0x3de: {  	[tilespmem:s2+$0x7410] =	vst v25;
	v23 =	vadd.f32 v23, v30;
	v25 =	vld [tilespmem:s2+$0x7800]  }
0x3df: {  	[tilespmem:s2+$0x7420] =	vst v24;
	v22 =	vadd.f32 v22, v29;
	v24 =	vld [tilespmem:s2+$0x7810]  }
0x3e0: {  	[tilespmem:s2+$0x7430] =	vst v23;
	v21 =	vadd.f32 v21, v28;
	v23 =	vld [tilespmem:s2+$0x7820]  }
0x3e1: {  	[tilespmem:s2+$0x7440] =	vst v22;
	v20 =	vadd.f32 v20, v27;
	v22 =	vld [tilespmem:s2+$0x7830]  }
0x3e2: {  	[tilespmem:s2+$0x7450] =	vst v21;
	v19 =	vadd.f32 v19, v26;
	v21 =	vld [tilespmem:s2+$0x7840]  }
0x3e3: {  	[tilespmem:s2+$0x7460] =	vst v20;
	v18 =	vadd.f32 v18, v25;
	v20 =	vld [tilespmem:s2+$0x7850]  }
0x3e4: {  	[tilespmem:s2+$0x7470] =	vst v19;
	v17 =	vadd.f32 v17, v24;
	v19 =	vld [tilespmem:s2+$0x7860]  }
.Ltmp4:
0x3e5: {  	[tilespmem:s2+$0x7800] =	vst v18;
	v18 =	vadd.f32 v16, v23;
	v16 =	vld [tilespmem:s2+$0x7870];
	(pc) =	sbr.rel @p0 .LBB2_10-.Ltmp4, $4  }
0x3e6: {  	[tilespmem:s2+$0x7810] =	vst v17;
	v17 =	vadd.f32 v15, v22;
	v15 =	vld [tilespmem:s2+$0x7C00]  }
0x3e7: {  	[tilespmem:s2+$0x7820] =	vst v18;
	v21 =	vadd.f32 v14, v21;
	v14 =	vld [tilespmem:s2+$0x7C10]  }
0x3e8: {  	[tilespmem:s2+$0x7830] =	vst v17;
	v18 =	vadd.f32 v13, v20;
	v13 =	vld [tilespmem:s2+$0x7C20]  }
0x3e9: {  	s0 =	sadd.s32 $0x1, s0;
	[tilespmem:s2+$0x7840] =	vst v21;
	v17 =	vadd.f32 v12, v19;
	v12 =	vld [tilespmem:s2+$0x7C30]  }
0x3ea: {  	[tilespmem:s2+$0x7850] =	vst v18;
	v60 =	vld [tilespmem:s2+$0x7C40];
	v11 =	vadd.f32 v11, v16  }
0x3eb: {  	v61 =	vld [tilespmem:s2+$0x7C50];
	[tilespmem:s2+$0x7860] =	vst v17;
	v10 =	vadd.f32 v10, v15  }
0x3ec: {  	v62 =	vld [tilespmem:s2+$0x7C60];
	[tilespmem:s2+$0x7870] =	vst v11;
	v9 =	vadd.f32 v9, v14  }
0x3ed: {  	v63 =	vld [tilespmem:s2+$0x7C70];
	[tilespmem:s2+$0x7C00] =	vst v10;
	v8 =	vadd.f32 v8, v13  }
0x3ee: {  	[tilespmem:s2+$0x7C10] =	vst v9;
	v7 =	vadd.f32 v7, v12  }
0x3ef: {  	[tilespmem:s2+$0x7C20] =	vst v8;
	v6 =	vadd.f32 v6, v60  }
0x3f0: {  	v5 =	vadd.f32 v5, v61;
	[tilespmem:s2+$0x7C30] =	vst v7  }
0x3f1: {  	v4 =	vadd.f32 v4, v62;
	[tilespmem:s2+$0x7C40] =	vst v6  }
0x3f2: {  	v3 =	vadd.f32 v3, v63;
	[tilespmem:s2+$0x7C50] =	vst v5  }
0x3f3: {  	[tilespmem:s2+$0x7C60] =	vst v4  }
0x3f4: {  	s0 =	rddreg [dreg:$0x7];
	[tilespmem:s2+$0x7C70] =	vst v3  }
0x3f5: {  	[hbm4b:s0+s6] =	stream.linear.scatter [tilespmem:s31], [sflag:$0x5], $0x3000, $0x38;
	[tilespmem:$0xC800] =	vst v63  }
0x3f6: {  	_ =	swait.ge [sflag:s16], $0x3000  }
0x3f7: {  	s29 =	rddreg [dreg:$0x9]  }
0x3f8: {  	s30 =	rddreg [dreg:$0x8];
	s2 =	sadd.s32 $0x1, s29  }
0x3f9: {  	p0 =	sne.s32 s2, s30  }
.Ltmp5:
0x3fa: {  	_ = 	snop;
	(pc) =	sbr.rel @p0 .LBB2_1-.Ltmp5, $3  }
0x3fb: {  	_ =	sdelay $0x1  }
0x3fc: {  	[sflag:s16] =	ssyncset.done $0x0  }
0x3fd: {  	[sflag:s16] =	ssyncadd.s32 $0xFFFFD000  }
0x3fe: {  	_ =	sfence.sel $0x180000  }
0x3ff: {  	[bflag:$0x0] =	sbarrier.arrive $0xFFFF  }
0x400: {  	_ =	strace $0x90000047  }
0x401: {  	s0 =	stileid.u32;
	[bflag:$0x2] =	sbarrier.arrive $0xFFFF  }
0x402: {  	p0 =	sne.s32 s0, $0x0;
	s0 =	rddreg [dreg:$0x3]  }
0x403: {  	s0 =	sadd.s32 @!p0 $0x100000, s0  }
0x404: {  	[sflag:s0] =	ssyncadd.tile.s32 @!p0 $0x1;
	_ =	shalt  }
.Lfunc_end2:
_tile_overlayer_lowered:
.L_overlay_start_2:
0x405: {  	(tag) =	ssettag $0x2  }
0x406: {  	s0 =	rddreg [dreg:$0x0];
	s2 =	stileid.u32  }
0x407: {  	s1 =	rddreg [dreg:$0x1];
	p0 =	sne.s32 s2, $0x0  }
0x408: {  	s3 =	rddreg [dreg:$0x2];
	[bflag:$0x3] =	sbarrier.arrive $0xFFFF;
	s2 =	simm.s32 @!p0 $0x1C05  }
0x409: {  	[timem:s3], [sflag:s2] =	dma.local @!p0 [hbm:s0], s1  }
0x40a: {  	s0 =	simm.s32 @!p0 $0x5  }
0x40b: {  	_ =	swait.ge @!p0 [sflag:s0], s1  }
0x40c: {  	s1 =	ssub.s32 @!p0 $0x0, s1;
	[sflag:s0] =	ssyncset.done @!p0 $0x0  }
0x40d: {  	[sflag:s0] =	ssyncadd.s32 @!p0 s1  }
0x40e: {  	[bflag:$0x3] =	sbarrier.arrive $0xFFFF  }
0x40f: {  	_ =	shalt  }

</sc_bundles>
